<compile_context>
chip_gen: v7x
topology: tpu7x:2x2x1
jax: 0.10.2.dev20260603
libtpu: 0.0.44.dev20260713+nightly
codegen_flags: <defaults>
</compile_context>

<pallas_src>
import functools

import numpy as np
import jax
import jax.numpy as jnp
from jax import lax
from jax.experimental import pallas as pl
from jax.experimental.pallas import tpu as pltpu
from jax.experimental.pallas import tpu_sc as plsc

_MAX_IDX = 64
_L = 16
_RCP_W = 8 * _L
_CHUNK = 16

_RCP_TABLE = np.broadcast_to(
    (1.0 / np.arange(1, _MAX_IDX + 1, dtype=np.float32))[:, None],
    (_MAX_IDX, _RCP_W),
).copy()


def _prefix_kernel(x_ref, p_ref):
    b = x_ref.shape[0]
    d = x_ref.shape[-1]
    x = x_ref[...].reshape(b * _MAX_IDX, d)
    pr = _MAX_IDX + 1
    rows = lax.broadcasted_iota(jnp.int32, (b * pr, b * _MAX_IDX), 0)
    cols = lax.broadcasted_iota(jnp.int32, (b * pr, b * _MAX_IDX), 1)
    rb = rows // pr
    cb = cols // _MAX_IDX
    tri = ((rb == cb) & (cols - cb * _MAX_IDX < rows - rb * pr))
    p_ref[...] = jax.lax.dot_general(
        tri.astype(jnp.float32), x, (((1,), (0,)), ((), ())),
        preferred_element_type=jnp.float32,
        precision=lax.Precision.HIGHEST,
    )


def _make_sc_extract(total_spans, d, spans_per_batch):
    info = plsc.get_sparse_core_info()
    nw = info.num_cores * info.num_subcores
    spw = total_spans // nw
    nch = spw // _CHUNK
    mesh = plsc.VectorSubcoreMesh(core_axis_name="c", subcore_axis_name="s")

    @functools.partial(
        pl.kernel,
        mesh=mesh,
        out_type=jax.ShapeDtypeStruct((total_spans, d), jnp.float32),
        scratch_types=[
            pltpu.VMEM((spw,), jnp.int32),
            pltpu.VMEM((spw,), jnp.int32),
            pltpu.VMEM((spw,), jnp.int32),
            pltpu.VMEM((spw,), jnp.int32),
            pltpu.VMEM((spw,), jnp.int32),
            pltpu.VMEM((spw, _RCP_W), jnp.float32),
            pltpu.VMEM((spw, d), jnp.float32),
            pltpu.VMEM((spw, d), jnp.float32),
            pltpu.SemaphoreType.DMA,
            [pltpu.SemaphoreType.DMA] * nch,
            [pltpu.SemaphoreType.DMA] * nch,
            [pltpu.SemaphoreType.DMA] * nch,
        ],
    )
    def extract(p_hbm, starts_hbm, ends_hbm, rcp_hbm, out_hbm,
                s_v, e_v, idx_s, idx_e, idx_w, inv_rows, rows_s, rows_e,
                sem_w, sems_s, sems_e, sems_o):
        wid = lax.axis_index("s") * info.num_cores + lax.axis_index("c")
        base = wid * spw
        rowoff = (base // spans_per_batch) * (_MAX_IDX + 1)

        pltpu.sync_copy(starts_hbm.at[pl.ds(base, spw)], s_v)
        pltpu.sync_copy(ends_hbm.at[pl.ds(base, spw)], e_v)

        for g in range(spw // _L):
            sl = pl.ds(g * _L, _L)
            s16 = s_v[sl]
            e16 = e_v[sl]
            idx_s[sl] = s16 + rowoff
            idx_e[sl] = e16 + (rowoff + 1)
            idx_w[sl] = e16 - s16

        cp_w = pltpu.async_copy(rcp_hbm.at[idx_w], inv_rows, sem_w)
        cps = []
        for k in range(nch):
            ck = pl.ds(k * _CHUNK, _CHUNK)
            cps.append((
                pltpu.async_copy(p_hbm.at[idx_e.at[ck]], rows_e.at[ck],
                                 sems_e[k]),
                pltpu.async_copy(p_hbm.at[idx_s.at[ck]], rows_s.at[ck],
                                 sems_s[k]),
            ))
        cp_w.wait()

        outs = []
        for k in range(nch):
            cp_e, cp_s = cps[k]
            cp_e.wait()
            cp_s.wait()

            def scale_row(j, carry, goff=k * _CHUNK):
                row = goff + j
                inv = inv_rows[row, pl.ds(0, _L)]
                for c in range(d // _L):
                    sl = pl.ds(c * _L, _L)
                    rows_e[row, sl] = (rows_e[row, sl] - rows_s[row, sl]) * inv
                return carry

            lax.fori_loop(0, _CHUNK, scale_row, 0)
            ck = pl.ds(k * _CHUNK, _CHUNK)
            outs.append(pltpu.async_copy(
                rows_e.at[ck], out_hbm.at[pl.ds(base + k * _CHUNK, _CHUNK)],
                sems_o[k]))

        for cp in outs:
            cp.wait()

    return extract


def kernel(sequence_tensor, span_indices):
    b, _, d = sequence_tensor.shape
    n = span_indices.shape[1]

    p_flat = pl.pallas_call(
        _prefix_kernel,
        grid=(1,),
        in_specs=[pl.BlockSpec((b, _MAX_IDX, d), lambda i: (0, 0, 0))],
        out_specs=pl.BlockSpec((b * (_MAX_IDX + 1), d), lambda i: (0, 0)),
        out_shape=jax.ShapeDtypeStruct((b * (_MAX_IDX + 1), d), jnp.float32),
    )(sequence_tensor)

    starts = span_indices[..., 0].reshape(-1).astype(jnp.int32)
    ends = span_indices[..., 1].reshape(-1).astype(jnp.int32)

    extract = _make_sc_extract(b * n, d, n)
    out = extract(p_flat, starts, ends, _RCP_TABLE)
    return out.reshape(b, n, d)

# --- scband reference (transcript-rebuilt; emitter-appended) ---
"""Pipeline reference for scband-pooling-span-extractor-48576080118507 (READ-ONLY COPY).

The authoritative reference and input builder live on the scoring server;
editing this copy changes nothing except your own understanding.
"""

import jax, jax.numpy as jnp
import numpy as np


def setup_inputs(seed: int = 0) -> dict:
    key = jax.random.key(seed)
    k1, k2 = jax.random.split(key)
    B, T, D, N = 4, 2048, 768, 512
    sequence_tensor = jax.random.normal(k1, (B, T, D), dtype=jnp.float32)
    # sorted along last dim so that span_start <= span_end; indices in [0, 64)
    span_indices = jnp.sort(jax.random.randint(k2, (B, N, 2), 0, 64), axis=-1)
    return {"sequence_tensor": sequence_tensor, "span_indices": span_indices}


def reference(sequence_tensor, span_indices):
    # span_starts / span_ends: [B, N, 1]
    span_starts = span_indices[..., 0:1]
    span_ends = span_indices[..., 1:2]
    span_widths = span_ends - span_starts
    # indices lie in [0, 64), so widths are at most 63; 64 is a static upper
    # bound on max(span_widths) + 1, and extra positions are masked to zero.
    max_batch_span_width = 64
    # range vector [1, 1, W]
    max_span_range_indices = jnp.arange(max_batch_span_width).reshape(1, 1, -1)
    span_mask = (max_span_range_indices <= span_widths).astype(jnp.float32)
    raw_span_indices = span_ends - max_span_range_indices  # [B, N, W]
    span_mask = span_mask * (raw_span_indices >= 0).astype(jnp.float32)
    idx = jnp.maximum(raw_span_indices, 0)  # relu -> valid gather indices
    B = sequence_tensor.shape[0]
    batch_idx = jnp.arange(B).reshape(B, 1, 1)
    # batched_index_select -> [B, N, W, D]
    span_embeddings = sequence_tensor[batch_idx, idx]
    # masked mean over the width dimension
    mask = span_mask[..., None]
    value_sum = jnp.sum(span_embeddings * mask, axis=2)
    denom = jnp.clip(jnp.sum(mask, axis=2), 1e-13, None)
    return value_sum / denom

if __name__ == "__main__":
    import jax
    _d = setup_inputs()
    print(jax.jit(kernel)(*tuple(_d.values())))

</pallas_src>

<mosaic_0001>
#map = affine_map<(d0, d1) -> (0, 0)>
#map1 = affine_map<(d0, d1) -> (0)>
module attributes {stable_mosaic.version = 14 : i64} {
  func.func @extract(%arg0: i32, %arg1: i32, %arg2: memref<260x768xf32, #tpu.memory_space<hbm>>, %arg3: memref<2048xi32, #tpu.memory_space<hbm>>, %arg4: memref<2048xi32, #tpu.memory_space<hbm>>, %arg5: memref<64x128xf32, #tpu.memory_space<hbm>>, %arg6: memref<2048x768xf32, #tpu.memory_space<hbm>>, %arg7: memref<64xi32, #tpu.memory_space<vmem>>, %arg8: memref<64xi32, #tpu.memory_space<vmem>>, %arg9: memref<64xi32, #tpu.memory_space<vmem>>, %arg10: memref<64xi32, #tpu.memory_space<vmem>>, %arg11: memref<64xi32, #tpu.memory_space<vmem>>, %arg12: memref<64x128xf32, #tpu.memory_space<vmem>>, %arg13: memref<64x768xf32, #tpu.memory_space<vmem>>, %arg14: memref<64x768xf32, #tpu.memory_space<vmem>>, %arg15: memref<!tpu.dma_semaphore, #tpu.memory_space<semaphore_mem>>, %arg16: memref<!tpu.dma_semaphore, #tpu.memory_space<semaphore_mem>>, %arg17: memref<!tpu.dma_semaphore, #tpu.memory_space<semaphore_mem>>, %arg18: memref<!tpu.dma_semaphore, #tpu.memory_space<semaphore_mem>>, %arg19: memref<!tpu.dma_semaphore, #tpu.memory_space<semaphore_mem>>, %arg20: memref<!tpu.dma_semaphore, #tpu.memory_space<semaphore_mem>>, %arg21: memref<!tpu.dma_semaphore, #tpu.memory_space<semaphore_mem>>, %arg22: memref<!tpu.dma_semaphore, #tpu.memory_space<semaphore_mem>>, %arg23: memref<!tpu.dma_semaphore, #tpu.memory_space<semaphore_mem>>, %arg24: memref<!tpu.dma_semaphore, #tpu.memory_space<semaphore_mem>>, %arg25: memref<!tpu.dma_semaphore, #tpu.memory_space<semaphore_mem>>, %arg26: memref<!tpu.dma_semaphore, #tpu.memory_space<semaphore_mem>>, %arg27: memref<!tpu.dma_semaphore, #tpu.memory_space<semaphore_mem>>) attributes {dimension_semantics = [#tpu.dimension_semantics<core_parallel>, #tpu.dimension_semantics<subcore_parallel>], iteration_bounds = array<i64: 2, 16>, scalar_prefetch = 0 : i64, scratch_operands = 21 : i64, tpu.core_type = #tpu.core_type<sc_vector_subcore>, window_params = [{transform_indices = #map}, {transform_indices = #map1}, {transform_indices = #map1}, {transform_indices = #map}, {transform_indices = #map}]} {
    %mul3A = arith.constant 2 : i32
    %mul3A_0 = arith.muli %arg1, %mul3A : i32
    %add3A = arith.addi %mul3A_0, %arg0 : i32
    %mul3A_1 = arith.constant 64 : i32
    %mul3A_2 = arith.muli %add3A, %mul3A_1 : i32
    %jit3A = arith.constant 512 : i32
    %div3A = arith.divsi %mul3A_2, %jit3A : i32
    %sign3A = arith.constant 0 : i32
    %sign3A_3 = arith.cmpi sgt, %mul3A_2, %sign3A : i32
    %sign3A_4 = arith.extui %sign3A_3 : i1 to i32
    %sign3A_5 = arith.constant 0 : i32
    %sign3A_6 = arith.cmpi slt, %mul3A_2, %sign3A_5 : i32
    %sign3A_7 = arith.extui %sign3A_6 : i1 to i32
    %sign3A_8 = arith.subi %sign3A_4, %sign3A_7 : i32
    %sign3A_9 = arith.constant 0 : i32
    %sign3A_10 = arith.cmpi sgt, %jit3A, %sign3A_9 : i32
    %sign3A_11 = arith.extui %sign3A_10 : i1 to i32
    %sign3A_12 = arith.constant 0 : i32
    %sign3A_13 = arith.cmpi slt, %jit3A, %sign3A_12 : i32
    %sign3A_14 = arith.extui %sign3A_13 : i1 to i32
    %sign3A_15 = arith.subi %sign3A_11, %sign3A_14 : i32
    %ne3A = arith.cmpi ne, %sign3A_8, %sign3A_15 : i32
    %rem3A = arith.remsi %mul3A_2, %jit3A : i32
    %ne3A_16 = arith.constant 0 : i32
    %ne3A_17 = arith.cmpi ne, %rem3A, %ne3A_16 : i32
    %and3A = arith.andi %ne3A, %ne3A_17 : i1
    %sub3A = arith.constant 1 : i32
    %sub3A_18 = arith.subi %div3A, %sub3A : i32
    %select_n3A = arith.select %and3A, %sub3A_18, %div3A : i32
    %mul3A_19 = arith.constant 65 : i32
    %mul3A_20 = arith.muli %select_n3A, %mul3A_19 : i32
    "tpu.region"() ({
      %run_scoped3A = tpu.sem_alloc : memref<!tpu.dma_semaphore, #tpu.memory_space<semaphore_mem>>
      %dma_start3A_362 = tpu.memref_slice %arg3[%mul3A_2] : memref<2048xi32, #tpu.memory_space<hbm>> -> memref<64xi32, #tpu.memory_space<hbm>>
      %dma_start3A_363 = tpu.memref_slice %arg3[%mul3A_2] : memref<2048xi32, #tpu.memory_space<hbm>> -> memref<64xi32, #tpu.memory_space<hbm>>
      tpu.enqueue_dma source(%dma_start3A_363 : memref<64xi32, #tpu.memory_space<hbm>>) target(%arg7 : memref<64xi32, #tpu.memory_space<vmem>>) target_semaphore(%run_scoped3A : memref<!tpu.dma_semaphore, #tpu.memory_space<semaphore_mem>>)
      %dma_wait3A_364 = tpu.memref_slice %arg3[%mul3A_2] : memref<2048xi32, #tpu.memory_space<hbm>> -> memref<64xi32, #tpu.memory_space<hbm>>
      %dma_wait3A_365 = tpu.memref_slice %arg3[%mul3A_2] : memref<2048xi32, #tpu.memory_space<hbm>> -> memref<64xi32, #tpu.memory_space<hbm>>
      tpu.wait_dma2 semaphore(%run_scoped3A : memref<!tpu.dma_semaphore, #tpu.memory_space<semaphore_mem>>) src(%dma_wait3A_365 : memref<64xi32, #tpu.memory_space<hbm>>) dst(%arg7 : memref<64xi32, #tpu.memory_space<vmem>>)
      tpu.yield
    }) : () -> ()
    "tpu.region"() ({
      %run_scoped3A = tpu.sem_alloc : memref<!tpu.dma_semaphore, #tpu.memory_space<semaphore_mem>>
      %dma_start3A_362 = tpu.memref_slice %arg4[%mul3A_2] : memref<2048xi32, #tpu.memory_space<hbm>> -> memref<64xi32, #tpu.memory_space<hbm>>
      %dma_start3A_363 = tpu.memref_slice %arg4[%mul3A_2] : memref<2048xi32, #tpu.memory_space<hbm>> -> memref<64xi32, #tpu.memory_space<hbm>>
      tpu.enqueue_dma source(%dma_start3A_363 : memref<64xi32, #tpu.memory_space<hbm>>) target(%arg8 : memref<64xi32, #tpu.memory_space<vmem>>) target_semaphore(%run_scoped3A : memref<!tpu.dma_semaphore, #tpu.memory_space<semaphore_mem>>)
      %dma_wait3A_364 = tpu.memref_slice %arg4[%mul3A_2] : memref<2048xi32, #tpu.memory_space<hbm>> -> memref<64xi32, #tpu.memory_space<hbm>>
      %dma_wait3A_365 = tpu.memref_slice %arg4[%mul3A_2] : memref<2048xi32, #tpu.memory_space<hbm>> -> memref<64xi32, #tpu.memory_space<hbm>>
      tpu.wait_dma2 semaphore(%run_scoped3A : memref<!tpu.dma_semaphore, #tpu.memory_space<semaphore_mem>>) src(%dma_wait3A_365 : memref<64xi32, #tpu.memory_space<hbm>>) dst(%arg8 : memref<64xi32, #tpu.memory_space<vmem>>)
      tpu.yield
    }) : () -> ()
    %get3A = arith.constant 0 : index
    %get3A_21 = tpu.vector_load %arg7[%get3A] {strides = array<i32>} : memref<64xi32, #tpu.memory_space<vmem>>, vector<16xi32>,
    %get3A_22 = vector.shape_cast %get3A_21 : vector<16xi32> to vector<16xi32>
    %get3A_23 = arith.constant 0 : index
    %get3A_24 = tpu.vector_load %arg8[%get3A_23] {strides = array<i32>} : memref<64xi32, #tpu.memory_space<vmem>>, vector<16xi32>,
    %get3A_25 = vector.shape_cast %get3A_24 : vector<16xi32> to vector<16xi32>
    %add3A_26 = vector.broadcast %mul3A_20 : i32 to vector<16xi32>
    %add3A_27 = arith.addi %get3A_22, %add3A_26 : vector<16xi32>
    %swap3A = arith.constant 0 : index
    %swap3A_28 = tpu.vector_load %arg9[%swap3A] {strides = array<i32>} : memref<64xi32, #tpu.memory_space<vmem>>, vector<16xi32>,
    %swap3A_29 = vector.shape_cast %swap3A_28 : vector<16xi32> to vector<16xi32>
    %swap3A_30 = vector.shape_cast %add3A_27 : vector<16xi32> to vector<16xi32>
    tpu.vector_store %arg9[%swap3A], %swap3A_30 {strides = array<i32>} : memref<64xi32, #tpu.memory_space<vmem>>, vector<16xi32>,
    %add3A_31 = arith.constant 1 : i32
    %add3A_32 = arith.addi %mul3A_20, %add3A_31 : i32
    %add3A_33 = vector.broadcast %add3A_32 : i32 to vector<16xi32>
    %add3A_34 = arith.addi %get3A_25, %add3A_33 : vector<16xi32>
    %swap3A_35 = arith.constant 0 : index
    %swap3A_36 = tpu.vector_load %arg10[%swap3A_35] {strides = array<i32>} : memref<64xi32, #tpu.memory_space<vmem>>, vector<16xi32>,
    %swap3A_37 = vector.shape_cast %swap3A_36 : vector<16xi32> to vector<16xi32>
    %swap3A_38 = vector.shape_cast %add3A_34 : vector<16xi32> to vector<16xi32>
    tpu.vector_store %arg10[%swap3A_35], %swap3A_38 {strides = array<i32>} : memref<64xi32, #tpu.memory_space<vmem>>, vector<16xi32>,
    %sub3A_39 = arith.subi %get3A_25, %get3A_22 : vector<16xi32>
    %swap3A_40 = arith.constant 0 : index
    %swap3A_41 = tpu.vector_load %arg11[%swap3A_40] {strides = array<i32>} : memref<64xi32, #tpu.memory_space<vmem>>, vector<16xi32>,
    %swap3A_42 = vector.shape_cast %swap3A_41 : vector<16xi32> to vector<16xi32>
    %swap3A_43 = vector.shape_cast %sub3A_39 : vector<16xi32> to vector<16xi32>
    tpu.vector_store %arg11[%swap3A_40], %swap3A_43 {strides = array<i32>} : memref<64xi32, #tpu.memory_space<vmem>>, vector<16xi32>,
    %get3A_44 = arith.constant 16 : index
    %get3A_45 = tpu.vector_load %arg7[%get3A_44] {strides = array<i32>} : memref<64xi32, #tpu.memory_space<vmem>>, vector<16xi32>,
    %get3A_46 = vector.shape_cast %get3A_45 : vector<16xi32> to vector<16xi32>
    %get3A_47 = arith.constant 16 : index
    %get3A_48 = tpu.vector_load %arg8[%get3A_47] {strides = array<i32>} : memref<64xi32, #tpu.memory_space<vmem>>, vector<16xi32>,
    %get3A_49 = vector.shape_cast %get3A_48 : vector<16xi32> to vector<16xi32>
    %add3A_50 = vector.broadcast %mul3A_20 : i32 to vector<16xi32>
    %add3A_51 = arith.addi %get3A_46, %add3A_50 : vector<16xi32>
    %swap3A_52 = arith.constant 16 : index
    %swap3A_53 = tpu.vector_load %arg9[%swap3A_52] {strides = array<i32>} : memref<64xi32, #tpu.memory_space<vmem>>, vector<16xi32>,
    %swap3A_54 = vector.shape_cast %swap3A_53 : vector<16xi32> to vector<16xi32>
    %swap3A_55 = vector.shape_cast %add3A_51 : vector<16xi32> to vector<16xi32>
    tpu.vector_store %arg9[%swap3A_52], %swap3A_55 {strides = array<i32>} : memref<64xi32, #tpu.memory_space<vmem>>, vector<16xi32>,
    %add3A_56 = arith.constant 1 : i32
    %add3A_57 = arith.addi %mul3A_20, %add3A_56 : i32
    %add3A_58 = vector.broadcast %add3A_57 : i32 to vector<16xi32>
    %add3A_59 = arith.addi %get3A_49, %add3A_58 : vector<16xi32>
    %swap3A_60 = arith.constant 16 : index
    %swap3A_61 = tpu.vector_load %arg10[%swap3A_60] {strides = array<i32>} : memref<64xi32, #tpu.memory_space<vmem>>, vector<16xi32>,
    %swap3A_62 = vector.shape_cast %swap3A_61 : vector<16xi32> to vector<16xi32>
    %swap3A_63 = vector.shape_cast %add3A_59 : vector<16xi32> to vector<16xi32>
    tpu.vector_store %arg10[%swap3A_60], %swap3A_63 {strides = array<i32>} : memref<64xi32, #tpu.memory_space<vmem>>, vector<16xi32>,
    %sub3A_64 = arith.subi %get3A_49, %get3A_46 : vector<16xi32>
    %swap3A_65 = arith.constant 16 : index
    %swap3A_66 = tpu.vector_load %arg11[%swap3A_65] {strides = array<i32>} : memref<64xi32, #tpu.memory_space<vmem>>, vector<16xi32>,
    %swap3A_67 = vector.shape_cast %swap3A_66 : vector<16xi32> to vector<16xi32>
    %swap3A_68 = vector.shape_cast %sub3A_64 : vector<16xi32> to vector<16xi32>
    tpu.vector_store %arg11[%swap3A_65], %swap3A_68 {strides = array<i32>} : memref<64xi32, #tpu.memory_space<vmem>>, vector<16xi32>,
    %get3A_69 = arith.constant 32 : index
    %get3A_70 = tpu.vector_load %arg7[%get3A_69] {strides = array<i32>} : memref<64xi32, #tpu.memory_space<vmem>>, vector<16xi32>,
    %get3A_71 = vector.shape_cast %get3A_70 : vector<16xi32> to vector<16xi32>
    %get3A_72 = arith.constant 32 : index
    %get3A_73 = tpu.vector_load %arg8[%get3A_72] {strides = array<i32>} : memref<64xi32, #tpu.memory_space<vmem>>, vector<16xi32>,
    %get3A_74 = vector.shape_cast %get3A_73 : vector<16xi32> to vector<16xi32>
    %add3A_75 = vector.broadcast %mul3A_20 : i32 to vector<16xi32>
    %add3A_76 = arith.addi %get3A_71, %add3A_75 : vector<16xi32>
    %swap3A_77 = arith.constant 32 : index
    %swap3A_78 = tpu.vector_load %arg9[%swap3A_77] {strides = array<i32>} : memref<64xi32, #tpu.memory_space<vmem>>, vector<16xi32>,
    %swap3A_79 = vector.shape_cast %swap3A_78 : vector<16xi32> to vector<16xi32>
    %swap3A_80 = vector.shape_cast %add3A_76 : vector<16xi32> to vector<16xi32>
    tpu.vector_store %arg9[%swap3A_77], %swap3A_80 {strides = array<i32>} : memref<64xi32, #tpu.memory_space<vmem>>, vector<16xi32>,
    %add3A_81 = arith.constant 1 : i32
    %add3A_82 = arith.addi %mul3A_20, %add3A_81 : i32
    %add3A_83 = vector.broadcast %add3A_82 : i32 to vector<16xi32>
    %add3A_84 = arith.addi %get3A_74, %add3A_83 : vector<16xi32>
    %swap3A_85 = arith.constant 32 : index
    %swap3A_86 = tpu.vector_load %arg10[%swap3A_85] {strides = array<i32>} : memref<64xi32, #tpu.memory_space<vmem>>, vector<16xi32>,
    %swap3A_87 = vector.shape_cast %swap3A_86 : vector<16xi32> to vector<16xi32>
    %swap3A_88 = vector.shape_cast %add3A_84 : vector<16xi32> to vector<16xi32>
    tpu.vector_store %arg10[%swap3A_85], %swap3A_88 {strides = array<i32>} : memref<64xi32, #tpu.memory_space<vmem>>, vector<16xi32>,
    %sub3A_89 = arith.subi %get3A_74, %get3A_71 : vector<16xi32>
    %swap3A_90 = arith.constant 32 : index
    %swap3A_91 = tpu.vector_load %arg11[%swap3A_90] {strides = array<i32>} : memref<64xi32, #tpu.memory_space<vmem>>, vector<16xi32>,
    %swap3A_92 = vector.shape_cast %swap3A_91 : vector<16xi32> to vector<16xi32>
    %swap3A_93 = vector.shape_cast %sub3A_89 : vector<16xi32> to vector<16xi32>
    tpu.vector_store %arg11[%swap3A_90], %swap3A_93 {strides = array<i32>} : memref<64xi32, #tpu.memory_space<vmem>>, vector<16xi32>,
    %get3A_94 = arith.constant 48 : index
    %get3A_95 = tpu.vector_load %arg7[%get3A_94] {strides = array<i32>} : memref<64xi32, #tpu.memory_space<vmem>>, vector<16xi32>,
    %get3A_96 = vector.shape_cast %get3A_95 : vector<16xi32> to vector<16xi32>
    %get3A_97 = arith.constant 48 : index
    %get3A_98 = tpu.vector_load %arg8[%get3A_97] {strides = array<i32>} : memref<64xi32, #tpu.memory_space<vmem>>, vector<16xi32>,
    %get3A_99 = vector.shape_cast %get3A_98 : vector<16xi32> to vector<16xi32>
    %add3A_100 = vector.broadcast %mul3A_20 : i32 to vector<16xi32>
    %add3A_101 = arith.addi %get3A_96, %add3A_100 : vector<16xi32>
    %swap3A_102 = arith.constant 48 : index
    %swap3A_103 = tpu.vector_load %arg9[%swap3A_102] {strides = array<i32>} : memref<64xi32, #tpu.memory_space<vmem>>, vector<16xi32>,
    %swap3A_104 = vector.shape_cast %swap3A_103 : vector<16xi32> to vector<16xi32>
    %swap3A_105 = vector.shape_cast %add3A_101 : vector<16xi32> to vector<16xi32>
    tpu.vector_store %arg9[%swap3A_102], %swap3A_105 {strides = array<i32>} : memref<64xi32, #tpu.memory_space<vmem>>, vector<16xi32>,
    %add3A_106 = arith.constant 1 : i32
    %add3A_107 = arith.addi %mul3A_20, %add3A_106 : i32
    %add3A_108 = vector.broadcast %add3A_107 : i32 to vector<16xi32>
    %add3A_109 = arith.addi %get3A_99, %add3A_108 : vector<16xi32>
    %swap3A_110 = arith.constant 48 : index
    %swap3A_111 = tpu.vector_load %arg10[%swap3A_110] {strides = array<i32>} : memref<64xi32, #tpu.memory_space<vmem>>, vector<16xi32>,
    %swap3A_112 = vector.shape_cast %swap3A_111 : vector<16xi32> to vector<16xi32>
    %swap3A_113 = vector.shape_cast %add3A_109 : vector<16xi32> to vector<16xi32>
    tpu.vector_store %arg10[%swap3A_110], %swap3A_113 {strides = array<i32>} : memref<64xi32, #tpu.memory_space<vmem>>, vector<16xi32>,
    %sub3A_114 = arith.subi %get3A_99, %get3A_96 : vector<16xi32>
    %swap3A_115 = arith.constant 48 : index
    %swap3A_116 = tpu.vector_load %arg11[%swap3A_115] {strides = array<i32>} : memref<64xi32, #tpu.memory_space<vmem>>, vector<16xi32>,
    %swap3A_117 = vector.shape_cast %swap3A_116 : vector<16xi32> to vector<16xi32>
    %swap3A_118 = vector.shape_cast %sub3A_114 : vector<16xi32> to vector<16xi32>
    tpu.vector_store %arg11[%swap3A_115], %swap3A_118 {strides = array<i32>} : memref<64xi32, #tpu.memory_space<vmem>>, vector<16xi32>,
    %dma_start3A = arith.constant 0 : i32
    %dma_start3A_119 = arith.constant 0 : i32
    %dma_start3A_120 = tpu.memref_slice %arg5[%dma_start3A, %dma_start3A_119] : memref<64x128xf32, #tpu.memory_space<hbm>> -> memref<64x128xf32, #tpu.memory_space<hbm>>
    tpu.enqueue_indirect_dma source(%dma_start3A_120 : memref<64x128xf32, #tpu.memory_space<hbm>>) target(%arg12 : memref<64x128xf32, #tpu.memory_space<vmem>>) offsets(%arg11 : memref<64xi32, #tpu.memory_space<vmem>>) semaphore(%arg15 : memref<!tpu.dma_semaphore, #tpu.memory_space<semaphore_mem>>)
    %dma_start3A_121 = arith.constant 0 : i32
    %dma_start3A_122 = arith.constant 0 : i32
    %dma_start3A_123 = tpu.memref_slice %arg14[%dma_start3A_121, %dma_start3A_122] : memref<64x768xf32, #tpu.memory_space<vmem>> -> memref<16x768xf32, #tpu.memory_space<vmem>>
    %dma_start3A_124 = arith.constant 0 : i32
    %dma_start3A_125 = tpu.memref_slice %arg10[%dma_start3A_124] : memref<64xi32, #tpu.memory_space<vmem>> -> memref<16xi32, #tpu.memory_space<vmem>>
    %dma_start3A_126 = arith.constant 0 : i32
    %dma_start3A_127 = arith.constant 0 : i32
    %dma_start3A_128 = tpu.memref_slice %arg2[%dma_start3A_126, %dma_start3A_127] : memref<260x768xf32, #tpu.memory_space<hbm>> -> memref<260x768xf32, #tpu.memory_space<hbm>>
    tpu.enqueue_indirect_dma source(%dma_start3A_128 : memref<260x768xf32, #tpu.memory_space<hbm>>) target(%dma_start3A_123 : memref<16x768xf32, #tpu.memory_space<vmem>>) offsets(%dma_start3A_125 : memref<16xi32, #tpu.memory_space<vmem>>) semaphore(%arg20 : memref<!tpu.dma_semaphore, #tpu.memory_space<semaphore_mem>>)
    %dma_start3A_129 = arith.constant 0 : i32
    %dma_start3A_130 = arith.constant 0 : i32
    %dma_start3A_131 = tpu.memref_slice %arg13[%dma_start3A_129, %dma_start3A_130] : memref<64x768xf32, #tpu.memory_space<vmem>> -> memref<16x768xf32, #tpu.memory_space<vmem>>
    %dma_start3A_132 = arith.constant 0 : i32
    %dma_start3A_133 = tpu.memref_slice %arg9[%dma_start3A_132] : memref<64xi32, #tpu.memory_space<vmem>> -> memref<16xi32, #tpu.memory_space<vmem>>
    %dma_start3A_134 = arith.constant 0 : i32
    %dma_start3A_135 = arith.constant 0 : i32
    %dma_start3A_136 = tpu.memref_slice %arg2[%dma_start3A_134, %dma_start3A_135] : memref<260x768xf32, #tpu.memory_space<hbm>> -> memref<260x768xf32, #tpu.memory_space<hbm>>
    tpu.enqueue_indirect_dma source(%dma_start3A_136 : memref<260x768xf32, #tpu.memory_space<hbm>>) target(%dma_start3A_131 : memref<16x768xf32, #tpu.memory_space<vmem>>) offsets(%dma_start3A_133 : memref<16xi32, #tpu.memory_space<vmem>>) semaphore(%arg16 : memref<!tpu.dma_semaphore, #tpu.memory_space<semaphore_mem>>)
    %dma_start3A_137 = arith.constant 16 : i32
    %dma_start3A_138 = arith.constant 0 : i32
    %dma_start3A_139 = tpu.memref_slice %arg14[%dma_start3A_137, %dma_start3A_138] : memref<64x768xf32, #tpu.memory_space<vmem>> -> memref<16x768xf32, #tpu.memory_space<vmem>>
    %dma_start3A_140 = arith.constant 16 : i32
    %dma_start3A_141 = tpu.memref_slice %arg10[%dma_start3A_140] : memref<64xi32, #tpu.memory_space<vmem>> -> memref<16xi32, #tpu.memory_space<vmem>>
    %dma_start3A_142 = arith.constant 0 : i32
    %dma_start3A_143 = arith.constant 0 : i32
    %dma_start3A_144 = tpu.memref_slice %arg2[%dma_start3A_142, %dma_start3A_143] : memref<260x768xf32, #tpu.memory_space<hbm>> -> memref<260x768xf32, #tpu.memory_space<hbm>>
    tpu.enqueue_indirect_dma source(%dma_start3A_144 : memref<260x768xf32, #tpu.memory_space<hbm>>) target(%dma_start3A_139 : memref<16x768xf32, #tpu.memory_space<vmem>>) offsets(%dma_start3A_141 : memref<16xi32, #tpu.memory_space<vmem>>) semaphore(%arg21 : memref<!tpu.dma_semaphore, #tpu.memory_space<semaphore_mem>>)
    %dma_start3A_145 = arith.constant 16 : i32
    %dma_start3A_146 = arith.constant 0 : i32
    %dma_start3A_147 = tpu.memref_slice %arg13[%dma_start3A_145, %dma_start3A_146] : memref<64x768xf32, #tpu.memory_space<vmem>> -> memref<16x768xf32, #tpu.memory_space<vmem>>
    %dma_start3A_148 = arith.constant 16 : i32
    %dma_start3A_149 = tpu.memref_slice %arg9[%dma_start3A_148] : memref<64xi32, #tpu.memory_space<vmem>> -> memref<16xi32, #tpu.memory_space<vmem>>
    %dma_start3A_150 = arith.constant 0 : i32
    %dma_start3A_151 = arith.constant 0 : i32
    %dma_start3A_152 = tpu.memref_slice %arg2[%dma_start3A_150, %dma_start3A_151] : memref<260x768xf32, #tpu.memory_space<hbm>> -> memref<260x768xf32, #tpu.memory_space<hbm>>
    tpu.enqueue_indirect_dma source(%dma_start3A_152 : memref<260x768xf32, #tpu.memory_space<hbm>>) target(%dma_start3A_147 : memref<16x768xf32, #tpu.memory_space<vmem>>) offsets(%dma_start3A_149 : memref<16xi32, #tpu.memory_space<vmem>>) semaphore(%arg17 : memref<!tpu.dma_semaphore, #tpu.memory_space<semaphore_mem>>)
    %dma_start3A_153 = arith.constant 32 : i32
    %dma_start3A_154 = arith.constant 0 : i32
    %dma_start3A_155 = tpu.memref_slice %arg14[%dma_start3A_153, %dma_start3A_154] : memref<64x768xf32, #tpu.memory_space<vmem>> -> memref<16x768xf32, #tpu.memory_space<vmem>>
    %dma_start3A_156 = arith.constant 32 : i32
    %dma_start3A_157 = tpu.memref_slice %arg10[%dma_start3A_156] : memref<64xi32, #tpu.memory_space<vmem>> -> memref<16xi32, #tpu.memory_space<vmem>>
    %dma_start3A_158 = arith.constant 0 : i32
    %dma_start3A_159 = arith.constant 0 : i32
    %dma_start3A_160 = tpu.memref_slice %arg2[%dma_start3A_158, %dma_start3A_159] : memref<260x768xf32, #tpu.memory_space<hbm>> -> memref<260x768xf32, #tpu.memory_space<hbm>>
    tpu.enqueue_indirect_dma source(%dma_start3A_160 : memref<260x768xf32, #tpu.memory_space<hbm>>) target(%dma_start3A_155 : memref<16x768xf32, #tpu.memory_space<vmem>>) offsets(%dma_start3A_157 : memref<16xi32, #tpu.memory_space<vmem>>) semaphore(%arg22 : memref<!tpu.dma_semaphore, #tpu.memory_space<semaphore_mem>>)
    %dma_start3A_161 = arith.constant 32 : i32
    %dma_start3A_162 = arith.constant 0 : i32
    %dma_start3A_163 = tpu.memref_slice %arg13[%dma_start3A_161, %dma_start3A_162] : memref<64x768xf32, #tpu.memory_space<vmem>> -> memref<16x768xf32, #tpu.memory_space<vmem>>
    %dma_start3A_164 = arith.constant 32 : i32
    %dma_start3A_165 = tpu.memref_slice %arg9[%dma_start3A_164] : memref<64xi32, #tpu.memory_space<vmem>> -> memref<16xi32, #tpu.memory_space<vmem>>
    %dma_start3A_166 = arith.constant 0 : i32
    %dma_start3A_167 = arith.constant 0 : i32
    %dma_start3A_168 = tpu.memref_slice %arg2[%dma_start3A_166, %dma_start3A_167] : memref<260x768xf32, #tpu.memory_space<hbm>> -> memref<260x768xf32, #tpu.memory_space<hbm>>
    tpu.enqueue_indirect_dma source(%dma_start3A_168 : memref<260x768xf32, #tpu.memory_space<hbm>>) target(%dma_start3A_163 : memref<16x768xf32, #tpu.memory_space<vmem>>) offsets(%dma_start3A_165 : memref<16xi32, #tpu.memory_space<vmem>>) semaphore(%arg18 : memref<!tpu.dma_semaphore, #tpu.memory_space<semaphore_mem>>)
    %dma_start3A_169 = arith.constant 48 : i32
    %dma_start3A_170 = arith.constant 0 : i32
    %dma_start3A_171 = tpu.memref_slice %arg14[%dma_start3A_169, %dma_start3A_170] : memref<64x768xf32, #tpu.memory_space<vmem>> -> memref<16x768xf32, #tpu.memory_space<vmem>>
    %dma_start3A_172 = arith.constant 48 : i32
    %dma_start3A_173 = tpu.memref_slice %arg10[%dma_start3A_172] : memref<64xi32, #tpu.memory_space<vmem>> -> memref<16xi32, #tpu.memory_space<vmem>>
    %dma_start3A_174 = arith.constant 0 : i32
    %dma_start3A_175 = arith.constant 0 : i32
    %dma_start3A_176 = tpu.memref_slice %arg2[%dma_start3A_174, %dma_start3A_175] : memref<260x768xf32, #tpu.memory_space<hbm>> -> memref<260x768xf32, #tpu.memory_space<hbm>>
    tpu.enqueue_indirect_dma source(%dma_start3A_176 : memref<260x768xf32, #tpu.memory_space<hbm>>) target(%dma_start3A_171 : memref<16x768xf32, #tpu.memory_space<vmem>>) offsets(%dma_start3A_173 : memref<16xi32, #tpu.memory_space<vmem>>) semaphore(%arg23 : memref<!tpu.dma_semaphore, #tpu.memory_space<semaphore_mem>>)
    %dma_start3A_177 = arith.constant 48 : i32
    %dma_start3A_178 = arith.constant 0 : i32
    %dma_start3A_179 = tpu.memref_slice %arg13[%dma_start3A_177, %dma_start3A_178] : memref<64x768xf32, #tpu.memory_space<vmem>> -> memref<16x768xf32, #tpu.memory_space<vmem>>
    %dma_start3A_180 = arith.constant 48 : i32
    %dma_start3A_181 = tpu.memref_slice %arg9[%dma_start3A_180] : memref<64xi32, #tpu.memory_space<vmem>> -> memref<16xi32, #tpu.memory_space<vmem>>
    %dma_start3A_182 = arith.constant 0 : i32
    %dma_start3A_183 = arith.constant 0 : i32
    %dma_start3A_184 = tpu.memref_slice %arg2[%dma_start3A_182, %dma_start3A_183] : memref<260x768xf32, #tpu.memory_space<hbm>> -> memref<260x768xf32, #tpu.memory_space<hbm>>
    tpu.enqueue_indirect_dma source(%dma_start3A_184 : memref<260x768xf32, #tpu.memory_space<hbm>>) target(%dma_start3A_179 : memref<16x768xf32, #tpu.memory_space<vmem>>) offsets(%dma_start3A_181 : memref<16xi32, #tpu.memory_space<vmem>>) semaphore(%arg19 : memref<!tpu.dma_semaphore, #tpu.memory_space<semaphore_mem>>)
    %dma_wait3A = arith.constant 0 : i32
    %dma_wait3A_185 = arith.constant 0 : i32
    %dma_wait3A_186 = tpu.memref_slice %arg5[%dma_wait3A, %dma_wait3A_185] : memref<64x128xf32, #tpu.memory_space<hbm>> -> memref<64x128xf32, #tpu.memory_space<hbm>>
    tpu.wait_indirect_dma semaphore(%arg15 : memref<!tpu.dma_semaphore, #tpu.memory_space<semaphore_mem>>) src(%dma_wait3A_186 : memref<64x128xf32, #tpu.memory_space<hbm>>) dst(%arg12 : memref<64x128xf32, #tpu.memory_space<vmem>>)
    %dma_wait3A_187 = arith.constant 0 : i32
    %dma_wait3A_188 = arith.constant 0 : i32
    %dma_wait3A_189 = tpu.memref_slice %arg14[%dma_wait3A_187, %dma_wait3A_188] : memref<64x768xf32, #tpu.memory_space<vmem>> -> memref<16x768xf32, #tpu.memory_space<vmem>>
    %dma_wait3A_190 = arith.constant 0 : i32
    %dma_wait3A_191 = tpu.memref_slice %arg10[%dma_wait3A_190] : memref<64xi32, #tpu.memory_space<vmem>> -> memref<16xi32, #tpu.memory_space<vmem>>
    %dma_wait3A_192 = arith.constant 0 : i32
    %dma_wait3A_193 = arith.constant 0 : i32
    %dma_wait3A_194 = tpu.memref_slice %arg2[%dma_wait3A_192, %dma_wait3A_193] : memref<260x768xf32, #tpu.memory_space<hbm>> -> memref<260x768xf32, #tpu.memory_space<hbm>>
    tpu.wait_indirect_dma semaphore(%arg20 : memref<!tpu.dma_semaphore, #tpu.memory_space<semaphore_mem>>) src(%dma_wait3A_194 : memref<260x768xf32, #tpu.memory_space<hbm>>) dst(%dma_wait3A_189 : memref<16x768xf32, #tpu.memory_space<vmem>>)
    %dma_wait3A_195 = arith.constant 0 : i32
    %dma_wait3A_196 = arith.constant 0 : i32
    %dma_wait3A_197 = tpu.memref_slice %arg13[%dma_wait3A_195, %dma_wait3A_196] : memref<64x768xf32, #tpu.memory_space<vmem>> -> memref<16x768xf32, #tpu.memory_space<vmem>>
    %dma_wait3A_198 = arith.constant 0 : i32
    %dma_wait3A_199 = tpu.memref_slice %arg9[%dma_wait3A_198] : memref<64xi32, #tpu.memory_space<vmem>> -> memref<16xi32, #tpu.memory_space<vmem>>
    %dma_wait3A_200 = arith.constant 0 : i32
    %dma_wait3A_201 = arith.constant 0 : i32
    %dma_wait3A_202 = tpu.memref_slice %arg2[%dma_wait3A_200, %dma_wait3A_201] : memref<260x768xf32, #tpu.memory_space<hbm>> -> memref<260x768xf32, #tpu.memory_space<hbm>>
    tpu.wait_indirect_dma semaphore(%arg16 : memref<!tpu.dma_semaphore, #tpu.memory_space<semaphore_mem>>) src(%dma_wait3A_202 : memref<260x768xf32, #tpu.memory_space<hbm>>) dst(%dma_wait3A_197 : memref<16x768xf32, #tpu.memory_space<vmem>>)
    %scan3A = arith.constant 0 : i32
    %scan3A_203 = arith.constant 0 : i32
    %scan3A_204 = arith.constant 16 : i32
    %scan3A_205 = arith.addi %scan3A_203, %scan3A_204 : i32
    %scan3A_206 = arith.constant 1 : i32
    scf.for %scan3A_362 = %scan3A_203 to %scan3A_205 step %scan3A_206  : i32 {
      %add3A_363 = arith.constant 0 : i32
      %add3A_364 = arith.addi %add3A_363, %scan3A_362 : i32
      %get3A_365 = arith.index_cast %add3A_364 : i32 to index
      %get3A_366 = arith.constant 0 : index
      %get3A_367 = tpu.vector_load %arg12[%get3A_365, %get3A_366] {strides = array<i32>} : memref<64x128xf32, #tpu.memory_space<vmem>>, vector<1x16xf32>,
      %get3A_368 = vector.shape_cast %get3A_367 : vector<1x16xf32> to vector<16xf32>
      %get3A_369 = arith.index_cast %add3A_364 : i32 to index
      %get3A_370 = arith.constant 0 : index
      %get3A_371 = tpu.vector_load %arg14[%get3A_369, %get3A_370] {strides = array<i32>} : memref<64x768xf32, #tpu.memory_space<vmem>>, vector<1x16xf32>,
      %get3A_372 = vector.shape_cast %get3A_371 : vector<1x16xf32> to vector<16xf32>
      %get3A_373 = arith.index_cast %add3A_364 : i32 to index
      %get3A_374 = arith.constant 0 : index
      %get3A_375 = tpu.vector_load %arg13[%get3A_373, %get3A_374] {strides = array<i32>} : memref<64x768xf32, #tpu.memory_space<vmem>>, vector<1x16xf32>,
      %get3A_376 = vector.shape_cast %get3A_375 : vector<1x16xf32> to vector<16xf32>
      %sub3A_377 = arith.subf %get3A_372, %get3A_376 : vector<16xf32>
      %mul3A_378 = arith.mulf %sub3A_377, %get3A_368 : vector<16xf32>
      %swap3A_379 = arith.index_cast %add3A_364 : i32 to index
      %swap3A_380 = arith.constant 0 : index
      %swap3A_381 = tpu.vector_load %arg14[%swap3A_379, %swap3A_380] {strides = array<i32>} : memref<64x768xf32, #tpu.memory_space<vmem>>, vector<1x16xf32>,
      %swap3A_382 = vector.shape_cast %swap3A_381 : vector<1x16xf32> to vector<16xf32>
      %swap3A_383 = vector.shape_cast %mul3A_378 : vector<16xf32> to vector<1x16xf32>
      tpu.vector_store %arg14[%swap3A_379, %swap3A_380], %swap3A_383 {strides = array<i32>} : memref<64x768xf32, #tpu.memory_space<vmem>>, vector<1x16xf32>,
      %get3A_384 = arith.index_cast %add3A_364 : i32 to index
      %get3A_385 = arith.constant 16 : index
      %get3A_386 = tpu.vector_load %arg14[%get3A_384, %get3A_385] {strides = array<i32>} : memref<64x768xf32, #tpu.memory_space<vmem>>, vector<1x16xf32>,
      %get3A_387 = vector.shape_cast %get3A_386 : vector<1x16xf32> to vector<16xf32>
      %get3A_388 = arith.index_cast %add3A_364 : i32 to index
      %get3A_389 = arith.constant 16 : index
      %get3A_390 = tpu.vector_load %arg13[%get3A_388, %get3A_389] {strides = array<i32>} : memref<64x768xf32, #tpu.memory_space<vmem>>, vector<1x16xf32>,
      %get3A_391 = vector.shape_cast %get3A_390 : vector<1x16xf32> to vector<16xf32>
      %sub3A_392 = arith.subf %get3A_387, %get3A_391 : vector<16xf32>
      %mul3A_393 = arith.mulf %sub3A_392, %get3A_368 : vector<16xf32>
      %swap3A_394 = arith.index_cast %add3A_364 : i32 to index
      %swap3A_395 = arith.constant 16 : index
      %swap3A_396 = tpu.vector_load %arg14[%swap3A_394, %swap3A_395] {strides = array<i32>} : memref<64x768xf32, #tpu.memory_space<vmem>>, vector<1x16xf32>,
      %swap3A_397 = vector.shape_cast %swap3A_396 : vector<1x16xf32> to vector<16xf32>
      %swap3A_398 = vector.shape_cast %mul3A_393 : vector<16xf32> to vector<1x16xf32>
      tpu.vector_store %arg14[%swap3A_394, %swap3A_395], %swap3A_398 {strides = array<i32>} : memref<64x768xf32, #tpu.memory_space<vmem>>, vector<1x16xf32>,
      %get3A_399 = arith.index_cast %add3A_364 : i32 to index
      %get3A_400 = arith.constant 32 : index
      %get3A_401 = tpu.vector_load %arg14[%get3A_399, %get3A_400] {strides = array<i32>} : memref<64x768xf32, #tpu.memory_space<vmem>>, vector<1x16xf32>,
      %get3A_402 = vector.shape_cast %get3A_401 : vector<1x16xf32> to vector<16xf32>
      %get3A_403 = arith.index_cast %add3A_364 : i32 to index
      %get3A_404 = arith.constant 32 : index
      %get3A_405 = tpu.vector_load %arg13[%get3A_403, %get3A_404] {strides = array<i32>} : memref<64x768xf32, #tpu.memory_space<vmem>>, vector<1x16xf32>,
      %get3A_406 = vector.shape_cast %get3A_405 : vector<1x16xf32> to vector<16xf32>
      %sub3A_407 = arith.subf %get3A_402, %get3A_406 : vector<16xf32>
      %mul3A_408 = arith.mulf %sub3A_407, %get3A_368 : vector<16xf32>
      %swap3A_409 = arith.index_cast %add3A_364 : i32 to index
      %swap3A_410 = arith.constant 32 : index
      %swap3A_411 = tpu.vector_load %arg14[%swap3A_409, %swap3A_410] {strides = array<i32>} : memref<64x768xf32, #tpu.memory_space<vmem>>, vector<1x16xf32>,
      %swap3A_412 = vector.shape_cast %swap3A_411 : vector<1x16xf32> to vector<16xf32>
      %swap3A_413 = vector.shape_cast %mul3A_408 : vector<16xf32> to vector<1x16xf32>
      tpu.vector_store %arg14[%swap3A_409, %swap3A_410], %swap3A_413 {strides = array<i32>} : memref<64x768xf32, #tpu.memory_space<vmem>>, vector<1x16xf32>,
      %get3A_414 = arith.index_cast %add3A_364 : i32 to index
      %get3A_415 = arith.constant 48 : index
      %get3A_416 = tpu.vector_load %arg14[%get3A_414, %get3A_415] {strides = array<i32>} : memref<64x768xf32, #tpu.memory_space<vmem>>, vector<1x16xf32>,
      %get3A_417 = vector.shape_cast %get3A_416 : vector<1x16xf32> to vector<16xf32>
      %get3A_418 = arith.index_cast %add3A_364 : i32 to index
      %get3A_419 = arith.constant 48 : index
      %get3A_420 = tpu.vector_load %arg13[%get3A_418, %get3A_419] {strides = array<i32>} : memref<64x768xf32, #tpu.memory_space<vmem>>, vector<1x16xf32>,
      %get3A_421 = vector.shape_cast %get3A_420 : vector<1x16xf32> to vector<16xf32>
      %sub3A_422 = arith.subf %get3A_417, %get3A_421 : vector<16xf32>
      %mul3A_423 = arith.mulf %sub3A_422, %get3A_368 : vector<16xf32>
      %swap3A_424 = arith.index_cast %add3A_364 : i32 to index
      %swap3A_425 = arith.constant 48 : index
      %swap3A_426 = tpu.vector_load %arg14[%swap3A_424, %swap3A_425] {strides = array<i32>} : memref<64x768xf32, #tpu.memory_space<vmem>>, vector<1x16xf32>,
      %swap3A_427 = vector.shape_cast %swap3A_426 : vector<1x16xf32> to vector<16xf32>
      %swap3A_428 = vector.shape_cast %mul3A_423 : vector<16xf32> to vector<1x16xf32>
      tpu.vector_store %arg14[%swap3A_424, %swap3A_425], %swap3A_428 {strides = array<i32>} : memref<64x768xf32, #tpu.memory_space<vmem>>, vector<1x16xf32>,
      %get3A_429 = arith.index_cast %add3A_364 : i32 to index
      %get3A_430 = arith.constant 64 : index
      %get3A_431 = tpu.vector_load %arg14[%get3A_429, %get3A_430] {strides = array<i32>} : memref<64x768xf32, #tpu.memory_space<vmem>>, vector<1x16xf32>,
      %get3A_432 = vector.shape_cast %get3A_431 : vector<1x16xf32> to vector<16xf32>
      %get3A_433 = arith.index_cast %add3A_364 : i32 to index
      %get3A_434 = arith.constant 64 : index
      %get3A_435 = tpu.vector_load %arg13[%get3A_433, %get3A_434] {strides = array<i32>} : memref<64x768xf32, #tpu.memory_space<vmem>>, vector<1x16xf32>,
      %get3A_436 = vector.shape_cast %get3A_435 : vector<1x16xf32> to vector<16xf32>
      %sub3A_437 = arith.subf %get3A_432, %get3A_436 : vector<16xf32>
      %mul3A_438 = arith.mulf %sub3A_437, %get3A_368 : vector<16xf32>
      %swap3A_439 = arith.index_cast %add3A_364 : i32 to index
      %swap3A_440 = arith.constant 64 : index
      %swap3A_441 = tpu.vector_load %arg14[%swap3A_439, %swap3A_440] {strides = array<i32>} : memref<64x768xf32, #tpu.memory_space<vmem>>, vector<1x16xf32>,
      %swap3A_442 = vector.shape_cast %swap3A_441 : vector<1x16xf32> to vector<16xf32>
      %swap3A_443 = vector.shape_cast %mul3A_438 : vector<16xf32> to vector<1x16xf32>
      tpu.vector_store %arg14[%swap3A_439, %swap3A_440], %swap3A_443 {strides = array<i32>} : memref<64x768xf32, #tpu.memory_space<vmem>>, vector<1x16xf32>,
      %get3A_444 = arith.index_cast %add3A_364 : i32 to index
      %get3A_445 = arith.constant 80 : index
      %get3A_446 = tpu.vector_load %arg14[%get3A_444, %get3A_445] {strides = array<i32>} : memref<64x768xf32, #tpu.memory_space<vmem>>, vector<1x16xf32>,
      %get3A_447 = vector.shape_cast %get3A_446 : vector<1x16xf32> to vector<16xf32>
      %get3A_448 = arith.index_cast %add3A_364 : i32 to index
      %get3A_449 = arith.constant 80 : index
      %get3A_450 = tpu.vector_load %arg13[%get3A_448, %get3A_449] {strides = array<i32>} : memref<64x768xf32, #tpu.memory_space<vmem>>, vector<1x16xf32>,
      %get3A_451 = vector.shape_cast %get3A_450 : vector<1x16xf32> to vector<16xf32>
      %sub3A_452 = arith.subf %get3A_447, %get3A_451 : vector<16xf32>
      %mul3A_453 = arith.mulf %sub3A_452, %get3A_368 : vector<16xf32>
      %swap3A_454 = arith.index_cast %add3A_364 : i32 to index
      %swap3A_455 = arith.constant 80 : index
      %swap3A_456 = tpu.vector_load %arg14[%swap3A_454, %swap3A_455] {strides = array<i32>} : memref<64x768xf32, #tpu.memory_space<vmem>>, vector<1x16xf32>,
      %swap3A_457 = vector.shape_cast %swap3A_456 : vector<1x16xf32> to vector<16xf32>
      %swap3A_458 = vector.shape_cast %mul3A_453 : vector<16xf32> to vector<1x16xf32>
      tpu.vector_store %arg14[%swap3A_454, %swap3A_455], %swap3A_458 {strides = array<i32>} : memref<64x768xf32, #tpu.memory_space<vmem>>, vector<1x16xf32>,
      %get3A_459 = arith.index_cast %add3A_364 : i32 to index
      %get3A_460 = arith.constant 96 : index
      %get3A_461 = tpu.vector_load %arg14[%get3A_459, %get3A_460] {strides = array<i32>} : memref<64x768xf32, #tpu.memory_space<vmem>>, vector<1x16xf32>,
      %get3A_462 = vector.shape_cast %get3A_461 : vector<1x16xf32> to vector<16xf32>
      %get3A_463 = arith.index_cast %add3A_364 : i32 to index
      %get3A_464 = arith.constant 96 : index
      %get3A_465 = tpu.vector_load %arg13[%get3A_463, %get3A_464] {strides = array<i32>} : memref<64x768xf32, #tpu.memory_space<vmem>>, vector<1x16xf32>,
      %get3A_466 = vector.shape_cast %get3A_465 : vector<1x16xf32> to vector<16xf32>
      %sub3A_467 = arith.subf %get3A_462, %get3A_466 : vector<16xf32>
      %mul3A_468 = arith.mulf %sub3A_467, %get3A_368 : vector<16xf32>
      %swap3A_469 = arith.index_cast %add3A_364 : i32 to index
      %swap3A_470 = arith.constant 96 : index
      %swap3A_471 = tpu.vector_load %arg14[%swap3A_469, %swap3A_470] {strides = array<i32>} : memref<64x768xf32, #tpu.memory_space<vmem>>, vector<1x16xf32>,
      %swap3A_472 = vector.shape_cast %swap3A_471 : vector<1x16xf32> to vector<16xf32>
      %swap3A_473 = vector.shape_cast %mul3A_468 : vector<16xf32> to vector<1x16xf32>
      tpu.vector_store %arg14[%swap3A_469, %swap3A_470], %swap3A_473 {strides = array<i32>} : memref<64x768xf32, #tpu.memory_space<vmem>>, vector<1x16xf32>,
      %get3A_474 = arith.index_cast %add3A_364 : i32 to index
      %get3A_475 = arith.constant 112 : index
      %get3A_476 = tpu.vector_load %arg14[%get3A_474, %get3A_475] {strides = array<i32>} : memref<64x768xf32, #tpu.memory_space<vmem>>, vector<1x16xf32>,
      %get3A_477 = vector.shape_cast %get3A_476 : vector<1x16xf32> to vector<16xf32>
      %get3A_478 = arith.index_cast %add3A_364 : i32 to index
      %get3A_479 = arith.constant 112 : index
      %get3A_480 = tpu.vector_load %arg13[%get3A_478, %get3A_479] {strides = array<i32>} : memref<64x768xf32, #tpu.memory_space<vmem>>, vector<1x16xf32>,
      %get3A_481 = vector.shape_cast %get3A_480 : vector<1x16xf32> to vector<16xf32>
      %sub3A_482 = arith.subf %get3A_477, %get3A_481 : vector<16xf32>
      %mul3A_483 = arith.mulf %sub3A_482, %get3A_368 : vector<16xf32>
      %swap3A_484 = arith.index_cast %add3A_364 : i32 to index
      %swap3A_485 = arith.constant 112 : index
      %swap3A_486 = tpu.vector_load %arg14[%swap3A_484, %swap3A_485] {strides = array<i32>} : memref<64x768xf32, #tpu.memory_space<vmem>>, vector<1x16xf32>,
      %swap3A_487 = vector.shape_cast %swap3A_486 : vector<1x16xf32> to vector<16xf32>
      %swap3A_488 = vector.shape_cast %mul3A_483 : vector<16xf32> to vector<1x16xf32>
      tpu.vector_store %arg14[%swap3A_484, %swap3A_485], %swap3A_488 {strides = array<i32>} : memref<64x768xf32, #tpu.memory_space<vmem>>, vector<1x16xf32>,
      %get3A_489 = arith.index_cast %add3A_364 : i32 to index
      %get3A_490 = arith.constant 128 : index
      %get3A_491 = tpu.vector_load %arg14[%get3A_489, %get3A_490] {strides = array<i32>} : memref<64x768xf32, #tpu.memory_space<vmem>>, vector<1x16xf32>,
      %get3A_492 = vector.shape_cast %get3A_491 : vector<1x16xf32> to vector<16xf32>
      %get3A_493 = arith.index_cast %add3A_364 : i32 to index
      %get3A_494 = arith.constant 128 : index
      %get3A_495 = tpu.vector_load %arg13[%get3A_493, %get3A_494] {strides = array<i32>} : memref<64x768xf32, #tpu.memory_space<vmem>>, vector<1x16xf32>,
      %get3A_496 = vector.shape_cast %get3A_495 : vector<1x16xf32> to vector<16xf32>
      %sub3A_497 = arith.subf %get3A_492, %get3A_496 : vector<16xf32>
      %mul3A_498 = arith.mulf %sub3A_497, %get3A_368 : vector<16xf32>
      %swap3A_499 = arith.index_cast %add3A_364 : i32 to index
      %swap3A_500 = arith.constant 128 : index
      %swap3A_501 = tpu.vector_load %arg14[%swap3A_499, %swap3A_500] {strides = array<i32>} : memref<64x768xf32, #tpu.memory_space<vmem>>, vector<1x16xf32>,
      %swap3A_502 = vector.shape_cast %swap3A_501 : vector<1x16xf32> to vector<16xf32>
      %swap3A_503 = vector.shape_cast %mul3A_498 : vector<16xf32> to vector<1x16xf32>
      tpu.vector_store %arg14[%swap3A_499, %swap3A_500], %swap3A_503 {strides = array<i32>} : memref<64x768xf32, #tpu.memory_space<vmem>>, vector<1x16xf32>,
      %get3A_504 = arith.index_cast %add3A_364 : i32 to index
      %get3A_505 = arith.constant 144 : index
      %get3A_506 = tpu.vector_load %arg14[%get3A_504, %get3A_505] {strides = array<i32>} : memref<64x768xf32, #tpu.memory_space<vmem>>, vector<1x16xf32>,
      %get3A_507 = vector.shape_cast %get3A_506 : vector<1x16xf32> to vector<16xf32>
      %get3A_508 = arith.index_cast %add3A_364 : i32 to index
      %get3A_509 = arith.constant 144 : index
      %get3A_510 = tpu.vector_load %arg13[%get3A_508, %get3A_509] {strides = array<i32>} : memref<64x768xf32, #tpu.memory_space<vmem>>, vector<1x16xf32>,
      %get3A_511 = vector.shape_cast %get3A_510 : vector<1x16xf32> to vector<16xf32>
      %sub3A_512 = arith.subf %get3A_507, %get3A_511 : vector<16xf32>
      %mul3A_513 = arith.mulf %sub3A_512, %get3A_368 : vector<16xf32>
      %swap3A_514 = arith.index_cast %add3A_364 : i32 to index
      %swap3A_515 = arith.constant 144 : index
      %swap3A_516 = tpu.vector_load %arg14[%swap3A_514, %swap3A_515] {strides = array<i32>} : memref<64x768xf32, #tpu.memory_space<vmem>>, vector<1x16xf32>,
      %swap3A_517 = vector.shape_cast %swap3A_516 : vector<1x16xf32> to vector<16xf32>
      %swap3A_518 = vector.shape_cast %mul3A_513 : vector<16xf32> to vector<1x16xf32>
      tpu.vector_store %arg14[%swap3A_514, %swap3A_515], %swap3A_518 {strides = array<i32>} : memref<64x768xf32, #tpu.memory_space<vmem>>, vector<1x16xf32>,
      %get3A_519 = arith.index_cast %add3A_364 : i32 to index
      %get3A_520 = arith.constant 160 : index
      %get3A_521 = tpu.vector_load %arg14[%get3A_519, %get3A_520] {strides = array<i32>} : memref<64x768xf32, #tpu.memory_space<vmem>>, vector<1x16xf32>,
      %get3A_522 = vector.shape_cast %get3A_521 : vector<1x16xf32> to vector<16xf32>
      %get3A_523 = arith.index_cast %add3A_364 : i32 to index
      %get3A_524 = arith.constant 160 : index
      %get3A_525 = tpu.vector_load %arg13[%get3A_523, %get3A_524] {strides = array<i32>} : memref<64x768xf32, #tpu.memory_space<vmem>>, vector<1x16xf32>,
      %get3A_526 = vector.shape_cast %get3A_525 : vector<1x16xf32> to vector<16xf32>
      %sub3A_527 = arith.subf %get3A_522, %get3A_526 : vector<16xf32>
      %mul3A_528 = arith.mulf %sub3A_527, %get3A_368 : vector<16xf32>
      %swap3A_529 = arith.index_cast %add3A_364 : i32 to index
      %swap3A_530 = arith.constant 160 : index
      %swap3A_531 = tpu.vector_load %arg14[%swap3A_529, %swap3A_530] {strides = array<i32>} : memref<64x768xf32, #tpu.memory_space<vmem>>, vector<1x16xf32>,
      %swap3A_532 = vector.shape_cast %swap3A_531 : vector<1x16xf32> to vector<16xf32>
      %swap3A_533 = vector.shape_cast %mul3A_528 : vector<16xf32> to vector<1x16xf32>
      tpu.vector_store %arg14[%swap3A_529, %swap3A_530], %swap3A_533 {strides = array<i32>} : memref<64x768xf32, #tpu.memory_space<vmem>>, vector<1x16xf32>,
      %get3A_534 = arith.index_cast %add3A_364 : i32 to index
      %get3A_535 = arith.constant 176 : index
      %get3A_536 = tpu.vector_load %arg14[%get3A_534, %get3A_535] {strides = array<i32>} : memref<64x768xf32, #tpu.memory_space<vmem>>, vector<1x16xf32>,
      %get3A_537 = vector.shape_cast %get3A_536 : vector<1x16xf32> to vector<16xf32>
      %get3A_538 = arith.index_cast %add3A_364 : i32 to index
      %get3A_539 = arith.constant 176 : index
      %get3A_540 = tpu.vector_load %arg13[%get3A_538, %get3A_539] {strides = array<i32>} : memref<64x768xf32, #tpu.memory_space<vmem>>, vector<1x16xf32>,
      %get3A_541 = vector.shape_cast %get3A_540 : vector<1x16xf32> to vector<16xf32>
      %sub3A_542 = arith.subf %get3A_537, %get3A_541 : vector<16xf32>
      %mul3A_543 = arith.mulf %sub3A_542, %get3A_368 : vector<16xf32>
      %swap3A_544 = arith.index_cast %add3A_364 : i32 to index
      %swap3A_545 = arith.constant 176 : index
      %swap3A_546 = tpu.vector_load %arg14[%swap3A_544, %swap3A_545] {strides = array<i32>} : memref<64x768xf32, #tpu.memory_space<vmem>>, vector<1x16xf32>,
      %swap3A_547 = vector.shape_cast %swap3A_546 : vector<1x16xf32> to vector<16xf32>
      %swap3A_548 = vector.shape_cast %mul3A_543 : vector<16xf32> to vector<1x16xf32>
      tpu.vector_store %arg14[%swap3A_544, %swap3A_545], %swap3A_548 {strides = array<i32>} : memref<64x768xf32, #tpu.memory_space<vmem>>, vector<1x16xf32>,
      %get3A_549 = arith.index_cast %add3A_364 : i32 to index
      %get3A_550 = arith.constant 192 : index
      %get3A_551 = tpu.vector_load %arg14[%get3A_549, %get3A_550] {strides = array<i32>} : memref<64x768xf32, #tpu.memory_space<vmem>>, vector<1x16xf32>,
      %get3A_552 = vector.shape_cast %get3A_551 : vector<1x16xf32> to vector<16xf32>
      %get3A_553 = arith.index_cast %add3A_364 : i32 to index
      %get3A_554 = arith.constant 192 : index
      %get3A_555 = tpu.vector_load %arg13[%get3A_553, %get3A_554] {strides = array<i32>} : memref<64x768xf32, #tpu.memory_space<vmem>>, vector<1x16xf32>,
      %get3A_556 = vector.shape_cast %get3A_555 : vector<1x16xf32> to vector<16xf32>
      %sub3A_557 = arith.subf %get3A_552, %get3A_556 : vector<16xf32>
      %mul3A_558 = arith.mulf %sub3A_557, %get3A_368 : vector<16xf32>
      %swap3A_559 = arith.index_cast %add3A_364 : i32 to index
      %swap3A_560 = arith.constant 192 : index
      %swap3A_561 = tpu.vector_load %arg14[%swap3A_559, %swap3A_560] {strides = array<i32>} : memref<64x768xf32, #tpu.memory_space<vmem>>, vector<1x16xf32>,
      %swap3A_562 = vector.shape_cast %swap3A_561 : vector<1x16xf32> to vector<16xf32>
      %swap3A_563 = vector.shape_cast %mul3A_558 : vector<16xf32> to vector<1x16xf32>
      tpu.vector_store %arg14[%swap3A_559, %swap3A_560], %swap3A_563 {strides = array<i32>} : memref<64x768xf32, #tpu.memory_space<vmem>>, vector<1x16xf32>,
      %get3A_564 = arith.index_cast %add3A_364 : i32 to index
      %get3A_565 = arith.constant 208 : index
      %get3A_566 = tpu.vector_load %arg14[%get3A_564, %get3A_565] {strides = array<i32>} : memref<64x768xf32, #tpu.memory_space<vmem>>, vector<1x16xf32>,
      %get3A_567 = vector.shape_cast %get3A_566 : vector<1x16xf32> to vector<16xf32>
      %get3A_568 = arith.index_cast %add3A_364 : i32 to index
      %get3A_569 = arith.constant 208 : index
      %get3A_570 = tpu.vector_load %arg13[%get3A_568, %get3A_569] {strides = array<i32>} : memref<64x768xf32, #tpu.memory_space<vmem>>, vector<1x16xf32>,
      %get3A_571 = vector.shape_cast %get3A_570 : vector<1x16xf32> to vector<16xf32>
      %sub3A_572 = arith.subf %get3A_567, %get3A_571 : vector<16xf32>
      %mul3A_573 = arith.mulf %sub3A_572, %get3A_368 : vector<16xf32>
      %swap3A_574 = arith.index_cast %add3A_364 : i32 to index
      %swap3A_575 = arith.constant 208 : index
      %swap3A_576 = tpu.vector_load %arg14[%swap3A_574, %swap3A_575] {strides = array<i32>} : memref<64x768xf32, #tpu.memory_space<vmem>>, vector<1x16xf32>,
      %swap3A_577 = vector.shape_cast %swap3A_576 : vector<1x16xf32> to vector<16xf32>
      %swap3A_578 = vector.shape_cast %mul3A_573 : vector<16xf32> to vector<1x16xf32>
      tpu.vector_store %arg14[%swap3A_574, %swap3A_575], %swap3A_578 {strides = array<i32>} : memref<64x768xf32, #tpu.memory_space<vmem>>, vector<1x16xf32>,
      %get3A_579 = arith.index_cast %add3A_364 : i32 to index
      %get3A_580 = arith.constant 224 : index
      %get3A_581 = tpu.vector_load %arg14[%get3A_579, %get3A_580] {strides = array<i32>} : memref<64x768xf32, #tpu.memory_space<vmem>>, vector<1x16xf32>,
      %get3A_582 = vector.shape_cast %get3A_581 : vector<1x16xf32> to vector<16xf32>
      %get3A_583 = arith.index_cast %add3A_364 : i32 to index
      %get3A_584 = arith.constant 224 : index
      %get3A_585 = tpu.vector_load %arg13[%get3A_583, %get3A_584] {strides = array<i32>} : memref<64x768xf32, #tpu.memory_space<vmem>>, vector<1x16xf32>,
      %get3A_586 = vector.shape_cast %get3A_585 : vector<1x16xf32> to vector<16xf32>
      %sub3A_587 = arith.subf %get3A_582, %get3A_586 : vector<16xf32>
      %mul3A_588 = arith.mulf %sub3A_587, %get3A_368 : vector<16xf32>
      %swap3A_589 = arith.index_cast %add3A_364 : i32 to index
      %swap3A_590 = arith.constant 224 : index
      %swap3A_591 = tpu.vector_load %arg14[%swap3A_589, %swap3A_590] {strides = array<i32>} : memref<64x768xf32, #tpu.memory_space<vmem>>, vector<1x16xf32>,
      %swap3A_592 = vector.shape_cast %swap3A_591 : vector<1x16xf32> to vector<16xf32>
      %swap3A_593 = vector.shape_cast %mul3A_588 : vector<16xf32> to vector<1x16xf32>
      tpu.vector_store %arg14[%swap3A_589, %swap3A_590], %swap3A_593 {strides = array<i32>} : memref<64x768xf32, #tpu.memory_space<vmem>>, vector<1x16xf32>,
      %get3A_594 = arith.index_cast %add3A_364 : i32 to index
      %get3A_595 = arith.constant 240 : index
      %get3A_596 = tpu.vector_load %arg14[%get3A_594, %get3A_595] {strides = array<i32>} : memref<64x768xf32, #tpu.memory_space<vmem>>, vector<1x16xf32>,
      %get3A_597 = vector.shape_cast %get3A_596 : vector<1x16xf32> to vector<16xf32>
      %get3A_598 = arith.index_cast %add3A_364 : i32 to index
      %get3A_599 = arith.constant 240 : index
      %get3A_600 = tpu.vector_load %arg13[%get3A_598, %get3A_599] {strides = array<i32>} : memref<64x768xf32, #tpu.memory_space<vmem>>, vector<1x16xf32>,
      %get3A_601 = vector.shape_cast %get3A_600 : vector<1x16xf32> to vector<16xf32>
      %sub3A_602 = arith.subf %get3A_597, %get3A_601 : vector<16xf32>
      %mul3A_603 = arith.mulf %sub3A_602, %get3A_368 : vector<16xf32>
      %swap3A_604 = arith.index_cast %add3A_364 : i32 to index
      %swap3A_605 = arith.constant 240 : index
      %swap3A_606 = tpu.vector_load %arg14[%swap3A_604, %swap3A_605] {strides = array<i32>} : memref<64x768xf32, #tpu.memory_space<vmem>>, vector<1x16xf32>,
      %swap3A_607 = vector.shape_cast %swap3A_606 : vector<1x16xf32> to vector<16xf32>
      %swap3A_608 = vector.shape_cast %mul3A_603 : vector<16xf32> to vector<1x16xf32>
      tpu.vector_store %arg14[%swap3A_604, %swap3A_605], %swap3A_608 {strides = array<i32>} : memref<64x768xf32, #tpu.memory_space<vmem>>, vector<1x16xf32>,
      %get3A_609 = arith.index_cast %add3A_364 : i32 to index
      %get3A_610 = arith.constant 256 : index
      %get3A_611 = tpu.vector_load %arg14[%get3A_609, %get3A_610] {strides = array<i32>} : memref<64x768xf32, #tpu.memory_space<vmem>>, vector<1x16xf32>,
      %get3A_612 = vector.shape_cast %get3A_611 : vector<1x16xf32> to vector<16xf32>
      %get3A_613 = arith.index_cast %add3A_364 : i32 to index
      %get3A_614 = arith.constant 256 : index
      %get3A_615 = tpu.vector_load %arg13[%get3A_613, %get3A_614] {strides = array<i32>} : memref<64x768xf32, #tpu.memory_space<vmem>>, vector<1x16xf32>,
      %get3A_616 = vector.shape_cast %get3A_615 : vector<1x16xf32> to vector<16xf32>
      %sub3A_617 = arith.subf %get3A_612, %get3A_616 : vector<16xf32>
      %mul3A_618 = arith.mulf %sub3A_617, %get3A_368 : vector<16xf32>
      %swap3A_619 = arith.index_cast %add3A_364 : i32 to index
      %swap3A_620 = arith.constant 256 : index
      %swap3A_621 = tpu.vector_load %arg14[%swap3A_619, %swap3A_620] {strides = array<i32>} : memref<64x768xf32, #tpu.memory_space<vmem>>, vector<1x16xf32>,
      %swap3A_622 = vector.shape_cast %swap3A_621 : vector<1x16xf32> to vector<16xf32>
      %swap3A_623 = vector.shape_cast %mul3A_618 : vector<16xf32> to vector<1x16xf32>
      tpu.vector_store %arg14[%swap3A_619, %swap3A_620], %swap3A_623 {strides = array<i32>} : memref<64x768xf32, #tpu.memory_space<vmem>>, vector<1x16xf32>,
      %get3A_624 = arith.index_cast %add3A_364 : i32 to index
      %get3A_625 = arith.constant 272 : index
      %get3A_626 = tpu.vector_load %arg14[%get3A_624, %get3A_625] {strides = array<i32>} : memref<64x768xf32, #tpu.memory_space<vmem>>, vector<1x16xf32>,
      %get3A_627 = vector.shape_cast %get3A_626 : vector<1x16xf32> to vector<16xf32>
      %get3A_628 = arith.index_cast %add3A_364 : i32 to index
      %get3A_629 = arith.constant 272 : index
      %get3A_630 = tpu.vector_load %arg13[%get3A_628, %get3A_629] {strides = array<i32>} : memref<64x768xf32, #tpu.memory_space<vmem>>, vector<1x16xf32>,
      %get3A_631 = vector.shape_cast %get3A_630 : vector<1x16xf32> to vector<16xf32>
      %sub3A_632 = arith.subf %get3A_627, %get3A_631 : vector<16xf32>
      %mul3A_633 = arith.mulf %sub3A_632, %get3A_368 : vector<16xf32>
      %swap3A_634 = arith.index_cast %add3A_364 : i32 to index
      %swap3A_635 = arith.constant 272 : index
      %swap3A_636 = tpu.vector_load %arg14[%swap3A_634, %swap3A_635] {strides = array<i32>} : memref<64x768xf32, #tpu.memory_space<vmem>>, vector<1x16xf32>,
      %swap3A_637 = vector.shape_cast %swap3A_636 : vector<1x16xf32> to vector<16xf32>
      %swap3A_638 = vector.shape_cast %mul3A_633 : vector<16xf32> to vector<1x16xf32>
      tpu.vector_store %arg14[%swap3A_634, %swap3A_635], %swap3A_638 {strides = array<i32>} : memref<64x768xf32, #tpu.memory_space<vmem>>, vector<1x16xf32>,
      %get3A_639 = arith.index_cast %add3A_364 : i32 to index
      %get3A_640 = arith.constant 288 : index
      %get3A_641 = tpu.vector_load %arg14[%get3A_639, %get3A_640] {strides = array<i32>} : memref<64x768xf32, #tpu.memory_space<vmem>>, vector<1x16xf32>,
      %get3A_642 = vector.shape_cast %get3A_641 : vector<1x16xf32> to vector<16xf32>
      %get3A_643 = arith.index_cast %add3A_364 : i32 to index
      %get3A_644 = arith.constant 288 : index
      %get3A_645 = tpu.vector_load %arg13[%get3A_643, %get3A_644] {strides = array<i32>} : memref<64x768xf32, #tpu.memory_space<vmem>>, vector<1x16xf32>,
      %get3A_646 = vector.shape_cast %get3A_645 : vector<1x16xf32> to vector<16xf32>
      %sub3A_647 = arith.subf %get3A_642, %get3A_646 : vector<16xf32>
      %mul3A_648 = arith.mulf %sub3A_647, %get3A_368 : vector<16xf32>
      %swap3A_649 = arith.index_cast %add3A_364 : i32 to index
      %swap3A_650 = arith.constant 288 : index
      %swap3A_651 = tpu.vector_load %arg14[%swap3A_649, %swap3A_650] {strides = array<i32>} : memref<64x768xf32, #tpu.memory_space<vmem>>, vector<1x16xf32>,
      %swap3A_652 = vector.shape_cast %swap3A_651 : vector<1x16xf32> to vector<16xf32>
      %swap3A_653 = vector.shape_cast %mul3A_648 : vector<16xf32> to vector<1x16xf32>
      tpu.vector_store %arg14[%swap3A_649, %swap3A_650], %swap3A_653 {strides = array<i32>} : memref<64x768xf32, #tpu.memory_space<vmem>>, vector<1x16xf32>,
      %get3A_654 = arith.index_cast %add3A_364 : i32 to index
      %get3A_655 = arith.constant 304 : index
      %get3A_656 = tpu.vector_load %arg14[%get3A_654, %get3A_655] {strides = array<i32>} : memref<64x768xf32, #tpu.memory_space<vmem>>, vector<1x16xf32>,
      %get3A_657 = vector.shape_cast %get3A_656 : vector<1x16xf32> to vector<16xf32>
      %get3A_658 = arith.index_cast %add3A_364 : i32 to index
      %get3A_659 = arith.constant 304 : index
      %get3A_660 = tpu.vector_load %arg13[%get3A_658, %get3A_659] {strides = array<i32>} : memref<64x768xf32, #tpu.memory_space<vmem>>, vector<1x16xf32>,
      %get3A_661 = vector.shape_cast %get3A_660 : vector<1x16xf32> to vector<16xf32>
      %sub3A_662 = arith.subf %get3A_657, %get3A_661 : vector<16xf32>
      %mul3A_663 = arith.mulf %sub3A_662, %get3A_368 : vector<16xf32>
      %swap3A_664 = arith.index_cast %add3A_364 : i32 to index
      %swap3A_665 = arith.constant 304 : index
      %swap3A_666 = tpu.vector_load %arg14[%swap3A_664, %swap3A_665] {strides = array<i32>} : memref<64x768xf32, #tpu.memory_space<vmem>>, vector<1x16xf32>,
      %swap3A_667 = vector.shape_cast %swap3A_666 : vector<1x16xf32> to vector<16xf32>
      %swap3A_668 = vector.shape_cast %mul3A_663 : vector<16xf32> to vector<1x16xf32>
      tpu.vector_store %arg14[%swap3A_664, %swap3A_665], %swap3A_668 {strides = array<i32>} : memref<64x768xf32, #tpu.memory_space<vmem>>, vector<1x16xf32>,
      %get3A_669 = arith.index_cast %add3A_364 : i32 to index
      %get3A_670 = arith.constant 320 : index
      %get3A_671 = tpu.vector_load %arg14[%get3A_669, %get3A_670] {strides = array<i32>} : memref<64x768xf32, #tpu.memory_space<vmem>>, vector<1x16xf32>,
      %get3A_672 = vector.shape_cast %get3A_671 : vector<1x16xf32> to vector<16xf32>
      %get3A_673 = arith.index_cast %add3A_364 : i32 to index
      %get3A_674 = arith.constant 320 : index
      %get3A_675 = tpu.vector_load %arg13[%get3A_673, %get3A_674] {strides = array<i32>} : memref<64x768xf32, #tpu.memory_space<vmem>>, vector<1x16xf32>,
      %get3A_676 = vector.shape_cast %get3A_675 : vector<1x16xf32> to vector<16xf32>
      %sub3A_677 = arith.subf %get3A_672, %get3A_676 : vector<16xf32>
      %mul3A_678 = arith.mulf %sub3A_677, %get3A_368 : vector<16xf32>
      %swap3A_679 = arith.index_cast %add3A_364 : i32 to index
      %swap3A_680 = arith.constant 320 : index
      %swap3A_681 = tpu.vector_load %arg14[%swap3A_679, %swap3A_680] {strides = array<i32>} : memref<64x768xf32, #tpu.memory_space<vmem>>, vector<1x16xf32>,
      %swap3A_682 = vector.shape_cast %swap3A_681 : vector<1x16xf32> to vector<16xf32>
      %swap3A_683 = vector.shape_cast %mul3A_678 : vector<16xf32> to vector<1x16xf32>
      tpu.vector_store %arg14[%swap3A_679, %swap3A_680], %swap3A_683 {strides = array<i32>} : memref<64x768xf32, #tpu.memory_space<vmem>>, vector<1x16xf32>,
      %get3A_684 = arith.index_cast %add3A_364 : i32 to index
      %get3A_685 = arith.constant 336 : index
      %get3A_686 = tpu.vector_load %arg14[%get3A_684, %get3A_685] {strides = array<i32>} : memref<64x768xf32, #tpu.memory_space<vmem>>, vector<1x16xf32>,
      %get3A_687 = vector.shape_cast %get3A_686 : vector<1x16xf32> to vector<16xf32>
      %get3A_688 = arith.index_cast %add3A_364 : i32 to index
      %get3A_689 = arith.constant 336 : index
      %get3A_690 = tpu.vector_load %arg13[%get3A_688, %get3A_689] {strides = array<i32>} : memref<64x768xf32, #tpu.memory_space<vmem>>, vector<1x16xf32>,
      %get3A_691 = vector.shape_cast %get3A_690 : vector<1x16xf32> to vector<16xf32>
      %sub3A_692 = arith.subf %get3A_687, %get3A_691 : vector<16xf32>
      %mul3A_693 = arith.mulf %sub3A_692, %get3A_368 : vector<16xf32>
      %swap3A_694 = arith.index_cast %add3A_364 : i32 to index
      %swap3A_695 = arith.constant 336 : index
      %swap3A_696 = tpu.vector_load %arg14[%swap3A_694, %swap3A_695] {strides = array<i32>} : memref<64x768xf32, #tpu.memory_space<vmem>>, vector<1x16xf32>,
      %swap3A_697 = vector.shape_cast %swap3A_696 : vector<1x16xf32> to vector<16xf32>
      %swap3A_698 = vector.shape_cast %mul3A_693 : vector<16xf32> to vector<1x16xf32>
      tpu.vector_store %arg14[%swap3A_694, %swap3A_695], %swap3A_698 {strides = array<i32>} : memref<64x768xf32, #tpu.memory_space<vmem>>, vector<1x16xf32>,
      %get3A_699 = arith.index_cast %add3A_364 : i32 to index
      %get3A_700 = arith.constant 352 : index
      %get3A_701 = tpu.vector_load %arg14[%get3A_699, %get3A_700] {strides = array<i32>} : memref<64x768xf32, #tpu.memory_space<vmem>>, vector<1x16xf32>,
      %get3A_702 = vector.shape_cast %get3A_701 : vector<1x16xf32> to vector<16xf32>
      %get3A_703 = arith.index_cast %add3A_364 : i32 to index
      %get3A_704 = arith.constant 352 : index
      %get3A_705 = tpu.vector_load %arg13[%get3A_703, %get3A_704] {strides = array<i32>} : memref<64x768xf32, #tpu.memory_space<vmem>>, vector<1x16xf32>,
      %get3A_706 = vector.shape_cast %get3A_705 : vector<1x16xf32> to vector<16xf32>
      %sub3A_707 = arith.subf %get3A_702, %get3A_706 : vector<16xf32>
      %mul3A_708 = arith.mulf %sub3A_707, %get3A_368 : vector<16xf32>
      %swap3A_709 = arith.index_cast %add3A_364 : i32 to index
      %swap3A_710 = arith.constant 352 : index
      %swap3A_711 = tpu.vector_load %arg14[%swap3A_709, %swap3A_710] {strides = array<i32>} : memref<64x768xf32, #tpu.memory_space<vmem>>, vector<1x16xf32>,
      %swap3A_712 = vector.shape_cast %swap3A_711 : vector<1x16xf32> to vector<16xf32>
      %swap3A_713 = vector.shape_cast %mul3A_708 : vector<16xf32> to vector<1x16xf32>
      tpu.vector_store %arg14[%swap3A_709, %swap3A_710], %swap3A_713 {strides = array<i32>} : memref<64x768xf32, #tpu.memory_space<vmem>>, vector<1x16xf32>,
      %get3A_714 = arith.index_cast %add3A_364 : i32 to index
      %get3A_715 = arith.constant 368 : index
      %get3A_716 = tpu.vector_load %arg14[%get3A_714, %get3A_715] {strides = array<i32>} : memref<64x768xf32, #tpu.memory_space<vmem>>, vector<1x16xf32>,
      %get3A_717 = vector.shape_cast %get3A_716 : vector<1x16xf32> to vector<16xf32>
      %get3A_718 = arith.index_cast %add3A_364 : i32 to index
      %get3A_719 = arith.constant 368 : index
      %get3A_720 = tpu.vector_load %arg13[%get3A_718, %get3A_719] {strides = array<i32>} : memref<64x768xf32, #tpu.memory_space<vmem>>, vector<1x16xf32>,
      %get3A_721 = vector.shape_cast %get3A_720 : vector<1x16xf32> to vector<16xf32>
      %sub3A_722 = arith.subf %get3A_717, %get3A_721 : vector<16xf32>
      %mul3A_723 = arith.mulf %sub3A_722, %get3A_368 : vector<16xf32>
      %swap3A_724 = arith.index_cast %add3A_364 : i32 to index
      %swap3A_725 = arith.constant 368 : index
      %swap3A_726 = tpu.vector_load %arg14[%swap3A_724, %swap3A_725] {strides = array<i32>} : memref<64x768xf32, #tpu.memory_space<vmem>>, vector<1x16xf32>,
      %swap3A_727 = vector.shape_cast %swap3A_726 : vector<1x16xf32> to vector<16xf32>
      %swap3A_728 = vector.shape_cast %mul3A_723 : vector<16xf32> to vector<1x16xf32>
      tpu.vector_store %arg14[%swap3A_724, %swap3A_725], %swap3A_728 {strides = array<i32>} : memref<64x768xf32, #tpu.memory_space<vmem>>, vector<1x16xf32>,
      %get3A_729 = arith.index_cast %add3A_364 : i32 to index
      %get3A_730 = arith.constant 384 : index
      %get3A_731 = tpu.vector_load %arg14[%get3A_729, %get3A_730] {strides = array<i32>} : memref<64x768xf32, #tpu.memory_space<vmem>>, vector<1x16xf32>,
      %get3A_732 = vector.shape_cast %get3A_731 : vector<1x16xf32> to vector<16xf32>
      %get3A_733 = arith.index_cast %add3A_364 : i32 to index
      %get3A_734 = arith.constant 384 : index
      %get3A_735 = tpu.vector_load %arg13[%get3A_733, %get3A_734] {strides = array<i32>} : memref<64x768xf32, #tpu.memory_space<vmem>>, vector<1x16xf32>,
      %get3A_736 = vector.shape_cast %get3A_735 : vector<1x16xf32> to vector<16xf32>
      %sub3A_737 = arith.subf %get3A_732, %get3A_736 : vector<16xf32>
      %mul3A_738 = arith.mulf %sub3A_737, %get3A_368 : vector<16xf32>
      %swap3A_739 = arith.index_cast %add3A_364 : i32 to index
      %swap3A_740 = arith.constant 384 : index
      %swap3A_741 = tpu.vector_load %arg14[%swap3A_739, %swap3A_740] {strides = array<i32>} : memref<64x768xf32, #tpu.memory_space<vmem>>, vector<1x16xf32>,
      %swap3A_742 = vector.shape_cast %swap3A_741 : vector<1x16xf32> to vector<16xf32>
      %swap3A_743 = vector.shape_cast %mul3A_738 : vector<16xf32> to vector<1x16xf32>
      tpu.vector_store %arg14[%swap3A_739, %swap3A_740], %swap3A_743 {strides = array<i32>} : memref<64x768xf32, #tpu.memory_space<vmem>>, vector<1x16xf32>,
      %get3A_744 = arith.index_cast %add3A_364 : i32 to index
      %get3A_745 = arith.constant 400 : index
      %get3A_746 = tpu.vector_load %arg14[%get3A_744, %get3A_745] {strides = array<i32>} : memref<64x768xf32, #tpu.memory_space<vmem>>, vector<1x16xf32>,
      %get3A_747 = vector.shape_cast %get3A_746 : vector<1x16xf32> to vector<16xf32>
      %get3A_748 = arith.index_cast %add3A_364 : i32 to index
      %get3A_749 = arith.constant 400 : index
      %get3A_750 = tpu.vector_load %arg13[%get3A_748, %get3A_749] {strides = array<i32>} : memref<64x768xf32, #tpu.memory_space<vmem>>, vector<1x16xf32>,
      %get3A_751 = vector.shape_cast %get3A_750 : vector<1x16xf32> to vector<16xf32>
      %sub3A_752 = arith.subf %get3A_747, %get3A_751 : vector<16xf32>
      %mul3A_753 = arith.mulf %sub3A_752, %get3A_368 : vector<16xf32>
      %swap3A_754 = arith.index_cast %add3A_364 : i32 to index
      %swap3A_755 = arith.constant 400 : index
      %swap3A_756 = tpu.vector_load %arg14[%swap3A_754, %swap3A_755] {strides = array<i32>} : memref<64x768xf32, #tpu.memory_space<vmem>>, vector<1x16xf32>,
      %swap3A_757 = vector.shape_cast %swap3A_756 : vector<1x16xf32> to vector<16xf32>
      %swap3A_758 = vector.shape_cast %mul3A_753 : vector<16xf32> to vector<1x16xf32>
      tpu.vector_store %arg14[%swap3A_754, %swap3A_755], %swap3A_758 {strides = array<i32>} : memref<64x768xf32, #tpu.memory_space<vmem>>, vector<1x16xf32>,
      %get3A_759 = arith.index_cast %add3A_364 : i32 to index
      %get3A_760 = arith.constant 416 : index
      %get3A_761 = tpu.vector_load %arg14[%get3A_759, %get3A_760] {strides = array<i32>} : memref<64x768xf32, #tpu.memory_space<vmem>>, vector<1x16xf32>,
      %get3A_762 = vector.shape_cast %get3A_761 : vector<1x16xf32> to vector<16xf32>
      %get3A_763 = arith.index_cast %add3A_364 : i32 to index
      %get3A_764 = arith.constant 416 : index
      %get3A_765 = tpu.vector_load %arg13[%get3A_763, %get3A_764] {strides = array<i32>} : memref<64x768xf32, #tpu.memory_space<vmem>>, vector<1x16xf32>,
      %get3A_766 = vector.shape_cast %get3A_765 : vector<1x16xf32> to vector<16xf32>
      %sub3A_767 = arith.subf %get3A_762, %get3A_766 : vector<16xf32>
      %mul3A_768 = arith.mulf %sub3A_767, %get3A_368 : vector<16xf32>
      %swap3A_769 = arith.index_cast %add3A_364 : i32 to index
      %swap3A_770 = arith.constant 416 : index
      %swap3A_771 = tpu.vector_load %arg14[%swap3A_769, %swap3A_770] {strides = array<i32>} : memref<64x768xf32, #tpu.memory_space<vmem>>, vector<1x16xf32>,
      %swap3A_772 = vector.shape_cast %swap3A_771 : vector<1x16xf32> to vector<16xf32>
      %swap3A_773 = vector.shape_cast %mul3A_768 : vector<16xf32> to vector<1x16xf32>
      tpu.vector_store %arg14[%swap3A_769, %swap3A_770], %swap3A_773 {strides = array<i32>} : memref<64x768xf32, #tpu.memory_space<vmem>>, vector<1x16xf32>,
      %get3A_774 = arith.index_cast %add3A_364 : i32 to index
      %get3A_775 = arith.constant 432 : index
      %get3A_776 = tpu.vector_load %arg14[%get3A_774, %get3A_775] {strides = array<i32>} : memref<64x768xf32, #tpu.memory_space<vmem>>, vector<1x16xf32>,
      %get3A_777 = vector.shape_cast %get3A_776 : vector<1x16xf32> to vector<16xf32>
      %get3A_778 = arith.index_cast %add3A_364 : i32 to index
      %get3A_779 = arith.constant 432 : index
      %get3A_780 = tpu.vector_load %arg13[%get3A_778, %get3A_779] {strides = array<i32>} : memref<64x768xf32, #tpu.memory_space<vmem>>, vector<1x16xf32>,
      %get3A_781 = vector.shape_cast %get3A_780 : vector<1x16xf32> to vector<16xf32>
      %sub3A_782 = arith.subf %get3A_777, %get3A_781 : vector<16xf32>
      %mul3A_783 = arith.mulf %sub3A_782, %get3A_368 : vector<16xf32>
      %swap3A_784 = arith.index_cast %add3A_364 : i32 to index
      %swap3A_785 = arith.constant 432 : index
      %swap3A_786 = tpu.vector_load %arg14[%swap3A_784, %swap3A_785] {strides = array<i32>} : memref<64x768xf32, #tpu.memory_space<vmem>>, vector<1x16xf32>,
      %swap3A_787 = vector.shape_cast %swap3A_786 : vector<1x16xf32> to vector<16xf32>
      %swap3A_788 = vector.shape_cast %mul3A_783 : vector<16xf32> to vector<1x16xf32>
      tpu.vector_store %arg14[%swap3A_784, %swap3A_785], %swap3A_788 {strides = array<i32>} : memref<64x768xf32, #tpu.memory_space<vmem>>, vector<1x16xf32>,
      %get3A_789 = arith.index_cast %add3A_364 : i32 to index
      %get3A_790 = arith.constant 448 : index
      %get3A_791 = tpu.vector_load %arg14[%get3A_789, %get3A_790] {strides = array<i32>} : memref<64x768xf32, #tpu.memory_space<vmem>>, vector<1x16xf32>,
      %get3A_792 = vector.shape_cast %get3A_791 : vector<1x16xf32> to vector<16xf32>
      %get3A_793 = arith.index_cast %add3A_364 : i32 to index
      %get3A_794 = arith.constant 448 : index
      %get3A_795 = tpu.vector_load %arg13[%get3A_793, %get3A_794] {strides = array<i32>} : memref<64x768xf32, #tpu.memory_space<vmem>>, vector<1x16xf32>,
      %get3A_796 = vector.shape_cast %get3A_795 : vector<1x16xf32> to vector<16xf32>
      %sub3A_797 = arith.subf %get3A_792, %get3A_796 : vector<16xf32>
      %mul3A_798 = arith.mulf %sub3A_797, %get3A_368 : vector<16xf32>
      %swap3A_799 = arith.index_cast %add3A_364 : i32 to index
      %swap3A_800 = arith.constant 448 : index
      %swap3A_801 = tpu.vector_load %arg14[%swap3A_799, %swap3A_800] {strides = array<i32>} : memref<64x768xf32, #tpu.memory_space<vmem>>, vector<1x16xf32>,
      %swap3A_802 = vector.shape_cast %swap3A_801 : vector<1x16xf32> to vector<16xf32>
      %swap3A_803 = vector.shape_cast %mul3A_798 : vector<16xf32> to vector<1x16xf32>
      tpu.vector_store %arg14[%swap3A_799, %swap3A_800], %swap3A_803 {strides = array<i32>} : memref<64x768xf32, #tpu.memory_space<vmem>>, vector<1x16xf32>,
      %get3A_804 = arith.index_cast %add3A_364 : i32 to index
      %get3A_805 = arith.constant 464 : index
      %get3A_806 = tpu.vector_load %arg14[%get3A_804, %get3A_805] {strides = array<i32>} : memref<64x768xf32, #tpu.memory_space<vmem>>, vector<1x16xf32>,
      %get3A_807 = vector.shape_cast %get3A_806 : vector<1x16xf32> to vector<16xf32>
      %get3A_808 = arith.index_cast %add3A_364 : i32 to index
      %get3A_809 = arith.constant 464 : index
      %get3A_810 = tpu.vector_load %arg13[%get3A_808, %get3A_809] {strides = array<i32>} : memref<64x768xf32, #tpu.memory_space<vmem>>, vector<1x16xf32>,
      %get3A_811 = vector.shape_cast %get3A_810 : vector<1x16xf32> to vector<16xf32>
      %sub3A_812 = arith.subf %get3A_807, %get3A_811 : vector<16xf32>
      %mul3A_813 = arith.mulf %sub3A_812, %get3A_368 : vector<16xf32>
      %swap3A_814 = arith.index_cast %add3A_364 : i32 to index
      %swap3A_815 = arith.constant 464 : index
      %swap3A_816 = tpu.vector_load %arg14[%swap3A_814, %swap3A_815] {strides = array<i32>} : memref<64x768xf32, #tpu.memory_space<vmem>>, vector<1x16xf32>,
      %swap3A_817 = vector.shape_cast %swap3A_816 : vector<1x16xf32> to vector<16xf32>
      %swap3A_818 = vector.shape_cast %mul3A_813 : vector<16xf32> to vector<1x16xf32>
      tpu.vector_store %arg14[%swap3A_814, %swap3A_815], %swap3A_818 {strides = array<i32>} : memref<64x768xf32, #tpu.memory_space<vmem>>, vector<1x16xf32>,
      %get3A_819 = arith.index_cast %add3A_364 : i32 to index
      %get3A_820 = arith.constant 480 : index
      %get3A_821 = tpu.vector_load %arg14[%get3A_819, %get3A_820] {strides = array<i32>} : memref<64x768xf32, #tpu.memory_space<vmem>>, vector<1x16xf32>,
      %get3A_822 = vector.shape_cast %get3A_821 : vector<1x16xf32> to vector<16xf32>
      %get3A_823 = arith.index_cast %add3A_364 : i32 to index
      %get3A_824 = arith.constant 480 : index
      %get3A_825 = tpu.vector_load %arg13[%get3A_823, %get3A_824] {strides = array<i32>} : memref<64x768xf32, #tpu.memory_space<vmem>>, vector<1x16xf32>,
      %get3A_826 = vector.shape_cast %get3A_825 : vector<1x16xf32> to vector<16xf32>
      %sub3A_827 = arith.subf %get3A_822, %get3A_826 : vector<16xf32>
      %mul3A_828 = arith.mulf %sub3A_827, %get3A_368 : vector<16xf32>
      %swap3A_829 = arith.index_cast %add3A_364 : i32 to index
      %swap3A_830 = arith.constant 480 : index
      %swap3A_831 = tpu.vector_load %arg14[%swap3A_829, %swap3A_830] {strides = array<i32>} : memref<64x768xf32, #tpu.memory_space<vmem>>, vector<1x16xf32>,
      %swap3A_832 = vector.shape_cast %swap3A_831 : vector<1x16xf32> to vector<16xf32>
      %swap3A_833 = vector.shape_cast %mul3A_828 : vector<16xf32> to vector<1x16xf32>
      tpu.vector_store %arg14[%swap3A_829, %swap3A_830], %swap3A_833 {strides = array<i32>} : memref<64x768xf32, #tpu.memory_space<vmem>>, vector<1x16xf32>,
      %get3A_834 = arith.index_cast %add3A_364 : i32 to index
      %get3A_835 = arith.constant 496 : index
      %get3A_836 = tpu.vector_load %arg14[%get3A_834, %get3A_835] {strides = array<i32>} : memref<64x768xf32, #tpu.memory_space<vmem>>, vector<1x16xf32>,
      %get3A_837 = vector.shape_cast %get3A_836 : vector<1x16xf32> to vector<16xf32>
      %get3A_838 = arith.index_cast %add3A_364 : i32 to index
      %get3A_839 = arith.constant 496 : index
      %get3A_840 = tpu.vector_load %arg13[%get3A_838, %get3A_839] {strides = array<i32>} : memref<64x768xf32, #tpu.memory_space<vmem>>, vector<1x16xf32>,
      %get3A_841 = vector.shape_cast %get3A_840 : vector<1x16xf32> to vector<16xf32>
      %sub3A_842 = arith.subf %get3A_837, %get3A_841 : vector<16xf32>
      %mul3A_843 = arith.mulf %sub3A_842, %get3A_368 : vector<16xf32>
      %swap3A_844 = arith.index_cast %add3A_364 : i32 to index
      %swap3A_845 = arith.constant 496 : index
      %swap3A_846 = tpu.vector_load %arg14[%swap3A_844, %swap3A_845] {strides = array<i32>} : memref<64x768xf32, #tpu.memory_space<vmem>>, vector<1x16xf32>,
      %swap3A_847 = vector.shape_cast %swap3A_846 : vector<1x16xf32> to vector<16xf32>
      %swap3A_848 = vector.shape_cast %mul3A_843 : vector<16xf32> to vector<1x16xf32>
      tpu.vector_store %arg14[%swap3A_844, %swap3A_845], %swap3A_848 {strides = array<i32>} : memref<64x768xf32, #tpu.memory_space<vmem>>, vector<1x16xf32>,
      %get3A_849 = arith.index_cast %add3A_364 : i32 to index
      %get3A_850 = arith.constant 512 : index
      %get3A_851 = tpu.vector_load %arg14[%get3A_849, %get3A_850] {strides = array<i32>} : memref<64x768xf32, #tpu.memory_space<vmem>>, vector<1x16xf32>,
      %get3A_852 = vector.shape_cast %get3A_851 : vector<1x16xf32> to vector<16xf32>
      %get3A_853 = arith.index_cast %add3A_364 : i32 to index
      %get3A_854 = arith.constant 512 : index
      %get3A_855 = tpu.vector_load %arg13[%get3A_853, %get3A_854] {strides = array<i32>} : memref<64x768xf32, #tpu.memory_space<vmem>>, vector<1x16xf32>,
      %get3A_856 = vector.shape_cast %get3A_855 : vector<1x16xf32> to vector<16xf32>
      %sub3A_857 = arith.subf %get3A_852, %get3A_856 : vector<16xf32>
      %mul3A_858 = arith.mulf %sub3A_857, %get3A_368 : vector<16xf32>
      %swap3A_859 = arith.index_cast %add3A_364 : i32 to index
      %swap3A_860 = arith.constant 512 : index
      %swap3A_861 = tpu.vector_load %arg14[%swap3A_859, %swap3A_860] {strides = array<i32>} : memref<64x768xf32, #tpu.memory_space<vmem>>, vector<1x16xf32>,
      %swap3A_862 = vector.shape_cast %swap3A_861 : vector<1x16xf32> to vector<16xf32>
      %swap3A_863 = vector.shape_cast %mul3A_858 : vector<16xf32> to vector<1x16xf32>
      tpu.vector_store %arg14[%swap3A_859, %swap3A_860], %swap3A_863 {strides = array<i32>} : memref<64x768xf32, #tpu.memory_space<vmem>>, vector<1x16xf32>,
      %get3A_864 = arith.index_cast %add3A_364 : i32 to index
      %get3A_865 = arith.constant 528 : index
      %get3A_866 = tpu.vector_load %arg14[%get3A_864, %get3A_865] {strides = array<i32>} : memref<64x768xf32, #tpu.memory_space<vmem>>, vector<1x16xf32>,
      %get3A_867 = vector.shape_cast %get3A_866 : vector<1x16xf32> to vector<16xf32>
      %get3A_868 = arith.index_cast %add3A_364 : i32 to index
      %get3A_869 = arith.constant 528 : index
      %get3A_870 = tpu.vector_load %arg13[%get3A_868, %get3A_869] {strides = array<i32>} : memref<64x768xf32, #tpu.memory_space<vmem>>, vector<1x16xf32>,
      %get3A_871 = vector.shape_cast %get3A_870 : vector<1x16xf32> to vector<16xf32>
      %sub3A_872 = arith.subf %get3A_867, %get3A_871 : vector<16xf32>
      %mul3A_873 = arith.mulf %sub3A_872, %get3A_368 : vector<16xf32>
      %swap3A_874 = arith.index_cast %add3A_364 : i32 to index
      %swap3A_875 = arith.constant 528 : index
      %swap3A_876 = tpu.vector_load %arg14[%swap3A_874, %swap3A_875] {strides = array<i32>} : memref<64x768xf32, #tpu.memory_space<vmem>>, vector<1x16xf32>,
      %swap3A_877 = vector.shape_cast %swap3A_876 : vector<1x16xf32> to vector<16xf32>
      %swap3A_878 = vector.shape_cast %mul3A_873 : vector<16xf32> to vector<1x16xf32>
      tpu.vector_store %arg14[%swap3A_874, %swap3A_875], %swap3A_878 {strides = array<i32>} : memref<64x768xf32, #tpu.memory_space<vmem>>, vector<1x16xf32>,
      %get3A_879 = arith.index_cast %add3A_364 : i32 to index
      %get3A_880 = arith.constant 544 : index
      %get3A_881 = tpu.vector_load %arg14[%get3A_879, %get3A_880] {strides = array<i32>} : memref<64x768xf32, #tpu.memory_space<vmem>>, vector<1x16xf32>,
      %get3A_882 = vector.shape_cast %get3A_881 : vector<1x16xf32> to vector<16xf32>
      %get3A_883 = arith.index_cast %add3A_364 : i32 to index
      %get3A_884 = arith.constant 544 : index
      %get3A_885 = tpu.vector_load %arg13[%get3A_883, %get3A_884] {strides = array<i32>} : memref<64x768xf32, #tpu.memory_space<vmem>>, vector<1x16xf32>,
      %get3A_886 = vector.shape_cast %get3A_885 : vector<1x16xf32> to vector<16xf32>
      %sub3A_887 = arith.subf %get3A_882, %get3A_886 : vector<16xf32>
      %mul3A_888 = arith.mulf %sub3A_887, %get3A_368 : vector<16xf32>
      %swap3A_889 = arith.index_cast %add3A_364 : i32 to index
      %swap3A_890 = arith.constant 544 : index
      %swap3A_891 = tpu.vector_load %arg14[%swap3A_889, %swap3A_890] {strides = array<i32>} : memref<64x768xf32, #tpu.memory_space<vmem>>, vector<1x16xf32>,
      %swap3A_892 = vector.shape_cast %swap3A_891 : vector<1x16xf32> to vector<16xf32>
      %swap3A_893 = vector.shape_cast %mul3A_888 : vector<16xf32> to vector<1x16xf32>
      tpu.vector_store %arg14[%swap3A_889, %swap3A_890], %swap3A_893 {strides = array<i32>} : memref<64x768xf32, #tpu.memory_space<vmem>>, vector<1x16xf32>,
      %get3A_894 = arith.index_cast %add3A_364 : i32 to index
      %get3A_895 = arith.constant 560 : index
      %get3A_896 = tpu.vector_load %arg14[%get3A_894, %get3A_895] {strides = array<i32>} : memref<64x768xf32, #tpu.memory_space<vmem>>, vector<1x16xf32>,
      %get3A_897 = vector.shape_cast %get3A_896 : vector<1x16xf32> to vector<16xf32>
      %get3A_898 = arith.index_cast %add3A_364 : i32 to index
      %get3A_899 = arith.constant 560 : index
      %get3A_900 = tpu.vector_load %arg13[%get3A_898, %get3A_899] {strides = array<i32>} : memref<64x768xf32, #tpu.memory_space<vmem>>, vector<1x16xf32>,
      %get3A_901 = vector.shape_cast %get3A_900 : vector<1x16xf32> to vector<16xf32>
      %sub3A_902 = arith.subf %get3A_897, %get3A_901 : vector<16xf32>
      %mul3A_903 = arith.mulf %sub3A_902, %get3A_368 : vector<16xf32>
      %swap3A_904 = arith.index_cast %add3A_364 : i32 to index
      %swap3A_905 = arith.constant 560 : index
      %swap3A_906 = tpu.vector_load %arg14[%swap3A_904, %swap3A_905] {strides = array<i32>} : memref<64x768xf32, #tpu.memory_space<vmem>>, vector<1x16xf32>,
      %swap3A_907 = vector.shape_cast %swap3A_906 : vector<1x16xf32> to vector<16xf32>
      %swap3A_908 = vector.shape_cast %mul3A_903 : vector<16xf32> to vector<1x16xf32>
      tpu.vector_store %arg14[%swap3A_904, %swap3A_905], %swap3A_908 {strides = array<i32>} : memref<64x768xf32, #tpu.memory_space<vmem>>, vector<1x16xf32>,
      %get3A_909 = arith.index_cast %add3A_364 : i32 to index
      %get3A_910 = arith.constant 576 : index
      %get3A_911 = tpu.vector_load %arg14[%get3A_909, %get3A_910] {strides = array<i32>} : memref<64x768xf32, #tpu.memory_space<vmem>>, vector<1x16xf32>,
      %get3A_912 = vector.shape_cast %get3A_911 : vector<1x16xf32> to vector<16xf32>
      %get3A_913 = arith.index_cast %add3A_364 : i32 to index
      %get3A_914 = arith.constant 576 : index
      %get3A_915 = tpu.vector_load %arg13[%get3A_913, %get3A_914] {strides = array<i32>} : memref<64x768xf32, #tpu.memory_space<vmem>>, vector<1x16xf32>,
      %get3A_916 = vector.shape_cast %get3A_915 : vector<1x16xf32> to vector<16xf32>
      %sub3A_917 = arith.subf %get3A_912, %get3A_916 : vector<16xf32>
      %mul3A_918 = arith.mulf %sub3A_917, %get3A_368 : vector<16xf32>
      %swap3A_919 = arith.index_cast %add3A_364 : i32 to index
      %swap3A_920 = arith.constant 576 : index
      %swap3A_921 = tpu.vector_load %arg14[%swap3A_919, %swap3A_920] {strides = array<i32>} : memref<64x768xf32, #tpu.memory_space<vmem>>, vector<1x16xf32>,
      %swap3A_922 = vector.shape_cast %swap3A_921 : vector<1x16xf32> to vector<16xf32>
      %swap3A_923 = vector.shape_cast %mul3A_918 : vector<16xf32> to vector<1x16xf32>
      tpu.vector_store %arg14[%swap3A_919, %swap3A_920], %swap3A_923 {strides = array<i32>} : memref<64x768xf32, #tpu.memory_space<vmem>>, vector<1x16xf32>,
      %get3A_924 = arith.index_cast %add3A_364 : i32 to index
      %get3A_925 = arith.constant 592 : index
      %get3A_926 = tpu.vector_load %arg14[%get3A_924, %get3A_925] {strides = array<i32>} : memref<64x768xf32, #tpu.memory_space<vmem>>, vector<1x16xf32>,
      %get3A_927 = vector.shape_cast %get3A_926 : vector<1x16xf32> to vector<16xf32>
      %get3A_928 = arith.index_cast %add3A_364 : i32 to index
      %get3A_929 = arith.constant 592 : index
      %get3A_930 = tpu.vector_load %arg13[%get3A_928, %get3A_929] {strides = array<i32>} : memref<64x768xf32, #tpu.memory_space<vmem>>, vector<1x16xf32>,
      %get3A_931 = vector.shape_cast %get3A_930 : vector<1x16xf32> to vector<16xf32>
      %sub3A_932 = arith.subf %get3A_927, %get3A_931 : vector<16xf32>
      %mul3A_933 = arith.mulf %sub3A_932, %get3A_368 : vector<16xf32>
      %swap3A_934 = arith.index_cast %add3A_364 : i32 to index
      %swap3A_935 = arith.constant 592 : index
      %swap3A_936 = tpu.vector_load %arg14[%swap3A_934, %swap3A_935] {strides = array<i32>} : memref<64x768xf32, #tpu.memory_space<vmem>>, vector<1x16xf32>,
      %swap3A_937 = vector.shape_cast %swap3A_936 : vector<1x16xf32> to vector<16xf32>
      %swap3A_938 = vector.shape_cast %mul3A_933 : vector<16xf32> to vector<1x16xf32>
      tpu.vector_store %arg14[%swap3A_934, %swap3A_935], %swap3A_938 {strides = array<i32>} : memref<64x768xf32, #tpu.memory_space<vmem>>, vector<1x16xf32>,
      %get3A_939 = arith.index_cast %add3A_364 : i32 to index
      %get3A_940 = arith.constant 608 : index
      %get3A_941 = tpu.vector_load %arg14[%get3A_939, %get3A_940] {strides = array<i32>} : memref<64x768xf32, #tpu.memory_space<vmem>>, vector<1x16xf32>,
      %get3A_942 = vector.shape_cast %get3A_941 : vector<1x16xf32> to vector<16xf32>
      %get3A_943 = arith.index_cast %add3A_364 : i32 to index
      %get3A_944 = arith.constant 608 : index
      %get3A_945 = tpu.vector_load %arg13[%get3A_943, %get3A_944] {strides = array<i32>} : memref<64x768xf32, #tpu.memory_space<vmem>>, vector<1x16xf32>,
      %get3A_946 = vector.shape_cast %get3A_945 : vector<1x16xf32> to vector<16xf32>
      %sub3A_947 = arith.subf %get3A_942, %get3A_946 : vector<16xf32>
      %mul3A_948 = arith.mulf %sub3A_947, %get3A_368 : vector<16xf32>
      %swap3A_949 = arith.index_cast %add3A_364 : i32 to index
      %swap3A_950 = arith.constant 608 : index
      %swap3A_951 = tpu.vector_load %arg14[%swap3A_949, %swap3A_950] {strides = array<i32>} : memref<64x768xf32, #tpu.memory_space<vmem>>, vector<1x16xf32>,
      %swap3A_952 = vector.shape_cast %swap3A_951 : vector<1x16xf32> to vector<16xf32>
      %swap3A_953 = vector.shape_cast %mul3A_948 : vector<16xf32> to vector<1x16xf32>
      tpu.vector_store %arg14[%swap3A_949, %swap3A_950], %swap3A_953 {strides = array<i32>} : memref<64x768xf32, #tpu.memory_space<vmem>>, vector<1x16xf32>,
      %get3A_954 = arith.index_cast %add3A_364 : i32 to index
      %get3A_955 = arith.constant 624 : index
      %get3A_956 = tpu.vector_load %arg14[%get3A_954, %get3A_955] {strides = array<i32>} : memref<64x768xf32, #tpu.memory_space<vmem>>, vector<1x16xf32>,
      %get3A_957 = vector.shape_cast %get3A_956 : vector<1x16xf32> to vector<16xf32>
      %get3A_958 = arith.index_cast %add3A_364 : i32 to index
      %get3A_959 = arith.constant 624 : index
      %get3A_960 = tpu.vector_load %arg13[%get3A_958, %get3A_959] {strides = array<i32>} : memref<64x768xf32, #tpu.memory_space<vmem>>, vector<1x16xf32>,
      %get3A_961 = vector.shape_cast %get3A_960 : vector<1x16xf32> to vector<16xf32>
      %sub3A_962 = arith.subf %get3A_957, %get3A_961 : vector<16xf32>
      %mul3A_963 = arith.mulf %sub3A_962, %get3A_368 : vector<16xf32>
      %swap3A_964 = arith.index_cast %add3A_364 : i32 to index
      %swap3A_965 = arith.constant 624 : index
      %swap3A_966 = tpu.vector_load %arg14[%swap3A_964, %swap3A_965] {strides = array<i32>} : memref<64x768xf32, #tpu.memory_space<vmem>>, vector<1x16xf32>,
      %swap3A_967 = vector.shape_cast %swap3A_966 : vector<1x16xf32> to vector<16xf32>
      %swap3A_968 = vector.shape_cast %mul3A_963 : vector<16xf32> to vector<1x16xf32>
      tpu.vector_store %arg14[%swap3A_964, %swap3A_965], %swap3A_968 {strides = array<i32>} : memref<64x768xf32, #tpu.memory_space<vmem>>, vector<1x16xf32>,
      %get3A_969 = arith.index_cast %add3A_364 : i32 to index
      %get3A_970 = arith.constant 640 : index
      %get3A_971 = tpu.vector_load %arg14[%get3A_969, %get3A_970] {strides = array<i32>} : memref<64x768xf32, #tpu.memory_space<vmem>>, vector<1x16xf32>,
      %get3A_972 = vector.shape_cast %get3A_971 : vector<1x16xf32> to vector<16xf32>
      %get3A_973 = arith.index_cast %add3A_364 : i32 to index
      %get3A_974 = arith.constant 640 : index
      %get3A_975 = tpu.vector_load %arg13[%get3A_973, %get3A_974] {strides = array<i32>} : memref<64x768xf32, #tpu.memory_space<vmem>>, vector<1x16xf32>,
      %get3A_976 = vector.shape_cast %get3A_975 : vector<1x16xf32> to vector<16xf32>
      %sub3A_977 = arith.subf %get3A_972, %get3A_976 : vector<16xf32>
      %mul3A_978 = arith.mulf %sub3A_977, %get3A_368 : vector<16xf32>
      %swap3A_979 = arith.index_cast %add3A_364 : i32 to index
      %swap3A_980 = arith.constant 640 : index
      %swap3A_981 = tpu.vector_load %arg14[%swap3A_979, %swap3A_980] {strides = array<i32>} : memref<64x768xf32, #tpu.memory_space<vmem>>, vector<1x16xf32>,
      %swap3A_982 = vector.shape_cast %swap3A_981 : vector<1x16xf32> to vector<16xf32>
      %swap3A_983 = vector.shape_cast %mul3A_978 : vector<16xf32> to vector<1x16xf32>
      tpu.vector_store %arg14[%swap3A_979, %swap3A_980], %swap3A_983 {strides = array<i32>} : memref<64x768xf32, #tpu.memory_space<vmem>>, vector<1x16xf32>,
      %get3A_984 = arith.index_cast %add3A_364 : i32 to index
      %get3A_985 = arith.constant 656 : index
      %get3A_986 = tpu.vector_load %arg14[%get3A_984, %get3A_985] {strides = array<i32>} : memref<64x768xf32, #tpu.memory_space<vmem>>, vector<1x16xf32>,
      %get3A_987 = vector.shape_cast %get3A_986 : vector<1x16xf32> to vector<16xf32>
      %get3A_988 = arith.index_cast %add3A_364 : i32 to index
      %get3A_989 = arith.constant 656 : index
      %get3A_990 = tpu.vector_load %arg13[%get3A_988, %get3A_989] {strides = array<i32>} : memref<64x768xf32, #tpu.memory_space<vmem>>, vector<1x16xf32>,
      %get3A_991 = vector.shape_cast %get3A_990 : vector<1x16xf32> to vector<16xf32>
      %sub3A_992 = arith.subf %get3A_987, %get3A_991 : vector<16xf32>
      %mul3A_993 = arith.mulf %sub3A_992, %get3A_368 : vector<16xf32>
      %swap3A_994 = arith.index_cast %add3A_364 : i32 to index
      %swap3A_995 = arith.constant 656 : index
      %swap3A_996 = tpu.vector_load %arg14[%swap3A_994, %swap3A_995] {strides = array<i32>} : memref<64x768xf32, #tpu.memory_space<vmem>>, vector<1x16xf32>,
      %swap3A_997 = vector.shape_cast %swap3A_996 : vector<1x16xf32> to vector<16xf32>
      %swap3A_998 = vector.shape_cast %mul3A_993 : vector<16xf32> to vector<1x16xf32>
      tpu.vector_store %arg14[%swap3A_994, %swap3A_995], %swap3A_998 {strides = array<i32>} : memref<64x768xf32, #tpu.memory_space<vmem>>, vector<1x16xf32>,
      %get3A_999 = arith.index_cast %add3A_364 : i32 to index
      %get3A_1000 = arith.constant 672 : index
      %get3A_1001 = tpu.vector_load %arg14[%get3A_999, %get3A_1000] {strides = array<i32>} : memref<64x768xf32, #tpu.memory_space<vmem>>, vector<1x16xf32>,
      %get3A_1002 = vector.shape_cast %get3A_1001 : vector<1x16xf32> to vector<16xf32>
      %get3A_1003 = arith.index_cast %add3A_364 : i32 to index
      %get3A_1004 = arith.constant 672 : index
      %get3A_1005 = tpu.vector_load %arg13[%get3A_1003, %get3A_1004] {strides = array<i32>} : memref<64x768xf32, #tpu.memory_space<vmem>>, vector<1x16xf32>,
      %get3A_1006 = vector.shape_cast %get3A_1005 : vector<1x16xf32> to vector<16xf32>
      %sub3A_1007 = arith.subf %get3A_1002, %get3A_1006 : vector<16xf32>
      %mul3A_1008 = arith.mulf %sub3A_1007, %get3A_368 : vector<16xf32>
      %swap3A_1009 = arith.index_cast %add3A_364 : i32 to index
      %swap3A_1010 = arith.constant 672 : index
      %swap3A_1011 = tpu.vector_load %arg14[%swap3A_1009, %swap3A_1010] {strides = array<i32>} : memref<64x768xf32, #tpu.memory_space<vmem>>, vector<1x16xf32>,
      %swap3A_1012 = vector.shape_cast %swap3A_1011 : vector<1x16xf32> to vector<16xf32>
      %swap3A_1013 = vector.shape_cast %mul3A_1008 : vector<16xf32> to vector<1x16xf32>
      tpu.vector_store %arg14[%swap3A_1009, %swap3A_1010], %swap3A_1013 {strides = array<i32>} : memref<64x768xf32, #tpu.memory_space<vmem>>, vector<1x16xf32>,
      %get3A_1014 = arith.index_cast %add3A_364 : i32 to index
      %get3A_1015 = arith.constant 688 : index
      %get3A_1016 = tpu.vector_load %arg14[%get3A_1014, %get3A_1015] {strides = array<i32>} : memref<64x768xf32, #tpu.memory_space<vmem>>, vector<1x16xf32>,
      %get3A_1017 = vector.shape_cast %get3A_1016 : vector<1x16xf32> to vector<16xf32>
      %get3A_1018 = arith.index_cast %add3A_364 : i32 to index
      %get3A_1019 = arith.constant 688 : index
      %get3A_1020 = tpu.vector_load %arg13[%get3A_1018, %get3A_1019] {strides = array<i32>} : memref<64x768xf32, #tpu.memory_space<vmem>>, vector<1x16xf32>,
      %get3A_1021 = vector.shape_cast %get3A_1020 : vector<1x16xf32> to vector<16xf32>
      %sub3A_1022 = arith.subf %get3A_1017, %get3A_1021 : vector<16xf32>
      %mul3A_1023 = arith.mulf %sub3A_1022, %get3A_368 : vector<16xf32>
      %swap3A_1024 = arith.index_cast %add3A_364 : i32 to index
      %swap3A_1025 = arith.constant 688 : index
      %swap3A_1026 = tpu.vector_load %arg14[%swap3A_1024, %swap3A_1025] {strides = array<i32>} : memref<64x768xf32, #tpu.memory_space<vmem>>, vector<1x16xf32>,
      %swap3A_1027 = vector.shape_cast %swap3A_1026 : vector<1x16xf32> to vector<16xf32>
      %swap3A_1028 = vector.shape_cast %mul3A_1023 : vector<16xf32> to vector<1x16xf32>
      tpu.vector_store %arg14[%swap3A_1024, %swap3A_1025], %swap3A_1028 {strides = array<i32>} : memref<64x768xf32, #tpu.memory_space<vmem>>, vector<1x16xf32>,
      %get3A_1029 = arith.index_cast %add3A_364 : i32 to index
      %get3A_1030 = arith.constant 704 : index
      %get3A_1031 = tpu.vector_load %arg14[%get3A_1029, %get3A_1030] {strides = array<i32>} : memref<64x768xf32, #tpu.memory_space<vmem>>, vector<1x16xf32>,
      %get3A_1032 = vector.shape_cast %get3A_1031 : vector<1x16xf32> to vector<16xf32>
      %get3A_1033 = arith.index_cast %add3A_364 : i32 to index
      %get3A_1034 = arith.constant 704 : index
      %get3A_1035 = tpu.vector_load %arg13[%get3A_1033, %get3A_1034] {strides = array<i32>} : memref<64x768xf32, #tpu.memory_space<vmem>>, vector<1x16xf32>,
      %get3A_1036 = vector.shape_cast %get3A_1035 : vector<1x16xf32> to vector<16xf32>
      %sub3A_1037 = arith.subf %get3A_1032, %get3A_1036 : vector<16xf32>
      %mul3A_1038 = arith.mulf %sub3A_1037, %get3A_368 : vector<16xf32>
      %swap3A_1039 = arith.index_cast %add3A_364 : i32 to index
      %swap3A_1040 = arith.constant 704 : index
      %swap3A_1041 = tpu.vector_load %arg14[%swap3A_1039, %swap3A_1040] {strides = array<i32>} : memref<64x768xf32, #tpu.memory_space<vmem>>, vector<1x16xf32>,
      %swap3A_1042 = vector.shape_cast %swap3A_1041 : vector<1x16xf32> to vector<16xf32>
      %swap3A_1043 = vector.shape_cast %mul3A_1038 : vector<16xf32> to vector<1x16xf32>
      tpu.vector_store %arg14[%swap3A_1039, %swap3A_1040], %swap3A_1043 {strides = array<i32>} : memref<64x768xf32, #tpu.memory_space<vmem>>, vector<1x16xf32>,
      %get3A_1044 = arith.index_cast %add3A_364 : i32 to index
      %get3A_1045 = arith.constant 720 : index
      %get3A_1046 = tpu.vector_load %arg14[%get3A_1044, %get3A_1045] {strides = array<i32>} : memref<64x768xf32, #tpu.memory_space<vmem>>, vector<1x16xf32>,
      %get3A_1047 = vector.shape_cast %get3A_1046 : vector<1x16xf32> to vector<16xf32>
      %get3A_1048 = arith.index_cast %add3A_364 : i32 to index
      %get3A_1049 = arith.constant 720 : index
      %get3A_1050 = tpu.vector_load %arg13[%get3A_1048, %get3A_1049] {strides = array<i32>} : memref<64x768xf32, #tpu.memory_space<vmem>>, vector<1x16xf32>,
      %get3A_1051 = vector.shape_cast %get3A_1050 : vector<1x16xf32> to vector<16xf32>
      %sub3A_1052 = arith.subf %get3A_1047, %get3A_1051 : vector<16xf32>
      %mul3A_1053 = arith.mulf %sub3A_1052, %get3A_368 : vector<16xf32>
      %swap3A_1054 = arith.index_cast %add3A_364 : i32 to index
      %swap3A_1055 = arith.constant 720 : index
      %swap3A_1056 = tpu.vector_load %arg14[%swap3A_1054, %swap3A_1055] {strides = array<i32>} : memref<64x768xf32, #tpu.memory_space<vmem>>, vector<1x16xf32>,
      %swap3A_1057 = vector.shape_cast %swap3A_1056 : vector<1x16xf32> to vector<16xf32>
      %swap3A_1058 = vector.shape_cast %mul3A_1053 : vector<16xf32> to vector<1x16xf32>
      tpu.vector_store %arg14[%swap3A_1054, %swap3A_1055], %swap3A_1058 {strides = array<i32>} : memref<64x768xf32, #tpu.memory_space<vmem>>, vector<1x16xf32>,
      %get3A_1059 = arith.index_cast %add3A_364 : i32 to index
      %get3A_1060 = arith.constant 736 : index
      %get3A_1061 = tpu.vector_load %arg14[%get3A_1059, %get3A_1060] {strides = array<i32>} : memref<64x768xf32, #tpu.memory_space<vmem>>, vector<1x16xf32>,
      %get3A_1062 = vector.shape_cast %get3A_1061 : vector<1x16xf32> to vector<16xf32>
      %get3A_1063 = arith.index_cast %add3A_364 : i32 to index
      %get3A_1064 = arith.constant 736 : index
      %get3A_1065 = tpu.vector_load %arg13[%get3A_1063, %get3A_1064] {strides = array<i32>} : memref<64x768xf32, #tpu.memory_space<vmem>>, vector<1x16xf32>,
      %get3A_1066 = vector.shape_cast %get3A_1065 : vector<1x16xf32> to vector<16xf32>
      %sub3A_1067 = arith.subf %get3A_1062, %get3A_1066 : vector<16xf32>
      %mul3A_1068 = arith.mulf %sub3A_1067, %get3A_368 : vector<16xf32>
      %swap3A_1069 = arith.index_cast %add3A_364 : i32 to index
      %swap3A_1070 = arith.constant 736 : index
      %swap3A_1071 = tpu.vector_load %arg14[%swap3A_1069, %swap3A_1070] {strides = array<i32>} : memref<64x768xf32, #tpu.memory_space<vmem>>, vector<1x16xf32>,
      %swap3A_1072 = vector.shape_cast %swap3A_1071 : vector<1x16xf32> to vector<16xf32>
      %swap3A_1073 = vector.shape_cast %mul3A_1068 : vector<16xf32> to vector<1x16xf32>
      tpu.vector_store %arg14[%swap3A_1069, %swap3A_1070], %swap3A_1073 {strides = array<i32>} : memref<64x768xf32, #tpu.memory_space<vmem>>, vector<1x16xf32>,
      %get3A_1074 = arith.index_cast %add3A_364 : i32 to index
      %get3A_1075 = arith.constant 752 : index
      %get3A_1076 = tpu.vector_load %arg14[%get3A_1074, %get3A_1075] {strides = array<i32>} : memref<64x768xf32, #tpu.memory_space<vmem>>, vector<1x16xf32>,
      %get3A_1077 = vector.shape_cast %get3A_1076 : vector<1x16xf32> to vector<16xf32>
      %get3A_1078 = arith.index_cast %add3A_364 : i32 to index
      %get3A_1079 = arith.constant 752 : index
      %get3A_1080 = tpu.vector_load %arg13[%get3A_1078, %get3A_1079] {strides = array<i32>} : memref<64x768xf32, #tpu.memory_space<vmem>>, vector<1x16xf32>,
      %get3A_1081 = vector.shape_cast %get3A_1080 : vector<1x16xf32> to vector<16xf32>
      %sub3A_1082 = arith.subf %get3A_1077, %get3A_1081 : vector<16xf32>
      %mul3A_1083 = arith.mulf %sub3A_1082, %get3A_368 : vector<16xf32>
      %swap3A_1084 = arith.index_cast %add3A_364 : i32 to index
      %swap3A_1085 = arith.constant 752 : index
      %swap3A_1086 = tpu.vector_load %arg14[%swap3A_1084, %swap3A_1085] {strides = array<i32>} : memref<64x768xf32, #tpu.memory_space<vmem>>, vector<1x16xf32>,
      %swap3A_1087 = vector.shape_cast %swap3A_1086 : vector<1x16xf32> to vector<16xf32>
      %swap3A_1088 = vector.shape_cast %mul3A_1083 : vector<16xf32> to vector<1x16xf32>
      tpu.vector_store %arg14[%swap3A_1084, %swap3A_1085], %swap3A_1088 {strides = array<i32>} : memref<64x768xf32, #tpu.memory_space<vmem>>, vector<1x16xf32>,
    }
    %scan3A_207 = arith.constant 16 : i32
    %add3A_208 = arith.constant 0 : i32
    %add3A_209 = arith.addi %mul3A_2, %add3A_208 : i32
    %dma_start3A_210 = arith.constant 0 : i32
    %dma_start3A_211 = arith.constant 0 : i32
    %dma_start3A_212 = tpu.memref_slice %arg14[%dma_start3A_210, %dma_start3A_211] : memref<64x768xf32, #tpu.memory_space<vmem>> -> memref<16x768xf32, #tpu.memory_space<vmem>>
    %dma_start3A_213 = arith.constant 0 : i32
    %dma_start3A_214 = tpu.memref_slice %arg6[%add3A_209, %dma_start3A_213] : memref<2048x768xf32, #tpu.memory_space<hbm>> -> memref<16x768xf32, #tpu.memory_space<hbm>>
    %dma_start3A_215 = arith.constant 0 : i32
    %dma_start3A_216 = tpu.memref_slice %arg6[%add3A_209, %dma_start3A_215] : memref<2048x768xf32, #tpu.memory_space<hbm>> -> memref<16x768xf32, #tpu.memory_space<hbm>>
    %dma_start3A_217 = arith.constant 0 : i32
    %dma_start3A_218 = arith.constant 0 : i32
    %dma_start3A_219 = tpu.memref_slice %arg14[%dma_start3A_217, %dma_start3A_218] : memref<64x768xf32, #tpu.memory_space<vmem>> -> memref<16x768xf32, #tpu.memory_space<vmem>>
    tpu.enqueue_dma source(%dma_start3A_219 : memref<16x768xf32, #tpu.memory_space<vmem>>) target(%dma_start3A_216 : memref<16x768xf32, #tpu.memory_space<hbm>>) target_semaphore(%arg24 : memref<!tpu.dma_semaphore, #tpu.memory_space<semaphore_mem>>)
    %dma_wait3A_220 = arith.constant 16 : i32
    %dma_wait3A_221 = arith.constant 0 : i32
    %dma_wait3A_222 = tpu.memref_slice %arg14[%dma_wait3A_220, %dma_wait3A_221] : memref<64x768xf32, #tpu.memory_space<vmem>> -> memref<16x768xf32, #tpu.memory_space<vmem>>
    %dma_wait3A_223 = arith.constant 16 : i32
    %dma_wait3A_224 = tpu.memref_slice %arg10[%dma_wait3A_223] : memref<64xi32, #tpu.memory_space<vmem>> -> memref<16xi32, #tpu.memory_space<vmem>>
    %dma_wait3A_225 = arith.constant 0 : i32
    %dma_wait3A_226 = arith.constant 0 : i32
    %dma_wait3A_227 = tpu.memref_slice %arg2[%dma_wait3A_225, %dma_wait3A_226] : memref<260x768xf32, #tpu.memory_space<hbm>> -> memref<260x768xf32, #tpu.memory_space<hbm>>
    tpu.wait_indirect_dma semaphore(%arg21 : memref<!tpu.dma_semaphore, #tpu.memory_space<semaphore_mem>>) src(%dma_wait3A_227 : memref<260x768xf32, #tpu.memory_space<hbm>>) dst(%dma_wait3A_222 : memref<16x768xf32, #tpu.memory_space<vmem>>)
    %dma_wait3A_228 = arith.constant 16 : i32
    %dma_wait3A_229 = arith.constant 0 : i32
    %dma_wait3A_230 = tpu.memref_slice %arg13[%dma_wait3A_228, %dma_wait3A_229] : memref<64x768xf32, #tpu.memory_space<vmem>> -> memref<16x768xf32, #tpu.memory_space<vmem>>
    %dma_wait3A_231 = arith.constant 16 : i32
    %dma_wait3A_232 = tpu.memref_slice %arg9[%dma_wait3A_231] : memref<64xi32, #tpu.memory_space<vmem>> -> memref<16xi32, #tpu.memory_space<vmem>>
    %dma_wait3A_233 = arith.constant 0 : i32
    %dma_wait3A_234 = arith.constant 0 : i32
    %dma_wait3A_235 = tpu.memref_slice %arg2[%dma_wait3A_233, %dma_wait3A_234] : memref<260x768xf32, #tpu.memory_space<hbm>> -> memref<260x768xf32, #tpu.memory_space<hbm>>
    tpu.wait_indirect_dma semaphore(%arg17 : memref<!tpu.dma_semaphore, #tpu.memory_space<semaphore_mem>>) src(%dma_wait3A_235 : memref<260x768xf32, #tpu.memory_space<hbm>>) dst(%dma_wait3A_230 : memref<16x768xf32, #tpu.memory_space<vmem>>)
    %scan3A_236 = arith.constant 0 : i32
    %scan3A_237 = arith.constant 0 : i32
    %scan3A_238 = arith.constant 16 : i32
    %scan3A_239 = arith.addi %scan3A_237, %scan3A_238 : i32
    %scan3A_240 = arith.constant 1 : i32
    scf.for %scan3A_362 = %scan3A_237 to %scan3A_239 step %scan3A_240  : i32 {
      %add3A_363 = arith.constant 16 : i32
      %add3A_364 = arith.addi %add3A_363, %scan3A_362 : i32
      %get3A_365 = arith.index_cast %add3A_364 : i32 to index
      %get3A_366 = arith.constant 0 : index
      %get3A_367 = tpu.vector_load %arg12[%get3A_365, %get3A_366] {strides = array<i32>} : memref<64x128xf32, #tpu.memory_space<vmem>>, vector<1x16xf32>,
      %get3A_368 = vector.shape_cast %get3A_367 : vector<1x16xf32> to vector<16xf32>
      %get3A_369 = arith.index_cast %add3A_364 : i32 to index
      %get3A_370 = arith.constant 0 : index
      %get3A_371 = tpu.vector_load %arg14[%get3A_369, %get3A_370] {strides = array<i32>} : memref<64x768xf32, #tpu.memory_space<vmem>>, vector<1x16xf32>,
      %get3A_372 = vector.shape_cast %get3A_371 : vector<1x16xf32> to vector<16xf32>
      %get3A_373 = arith.index_cast %add3A_364 : i32 to index
      %get3A_374 = arith.constant 0 : index
      %get3A_375 = tpu.vector_load %arg13[%get3A_373, %get3A_374] {strides = array<i32>} : memref<64x768xf32, #tpu.memory_space<vmem>>, vector<1x16xf32>,
      %get3A_376 = vector.shape_cast %get3A_375 : vector<1x16xf32> to vector<16xf32>
      %sub3A_377 = arith.subf %get3A_372, %get3A_376 : vector<16xf32>
      %mul3A_378 = arith.mulf %sub3A_377, %get3A_368 : vector<16xf32>
      %swap3A_379 = arith.index_cast %add3A_364 : i32 to index
      %swap3A_380 = arith.constant 0 : index
      %swap3A_381 = tpu.vector_load %arg14[%swap3A_379, %swap3A_380] {strides = array<i32>} : memref<64x768xf32, #tpu.memory_space<vmem>>, vector<1x16xf32>,
      %swap3A_382 = vector.shape_cast %swap3A_381 : vector<1x16xf32> to vector<16xf32>
      %swap3A_383 = vector.shape_cast %mul3A_378 : vector<16xf32> to vector<1x16xf32>
      tpu.vector_store %arg14[%swap3A_379, %swap3A_380], %swap3A_383 {strides = array<i32>} : memref<64x768xf32, #tpu.memory_space<vmem>>, vector<1x16xf32>,
      %get3A_384 = arith.index_cast %add3A_364 : i32 to index
      %get3A_385 = arith.constant 16 : index
      %get3A_386 = tpu.vector_load %arg14[%get3A_384, %get3A_385] {strides = array<i32>} : memref<64x768xf32, #tpu.memory_space<vmem>>, vector<1x16xf32>,
      %get3A_387 = vector.shape_cast %get3A_386 : vector<1x16xf32> to vector<16xf32>
      %get3A_388 = arith.index_cast %add3A_364 : i32 to index
      %get3A_389 = arith.constant 16 : index
      %get3A_390 = tpu.vector_load %arg13[%get3A_388, %get3A_389] {strides = array<i32>} : memref<64x768xf32, #tpu.memory_space<vmem>>, vector<1x16xf32>,
      %get3A_391 = vector.shape_cast %get3A_390 : vector<1x16xf32> to vector<16xf32>
      %sub3A_392 = arith.subf %get3A_387, %get3A_391 : vector<16xf32>
      %mul3A_393 = arith.mulf %sub3A_392, %get3A_368 : vector<16xf32>
      %swap3A_394 = arith.index_cast %add3A_364 : i32 to index
      %swap3A_395 = arith.constant 16 : index
      %swap3A_396 = tpu.vector_load %arg14[%swap3A_394, %swap3A_395] {strides = array<i32>} : memref<64x768xf32, #tpu.memory_space<vmem>>, vector<1x16xf32>,
      %swap3A_397 = vector.shape_cast %swap3A_396 : vector<1x16xf32> to vector<16xf32>
      %swap3A_398 = vector.shape_cast %mul3A_393 : vector<16xf32> to vector<1x16xf32>
      tpu.vector_store %arg14[%swap3A_394, %swap3A_395], %swap3A_398 {strides = array<i32>} : memref<64x768xf32, #tpu.memory_space<vmem>>, vector<1x16xf32>,
      %get3A_399 = arith.index_cast %add3A_364 : i32 to index
      %get3A_400 = arith.constant 32 : index
      %get3A_401 = tpu.vector_load %arg14[%get3A_399, %get3A_400] {strides = array<i32>} : memref<64x768xf32, #tpu.memory_space<vmem>>, vector<1x16xf32>,
      %get3A_402 = vector.shape_cast %get3A_401 : vector<1x16xf32> to vector<16xf32>
      %get3A_403 = arith.index_cast %add3A_364 : i32 to index
      %get3A_404 = arith.constant 32 : index
      %get3A_405 = tpu.vector_load %arg13[%get3A_403, %get3A_404] {strides = array<i32>} : memref<64x768xf32, #tpu.memory_space<vmem>>, vector<1x16xf32>,
      %get3A_406 = vector.shape_cast %get3A_405 : vector<1x16xf32> to vector<16xf32>
      %sub3A_407 = arith.subf %get3A_402, %get3A_406 : vector<16xf32>
      %mul3A_408 = arith.mulf %sub3A_407, %get3A_368 : vector<16xf32>
      %swap3A_409 = arith.index_cast %add3A_364 : i32 to index
      %swap3A_410 = arith.constant 32 : index
      %swap3A_411 = tpu.vector_load %arg14[%swap3A_409, %swap3A_410] {strides = array<i32>} : memref<64x768xf32, #tpu.memory_space<vmem>>, vector<1x16xf32>,
      %swap3A_412 = vector.shape_cast %swap3A_411 : vector<1x16xf32> to vector<16xf32>
      %swap3A_413 = vector.shape_cast %mul3A_408 : vector<16xf32> to vector<1x16xf32>
      tpu.vector_store %arg14[%swap3A_409, %swap3A_410], %swap3A_413 {strides = array<i32>} : memref<64x768xf32, #tpu.memory_space<vmem>>, vector<1x16xf32>,
      %get3A_414 = arith.index_cast %add3A_364 : i32 to index
      %get3A_415 = arith.constant 48 : index
      %get3A_416 = tpu.vector_load %arg14[%get3A_414, %get3A_415] {strides = array<i32>} : memref<64x768xf32, #tpu.memory_space<vmem>>, vector<1x16xf32>,
      %get3A_417 = vector.shape_cast %get3A_416 : vector<1x16xf32> to vector<16xf32>
      %get3A_418 = arith.index_cast %add3A_364 : i32 to index
      %get3A_419 = arith.constant 48 : index
      %get3A_420 = tpu.vector_load %arg13[%get3A_418, %get3A_419] {strides = array<i32>} : memref<64x768xf32, #tpu.memory_space<vmem>>, vector<1x16xf32>,
      %get3A_421 = vector.shape_cast %get3A_420 : vector<1x16xf32> to vector<16xf32>
      %sub3A_422 = arith.subf %get3A_417, %get3A_421 : vector<16xf32>
      %mul3A_423 = arith.mulf %sub3A_422, %get3A_368 : vector<16xf32>
      %swap3A_424 = arith.index_cast %add3A_364 : i32 to index
      %swap3A_425 = arith.constant 48 : index
      %swap3A_426 = tpu.vector_load %arg14[%swap3A_424, %swap3A_425] {strides = array<i32>} : memref<64x768xf32, #tpu.memory_space<vmem>>, vector<1x16xf32>,
      %swap3A_427 = vector.shape_cast %swap3A_426 : vector<1x16xf32> to vector<16xf32>
      %swap3A_428 = vector.shape_cast %mul3A_423 : vector<16xf32> to vector<1x16xf32>
      tpu.vector_store %arg14[%swap3A_424, %swap3A_425], %swap3A_428 {strides = array<i32>} : memref<64x768xf32, #tpu.memory_space<vmem>>, vector<1x16xf32>,
      %get3A_429 = arith.index_cast %add3A_364 : i32 to index
      %get3A_430 = arith.constant 64 : index
      %get3A_431 = tpu.vector_load %arg14[%get3A_429, %get3A_430] {strides = array<i32>} : memref<64x768xf32, #tpu.memory_space<vmem>>, vector<1x16xf32>,
      %get3A_432 = vector.shape_cast %get3A_431 : vector<1x16xf32> to vector<16xf32>
      %get3A_433 = arith.index_cast %add3A_364 : i32 to index
      %get3A_434 = arith.constant 64 : index
      %get3A_435 = tpu.vector_load %arg13[%get3A_433, %get3A_434] {strides = array<i32>} : memref<64x768xf32, #tpu.memory_space<vmem>>, vector<1x16xf32>,
      %get3A_436 = vector.shape_cast %get3A_435 : vector<1x16xf32> to vector<16xf32>
      %sub3A_437 = arith.subf %get3A_432, %get3A_436 : vector<16xf32>
      %mul3A_438 = arith.mulf %sub3A_437, %get3A_368 : vector<16xf32>
      %swap3A_439 = arith.index_cast %add3A_364 : i32 to index
      %swap3A_440 = arith.constant 64 : index
      %swap3A_441 = tpu.vector_load %arg14[%swap3A_439, %swap3A_440] {strides = array<i32>} : memref<64x768xf32, #tpu.memory_space<vmem>>, vector<1x16xf32>,
      %swap3A_442 = vector.shape_cast %swap3A_441 : vector<1x16xf32> to vector<16xf32>
      %swap3A_443 = vector.shape_cast %mul3A_438 : vector<16xf32> to vector<1x16xf32>
      tpu.vector_store %arg14[%swap3A_439, %swap3A_440], %swap3A_443 {strides = array<i32>} : memref<64x768xf32, #tpu.memory_space<vmem>>, vector<1x16xf32>,
      %get3A_444 = arith.index_cast %add3A_364 : i32 to index
      %get3A_445 = arith.constant 80 : index
      %get3A_446 = tpu.vector_load %arg14[%get3A_444, %get3A_445] {strides = array<i32>} : memref<64x768xf32, #tpu.memory_space<vmem>>, vector<1x16xf32>,
      %get3A_447 = vector.shape_cast %get3A_446 : vector<1x16xf32> to vector<16xf32>
      %get3A_448 = arith.index_cast %add3A_364 : i32 to index
      %get3A_449 = arith.constant 80 : index
      %get3A_450 = tpu.vector_load %arg13[%get3A_448, %get3A_449] {strides = array<i32>} : memref<64x768xf32, #tpu.memory_space<vmem>>, vector<1x16xf32>,
      %get3A_451 = vector.shape_cast %get3A_450 : vector<1x16xf32> to vector<16xf32>
      %sub3A_452 = arith.subf %get3A_447, %get3A_451 : vector<16xf32>
      %mul3A_453 = arith.mulf %sub3A_452, %get3A_368 : vector<16xf32>
      %swap3A_454 = arith.index_cast %add3A_364 : i32 to index
      %swap3A_455 = arith.constant 80 : index
      %swap3A_456 = tpu.vector_load %arg14[%swap3A_454, %swap3A_455] {strides = array<i32>} : memref<64x768xf32, #tpu.memory_space<vmem>>, vector<1x16xf32>,
      %swap3A_457 = vector.shape_cast %swap3A_456 : vector<1x16xf32> to vector<16xf32>
      %swap3A_458 = vector.shape_cast %mul3A_453 : vector<16xf32> to vector<1x16xf32>
      tpu.vector_store %arg14[%swap3A_454, %swap3A_455], %swap3A_458 {strides = array<i32>} : memref<64x768xf32, #tpu.memory_space<vmem>>, vector<1x16xf32>,
      %get3A_459 = arith.index_cast %add3A_364 : i32 to index
      %get3A_460 = arith.constant 96 : index
      %get3A_461 = tpu.vector_load %arg14[%get3A_459, %get3A_460] {strides = array<i32>} : memref<64x768xf32, #tpu.memory_space<vmem>>, vector<1x16xf32>,
      %get3A_462 = vector.shape_cast %get3A_461 : vector<1x16xf32> to vector<16xf32>
      %get3A_463 = arith.index_cast %add3A_364 : i32 to index
      %get3A_464 = arith.constant 96 : index
      %get3A_465 = tpu.vector_load %arg13[%get3A_463, %get3A_464] {strides = array<i32>} : memref<64x768xf32, #tpu.memory_space<vmem>>, vector<1x16xf32>,
      %get3A_466 = vector.shape_cast %get3A_465 : vector<1x16xf32> to vector<16xf32>
      %sub3A_467 = arith.subf %get3A_462, %get3A_466 : vector<16xf32>
      %mul3A_468 = arith.mulf %sub3A_467, %get3A_368 : vector<16xf32>
      %swap3A_469 = arith.index_cast %add3A_364 : i32 to index
      %swap3A_470 = arith.constant 96 : index
      %swap3A_471 = tpu.vector_load %arg14[%swap3A_469, %swap3A_470] {strides = array<i32>} : memref<64x768xf32, #tpu.memory_space<vmem>>, vector<1x16xf32>,
      %swap3A_472 = vector.shape_cast %swap3A_471 : vector<1x16xf32> to vector<16xf32>
      %swap3A_473 = vector.shape_cast %mul3A_468 : vector<16xf32> to vector<1x16xf32>
      tpu.vector_store %arg14[%swap3A_469, %swap3A_470], %swap3A_473 {strides = array<i32>} : memref<64x768xf32, #tpu.memory_space<vmem>>, vector<1x16xf32>,
      %get3A_474 = arith.index_cast %add3A_364 : i32 to index
      %get3A_475 = arith.constant 112 : index
      %get3A_476 = tpu.vector_load %arg14[%get3A_474, %get3A_475] {strides = array<i32>} : memref<64x768xf32, #tpu.memory_space<vmem>>, vector<1x16xf32>,
      %get3A_477 = vector.shape_cast %get3A_476 : vector<1x16xf32> to vector<16xf32>
      %get3A_478 = arith.index_cast %add3A_364 : i32 to index
      %get3A_479 = arith.constant 112 : index
      %get3A_480 = tpu.vector_load %arg13[%get3A_478, %get3A_479] {strides = array<i32>} : memref<64x768xf32, #tpu.memory_space<vmem>>, vector<1x16xf32>,
      %get3A_481 = vector.shape_cast %get3A_480 : vector<1x16xf32> to vector<16xf32>
      %sub3A_482 = arith.subf %get3A_477, %get3A_481 : vector<16xf32>
      %mul3A_483 = arith.mulf %sub3A_482, %get3A_368 : vector<16xf32>
      %swap3A_484 = arith.index_cast %add3A_364 : i32 to index
      %swap3A_485 = arith.constant 112 : index
      %swap3A_486 = tpu.vector_load %arg14[%swap3A_484, %swap3A_485] {strides = array<i32>} : memref<64x768xf32, #tpu.memory_space<vmem>>, vector<1x16xf32>,
      %swap3A_487 = vector.shape_cast %swap3A_486 : vector<1x16xf32> to vector<16xf32>
      %swap3A_488 = vector.shape_cast %mul3A_483 : vector<16xf32> to vector<1x16xf32>
      tpu.vector_store %arg14[%swap3A_484, %swap3A_485], %swap3A_488 {strides = array<i32>} : memref<64x768xf32, #tpu.memory_space<vmem>>, vector<1x16xf32>,
      %get3A_489 = arith.index_cast %add3A_364 : i32 to index
      %get3A_490 = arith.constant 128 : index
      %get3A_491 = tpu.vector_load %arg14[%get3A_489, %get3A_490] {strides = array<i32>} : memref<64x768xf32, #tpu.memory_space<vmem>>, vector<1x16xf32>,
      %get3A_492 = vector.shape_cast %get3A_491 : vector<1x16xf32> to vector<16xf32>
      %get3A_493 = arith.index_cast %add3A_364 : i32 to index
      %get3A_494 = arith.constant 128 : index
      %get3A_495 = tpu.vector_load %arg13[%get3A_493, %get3A_494] {strides = array<i32>} : memref<64x768xf32, #tpu.memory_space<vmem>>, vector<1x16xf32>,
      %get3A_496 = vector.shape_cast %get3A_495 : vector<1x16xf32> to vector<16xf32>
      %sub3A_497 = arith.subf %get3A_492, %get3A_496 : vector<16xf32>
      %mul3A_498 = arith.mulf %sub3A_497, %get3A_368 : vector<16xf32>
      %swap3A_499 = arith.index_cast %add3A_364 : i32 to index
      %swap3A_500 = arith.constant 128 : index
      %swap3A_501 = tpu.vector_load %arg14[%swap3A_499, %swap3A_500] {strides = array<i32>} : memref<64x768xf32, #tpu.memory_space<vmem>>, vector<1x16xf32>,
      %swap3A_502 = vector.shape_cast %swap3A_501 : vector<1x16xf32> to vector<16xf32>
      %swap3A_503 = vector.shape_cast %mul3A_498 : vector<16xf32> to vector<1x16xf32>
      tpu.vector_store %arg14[%swap3A_499, %swap3A_500], %swap3A_503 {strides = array<i32>} : memref<64x768xf32, #tpu.memory_space<vmem>>, vector<1x16xf32>,
      %get3A_504 = arith.index_cast %add3A_364 : i32 to index
      %get3A_505 = arith.constant 144 : index
      %get3A_506 = tpu.vector_load %arg14[%get3A_504, %get3A_505] {strides = array<i32>} : memref<64x768xf32, #tpu.memory_space<vmem>>, vector<1x16xf32>,
      %get3A_507 = vector.shape_cast %get3A_506 : vector<1x16xf32> to vector<16xf32>
      %get3A_508 = arith.index_cast %add3A_364 : i32 to index
      %get3A_509 = arith.constant 144 : index
      %get3A_510 = tpu.vector_load %arg13[%get3A_508, %get3A_509] {strides = array<i32>} : memref<64x768xf32, #tpu.memory_space<vmem>>, vector<1x16xf32>,
      %get3A_511 = vector.shape_cast %get3A_510 : vector<1x16xf32> to vector<16xf32>
      %sub3A_512 = arith.subf %get3A_507, %get3A_511 : vector<16xf32>
      %mul3A_513 = arith.mulf %sub3A_512, %get3A_368 : vector<16xf32>
      %swap3A_514 = arith.index_cast %add3A_364 : i32 to index
      %swap3A_515 = arith.constant 144 : index
      %swap3A_516 = tpu.vector_load %arg14[%swap3A_514, %swap3A_515] {strides = array<i32>} : memref<64x768xf32, #tpu.memory_space<vmem>>, vector<1x16xf32>,
      %swap3A_517 = vector.shape_cast %swap3A_516 : vector<1x16xf32> to vector<16xf32>
      %swap3A_518 = vector.shape_cast %mul3A_513 : vector<16xf32> to vector<1x16xf32>
      tpu.vector_store %arg14[%swap3A_514, %swap3A_515], %swap3A_518 {strides = array<i32>} : memref<64x768xf32, #tpu.memory_space<vmem>>, vector<1x16xf32>,
      %get3A_519 = arith.index_cast %add3A_364 : i32 to index
      %get3A_520 = arith.constant 160 : index
      %get3A_521 = tpu.vector_load %arg14[%get3A_519, %get3A_520] {strides = array<i32>} : memref<64x768xf32, #tpu.memory_space<vmem>>, vector<1x16xf32>,
      %get3A_522 = vector.shape_cast %get3A_521 : vector<1x16xf32> to vector<16xf32>
      %get3A_523 = arith.index_cast %add3A_364 : i32 to index
      %get3A_524 = arith.constant 160 : index
      %get3A_525 = tpu.vector_load %arg13[%get3A_523, %get3A_524] {strides = array<i32>} : memref<64x768xf32, #tpu.memory_space<vmem>>, vector<1x16xf32>,
      %get3A_526 = vector.shape_cast %get3A_525 : vector<1x16xf32> to vector<16xf32>
      %sub3A_527 = arith.subf %get3A_522, %get3A_526 : vector<16xf32>
      %mul3A_528 = arith.mulf %sub3A_527, %get3A_368 : vector<16xf32>
      %swap3A_529 = arith.index_cast %add3A_364 : i32 to index
      %swap3A_530 = arith.constant 160 : index
      %swap3A_531 = tpu.vector_load %arg14[%swap3A_529, %swap3A_530] {strides = array<i32>} : memref<64x768xf32, #tpu.memory_space<vmem>>, vector<1x16xf32>,
      %swap3A_532 = vector.shape_cast %swap3A_531 : vector<1x16xf32> to vector<16xf32>
      %swap3A_533 = vector.shape_cast %mul3A_528 : vector<16xf32> to vector<1x16xf32>
      tpu.vector_store %arg14[%swap3A_529, %swap3A_530], %swap3A_533 {strides = array<i32>} : memref<64x768xf32, #tpu.memory_space<vmem>>, vector<1x16xf32>,
      %get3A_534 = arith.index_cast %add3A_364 : i32 to index
      %get3A_535 = arith.constant 176 : index
      %get3A_536 = tpu.vector_load %arg14[%get3A_534, %get3A_535] {strides = array<i32>} : memref<64x768xf32, #tpu.memory_space<vmem>>, vector<1x16xf32>,
      %get3A_537 = vector.shape_cast %get3A_536 : vector<1x16xf32> to vector<16xf32>
      %get3A_538 = arith.index_cast %add3A_364 : i32 to index
      %get3A_539 = arith.constant 176 : index
      %get3A_540 = tpu.vector_load %arg13[%get3A_538, %get3A_539] {strides = array<i32>} : memref<64x768xf32, #tpu.memory_space<vmem>>, vector<1x16xf32>,
      %get3A_541 = vector.shape_cast %get3A_540 : vector<1x16xf32> to vector<16xf32>
      %sub3A_542 = arith.subf %get3A_537, %get3A_541 : vector<16xf32>
      %mul3A_543 = arith.mulf %sub3A_542, %get3A_368 : vector<16xf32>
      %swap3A_544 = arith.index_cast %add3A_364 : i32 to index
      %swap3A_545 = arith.constant 176 : index
      %swap3A_546 = tpu.vector_load %arg14[%swap3A_544, %swap3A_545] {strides = array<i32>} : memref<64x768xf32, #tpu.memory_space<vmem>>, vector<1x16xf32>,
      %swap3A_547 = vector.shape_cast %swap3A_546 : vector<1x16xf32> to vector<16xf32>
      %swap3A_548 = vector.shape_cast %mul3A_543 : vector<16xf32> to vector<1x16xf32>
      tpu.vector_store %arg14[%swap3A_544, %swap3A_545], %swap3A_548 {strides = array<i32>} : memref<64x768xf32, #tpu.memory_space<vmem>>, vector<1x16xf32>,
      %get3A_549 = arith.index_cast %add3A_364 : i32 to index
      %get3A_550 = arith.constant 192 : index
      %get3A_551 = tpu.vector_load %arg14[%get3A_549, %get3A_550] {strides = array<i32>} : memref<64x768xf32, #tpu.memory_space<vmem>>, vector<1x16xf32>,
      %get3A_552 = vector.shape_cast %get3A_551 : vector<1x16xf32> to vector<16xf32>
      %get3A_553 = arith.index_cast %add3A_364 : i32 to index
      %get3A_554 = arith.constant 192 : index
      %get3A_555 = tpu.vector_load %arg13[%get3A_553, %get3A_554] {strides = array<i32>} : memref<64x768xf32, #tpu.memory_space<vmem>>, vector<1x16xf32>,
      %get3A_556 = vector.shape_cast %get3A_555 : vector<1x16xf32> to vector<16xf32>
      %sub3A_557 = arith.subf %get3A_552, %get3A_556 : vector<16xf32>
      %mul3A_558 = arith.mulf %sub3A_557, %get3A_368 : vector<16xf32>
      %swap3A_559 = arith.index_cast %add3A_364 : i32 to index
      %swap3A_560 = arith.constant 192 : index
      %swap3A_561 = tpu.vector_load %arg14[%swap3A_559, %swap3A_560] {strides = array<i32>} : memref<64x768xf32, #tpu.memory_space<vmem>>, vector<1x16xf32>,
      %swap3A_562 = vector.shape_cast %swap3A_561 : vector<1x16xf32> to vector<16xf32>
      %swap3A_563 = vector.shape_cast %mul3A_558 : vector<16xf32> to vector<1x16xf32>
      tpu.vector_store %arg14[%swap3A_559, %swap3A_560], %swap3A_563 {strides = array<i32>} : memref<64x768xf32, #tpu.memory_space<vmem>>, vector<1x16xf32>,
      %get3A_564 = arith.index_cast %add3A_364 : i32 to index
      %get3A_565 = arith.constant 208 : index
      %get3A_566 = tpu.vector_load %arg14[%get3A_564, %get3A_565] {strides = array<i32>} : memref<64x768xf32, #tpu.memory_space<vmem>>, vector<1x16xf32>,
      %get3A_567 = vector.shape_cast %get3A_566 : vector<1x16xf32> to vector<16xf32>
      %get3A_568 = arith.index_cast %add3A_364 : i32 to index
      %get3A_569 = arith.constant 208 : index
      %get3A_570 = tpu.vector_load %arg13[%get3A_568, %get3A_569] {strides = array<i32>} : memref<64x768xf32, #tpu.memory_space<vmem>>, vector<1x16xf32>,
      %get3A_571 = vector.shape_cast %get3A_570 : vector<1x16xf32> to vector<16xf32>
      %sub3A_572 = arith.subf %get3A_567, %get3A_571 : vector<16xf32>
      %mul3A_573 = arith.mulf %sub3A_572, %get3A_368 : vector<16xf32>
      %swap3A_574 = arith.index_cast %add3A_364 : i32 to index
      %swap3A_575 = arith.constant 208 : index
      %swap3A_576 = tpu.vector_load %arg14[%swap3A_574, %swap3A_575] {strides = array<i32>} : memref<64x768xf32, #tpu.memory_space<vmem>>, vector<1x16xf32>,
      %swap3A_577 = vector.shape_cast %swap3A_576 : vector<1x16xf32> to vector<16xf32>
      %swap3A_578 = vector.shape_cast %mul3A_573 : vector<16xf32> to vector<1x16xf32>
      tpu.vector_store %arg14[%swap3A_574, %swap3A_575], %swap3A_578 {strides = array<i32>} : memref<64x768xf32, #tpu.memory_space<vmem>>, vector<1x16xf32>,
      %get3A_579 = arith.index_cast %add3A_364 : i32 to index
      %get3A_580 = arith.constant 224 : index
      %get3A_581 = tpu.vector_load %arg14[%get3A_579, %get3A_580] {strides = array<i32>} : memref<64x768xf32, #tpu.memory_space<vmem>>, vector<1x16xf32>,
      %get3A_582 = vector.shape_cast %get3A_581 : vector<1x16xf32> to vector<16xf32>
      %get3A_583 = arith.index_cast %add3A_364 : i32 to index
      %get3A_584 = arith.constant 224 : index
      %get3A_585 = tpu.vector_load %arg13[%get3A_583, %get3A_584] {strides = array<i32>} : memref<64x768xf32, #tpu.memory_space<vmem>>, vector<1x16xf32>,
      %get3A_586 = vector.shape_cast %get3A_585 : vector<1x16xf32> to vector<16xf32>
      %sub3A_587 = arith.subf %get3A_582, %get3A_586 : vector<16xf32>
      %mul3A_588 = arith.mulf %sub3A_587, %get3A_368 : vector<16xf32>
      %swap3A_589 = arith.index_cast %add3A_364 : i32 to index
      %swap3A_590 = arith.constant 224 : index
      %swap3A_591 = tpu.vector_load %arg14[%swap3A_589, %swap3A_590] {strides = array<i32>} : memref<64x768xf32, #tpu.memory_space<vmem>>, vector<1x16xf32>,
      %swap3A_592 = vector.shape_cast %swap3A_591 : vector<1x16xf32> to vector<16xf32>
      %swap3A_593 = vector.shape_cast %mul3A_588 : vector<16xf32> to vector<1x16xf32>
      tpu.vector_store %arg14[%swap3A_589, %swap3A_590], %swap3A_593 {strides = array<i32>} : memref<64x768xf32, #tpu.memory_space<vmem>>, vector<1x16xf32>,
      %get3A_594 = arith.index_cast %add3A_364 : i32 to index
      %get3A_595 = arith.constant 240 : index
      %get3A_596 = tpu.vector_load %arg14[%get3A_594, %get3A_595] {strides = array<i32>} : memref<64x768xf32, #tpu.memory_space<vmem>>, vector<1x16xf32>,
      %get3A_597 = vector.shape_cast %get3A_596 : vector<1x16xf32> to vector<16xf32>
      %get3A_598 = arith.index_cast %add3A_364 : i32 to index
      %get3A_599 = arith.constant 240 : index
      %get3A_600 = tpu.vector_load %arg13[%get3A_598, %get3A_599] {strides = array<i32>} : memref<64x768xf32, #tpu.memory_space<vmem>>, vector<1x16xf32>,
      %get3A_601 = vector.shape_cast %get3A_600 : vector<1x16xf32> to vector<16xf32>
      %sub3A_602 = arith.subf %get3A_597, %get3A_601 : vector<16xf32>
      %mul3A_603 = arith.mulf %sub3A_602, %get3A_368 : vector<16xf32>
      %swap3A_604 = arith.index_cast %add3A_364 : i32 to index
      %swap3A_605 = arith.constant 240 : index
      %swap3A_606 = tpu.vector_load %arg14[%swap3A_604, %swap3A_605] {strides = array<i32>} : memref<64x768xf32, #tpu.memory_space<vmem>>, vector<1x16xf32>,
      %swap3A_607 = vector.shape_cast %swap3A_606 : vector<1x16xf32> to vector<16xf32>
      %swap3A_608 = vector.shape_cast %mul3A_603 : vector<16xf32> to vector<1x16xf32>
      tpu.vector_store %arg14[%swap3A_604, %swap3A_605], %swap3A_608 {strides = array<i32>} : memref<64x768xf32, #tpu.memory_space<vmem>>, vector<1x16xf32>,
      %get3A_609 = arith.index_cast %add3A_364 : i32 to index
      %get3A_610 = arith.constant 256 : index
      %get3A_611 = tpu.vector_load %arg14[%get3A_609, %get3A_610] {strides = array<i32>} : memref<64x768xf32, #tpu.memory_space<vmem>>, vector<1x16xf32>,
      %get3A_612 = vector.shape_cast %get3A_611 : vector<1x16xf32> to vector<16xf32>
      %get3A_613 = arith.index_cast %add3A_364 : i32 to index
      %get3A_614 = arith.constant 256 : index
      %get3A_615 = tpu.vector_load %arg13[%get3A_613, %get3A_614] {strides = array<i32>} : memref<64x768xf32, #tpu.memory_space<vmem>>, vector<1x16xf32>,
      %get3A_616 = vector.shape_cast %get3A_615 : vector<1x16xf32> to vector<16xf32>
      %sub3A_617 = arith.subf %get3A_612, %get3A_616 : vector<16xf32>
      %mul3A_618 = arith.mulf %sub3A_617, %get3A_368 : vector<16xf32>
      %swap3A_619 = arith.index_cast %add3A_364 : i32 to index
      %swap3A_620 = arith.constant 256 : index
      %swap3A_621 = tpu.vector_load %arg14[%swap3A_619, %swap3A_620] {strides = array<i32>} : memref<64x768xf32, #tpu.memory_space<vmem>>, vector<1x16xf32>,
      %swap3A_622 = vector.shape_cast %swap3A_621 : vector<1x16xf32> to vector<16xf32>
      %swap3A_623 = vector.shape_cast %mul3A_618 : vector<16xf32> to vector<1x16xf32>
      tpu.vector_store %arg14[%swap3A_619, %swap3A_620], %swap3A_623 {strides = array<i32>} : memref<64x768xf32, #tpu.memory_space<vmem>>, vector<1x16xf32>,
      %get3A_624 = arith.index_cast %add3A_364 : i32 to index
      %get3A_625 = arith.constant 272 : index
      %get3A_626 = tpu.vector_load %arg14[%get3A_624, %get3A_625] {strides = array<i32>} : memref<64x768xf32, #tpu.memory_space<vmem>>, vector<1x16xf32>,
      %get3A_627 = vector.shape_cast %get3A_626 : vector<1x16xf32> to vector<16xf32>
      %get3A_628 = arith.index_cast %add3A_364 : i32 to index
      %get3A_629 = arith.constant 272 : index
      %get3A_630 = tpu.vector_load %arg13[%get3A_628, %get3A_629] {strides = array<i32>} : memref<64x768xf32, #tpu.memory_space<vmem>>, vector<1x16xf32>,
      %get3A_631 = vector.shape_cast %get3A_630 : vector<1x16xf32> to vector<16xf32>
      %sub3A_632 = arith.subf %get3A_627, %get3A_631 : vector<16xf32>
      %mul3A_633 = arith.mulf %sub3A_632, %get3A_368 : vector<16xf32>
      %swap3A_634 = arith.index_cast %add3A_364 : i32 to index
      %swap3A_635 = arith.constant 272 : index
      %swap3A_636 = tpu.vector_load %arg14[%swap3A_634, %swap3A_635] {strides = array<i32>} : memref<64x768xf32, #tpu.memory_space<vmem>>, vector<1x16xf32>,
      %swap3A_637 = vector.shape_cast %swap3A_636 : vector<1x16xf32> to vector<16xf32>
      %swap3A_638 = vector.shape_cast %mul3A_633 : vector<16xf32> to vector<1x16xf32>
      tpu.vector_store %arg14[%swap3A_634, %swap3A_635], %swap3A_638 {strides = array<i32>} : memref<64x768xf32, #tpu.memory_space<vmem>>, vector<1x16xf32>,
      %get3A_639 = arith.index_cast %add3A_364 : i32 to index
      %get3A_640 = arith.constant 288 : index
      %get3A_641 = tpu.vector_load %arg14[%get3A_639, %get3A_640] {strides = array<i32>} : memref<64x768xf32, #tpu.memory_space<vmem>>, vector<1x16xf32>,
      %get3A_642 = vector.shape_cast %get3A_641 : vector<1x16xf32> to vector<16xf32>
      %get3A_643 = arith.index_cast %add3A_364 : i32 to index
      %get3A_644 = arith.constant 288 : index
      %get3A_645 = tpu.vector_load %arg13[%get3A_643, %get3A_644] {strides = array<i32>} : memref<64x768xf32, #tpu.memory_space<vmem>>, vector<1x16xf32>,
      %get3A_646 = vector.shape_cast %get3A_645 : vector<1x16xf32> to vector<16xf32>
      %sub3A_647 = arith.subf %get3A_642, %get3A_646 : vector<16xf32>
      %mul3A_648 = arith.mulf %sub3A_647, %get3A_368 : vector<16xf32>
      %swap3A_649 = arith.index_cast %add3A_364 : i32 to index
      %swap3A_650 = arith.constant 288 : index
      %swap3A_651 = tpu.vector_load %arg14[%swap3A_649, %swap3A_650] {strides = array<i32>} : memref<64x768xf32, #tpu.memory_space<vmem>>, vector<1x16xf32>,
      %swap3A_652 = vector.shape_cast %swap3A_651 : vector<1x16xf32> to vector<16xf32>
      %swap3A_653 = vector.shape_cast %mul3A_648 : vector<16xf32> to vector<1x16xf32>
      tpu.vector_store %arg14[%swap3A_649, %swap3A_650], %swap3A_653 {strides = array<i32>} : memref<64x768xf32, #tpu.memory_space<vmem>>, vector<1x16xf32>,
      %get3A_654 = arith.index_cast %add3A_364 : i32 to index
      %get3A_655 = arith.constant 304 : index
      %get3A_656 = tpu.vector_load %arg14[%get3A_654, %get3A_655] {strides = array<i32>} : memref<64x768xf32, #tpu.memory_space<vmem>>, vector<1x16xf32>,
      %get3A_657 = vector.shape_cast %get3A_656 : vector<1x16xf32> to vector<16xf32>
      %get3A_658 = arith.index_cast %add3A_364 : i32 to index
      %get3A_659 = arith.constant 304 : index
      %get3A_660 = tpu.vector_load %arg13[%get3A_658, %get3A_659] {strides = array<i32>} : memref<64x768xf32, #tpu.memory_space<vmem>>, vector<1x16xf32>,
      %get3A_661 = vector.shape_cast %get3A_660 : vector<1x16xf32> to vector<16xf32>
      %sub3A_662 = arith.subf %get3A_657, %get3A_661 : vector<16xf32>
      %mul3A_663 = arith.mulf %sub3A_662, %get3A_368 : vector<16xf32>
      %swap3A_664 = arith.index_cast %add3A_364 : i32 to index
      %swap3A_665 = arith.constant 304 : index
      %swap3A_666 = tpu.vector_load %arg14[%swap3A_664, %swap3A_665] {strides = array<i32>} : memref<64x768xf32, #tpu.memory_space<vmem>>, vector<1x16xf32>,
      %swap3A_667 = vector.shape_cast %swap3A_666 : vector<1x16xf32> to vector<16xf32>
      %swap3A_668 = vector.shape_cast %mul3A_663 : vector<16xf32> to vector<1x16xf32>
      tpu.vector_store %arg14[%swap3A_664, %swap3A_665], %swap3A_668 {strides = array<i32>} : memref<64x768xf32, #tpu.memory_space<vmem>>, vector<1x16xf32>,
      %get3A_669 = arith.index_cast %add3A_364 : i32 to index
      %get3A_670 = arith.constant 320 : index
      %get3A_671 = tpu.vector_load %arg14[%get3A_669, %get3A_670] {strides = array<i32>} : memref<64x768xf32, #tpu.memory_space<vmem>>, vector<1x16xf32>,
      %get3A_672 = vector.shape_cast %get3A_671 : vector<1x16xf32> to vector<16xf32>
      %get3A_673 = arith.index_cast %add3A_364 : i32 to index
      %get3A_674 = arith.constant 320 : index
      %get3A_675 = tpu.vector_load %arg13[%get3A_673, %get3A_674] {strides = array<i32>} : memref<64x768xf32, #tpu.memory_space<vmem>>, vector<1x16xf32>,
      %get3A_676 = vector.shape_cast %get3A_675 : vector<1x16xf32> to vector<16xf32>
      %sub3A_677 = arith.subf %get3A_672, %get3A_676 : vector<16xf32>
      %mul3A_678 = arith.mulf %sub3A_677, %get3A_368 : vector<16xf32>
      %swap3A_679 = arith.index_cast %add3A_364 : i32 to index
      %swap3A_680 = arith.constant 320 : index
      %swap3A_681 = tpu.vector_load %arg14[%swap3A_679, %swap3A_680] {strides = array<i32>} : memref<64x768xf32, #tpu.memory_space<vmem>>, vector<1x16xf32>,
      %swap3A_682 = vector.shape_cast %swap3A_681 : vector<1x16xf32> to vector<16xf32>
      %swap3A_683 = vector.shape_cast %mul3A_678 : vector<16xf32> to vector<1x16xf32>
      tpu.vector_store %arg14[%swap3A_679, %swap3A_680], %swap3A_683 {strides = array<i32>} : memref<64x768xf32, #tpu.memory_space<vmem>>, vector<1x16xf32>,
      %get3A_684 = arith.index_cast %add3A_364 : i32 to index
      %get3A_685 = arith.constant 336 : index
      %get3A_686 = tpu.vector_load %arg14[%get3A_684, %get3A_685] {strides = array<i32>} : memref<64x768xf32, #tpu.memory_space<vmem>>, vector<1x16xf32>,
      %get3A_687 = vector.shape_cast %get3A_686 : vector<1x16xf32> to vector<16xf32>
      %get3A_688 = arith.index_cast %add3A_364 : i32 to index
      %get3A_689 = arith.constant 336 : index
      %get3A_690 = tpu.vector_load %arg13[%get3A_688, %get3A_689] {strides = array<i32>} : memref<64x768xf32, #tpu.memory_space<vmem>>, vector<1x16xf32>,
      %get3A_691 = vector.shape_cast %get3A_690 : vector<1x16xf32> to vector<16xf32>
      %sub3A_692 = arith.subf %get3A_687, %get3A_691 : vector<16xf32>
      %mul3A_693 = arith.mulf %sub3A_692, %get3A_368 : vector<16xf32>
      %swap3A_694 = arith.index_cast %add3A_364 : i32 to index
      %swap3A_695 = arith.constant 336 : index
      %swap3A_696 = tpu.vector_load %arg14[%swap3A_694, %swap3A_695] {strides = array<i32>} : memref<64x768xf32, #tpu.memory_space<vmem>>, vector<1x16xf32>,
      %swap3A_697 = vector.shape_cast %swap3A_696 : vector<1x16xf32> to vector<16xf32>
      %swap3A_698 = vector.shape_cast %mul3A_693 : vector<16xf32> to vector<1x16xf32>
      tpu.vector_store %arg14[%swap3A_694, %swap3A_695], %swap3A_698 {strides = array<i32>} : memref<64x768xf32, #tpu.memory_space<vmem>>, vector<1x16xf32>,
      %get3A_699 = arith.index_cast %add3A_364 : i32 to index
      %get3A_700 = arith.constant 352 : index
      %get3A_701 = tpu.vector_load %arg14[%get3A_699, %get3A_700] {strides = array<i32>} : memref<64x768xf32, #tpu.memory_space<vmem>>, vector<1x16xf32>,
      %get3A_702 = vector.shape_cast %get3A_701 : vector<1x16xf32> to vector<16xf32>
      %get3A_703 = arith.index_cast %add3A_364 : i32 to index
      %get3A_704 = arith.constant 352 : index
      %get3A_705 = tpu.vector_load %arg13[%get3A_703, %get3A_704] {strides = array<i32>} : memref<64x768xf32, #tpu.memory_space<vmem>>, vector<1x16xf32>,
      %get3A_706 = vector.shape_cast %get3A_705 : vector<1x16xf32> to vector<16xf32>
      %sub3A_707 = arith.subf %get3A_702, %get3A_706 : vector<16xf32>
      %mul3A_708 = arith.mulf %sub3A_707, %get3A_368 : vector<16xf32>
      %swap3A_709 = arith.index_cast %add3A_364 : i32 to index
      %swap3A_710 = arith.constant 352 : index
      %swap3A_711 = tpu.vector_load %arg14[%swap3A_709, %swap3A_710] {strides = array<i32>} : memref<64x768xf32, #tpu.memory_space<vmem>>, vector<1x16xf32>,
      %swap3A_712 = vector.shape_cast %swap3A_711 : vector<1x16xf32> to vector<16xf32>
      %swap3A_713 = vector.shape_cast %mul3A_708 : vector<16xf32> to vector<1x16xf32>
      tpu.vector_store %arg14[%swap3A_709, %swap3A_710], %swap3A_713 {strides = array<i32>} : memref<64x768xf32, #tpu.memory_space<vmem>>, vector<1x16xf32>,
      %get3A_714 = arith.index_cast %add3A_364 : i32 to index
      %get3A_715 = arith.constant 368 : index
      %get3A_716 = tpu.vector_load %arg14[%get3A_714, %get3A_715] {strides = array<i32>} : memref<64x768xf32, #tpu.memory_space<vmem>>, vector<1x16xf32>,
      %get3A_717 = vector.shape_cast %get3A_716 : vector<1x16xf32> to vector<16xf32>
      %get3A_718 = arith.index_cast %add3A_364 : i32 to index
      %get3A_719 = arith.constant 368 : index
      %get3A_720 = tpu.vector_load %arg13[%get3A_718, %get3A_719] {strides = array<i32>} : memref<64x768xf32, #tpu.memory_space<vmem>>, vector<1x16xf32>,
      %get3A_721 = vector.shape_cast %get3A_720 : vector<1x16xf32> to vector<16xf32>
      %sub3A_722 = arith.subf %get3A_717, %get3A_721 : vector<16xf32>
      %mul3A_723 = arith.mulf %sub3A_722, %get3A_368 : vector<16xf32>
      %swap3A_724 = arith.index_cast %add3A_364 : i32 to index
      %swap3A_725 = arith.constant 368 : index
      %swap3A_726 = tpu.vector_load %arg14[%swap3A_724, %swap3A_725] {strides = array<i32>} : memref<64x768xf32, #tpu.memory_space<vmem>>, vector<1x16xf32>,
      %swap3A_727 = vector.shape_cast %swap3A_726 : vector<1x16xf32> to vector<16xf32>
      %swap3A_728 = vector.shape_cast %mul3A_723 : vector<16xf32> to vector<1x16xf32>
      tpu.vector_store %arg14[%swap3A_724, %swap3A_725], %swap3A_728 {strides = array<i32>} : memref<64x768xf32, #tpu.memory_space<vmem>>, vector<1x16xf32>,
      %get3A_729 = arith.index_cast %add3A_364 : i32 to index
      %get3A_730 = arith.constant 384 : index
      %get3A_731 = tpu.vector_load %arg14[%get3A_729, %get3A_730] {strides = array<i32>} : memref<64x768xf32, #tpu.memory_space<vmem>>, vector<1x16xf32>,
      %get3A_732 = vector.shape_cast %get3A_731 : vector<1x16xf32> to vector<16xf32>
      %get3A_733 = arith.index_cast %add3A_364 : i32 to index
      %get3A_734 = arith.constant 384 : index
      %get3A_735 = tpu.vector_load %arg13[%get3A_733, %get3A_734] {strides = array<i32>} : memref<64x768xf32, #tpu.memory_space<vmem>>, vector<1x16xf32>,
      %get3A_736 = vector.shape_cast %get3A_735 : vector<1x16xf32> to vector<16xf32>
      %sub3A_737 = arith.subf %get3A_732, %get3A_736 : vector<16xf32>
      %mul3A_738 = arith.mulf %sub3A_737, %get3A_368 : vector<16xf32>
      %swap3A_739 = arith.index_cast %add3A_364 : i32 to index
      %swap3A_740 = arith.constant 384 : index
      %swap3A_741 = tpu.vector_load %arg14[%swap3A_739, %swap3A_740] {strides = array<i32>} : memref<64x768xf32, #tpu.memory_space<vmem>>, vector<1x16xf32>,
      %swap3A_742 = vector.shape_cast %swap3A_741 : vector<1x16xf32> to vector<16xf32>
      %swap3A_743 = vector.shape_cast %mul3A_738 : vector<16xf32> to vector<1x16xf32>
      tpu.vector_store %arg14[%swap3A_739, %swap3A_740], %swap3A_743 {strides = array<i32>} : memref<64x768xf32, #tpu.memory_space<vmem>>, vector<1x16xf32>,
      %get3A_744 = arith.index_cast %add3A_364 : i32 to index
      %get3A_745 = arith.constant 400 : index
      %get3A_746 = tpu.vector_load %arg14[%get3A_744, %get3A_745] {strides = array<i32>} : memref<64x768xf32, #tpu.memory_space<vmem>>, vector<1x16xf32>,
      %get3A_747 = vector.shape_cast %get3A_746 : vector<1x16xf32> to vector<16xf32>
      %get3A_748 = arith.index_cast %add3A_364 : i32 to index
      %get3A_749 = arith.constant 400 : index
      %get3A_750 = tpu.vector_load %arg13[%get3A_748, %get3A_749] {strides = array<i32>} : memref<64x768xf32, #tpu.memory_space<vmem>>, vector<1x16xf32>,
      %get3A_751 = vector.shape_cast %get3A_750 : vector<1x16xf32> to vector<16xf32>
      %sub3A_752 = arith.subf %get3A_747, %get3A_751 : vector<16xf32>
      %mul3A_753 = arith.mulf %sub3A_752, %get3A_368 : vector<16xf32>
      %swap3A_754 = arith.index_cast %add3A_364 : i32 to index
      %swap3A_755 = arith.constant 400 : index
      %swap3A_756 = tpu.vector_load %arg14[%swap3A_754, %swap3A_755] {strides = array<i32>} : memref<64x768xf32, #tpu.memory_space<vmem>>, vector<1x16xf32>,
      %swap3A_757 = vector.shape_cast %swap3A_756 : vector<1x16xf32> to vector<16xf32>
      %swap3A_758 = vector.shape_cast %mul3A_753 : vector<16xf32> to vector<1x16xf32>
      tpu.vector_store %arg14[%swap3A_754, %swap3A_755], %swap3A_758 {strides = array<i32>} : memref<64x768xf32, #tpu.memory_space<vmem>>, vector<1x16xf32>,
      %get3A_759 = arith.index_cast %add3A_364 : i32 to index
      %get3A_760 = arith.constant 416 : index
      %get3A_761 = tpu.vector_load %arg14[%get3A_759, %get3A_760] {strides = array<i32>} : memref<64x768xf32, #tpu.memory_space<vmem>>, vector<1x16xf32>,
      %get3A_762 = vector.shape_cast %get3A_761 : vector<1x16xf32> to vector<16xf32>
      %get3A_763 = arith.index_cast %add3A_364 : i32 to index
      %get3A_764 = arith.constant 416 : index
      %get3A_765 = tpu.vector_load %arg13[%get3A_763, %get3A_764] {strides = array<i32>} : memref<64x768xf32, #tpu.memory_space<vmem>>, vector<1x16xf32>,
      %get3A_766 = vector.shape_cast %get3A_765 : vector<1x16xf32> to vector<16xf32>
      %sub3A_767 = arith.subf %get3A_762, %get3A_766 : vector<16xf32>
      %mul3A_768 = arith.mulf %sub3A_767, %get3A_368 : vector<16xf32>
      %swap3A_769 = arith.index_cast %add3A_364 : i32 to index
      %swap3A_770 = arith.constant 416 : index
      %swap3A_771 = tpu.vector_load %arg14[%swap3A_769, %swap3A_770] {strides = array<i32>} : memref<64x768xf32, #tpu.memory_space<vmem>>, vector<1x16xf32>,
      %swap3A_772 = vector.shape_cast %swap3A_771 : vector<1x16xf32> to vector<16xf32>
      %swap3A_773 = vector.shape_cast %mul3A_768 : vector<16xf32> to vector<1x16xf32>
      tpu.vector_store %arg14[%swap3A_769, %swap3A_770], %swap3A_773 {strides = array<i32>} : memref<64x768xf32, #tpu.memory_space<vmem>>, vector<1x16xf32>,
      %get3A_774 = arith.index_cast %add3A_364 : i32 to index
      %get3A_775 = arith.constant 432 : index
      %get3A_776 = tpu.vector_load %arg14[%get3A_774, %get3A_775] {strides = array<i32>} : memref<64x768xf32, #tpu.memory_space<vmem>>, vector<1x16xf32>,
      %get3A_777 = vector.shape_cast %get3A_776 : vector<1x16xf32> to vector<16xf32>
      %get3A_778 = arith.index_cast %add3A_364 : i32 to index
      %get3A_779 = arith.constant 432 : index
      %get3A_780 = tpu.vector_load %arg13[%get3A_778, %get3A_779] {strides = array<i32>} : memref<64x768xf32, #tpu.memory_space<vmem>>, vector<1x16xf32>,
      %get3A_781 = vector.shape_cast %get3A_780 : vector<1x16xf32> to vector<16xf32>
      %sub3A_782 = arith.subf %get3A_777, %get3A_781 : vector<16xf32>
      %mul3A_783 = arith.mulf %sub3A_782, %get3A_368 : vector<16xf32>
      %swap3A_784 = arith.index_cast %add3A_364 : i32 to index
      %swap3A_785 = arith.constant 432 : index
      %swap3A_786 = tpu.vector_load %arg14[%swap3A_784, %swap3A_785] {strides = array<i32>} : memref<64x768xf32, #tpu.memory_space<vmem>>, vector<1x16xf32>,
      %swap3A_787 = vector.shape_cast %swap3A_786 : vector<1x16xf32> to vector<16xf32>
      %swap3A_788 = vector.shape_cast %mul3A_783 : vector<16xf32> to vector<1x16xf32>
      tpu.vector_store %arg14[%swap3A_784, %swap3A_785], %swap3A_788 {strides = array<i32>} : memref<64x768xf32, #tpu.memory_space<vmem>>, vector<1x16xf32>,
      %get3A_789 = arith.index_cast %add3A_364 : i32 to index
      %get3A_790 = arith.constant 448 : index
      %get3A_791 = tpu.vector_load %arg14[%get3A_789, %get3A_790] {strides = array<i32>} : memref<64x768xf32, #tpu.memory_space<vmem>>, vector<1x16xf32>,
      %get3A_792 = vector.shape_cast %get3A_791 : vector<1x16xf32> to vector<16xf32>
      %get3A_793 = arith.index_cast %add3A_364 : i32 to index
      %get3A_794 = arith.constant 448 : index
      %get3A_795 = tpu.vector_load %arg13[%get3A_793, %get3A_794] {strides = array<i32>} : memref<64x768xf32, #tpu.memory_space<vmem>>, vector<1x16xf32>,
      %get3A_796 = vector.shape_cast %get3A_795 : vector<1x16xf32> to vector<16xf32>
      %sub3A_797 = arith.subf %get3A_792, %get3A_796 : vector<16xf32>
      %mul3A_798 = arith.mulf %sub3A_797, %get3A_368 : vector<16xf32>
      %swap3A_799 = arith.index_cast %add3A_364 : i32 to index
      %swap3A_800 = arith.constant 448 : index
      %swap3A_801 = tpu.vector_load %arg14[%swap3A_799, %swap3A_800] {strides = array<i32>} : memref<64x768xf32, #tpu.memory_space<vmem>>, vector<1x16xf32>,
      %swap3A_802 = vector.shape_cast %swap3A_801 : vector<1x16xf32> to vector<16xf32>
      %swap3A_803 = vector.shape_cast %mul3A_798 : vector<16xf32> to vector<1x16xf32>
      tpu.vector_store %arg14[%swap3A_799, %swap3A_800], %swap3A_803 {strides = array<i32>} : memref<64x768xf32, #tpu.memory_space<vmem>>, vector<1x16xf32>,
      %get3A_804 = arith.index_cast %add3A_364 : i32 to index
      %get3A_805 = arith.constant 464 : index
      %get3A_806 = tpu.vector_load %arg14[%get3A_804, %get3A_805] {strides = array<i32>} : memref<64x768xf32, #tpu.memory_space<vmem>>, vector<1x16xf32>,
      %get3A_807 = vector.shape_cast %get3A_806 : vector<1x16xf32> to vector<16xf32>
      %get3A_808 = arith.index_cast %add3A_364 : i32 to index
      %get3A_809 = arith.constant 464 : index
      %get3A_810 = tpu.vector_load %arg13[%get3A_808, %get3A_809] {strides = array<i32>} : memref<64x768xf32, #tpu.memory_space<vmem>>, vector<1x16xf32>,
      %get3A_811 = vector.shape_cast %get3A_810 : vector<1x16xf32> to vector<16xf32>
      %sub3A_812 = arith.subf %get3A_807, %get3A_811 : vector<16xf32>
      %mul3A_813 = arith.mulf %sub3A_812, %get3A_368 : vector<16xf32>
      %swap3A_814 = arith.index_cast %add3A_364 : i32 to index
      %swap3A_815 = arith.constant 464 : index
      %swap3A_816 = tpu.vector_load %arg14[%swap3A_814, %swap3A_815] {strides = array<i32>} : memref<64x768xf32, #tpu.memory_space<vmem>>, vector<1x16xf32>,
      %swap3A_817 = vector.shape_cast %swap3A_816 : vector<1x16xf32> to vector<16xf32>
      %swap3A_818 = vector.shape_cast %mul3A_813 : vector<16xf32> to vector<1x16xf32>
      tpu.vector_store %arg14[%swap3A_814, %swap3A_815], %swap3A_818 {strides = array<i32>} : memref<64x768xf32, #tpu.memory_space<vmem>>, vector<1x16xf32>,
      %get3A_819 = arith.index_cast %add3A_364 : i32 to index
      %get3A_820 = arith.constant 480 : index
      %get3A_821 = tpu.vector_load %arg14[%get3A_819, %get3A_820] {strides = array<i32>} : memref<64x768xf32, #tpu.memory_space<vmem>>, vector<1x16xf32>,
      %get3A_822 = vector.shape_cast %get3A_821 : vector<1x16xf32> to vector<16xf32>
      %get3A_823 = arith.index_cast %add3A_364 : i32 to index
      %get3A_824 = arith.constant 480 : index
      %get3A_825 = tpu.vector_load %arg13[%get3A_823, %get3A_824] {strides = array<i32>} : memref<64x768xf32, #tpu.memory_space<vmem>>, vector<1x16xf32>,
      %get3A_826 = vector.shape_cast %get3A_825 : vector<1x16xf32> to vector<16xf32>
      %sub3A_827 = arith.subf %get3A_822, %get3A_826 : vector<16xf32>
      %mul3A_828 = arith.mulf %sub3A_827, %get3A_368 : vector<16xf32>
      %swap3A_829 = arith.index_cast %add3A_364 : i32 to index
      %swap3A_830 = arith.constant 480 : index
      %swap3A_831 = tpu.vector_load %arg14[%swap3A_829, %swap3A_830] {strides = array<i32>} : memref<64x768xf32, #tpu.memory_space<vmem>>, vector<1x16xf32>,
      %swap3A_832 = vector.shape_cast %swap3A_831 : vector<1x16xf32> to vector<16xf32>
      %swap3A_833 = vector.shape_cast %mul3A_828 : vector<16xf32> to vector<1x16xf32>
      tpu.vector_store %arg14[%swap3A_829, %swap3A_830], %swap3A_833 {strides = array<i32>} : memref<64x768xf32, #tpu.memory_space<vmem>>, vector<1x16xf32>,
      %get3A_834 = arith.index_cast %add3A_364 : i32 to index
      %get3A_835 = arith.constant 496 : index
      %get3A_836 = tpu.vector_load %arg14[%get3A_834, %get3A_835] {strides = array<i32>} : memref<64x768xf32, #tpu.memory_space<vmem>>, vector<1x16xf32>,
      %get3A_837 = vector.shape_cast %get3A_836 : vector<1x16xf32> to vector<16xf32>
      %get3A_838 = arith.index_cast %add3A_364 : i32 to index
      %get3A_839 = arith.constant 496 : index
      %get3A_840 = tpu.vector_load %arg13[%get3A_838, %get3A_839] {strides = array<i32>} : memref<64x768xf32, #tpu.memory_space<vmem>>, vector<1x16xf32>,
      %get3A_841 = vector.shape_cast %get3A_840 : vector<1x16xf32> to vector<16xf32>
      %sub3A_842 = arith.subf %get3A_837, %get3A_841 : vector<16xf32>
      %mul3A_843 = arith.mulf %sub3A_842, %get3A_368 : vector<16xf32>
      %swap3A_844 = arith.index_cast %add3A_364 : i32 to index
      %swap3A_845 = arith.constant 496 : index
      %swap3A_846 = tpu.vector_load %arg14[%swap3A_844, %swap3A_845] {strides = array<i32>} : memref<64x768xf32, #tpu.memory_space<vmem>>, vector<1x16xf32>,
      %swap3A_847 = vector.shape_cast %swap3A_846 : vector<1x16xf32> to vector<16xf32>
      %swap3A_848 = vector.shape_cast %mul3A_843 : vector<16xf32> to vector<1x16xf32>
      tpu.vector_store %arg14[%swap3A_844, %swap3A_845], %swap3A_848 {strides = array<i32>} : memref<64x768xf32, #tpu.memory_space<vmem>>, vector<1x16xf32>,
      %get3A_849 = arith.index_cast %add3A_364 : i32 to index
      %get3A_850 = arith.constant 512 : index
      %get3A_851 = tpu.vector_load %arg14[%get3A_849, %get3A_850] {strides = array<i32>} : memref<64x768xf32, #tpu.memory_space<vmem>>, vector<1x16xf32>,
      %get3A_852 = vector.shape_cast %get3A_851 : vector<1x16xf32> to vector<16xf32>
      %get3A_853 = arith.index_cast %add3A_364 : i32 to index
      %get3A_854 = arith.constant 512 : index
      %get3A_855 = tpu.vector_load %arg13[%get3A_853, %get3A_854] {strides = array<i32>} : memref<64x768xf32, #tpu.memory_space<vmem>>, vector<1x16xf32>,
      %get3A_856 = vector.shape_cast %get3A_855 : vector<1x16xf32> to vector<16xf32>
      %sub3A_857 = arith.subf %get3A_852, %get3A_856 : vector<16xf32>
      %mul3A_858 = arith.mulf %sub3A_857, %get3A_368 : vector<16xf32>
      %swap3A_859 = arith.index_cast %add3A_364 : i32 to index
      %swap3A_860 = arith.constant 512 : index
      %swap3A_861 = tpu.vector_load %arg14[%swap3A_859, %swap3A_860] {strides = array<i32>} : memref<64x768xf32, #tpu.memory_space<vmem>>, vector<1x16xf32>,
      %swap3A_862 = vector.shape_cast %swap3A_861 : vector<1x16xf32> to vector<16xf32>
      %swap3A_863 = vector.shape_cast %mul3A_858 : vector<16xf32> to vector<1x16xf32>
      tpu.vector_store %arg14[%swap3A_859, %swap3A_860], %swap3A_863 {strides = array<i32>} : memref<64x768xf32, #tpu.memory_space<vmem>>, vector<1x16xf32>,
      %get3A_864 = arith.index_cast %add3A_364 : i32 to index
      %get3A_865 = arith.constant 528 : index
      %get3A_866 = tpu.vector_load %arg14[%get3A_864, %get3A_865] {strides = array<i32>} : memref<64x768xf32, #tpu.memory_space<vmem>>, vector<1x16xf32>,
      %get3A_867 = vector.shape_cast %get3A_866 : vector<1x16xf32> to vector<16xf32>
      %get3A_868 = arith.index_cast %add3A_364 : i32 to index
      %get3A_869 = arith.constant 528 : index
      %get3A_870 = tpu.vector_load %arg13[%get3A_868, %get3A_869] {strides = array<i32>} : memref<64x768xf32, #tpu.memory_space<vmem>>, vector<1x16xf32>,
      %get3A_871 = vector.shape_cast %get3A_870 : vector<1x16xf32> to vector<16xf32>
      %sub3A_872 = arith.subf %get3A_867, %get3A_871 : vector<16xf32>
      %mul3A_873 = arith.mulf %sub3A_872, %get3A_368 : vector<16xf32>
      %swap3A_874 = arith.index_cast %add3A_364 : i32 to index
      %swap3A_875 = arith.constant 528 : index
      %swap3A_876 = tpu.vector_load %arg14[%swap3A_874, %swap3A_875] {strides = array<i32>} : memref<64x768xf32, #tpu.memory_space<vmem>>, vector<1x16xf32>,
      %swap3A_877 = vector.shape_cast %swap3A_876 : vector<1x16xf32> to vector<16xf32>
      %swap3A_878 = vector.shape_cast %mul3A_873 : vector<16xf32> to vector<1x16xf32>
      tpu.vector_store %arg14[%swap3A_874, %swap3A_875], %swap3A_878 {strides = array<i32>} : memref<64x768xf32, #tpu.memory_space<vmem>>, vector<1x16xf32>,
      %get3A_879 = arith.index_cast %add3A_364 : i32 to index
      %get3A_880 = arith.constant 544 : index
      %get3A_881 = tpu.vector_load %arg14[%get3A_879, %get3A_880] {strides = array<i32>} : memref<64x768xf32, #tpu.memory_space<vmem>>, vector<1x16xf32>,
      %get3A_882 = vector.shape_cast %get3A_881 : vector<1x16xf32> to vector<16xf32>
      %get3A_883 = arith.index_cast %add3A_364 : i32 to index
      %get3A_884 = arith.constant 544 : index
      %get3A_885 = tpu.vector_load %arg13[%get3A_883, %get3A_884] {strides = array<i32>} : memref<64x768xf32, #tpu.memory_space<vmem>>, vector<1x16xf32>,
      %get3A_886 = vector.shape_cast %get3A_885 : vector<1x16xf32> to vector<16xf32>
      %sub3A_887 = arith.subf %get3A_882, %get3A_886 : vector<16xf32>
      %mul3A_888 = arith.mulf %sub3A_887, %get3A_368 : vector<16xf32>
      %swap3A_889 = arith.index_cast %add3A_364 : i32 to index
      %swap3A_890 = arith.constant 544 : index
      %swap3A_891 = tpu.vector_load %arg14[%swap3A_889, %swap3A_890] {strides = array<i32>} : memref<64x768xf32, #tpu.memory_space<vmem>>, vector<1x16xf32>,
      %swap3A_892 = vector.shape_cast %swap3A_891 : vector<1x16xf32> to vector<16xf32>
      %swap3A_893 = vector.shape_cast %mul3A_888 : vector<16xf32> to vector<1x16xf32>
      tpu.vector_store %arg14[%swap3A_889, %swap3A_890], %swap3A_893 {strides = array<i32>} : memref<64x768xf32, #tpu.memory_space<vmem>>, vector<1x16xf32>,
      %get3A_894 = arith.index_cast %add3A_364 : i32 to index
      %get3A_895 = arith.constant 560 : index
      %get3A_896 = tpu.vector_load %arg14[%get3A_894, %get3A_895] {strides = array<i32>} : memref<64x768xf32, #tpu.memory_space<vmem>>, vector<1x16xf32>,
      %get3A_897 = vector.shape_cast %get3A_896 : vector<1x16xf32> to vector<16xf32>
      %get3A_898 = arith.index_cast %add3A_364 : i32 to index
      %get3A_899 = arith.constant 560 : index
      %get3A_900 = tpu.vector_load %arg13[%get3A_898, %get3A_899] {strides = array<i32>} : memref<64x768xf32, #tpu.memory_space<vmem>>, vector<1x16xf32>,
      %get3A_901 = vector.shape_cast %get3A_900 : vector<1x16xf32> to vector<16xf32>
      %sub3A_902 = arith.subf %get3A_897, %get3A_901 : vector<16xf32>
      %mul3A_903 = arith.mulf %sub3A_902, %get3A_368 : vector<16xf32>
      %swap3A_904 = arith.index_cast %add3A_364 : i32 to index
      %swap3A_905 = arith.constant 560 : index
      %swap3A_906 = tpu.vector_load %arg14[%swap3A_904, %swap3A_905] {strides = array<i32>} : memref<64x768xf32, #tpu.memory_space<vmem>>, vector<1x16xf32>,
      %swap3A_907 = vector.shape_cast %swap3A_906 : vector<1x16xf32> to vector<16xf32>
      %swap3A_908 = vector.shape_cast %mul3A_903 : vector<16xf32> to vector<1x16xf32>
      tpu.vector_store %arg14[%swap3A_904, %swap3A_905], %swap3A_908 {strides = array<i32>} : memref<64x768xf32, #tpu.memory_space<vmem>>, vector<1x16xf32>,
      %get3A_909 = arith.index_cast %add3A_364 : i32 to index
      %get3A_910 = arith.constant 576 : index
      %get3A_911 = tpu.vector_load %arg14[%get3A_909, %get3A_910] {strides = array<i32>} : memref<64x768xf32, #tpu.memory_space<vmem>>, vector<1x16xf32>,
      %get3A_912 = vector.shape_cast %get3A_911 : vector<1x16xf32> to vector<16xf32>
      %get3A_913 = arith.index_cast %add3A_364 : i32 to index
      %get3A_914 = arith.constant 576 : index
      %get3A_915 = tpu.vector_load %arg13[%get3A_913, %get3A_914] {strides = array<i32>} : memref<64x768xf32, #tpu.memory_space<vmem>>, vector<1x16xf32>,
      %get3A_916 = vector.shape_cast %get3A_915 : vector<1x16xf32> to vector<16xf32>
      %sub3A_917 = arith.subf %get3A_912, %get3A_916 : vector<16xf32>
      %mul3A_918 = arith.mulf %sub3A_917, %get3A_368 : vector<16xf32>
      %swap3A_919 = arith.index_cast %add3A_364 : i32 to index
      %swap3A_920 = arith.constant 576 : index
      %swap3A_921 = tpu.vector_load %arg14[%swap3A_919, %swap3A_920] {strides = array<i32>} : memref<64x768xf32, #tpu.memory_space<vmem>>, vector<1x16xf32>,
      %swap3A_922 = vector.shape_cast %swap3A_921 : vector<1x16xf32> to vector<16xf32>
      %swap3A_923 = vector.shape_cast %mul3A_918 : vector<16xf32> to vector<1x16xf32>
      tpu.vector_store %arg14[%swap3A_919, %swap3A_920], %swap3A_923 {strides = array<i32>} : memref<64x768xf32, #tpu.memory_space<vmem>>, vector<1x16xf32>,
      %get3A_924 = arith.index_cast %add3A_364 : i32 to index
      %get3A_925 = arith.constant 592 : index
      %get3A_926 = tpu.vector_load %arg14[%get3A_924, %get3A_925] {strides = array<i32>} : memref<64x768xf32, #tpu.memory_space<vmem>>, vector<1x16xf32>,
      %get3A_927 = vector.shape_cast %get3A_926 : vector<1x16xf32> to vector<16xf32>
      %get3A_928 = arith.index_cast %add3A_364 : i32 to index
      %get3A_929 = arith.constant 592 : index
      %get3A_930 = tpu.vector_load %arg13[%get3A_928, %get3A_929] {strides = array<i32>} : memref<64x768xf32, #tpu.memory_space<vmem>>, vector<1x16xf32>,
      %get3A_931 = vector.shape_cast %get3A_930 : vector<1x16xf32> to vector<16xf32>
      %sub3A_932 = arith.subf %get3A_927, %get3A_931 : vector<16xf32>
      %mul3A_933 = arith.mulf %sub3A_932, %get3A_368 : vector<16xf32>
      %swap3A_934 = arith.index_cast %add3A_364 : i32 to index
      %swap3A_935 = arith.constant 592 : index
      %swap3A_936 = tpu.vector_load %arg14[%swap3A_934, %swap3A_935] {strides = array<i32>} : memref<64x768xf32, #tpu.memory_space<vmem>>, vector<1x16xf32>,
      %swap3A_937 = vector.shape_cast %swap3A_936 : vector<1x16xf32> to vector<16xf32>
      %swap3A_938 = vector.shape_cast %mul3A_933 : vector<16xf32> to vector<1x16xf32>
      tpu.vector_store %arg14[%swap3A_934, %swap3A_935], %swap3A_938 {strides = array<i32>} : memref<64x768xf32, #tpu.memory_space<vmem>>, vector<1x16xf32>,
      %get3A_939 = arith.index_cast %add3A_364 : i32 to index
      %get3A_940 = arith.constant 608 : index
      %get3A_941 = tpu.vector_load %arg14[%get3A_939, %get3A_940] {strides = array<i32>} : memref<64x768xf32, #tpu.memory_space<vmem>>, vector<1x16xf32>,
      %get3A_942 = vector.shape_cast %get3A_941 : vector<1x16xf32> to vector<16xf32>
      %get3A_943 = arith.index_cast %add3A_364 : i32 to index
      %get3A_944 = arith.constant 608 : index
      %get3A_945 = tpu.vector_load %arg13[%get3A_943, %get3A_944] {strides = array<i32>} : memref<64x768xf32, #tpu.memory_space<vmem>>, vector<1x16xf32>,
      %get3A_946 = vector.shape_cast %get3A_945 : vector<1x16xf32> to vector<16xf32>
      %sub3A_947 = arith.subf %get3A_942, %get3A_946 : vector<16xf32>
      %mul3A_948 = arith.mulf %sub3A_947, %get3A_368 : vector<16xf32>
      %swap3A_949 = arith.index_cast %add3A_364 : i32 to index
      %swap3A_950 = arith.constant 608 : index
      %swap3A_951 = tpu.vector_load %arg14[%swap3A_949, %swap3A_950] {strides = array<i32>} : memref<64x768xf32, #tpu.memory_space<vmem>>, vector<1x16xf32>,
      %swap3A_952 = vector.shape_cast %swap3A_951 : vector<1x16xf32> to vector<16xf32>
      %swap3A_953 = vector.shape_cast %mul3A_948 : vector<16xf32> to vector<1x16xf32>
      tpu.vector_store %arg14[%swap3A_949, %swap3A_950], %swap3A_953 {strides = array<i32>} : memref<64x768xf32, #tpu.memory_space<vmem>>, vector<1x16xf32>,
      %get3A_954 = arith.index_cast %add3A_364 : i32 to index
      %get3A_955 = arith.constant 624 : index
      %get3A_956 = tpu.vector_load %arg14[%get3A_954, %get3A_955] {strides = array<i32>} : memref<64x768xf32, #tpu.memory_space<vmem>>, vector<1x16xf32>,
      %get3A_957 = vector.shape_cast %get3A_956 : vector<1x16xf32> to vector<16xf32>
      %get3A_958 = arith.index_cast %add3A_364 : i32 to index
      %get3A_959 = arith.constant 624 : index
      %get3A_960 = tpu.vector_load %arg13[%get3A_958, %get3A_959] {strides = array<i32>} : memref<64x768xf32, #tpu.memory_space<vmem>>, vector<1x16xf32>,
      %get3A_961 = vector.shape_cast %get3A_960 : vector<1x16xf32> to vector<16xf32>
      %sub3A_962 = arith.subf %get3A_957, %get3A_961 : vector<16xf32>
      %mul3A_963 = arith.mulf %sub3A_962, %get3A_368 : vector<16xf32>
      %swap3A_964 = arith.index_cast %add3A_364 : i32 to index
      %swap3A_965 = arith.constant 624 : index
      %swap3A_966 = tpu.vector_load %arg14[%swap3A_964, %swap3A_965] {strides = array<i32>} : memref<64x768xf32, #tpu.memory_space<vmem>>, vector<1x16xf32>,
      %swap3A_967 = vector.shape_cast %swap3A_966 : vector<1x16xf32> to vector<16xf32>
      %swap3A_968 = vector.shape_cast %mul3A_963 : vector<16xf32> to vector<1x16xf32>
      tpu.vector_store %arg14[%swap3A_964, %swap3A_965], %swap3A_968 {strides = array<i32>} : memref<64x768xf32, #tpu.memory_space<vmem>>, vector<1x16xf32>,
      %get3A_969 = arith.index_cast %add3A_364 : i32 to index
      %get3A_970 = arith.constant 640 : index
      %get3A_971 = tpu.vector_load %arg14[%get3A_969, %get3A_970] {strides = array<i32>} : memref<64x768xf32, #tpu.memory_space<vmem>>, vector<1x16xf32>,
      %get3A_972 = vector.shape_cast %get3A_971 : vector<1x16xf32> to vector<16xf32>
      %get3A_973 = arith.index_cast %add3A_364 : i32 to index
      %get3A_974 = arith.constant 640 : index
      %get3A_975 = tpu.vector_load %arg13[%get3A_973, %get3A_974] {strides = array<i32>} : memref<64x768xf32, #tpu.memory_space<vmem>>, vector<1x16xf32>,
      %get3A_976 = vector.shape_cast %get3A_975 : vector<1x16xf32> to vector<16xf32>
      %sub3A_977 = arith.subf %get3A_972, %get3A_976 : vector<16xf32>
      %mul3A_978 = arith.mulf %sub3A_977, %get3A_368 : vector<16xf32>
      %swap3A_979 = arith.index_cast %add3A_364 : i32 to index
      %swap3A_980 = arith.constant 640 : index
      %swap3A_981 = tpu.vector_load %arg14[%swap3A_979, %swap3A_980] {strides = array<i32>} : memref<64x768xf32, #tpu.memory_space<vmem>>, vector<1x16xf32>,
      %swap3A_982 = vector.shape_cast %swap3A_981 : vector<1x16xf32> to vector<16xf32>
      %swap3A_983 = vector.shape_cast %mul3A_978 : vector<16xf32> to vector<1x16xf32>
      tpu.vector_store %arg14[%swap3A_979, %swap3A_980], %swap3A_983 {strides = array<i32>} : memref<64x768xf32, #tpu.memory_space<vmem>>, vector<1x16xf32>,
      %get3A_984 = arith.index_cast %add3A_364 : i32 to index
      %get3A_985 = arith.constant 656 : index
      %get3A_986 = tpu.vector_load %arg14[%get3A_984, %get3A_985] {strides = array<i32>} : memref<64x768xf32, #tpu.memory_space<vmem>>, vector<1x16xf32>,
      %get3A_987 = vector.shape_cast %get3A_986 : vector<1x16xf32> to vector<16xf32>
      %get3A_988 = arith.index_cast %add3A_364 : i32 to index
      %get3A_989 = arith.constant 656 : index
      %get3A_990 = tpu.vector_load %arg13[%get3A_988, %get3A_989] {strides = array<i32>} : memref<64x768xf32, #tpu.memory_space<vmem>>, vector<1x16xf32>,
      %get3A_991 = vector.shape_cast %get3A_990 : vector<1x16xf32> to vector<16xf32>
      %sub3A_992 = arith.subf %get3A_987, %get3A_991 : vector<16xf32>
      %mul3A_993 = arith.mulf %sub3A_992, %get3A_368 : vector<16xf32>
      %swap3A_994 = arith.index_cast %add3A_364 : i32 to index
      %swap3A_995 = arith.constant 656 : index
      %swap3A_996 = tpu.vector_load %arg14[%swap3A_994, %swap3A_995] {strides = array<i32>} : memref<64x768xf32, #tpu.memory_space<vmem>>, vector<1x16xf32>,
      %swap3A_997 = vector.shape_cast %swap3A_996 : vector<1x16xf32> to vector<16xf32>
      %swap3A_998 = vector.shape_cast %mul3A_993 : vector<16xf32> to vector<1x16xf32>
      tpu.vector_store %arg14[%swap3A_994, %swap3A_995], %swap3A_998 {strides = array<i32>} : memref<64x768xf32, #tpu.memory_space<vmem>>, vector<1x16xf32>,
      %get3A_999 = arith.index_cast %add3A_364 : i32 to index
      %get3A_1000 = arith.constant 672 : index
      %get3A_1001 = tpu.vector_load %arg14[%get3A_999, %get3A_1000] {strides = array<i32>} : memref<64x768xf32, #tpu.memory_space<vmem>>, vector<1x16xf32>,
      %get3A_1002 = vector.shape_cast %get3A_1001 : vector<1x16xf32> to vector<16xf32>
      %get3A_1003 = arith.index_cast %add3A_364 : i32 to index
      %get3A_1004 = arith.constant 672 : index
      %get3A_1005 = tpu.vector_load %arg13[%get3A_1003, %get3A_1004] {strides = array<i32>} : memref<64x768xf32, #tpu.memory_space<vmem>>, vector<1x16xf32>,
      %get3A_1006 = vector.shape_cast %get3A_1005 : vector<1x16xf32> to vector<16xf32>
      %sub3A_1007 = arith.subf %get3A_1002, %get3A_1006 : vector<16xf32>
      %mul3A_1008 = arith.mulf %sub3A_1007, %get3A_368 : vector<16xf32>
      %swap3A_1009 = arith.index_cast %add3A_364 : i32 to index
      %swap3A_1010 = arith.constant 672 : index
      %swap3A_1011 = tpu.vector_load %arg14[%swap3A_1009, %swap3A_1010] {strides = array<i32>} : memref<64x768xf32, #tpu.memory_space<vmem>>, vector<1x16xf32>,
      %swap3A_1012 = vector.shape_cast %swap3A_1011 : vector<1x16xf32> to vector<16xf32>
      %swap3A_1013 = vector.shape_cast %mul3A_1008 : vector<16xf32> to vector<1x16xf32>
      tpu.vector_store %arg14[%swap3A_1009, %swap3A_1010], %swap3A_1013 {strides = array<i32>} : memref<64x768xf32, #tpu.memory_space<vmem>>, vector<1x16xf32>,
      %get3A_1014 = arith.index_cast %add3A_364 : i32 to index
      %get3A_1015 = arith.constant 688 : index
      %get3A_1016 = tpu.vector_load %arg14[%get3A_1014, %get3A_1015] {strides = array<i32>} : memref<64x768xf32, #tpu.memory_space<vmem>>, vector<1x16xf32>,
      %get3A_1017 = vector.shape_cast %get3A_1016 : vector<1x16xf32> to vector<16xf32>
      %get3A_1018 = arith.index_cast %add3A_364 : i32 to index
      %get3A_1019 = arith.constant 688 : index
      %get3A_1020 = tpu.vector_load %arg13[%get3A_1018, %get3A_1019] {strides = array<i32>} : memref<64x768xf32, #tpu.memory_space<vmem>>, vector<1x16xf32>,
      %get3A_1021 = vector.shape_cast %get3A_1020 : vector<1x16xf32> to vector<16xf32>
      %sub3A_1022 = arith.subf %get3A_1017, %get3A_1021 : vector<16xf32>
      %mul3A_1023 = arith.mulf %sub3A_1022, %get3A_368 : vector<16xf32>
      %swap3A_1024 = arith.index_cast %add3A_364 : i32 to index
      %swap3A_1025 = arith.constant 688 : index
      %swap3A_1026 = tpu.vector_load %arg14[%swap3A_1024, %swap3A_1025] {strides = array<i32>} : memref<64x768xf32, #tpu.memory_space<vmem>>, vector<1x16xf32>,
      %swap3A_1027 = vector.shape_cast %swap3A_1026 : vector<1x16xf32> to vector<16xf32>
      %swap3A_1028 = vector.shape_cast %mul3A_1023 : vector<16xf32> to vector<1x16xf32>
      tpu.vector_store %arg14[%swap3A_1024, %swap3A_1025], %swap3A_1028 {strides = array<i32>} : memref<64x768xf32, #tpu.memory_space<vmem>>, vector<1x16xf32>,
      %get3A_1029 = arith.index_cast %add3A_364 : i32 to index
      %get3A_1030 = arith.constant 704 : index
      %get3A_1031 = tpu.vector_load %arg14[%get3A_1029, %get3A_1030] {strides = array<i32>} : memref<64x768xf32, #tpu.memory_space<vmem>>, vector<1x16xf32>,
      %get3A_1032 = vector.shape_cast %get3A_1031 : vector<1x16xf32> to vector<16xf32>
      %get3A_1033 = arith.index_cast %add3A_364 : i32 to index
      %get3A_1034 = arith.constant 704 : index
      %get3A_1035 = tpu.vector_load %arg13[%get3A_1033, %get3A_1034] {strides = array<i32>} : memref<64x768xf32, #tpu.memory_space<vmem>>, vector<1x16xf32>,
      %get3A_1036 = vector.shape_cast %get3A_1035 : vector<1x16xf32> to vector<16xf32>
      %sub3A_1037 = arith.subf %get3A_1032, %get3A_1036 : vector<16xf32>
      %mul3A_1038 = arith.mulf %sub3A_1037, %get3A_368 : vector<16xf32>
      %swap3A_1039 = arith.index_cast %add3A_364 : i32 to index
      %swap3A_1040 = arith.constant 704 : index
      %swap3A_1041 = tpu.vector_load %arg14[%swap3A_1039, %swap3A_1040] {strides = array<i32>} : memref<64x768xf32, #tpu.memory_space<vmem>>, vector<1x16xf32>,
      %swap3A_1042 = vector.shape_cast %swap3A_1041 : vector<1x16xf32> to vector<16xf32>
      %swap3A_1043 = vector.shape_cast %mul3A_1038 : vector<16xf32> to vector<1x16xf32>
      tpu.vector_store %arg14[%swap3A_1039, %swap3A_1040], %swap3A_1043 {strides = array<i32>} : memref<64x768xf32, #tpu.memory_space<vmem>>, vector<1x16xf32>,
      %get3A_1044 = arith.index_cast %add3A_364 : i32 to index
      %get3A_1045 = arith.constant 720 : index
      %get3A_1046 = tpu.vector_load %arg14[%get3A_1044, %get3A_1045] {strides = array<i32>} : memref<64x768xf32, #tpu.memory_space<vmem>>, vector<1x16xf32>,
      %get3A_1047 = vector.shape_cast %get3A_1046 : vector<1x16xf32> to vector<16xf32>
      %get3A_1048 = arith.index_cast %add3A_364 : i32 to index
      %get3A_1049 = arith.constant 720 : index
      %get3A_1050 = tpu.vector_load %arg13[%get3A_1048, %get3A_1049] {strides = array<i32>} : memref<64x768xf32, #tpu.memory_space<vmem>>, vector<1x16xf32>,
      %get3A_1051 = vector.shape_cast %get3A_1050 : vector<1x16xf32> to vector<16xf32>
      %sub3A_1052 = arith.subf %get3A_1047, %get3A_1051 : vector<16xf32>
      %mul3A_1053 = arith.mulf %sub3A_1052, %get3A_368 : vector<16xf32>
      %swap3A_1054 = arith.index_cast %add3A_364 : i32 to index
      %swap3A_1055 = arith.constant 720 : index
      %swap3A_1056 = tpu.vector_load %arg14[%swap3A_1054, %swap3A_1055] {strides = array<i32>} : memref<64x768xf32, #tpu.memory_space<vmem>>, vector<1x16xf32>,
      %swap3A_1057 = vector.shape_cast %swap3A_1056 : vector<1x16xf32> to vector<16xf32>
      %swap3A_1058 = vector.shape_cast %mul3A_1053 : vector<16xf32> to vector<1x16xf32>
      tpu.vector_store %arg14[%swap3A_1054, %swap3A_1055], %swap3A_1058 {strides = array<i32>} : memref<64x768xf32, #tpu.memory_space<vmem>>, vector<1x16xf32>,
      %get3A_1059 = arith.index_cast %add3A_364 : i32 to index
      %get3A_1060 = arith.constant 736 : index
      %get3A_1061 = tpu.vector_load %arg14[%get3A_1059, %get3A_1060] {strides = array<i32>} : memref<64x768xf32, #tpu.memory_space<vmem>>, vector<1x16xf32>,
      %get3A_1062 = vector.shape_cast %get3A_1061 : vector<1x16xf32> to vector<16xf32>
      %get3A_1063 = arith.index_cast %add3A_364 : i32 to index
      %get3A_1064 = arith.constant 736 : index
      %get3A_1065 = tpu.vector_load %arg13[%get3A_1063, %get3A_1064] {strides = array<i32>} : memref<64x768xf32, #tpu.memory_space<vmem>>, vector<1x16xf32>,
      %get3A_1066 = vector.shape_cast %get3A_1065 : vector<1x16xf32> to vector<16xf32>
      %sub3A_1067 = arith.subf %get3A_1062, %get3A_1066 : vector<16xf32>
      %mul3A_1068 = arith.mulf %sub3A_1067, %get3A_368 : vector<16xf32>
      %swap3A_1069 = arith.index_cast %add3A_364 : i32 to index
      %swap3A_1070 = arith.constant 736 : index
      %swap3A_1071 = tpu.vector_load %arg14[%swap3A_1069, %swap3A_1070] {strides = array<i32>} : memref<64x768xf32, #tpu.memory_space<vmem>>, vector<1x16xf32>,
      %swap3A_1072 = vector.shape_cast %swap3A_1071 : vector<1x16xf32> to vector<16xf32>
      %swap3A_1073 = vector.shape_cast %mul3A_1068 : vector<16xf32> to vector<1x16xf32>
      tpu.vector_store %arg14[%swap3A_1069, %swap3A_1070], %swap3A_1073 {strides = array<i32>} : memref<64x768xf32, #tpu.memory_space<vmem>>, vector<1x16xf32>,
      %get3A_1074 = arith.index_cast %add3A_364 : i32 to index
      %get3A_1075 = arith.constant 752 : index
      %get3A_1076 = tpu.vector_load %arg14[%get3A_1074, %get3A_1075] {strides = array<i32>} : memref<64x768xf32, #tpu.memory_space<vmem>>, vector<1x16xf32>,
      %get3A_1077 = vector.shape_cast %get3A_1076 : vector<1x16xf32> to vector<16xf32>
      %get3A_1078 = arith.index_cast %add3A_364 : i32 to index
      %get3A_1079 = arith.constant 752 : index
      %get3A_1080 = tpu.vector_load %arg13[%get3A_1078, %get3A_1079] {strides = array<i32>} : memref<64x768xf32, #tpu.memory_space<vmem>>, vector<1x16xf32>,
      %get3A_1081 = vector.shape_cast %get3A_1080 : vector<1x16xf32> to vector<16xf32>
      %sub3A_1082 = arith.subf %get3A_1077, %get3A_1081 : vector<16xf32>
      %mul3A_1083 = arith.mulf %sub3A_1082, %get3A_368 : vector<16xf32>
      %swap3A_1084 = arith.index_cast %add3A_364 : i32 to index
      %swap3A_1085 = arith.constant 752 : index
      %swap3A_1086 = tpu.vector_load %arg14[%swap3A_1084, %swap3A_1085] {strides = array<i32>} : memref<64x768xf32, #tpu.memory_space<vmem>>, vector<1x16xf32>,
      %swap3A_1087 = vector.shape_cast %swap3A_1086 : vector<1x16xf32> to vector<16xf32>
      %swap3A_1088 = vector.shape_cast %mul3A_1083 : vector<16xf32> to vector<1x16xf32>
      tpu.vector_store %arg14[%swap3A_1084, %swap3A_1085], %swap3A_1088 {strides = array<i32>} : memref<64x768xf32, #tpu.memory_space<vmem>>, vector<1x16xf32>,
    }
    %scan3A_241 = arith.constant 16 : i32
    %add3A_242 = arith.constant 16 : i32
    %add3A_243 = arith.addi %mul3A_2, %add3A_242 : i32
    %dma_start3A_244 = arith.constant 16 : i32
    %dma_start3A_245 = arith.constant 0 : i32
    %dma_start3A_246 = tpu.memref_slice %arg14[%dma_start3A_244, %dma_start3A_245] : memref<64x768xf32, #tpu.memory_space<vmem>> -> memref<16x768xf32, #tpu.memory_space<vmem>>
    %dma_start3A_247 = arith.constant 0 : i32
    %dma_start3A_248 = tpu.memref_slice %arg6[%add3A_243, %dma_start3A_247] : memref<2048x768xf32, #tpu.memory_space<hbm>> -> memref<16x768xf32, #tpu.memory_space<hbm>>
    %dma_start3A_249 = arith.constant 0 : i32
    %dma_start3A_250 = tpu.memref_slice %arg6[%add3A_243, %dma_start3A_249] : memref<2048x768xf32, #tpu.memory_space<hbm>> -> memref<16x768xf32, #tpu.memory_space<hbm>>
    %dma_start3A_251 = arith.constant 16 : i32
    %dma_start3A_252 = arith.constant 0 : i32
    %dma_start3A_253 = tpu.memref_slice %arg14[%dma_start3A_251, %dma_start3A_252] : memref<64x768xf32, #tpu.memory_space<vmem>> -> memref<16x768xf32, #tpu.memory_space<vmem>>
    tpu.enqueue_dma source(%dma_start3A_253 : memref<16x768xf32, #tpu.memory_space<vmem>>) target(%dma_start3A_250 : memref<16x768xf32, #tpu.memory_space<hbm>>) target_semaphore(%arg25 : memref<!tpu.dma_semaphore, #tpu.memory_space<semaphore_mem>>)
    %dma_wait3A_254 = arith.constant 32 : i32
    %dma_wait3A_255 = arith.constant 0 : i32
    %dma_wait3A_256 = tpu.memref_slice %arg14[%dma_wait3A_254, %dma_wait3A_255] : memref<64x768xf32, #tpu.memory_space<vmem>> -> memref<16x768xf32, #tpu.memory_space<vmem>>
    %dma_wait3A_257 = arith.constant 32 : i32
    %dma_wait3A_258 = tpu.memref_slice %arg10[%dma_wait3A_257] : memref<64xi32, #tpu.memory_space<vmem>> -> memref<16xi32, #tpu.memory_space<vmem>>
    %dma_wait3A_259 = arith.constant 0 : i32
    %dma_wait3A_260 = arith.constant 0 : i32
    %dma_wait3A_261 = tpu.memref_slice %arg2[%dma_wait3A_259, %dma_wait3A_260] : memref<260x768xf32, #tpu.memory_space<hbm>> -> memref<260x768xf32, #tpu.memory_space<hbm>>
    tpu.wait_indirect_dma semaphore(%arg22 : memref<!tpu.dma_semaphore, #tpu.memory_space<semaphore_mem>>) src(%dma_wait3A_261 : memref<260x768xf32, #tpu.memory_space<hbm>>) dst(%dma_wait3A_256 : memref<16x768xf32, #tpu.memory_space<vmem>>)
    %dma_wait3A_262 = arith.constant 32 : i32
    %dma_wait3A_263 = arith.constant 0 : i32
    %dma_wait3A_264 = tpu.memref_slice %arg13[%dma_wait3A_262, %dma_wait3A_263] : memref<64x768xf32, #tpu.memory_space<vmem>> -> memref<16x768xf32, #tpu.memory_space<vmem>>
    %dma_wait3A_265 = arith.constant 32 : i32
    %dma_wait3A_266 = tpu.memref_slice %arg9[%dma_wait3A_265] : memref<64xi32, #tpu.memory_space<vmem>> -> memref<16xi32, #tpu.memory_space<vmem>>
    %dma_wait3A_267 = arith.constant 0 : i32
    %dma_wait3A_268 = arith.constant 0 : i32
    %dma_wait3A_269 = tpu.memref_slice %arg2[%dma_wait3A_267, %dma_wait3A_268] : memref<260x768xf32, #tpu.memory_space<hbm>> -> memref<260x768xf32, #tpu.memory_space<hbm>>
    tpu.wait_indirect_dma semaphore(%arg18 : memref<!tpu.dma_semaphore, #tpu.memory_space<semaphore_mem>>) src(%dma_wait3A_269 : memref<260x768xf32, #tpu.memory_space<hbm>>) dst(%dma_wait3A_264 : memref<16x768xf32, #tpu.memory_space<vmem>>)
    %scan3A_270 = arith.constant 0 : i32
    %scan3A_271 = arith.constant 0 : i32
    %scan3A_272 = arith.constant 16 : i32
    %scan3A_273 = arith.addi %scan3A_271, %scan3A_272 : i32
    %scan3A_274 = arith.constant 1 : i32
    scf.for %scan3A_362 = %scan3A_271 to %scan3A_273 step %scan3A_274  : i32 {
      %add3A_363 = arith.constant 32 : i32
      %add3A_364 = arith.addi %add3A_363, %scan3A_362 : i32
      %get3A_365 = arith.index_cast %add3A_364 : i32 to index
      %get3A_366 = arith.constant 0 : index
      %get3A_367 = tpu.vector_load %arg12[%get3A_365, %get3A_366] {strides = array<i32>} : memref<64x128xf32, #tpu.memory_space<vmem>>, vector<1x16xf32>,
      %get3A_368 = vector.shape_cast %get3A_367 : vector<1x16xf32> to vector<16xf32>
      %get3A_369 = arith.index_cast %add3A_364 : i32 to index
      %get3A_370 = arith.constant 0 : index
      %get3A_371 = tpu.vector_load %arg14[%get3A_369, %get3A_370] {strides = array<i32>} : memref<64x768xf32, #tpu.memory_space<vmem>>, vector<1x16xf32>,
      %get3A_372 = vector.shape_cast %get3A_371 : vector<1x16xf32> to vector<16xf32>
      %get3A_373 = arith.index_cast %add3A_364 : i32 to index
      %get3A_374 = arith.constant 0 : index
      %get3A_375 = tpu.vector_load %arg13[%get3A_373, %get3A_374] {strides = array<i32>} : memref<64x768xf32, #tpu.memory_space<vmem>>, vector<1x16xf32>,
      %get3A_376 = vector.shape_cast %get3A_375 : vector<1x16xf32> to vector<16xf32>
      %sub3A_377 = arith.subf %get3A_372, %get3A_376 : vector<16xf32>
      %mul3A_378 = arith.mulf %sub3A_377, %get3A_368 : vector<16xf32>
      %swap3A_379 = arith.index_cast %add3A_364 : i32 to index
      %swap3A_380 = arith.constant 0 : index
      %swap3A_381 = tpu.vector_load %arg14[%swap3A_379, %swap3A_380] {strides = array<i32>} : memref<64x768xf32, #tpu.memory_space<vmem>>, vector<1x16xf32>,
      %swap3A_382 = vector.shape_cast %swap3A_381 : vector<1x16xf32> to vector<16xf32>
      %swap3A_383 = vector.shape_cast %mul3A_378 : vector<16xf32> to vector<1x16xf32>
      tpu.vector_store %arg14[%swap3A_379, %swap3A_380], %swap3A_383 {strides = array<i32>} : memref<64x768xf32, #tpu.memory_space<vmem>>, vector<1x16xf32>,
      %get3A_384 = arith.index_cast %add3A_364 : i32 to index
      %get3A_385 = arith.constant 16 : index
      %get3A_386 = tpu.vector_load %arg14[%get3A_384, %get3A_385] {strides = array<i32>} : memref<64x768xf32, #tpu.memory_space<vmem>>, vector<1x16xf32>,
      %get3A_387 = vector.shape_cast %get3A_386 : vector<1x16xf32> to vector<16xf32>
      %get3A_388 = arith.index_cast %add3A_364 : i32 to index
      %get3A_389 = arith.constant 16 : index
      %get3A_390 = tpu.vector_load %arg13[%get3A_388, %get3A_389] {strides = array<i32>} : memref<64x768xf32, #tpu.memory_space<vmem>>, vector<1x16xf32>,
      %get3A_391 = vector.shape_cast %get3A_390 : vector<1x16xf32> to vector<16xf32>
      %sub3A_392 = arith.subf %get3A_387, %get3A_391 : vector<16xf32>
      %mul3A_393 = arith.mulf %sub3A_392, %get3A_368 : vector<16xf32>
      %swap3A_394 = arith.index_cast %add3A_364 : i32 to index
      %swap3A_395 = arith.constant 16 : index
      %swap3A_396 = tpu.vector_load %arg14[%swap3A_394, %swap3A_395] {strides = array<i32>} : memref<64x768xf32, #tpu.memory_space<vmem>>, vector<1x16xf32>,
      %swap3A_397 = vector.shape_cast %swap3A_396 : vector<1x16xf32> to vector<16xf32>
      %swap3A_398 = vector.shape_cast %mul3A_393 : vector<16xf32> to vector<1x16xf32>
      tpu.vector_store %arg14[%swap3A_394, %swap3A_395], %swap3A_398 {strides = array<i32>} : memref<64x768xf32, #tpu.memory_space<vmem>>, vector<1x16xf32>,
      %get3A_399 = arith.index_cast %add3A_364 : i32 to index
      %get3A_400 = arith.constant 32 : index
      %get3A_401 = tpu.vector_load %arg14[%get3A_399, %get3A_400] {strides = array<i32>} : memref<64x768xf32, #tpu.memory_space<vmem>>, vector<1x16xf32>,
      %get3A_402 = vector.shape_cast %get3A_401 : vector<1x16xf32> to vector<16xf32>
      %get3A_403 = arith.index_cast %add3A_364 : i32 to index
      %get3A_404 = arith.constant 32 : index
      %get3A_405 = tpu.vector_load %arg13[%get3A_403, %get3A_404] {strides = array<i32>} : memref<64x768xf32, #tpu.memory_space<vmem>>, vector<1x16xf32>,
      %get3A_406 = vector.shape_cast %get3A_405 : vector<1x16xf32> to vector<16xf32>
      %sub3A_407 = arith.subf %get3A_402, %get3A_406 : vector<16xf32>
      %mul3A_408 = arith.mulf %sub3A_407, %get3A_368 : vector<16xf32>
      %swap3A_409 = arith.index_cast %add3A_364 : i32 to index
      %swap3A_410 = arith.constant 32 : index
      %swap3A_411 = tpu.vector_load %arg14[%swap3A_409, %swap3A_410] {strides = array<i32>} : memref<64x768xf32, #tpu.memory_space<vmem>>, vector<1x16xf32>,
      %swap3A_412 = vector.shape_cast %swap3A_411 : vector<1x16xf32> to vector<16xf32>
      %swap3A_413 = vector.shape_cast %mul3A_408 : vector<16xf32> to vector<1x16xf32>
      tpu.vector_store %arg14[%swap3A_409, %swap3A_410], %swap3A_413 {strides = array<i32>} : memref<64x768xf32, #tpu.memory_space<vmem>>, vector<1x16xf32>,
      %get3A_414 = arith.index_cast %add3A_364 : i32 to index
      %get3A_415 = arith.constant 48 : index
      %get3A_416 = tpu.vector_load %arg14[%get3A_414, %get3A_415] {strides = array<i32>} : memref<64x768xf32, #tpu.memory_space<vmem>>, vector<1x16xf32>,
      %get3A_417 = vector.shape_cast %get3A_416 : vector<1x16xf32> to vector<16xf32>
      %get3A_418 = arith.index_cast %add3A_364 : i32 to index
      %get3A_419 = arith.constant 48 : index
      %get3A_420 = tpu.vector_load %arg13[%get3A_418, %get3A_419] {strides = array<i32>} : memref<64x768xf32, #tpu.memory_space<vmem>>, vector<1x16xf32>,
      %get3A_421 = vector.shape_cast %get3A_420 : vector<1x16xf32> to vector<16xf32>
      %sub3A_422 = arith.subf %get3A_417, %get3A_421 : vector<16xf32>
      %mul3A_423 = arith.mulf %sub3A_422, %get3A_368 : vector<16xf32>
      %swap3A_424 = arith.index_cast %add3A_364 : i32 to index
      %swap3A_425 = arith.constant 48 : index
      %swap3A_426 = tpu.vector_load %arg14[%swap3A_424, %swap3A_425] {strides = array<i32>} : memref<64x768xf32, #tpu.memory_space<vmem>>, vector<1x16xf32>,
      %swap3A_427 = vector.shape_cast %swap3A_426 : vector<1x16xf32> to vector<16xf32>
      %swap3A_428 = vector.shape_cast %mul3A_423 : vector<16xf32> to vector<1x16xf32>
      tpu.vector_store %arg14[%swap3A_424, %swap3A_425], %swap3A_428 {strides = array<i32>} : memref<64x768xf32, #tpu.memory_space<vmem>>, vector<1x16xf32>,
      %get3A_429 = arith.index_cast %add3A_364 : i32 to index
      %get3A_430 = arith.constant 64 : index
      %get3A_431 = tpu.vector_load %arg14[%get3A_429, %get3A_430] {strides = array<i32>} : memref<64x768xf32, #tpu.memory_space<vmem>>, vector<1x16xf32>,
      %get3A_432 = vector.shape_cast %get3A_431 : vector<1x16xf32> to vector<16xf32>
      %get3A_433 = arith.index_cast %add3A_364 : i32 to index
      %get3A_434 = arith.constant 64 : index
      %get3A_435 = tpu.vector_load %arg13[%get3A_433, %get3A_434] {strides = array<i32>} : memref<64x768xf32, #tpu.memory_space<vmem>>, vector<1x16xf32>,
      %get3A_436 = vector.shape_cast %get3A_435 : vector<1x16xf32> to vector<16xf32>
      %sub3A_437 = arith.subf %get3A_432, %get3A_436 : vector<16xf32>
      %mul3A_438 = arith.mulf %sub3A_437, %get3A_368 : vector<16xf32>
      %swap3A_439 = arith.index_cast %add3A_364 : i32 to index
      %swap3A_440 = arith.constant 64 : index
      %swap3A_441 = tpu.vector_load %arg14[%swap3A_439, %swap3A_440] {strides = array<i32>} : memref<64x768xf32, #tpu.memory_space<vmem>>, vector<1x16xf32>,
      %swap3A_442 = vector.shape_cast %swap3A_441 : vector<1x16xf32> to vector<16xf32>
      %swap3A_443 = vector.shape_cast %mul3A_438 : vector<16xf32> to vector<1x16xf32>
      tpu.vector_store %arg14[%swap3A_439, %swap3A_440], %swap3A_443 {strides = array<i32>} : memref<64x768xf32, #tpu.memory_space<vmem>>, vector<1x16xf32>,
      %get3A_444 = arith.index_cast %add3A_364 : i32 to index
      %get3A_445 = arith.constant 80 : index
      %get3A_446 = tpu.vector_load %arg14[%get3A_444, %get3A_445] {strides = array<i32>} : memref<64x768xf32, #tpu.memory_space<vmem>>, vector<1x16xf32>,
      %get3A_447 = vector.shape_cast %get3A_446 : vector<1x16xf32> to vector<16xf32>
      %get3A_448 = arith.index_cast %add3A_364 : i32 to index
      %get3A_449 = arith.constant 80 : index
      %get3A_450 = tpu.vector_load %arg13[%get3A_448, %get3A_449] {strides = array<i32>} : memref<64x768xf32, #tpu.memory_space<vmem>>, vector<1x16xf32>,
      %get3A_451 = vector.shape_cast %get3A_450 : vector<1x16xf32> to vector<16xf32>
      %sub3A_452 = arith.subf %get3A_447, %get3A_451 : vector<16xf32>
      %mul3A_453 = arith.mulf %sub3A_452, %get3A_368 : vector<16xf32>
      %swap3A_454 = arith.index_cast %add3A_364 : i32 to index
      %swap3A_455 = arith.constant 80 : index
      %swap3A_456 = tpu.vector_load %arg14[%swap3A_454, %swap3A_455] {strides = array<i32>} : memref<64x768xf32, #tpu.memory_space<vmem>>, vector<1x16xf32>,
      %swap3A_457 = vector.shape_cast %swap3A_456 : vector<1x16xf32> to vector<16xf32>
      %swap3A_458 = vector.shape_cast %mul3A_453 : vector<16xf32> to vector<1x16xf32>
      tpu.vector_store %arg14[%swap3A_454, %swap3A_455], %swap3A_458 {strides = array<i32>} : memref<64x768xf32, #tpu.memory_space<vmem>>, vector<1x16xf32>,
      %get3A_459 = arith.index_cast %add3A_364 : i32 to index
      %get3A_460 = arith.constant 96 : index
      %get3A_461 = tpu.vector_load %arg14[%get3A_459, %get3A_460] {strides = array<i32>} : memref<64x768xf32, #tpu.memory_space<vmem>>, vector<1x16xf32>,
      %get3A_462 = vector.shape_cast %get3A_461 : vector<1x16xf32> to vector<16xf32>
      %get3A_463 = arith.index_cast %add3A_364 : i32 to index
      %get3A_464 = arith.constant 96 : index
      %get3A_465 = tpu.vector_load %arg13[%get3A_463, %get3A_464] {strides = array<i32>} : memref<64x768xf32, #tpu.memory_space<vmem>>, vector<1x16xf32>,
      %get3A_466 = vector.shape_cast %get3A_465 : vector<1x16xf32> to vector<16xf32>
      %sub3A_467 = arith.subf %get3A_462, %get3A_466 : vector<16xf32>
      %mul3A_468 = arith.mulf %sub3A_467, %get3A_368 : vector<16xf32>
      %swap3A_469 = arith.index_cast %add3A_364 : i32 to index
      %swap3A_470 = arith.constant 96 : index
      %swap3A_471 = tpu.vector_load %arg14[%swap3A_469, %swap3A_470] {strides = array<i32>} : memref<64x768xf32, #tpu.memory_space<vmem>>, vector<1x16xf32>,
      %swap3A_472 = vector.shape_cast %swap3A_471 : vector<1x16xf32> to vector<16xf32>
      %swap3A_473 = vector.shape_cast %mul3A_468 : vector<16xf32> to vector<1x16xf32>
      tpu.vector_store %arg14[%swap3A_469, %swap3A_470], %swap3A_473 {strides = array<i32>} : memref<64x768xf32, #tpu.memory_space<vmem>>, vector<1x16xf32>,
      %get3A_474 = arith.index_cast %add3A_364 : i32 to index
      %get3A_475 = arith.constant 112 : index
      %get3A_476 = tpu.vector_load %arg14[%get3A_474, %get3A_475] {strides = array<i32>} : memref<64x768xf32, #tpu.memory_space<vmem>>, vector<1x16xf32>,
      %get3A_477 = vector.shape_cast %get3A_476 : vector<1x16xf32> to vector<16xf32>
      %get3A_478 = arith.index_cast %add3A_364 : i32 to index
      %get3A_479 = arith.constant 112 : index
      %get3A_480 = tpu.vector_load %arg13[%get3A_478, %get3A_479] {strides = array<i32>} : memref<64x768xf32, #tpu.memory_space<vmem>>, vector<1x16xf32>,
      %get3A_481 = vector.shape_cast %get3A_480 : vector<1x16xf32> to vector<16xf32>
      %sub3A_482 = arith.subf %get3A_477, %get3A_481 : vector<16xf32>
      %mul3A_483 = arith.mulf %sub3A_482, %get3A_368 : vector<16xf32>
      %swap3A_484 = arith.index_cast %add3A_364 : i32 to index
      %swap3A_485 = arith.constant 112 : index
      %swap3A_486 = tpu.vector_load %arg14[%swap3A_484, %swap3A_485] {strides = array<i32>} : memref<64x768xf32, #tpu.memory_space<vmem>>, vector<1x16xf32>,
      %swap3A_487 = vector.shape_cast %swap3A_486 : vector<1x16xf32> to vector<16xf32>
      %swap3A_488 = vector.shape_cast %mul3A_483 : vector<16xf32> to vector<1x16xf32>
      tpu.vector_store %arg14[%swap3A_484, %swap3A_485], %swap3A_488 {strides = array<i32>} : memref<64x768xf32, #tpu.memory_space<vmem>>, vector<1x16xf32>,
      %get3A_489 = arith.index_cast %add3A_364 : i32 to index
      %get3A_490 = arith.constant 128 : index
      %get3A_491 = tpu.vector_load %arg14[%get3A_489, %get3A_490] {strides = array<i32>} : memref<64x768xf32, #tpu.memory_space<vmem>>, vector<1x16xf32>,
      %get3A_492 = vector.shape_cast %get3A_491 : vector<1x16xf32> to vector<16xf32>
      %get3A_493 = arith.index_cast %add3A_364 : i32 to index
      %get3A_494 = arith.constant 128 : index
      %get3A_495 = tpu.vector_load %arg13[%get3A_493, %get3A_494] {strides = array<i32>} : memref<64x768xf32, #tpu.memory_space<vmem>>, vector<1x16xf32>,
      %get3A_496 = vector.shape_cast %get3A_495 : vector<1x16xf32> to vector<16xf32>
      %sub3A_497 = arith.subf %get3A_492, %get3A_496 : vector<16xf32>
      %mul3A_498 = arith.mulf %sub3A_497, %get3A_368 : vector<16xf32>
      %swap3A_499 = arith.index_cast %add3A_364 : i32 to index
      %swap3A_500 = arith.constant 128 : index
      %swap3A_501 = tpu.vector_load %arg14[%swap3A_499, %swap3A_500] {strides = array<i32>} : memref<64x768xf32, #tpu.memory_space<vmem>>, vector<1x16xf32>,
      %swap3A_502 = vector.shape_cast %swap3A_501 : vector<1x16xf32> to vector<16xf32>
      %swap3A_503 = vector.shape_cast %mul3A_498 : vector<16xf32> to vector<1x16xf32>
      tpu.vector_store %arg14[%swap3A_499, %swap3A_500], %swap3A_503 {strides = array<i32>} : memref<64x768xf32, #tpu.memory_space<vmem>>, vector<1x16xf32>,
      %get3A_504 = arith.index_cast %add3A_364 : i32 to index
      %get3A_505 = arith.constant 144 : index
      %get3A_506 = tpu.vector_load %arg14[%get3A_504, %get3A_505] {strides = array<i32>} : memref<64x768xf32, #tpu.memory_space<vmem>>, vector<1x16xf32>,
      %get3A_507 = vector.shape_cast %get3A_506 : vector<1x16xf32> to vector<16xf32>
      %get3A_508 = arith.index_cast %add3A_364 : i32 to index
      %get3A_509 = arith.constant 144 : index
      %get3A_510 = tpu.vector_load %arg13[%get3A_508, %get3A_509] {strides = array<i32>} : memref<64x768xf32, #tpu.memory_space<vmem>>, vector<1x16xf32>,
      %get3A_511 = vector.shape_cast %get3A_510 : vector<1x16xf32> to vector<16xf32>
      %sub3A_512 = arith.subf %get3A_507, %get3A_511 : vector<16xf32>
      %mul3A_513 = arith.mulf %sub3A_512, %get3A_368 : vector<16xf32>
      %swap3A_514 = arith.index_cast %add3A_364 : i32 to index
      %swap3A_515 = arith.constant 144 : index
      %swap3A_516 = tpu.vector_load %arg14[%swap3A_514, %swap3A_515] {strides = array<i32>} : memref<64x768xf32, #tpu.memory_space<vmem>>, vector<1x16xf32>,
      %swap3A_517 = vector.shape_cast %swap3A_516 : vector<1x16xf32> to vector<16xf32>
      %swap3A_518 = vector.shape_cast %mul3A_513 : vector<16xf32> to vector<1x16xf32>
      tpu.vector_store %arg14[%swap3A_514, %swap3A_515], %swap3A_518 {strides = array<i32>} : memref<64x768xf32, #tpu.memory_space<vmem>>, vector<1x16xf32>,
      %get3A_519 = arith.index_cast %add3A_364 : i32 to index
      %get3A_520 = arith.constant 160 : index
      %get3A_521 = tpu.vector_load %arg14[%get3A_519, %get3A_520] {strides = array<i32>} : memref<64x768xf32, #tpu.memory_space<vmem>>, vector<1x16xf32>,
      %get3A_522 = vector.shape_cast %get3A_521 : vector<1x16xf32> to vector<16xf32>
      %get3A_523 = arith.index_cast %add3A_364 : i32 to index
      %get3A_524 = arith.constant 160 : index
      %get3A_525 = tpu.vector_load %arg13[%get3A_523, %get3A_524] {strides = array<i32>} : memref<64x768xf32, #tpu.memory_space<vmem>>, vector<1x16xf32>,
      %get3A_526 = vector.shape_cast %get3A_525 : vector<1x16xf32> to vector<16xf32>
      %sub3A_527 = arith.subf %get3A_522, %get3A_526 : vector<16xf32>
      %mul3A_528 = arith.mulf %sub3A_527, %get3A_368 : vector<16xf32>
      %swap3A_529 = arith.index_cast %add3A_364 : i32 to index
      %swap3A_530 = arith.constant 160 : index
      %swap3A_531 = tpu.vector_load %arg14[%swap3A_529, %swap3A_530] {strides = array<i32>} : memref<64x768xf32, #tpu.memory_space<vmem>>, vector<1x16xf32>,
      %swap3A_532 = vector.shape_cast %swap3A_531 : vector<1x16xf32> to vector<16xf32>
      %swap3A_533 = vector.shape_cast %mul3A_528 : vector<16xf32> to vector<1x16xf32>
      tpu.vector_store %arg14[%swap3A_529, %swap3A_530], %swap3A_533 {strides = array<i32>} : memref<64x768xf32, #tpu.memory_space<vmem>>, vector<1x16xf32>,
      %get3A_534 = arith.index_cast %add3A_364 : i32 to index
      %get3A_535 = arith.constant 176 : index
      %get3A_536 = tpu.vector_load %arg14[%get3A_534, %get3A_535] {strides = array<i32>} : memref<64x768xf32, #tpu.memory_space<vmem>>, vector<1x16xf32>,
      %get3A_537 = vector.shape_cast %get3A_536 : vector<1x16xf32> to vector<16xf32>
      %get3A_538 = arith.index_cast %add3A_364 : i32 to index
      %get3A_539 = arith.constant 176 : index
      %get3A_540 = tpu.vector_load %arg13[%get3A_538, %get3A_539] {strides = array<i32>} : memref<64x768xf32, #tpu.memory_space<vmem>>, vector<1x16xf32>,
      %get3A_541 = vector.shape_cast %get3A_540 : vector<1x16xf32> to vector<16xf32>
      %sub3A_542 = arith.subf %get3A_537, %get3A_541 : vector<16xf32>
      %mul3A_543 = arith.mulf %sub3A_542, %get3A_368 : vector<16xf32>
      %swap3A_544 = arith.index_cast %add3A_364 : i32 to index
      %swap3A_545 = arith.constant 176 : index
      %swap3A_546 = tpu.vector_load %arg14[%swap3A_544, %swap3A_545] {strides = array<i32>} : memref<64x768xf32, #tpu.memory_space<vmem>>, vector<1x16xf32>,
      %swap3A_547 = vector.shape_cast %swap3A_546 : vector<1x16xf32> to vector<16xf32>
      %swap3A_548 = vector.shape_cast %mul3A_543 : vector<16xf32> to vector<1x16xf32>
      tpu.vector_store %arg14[%swap3A_544, %swap3A_545], %swap3A_548 {strides = array<i32>} : memref<64x768xf32, #tpu.memory_space<vmem>>, vector<1x16xf32>,
      %get3A_549 = arith.index_cast %add3A_364 : i32 to index
      %get3A_550 = arith.constant 192 : index
      %get3A_551 = tpu.vector_load %arg14[%get3A_549, %get3A_550] {strides = array<i32>} : memref<64x768xf32, #tpu.memory_space<vmem>>, vector<1x16xf32>,
      %get3A_552 = vector.shape_cast %get3A_551 : vector<1x16xf32> to vector<16xf32>
      %get3A_553 = arith.index_cast %add3A_364 : i32 to index
      %get3A_554 = arith.constant 192 : index
      %get3A_555 = tpu.vector_load %arg13[%get3A_553, %get3A_554] {strides = array<i32>} : memref<64x768xf32, #tpu.memory_space<vmem>>, vector<1x16xf32>,
      %get3A_556 = vector.shape_cast %get3A_555 : vector<1x16xf32> to vector<16xf32>
      %sub3A_557 = arith.subf %get3A_552, %get3A_556 : vector<16xf32>
      %mul3A_558 = arith.mulf %sub3A_557, %get3A_368 : vector<16xf32>
      %swap3A_559 = arith.index_cast %add3A_364 : i32 to index
      %swap3A_560 = arith.constant 192 : index
      %swap3A_561 = tpu.vector_load %arg14[%swap3A_559, %swap3A_560] {strides = array<i32>} : memref<64x768xf32, #tpu.memory_space<vmem>>, vector<1x16xf32>,
      %swap3A_562 = vector.shape_cast %swap3A_561 : vector<1x16xf32> to vector<16xf32>
      %swap3A_563 = vector.shape_cast %mul3A_558 : vector<16xf32> to vector<1x16xf32>
      tpu.vector_store %arg14[%swap3A_559, %swap3A_560], %swap3A_563 {strides = array<i32>} : memref<64x768xf32, #tpu.memory_space<vmem>>, vector<1x16xf32>,
      %get3A_564 = arith.index_cast %add3A_364 : i32 to index
      %get3A_565 = arith.constant 208 : index
      %get3A_566 = tpu.vector_load %arg14[%get3A_564, %get3A_565] {strides = array<i32>} : memref<64x768xf32, #tpu.memory_space<vmem>>, vector<1x16xf32>,
      %get3A_567 = vector.shape_cast %get3A_566 : vector<1x16xf32> to vector<16xf32>
      %get3A_568 = arith.index_cast %add3A_364 : i32 to index
      %get3A_569 = arith.constant 208 : index
      %get3A_570 = tpu.vector_load %arg13[%get3A_568, %get3A_569] {strides = array<i32>} : memref<64x768xf32, #tpu.memory_space<vmem>>, vector<1x16xf32>,
      %get3A_571 = vector.shape_cast %get3A_570 : vector<1x16xf32> to vector<16xf32>
      %sub3A_572 = arith.subf %get3A_567, %get3A_571 : vector<16xf32>
      %mul3A_573 = arith.mulf %sub3A_572, %get3A_368 : vector<16xf32>
      %swap3A_574 = arith.index_cast %add3A_364 : i32 to index
      %swap3A_575 = arith.constant 208 : index
      %swap3A_576 = tpu.vector_load %arg14[%swap3A_574, %swap3A_575] {strides = array<i32>} : memref<64x768xf32, #tpu.memory_space<vmem>>, vector<1x16xf32>,
      %swap3A_577 = vector.shape_cast %swap3A_576 : vector<1x16xf32> to vector<16xf32>
      %swap3A_578 = vector.shape_cast %mul3A_573 : vector<16xf32> to vector<1x16xf32>
      tpu.vector_store %arg14[%swap3A_574, %swap3A_575], %swap3A_578 {strides = array<i32>} : memref<64x768xf32, #tpu.memory_space<vmem>>, vector<1x16xf32>,
      %get3A_579 = arith.index_cast %add3A_364 : i32 to index
      %get3A_580 = arith.constant 224 : index
      %get3A_581 = tpu.vector_load %arg14[%get3A_579, %get3A_580] {strides = array<i32>} : memref<64x768xf32, #tpu.memory_space<vmem>>, vector<1x16xf32>,
      %get3A_582 = vector.shape_cast %get3A_581 : vector<1x16xf32> to vector<16xf32>
      %get3A_583 = arith.index_cast %add3A_364 : i32 to index
      %get3A_584 = arith.constant 224 : index
      %get3A_585 = tpu.vector_load %arg13[%get3A_583, %get3A_584] {strides = array<i32>} : memref<64x768xf32, #tpu.memory_space<vmem>>, vector<1x16xf32>,
      %get3A_586 = vector.shape_cast %get3A_585 : vector<1x16xf32> to vector<16xf32>
      %sub3A_587 = arith.subf %get3A_582, %get3A_586 : vector<16xf32>
      %mul3A_588 = arith.mulf %sub3A_587, %get3A_368 : vector<16xf32>
      %swap3A_589 = arith.index_cast %add3A_364 : i32 to index
      %swap3A_590 = arith.constant 224 : index
      %swap3A_591 = tpu.vector_load %arg14[%swap3A_589, %swap3A_590] {strides = array<i32>} : memref<64x768xf32, #tpu.memory_space<vmem>>, vector<1x16xf32>,
      %swap3A_592 = vector.shape_cast %swap3A_591 : vector<1x16xf32> to vector<16xf32>
      %swap3A_593 = vector.shape_cast %mul3A_588 : vector<16xf32> to vector<1x16xf32>
      tpu.vector_store %arg14[%swap3A_589, %swap3A_590], %swap3A_593 {strides = array<i32>} : memref<64x768xf32, #tpu.memory_space<vmem>>, vector<1x16xf32>,
      %get3A_594 = arith.index_cast %add3A_364 : i32 to index
      %get3A_595 = arith.constant 240 : index
      %get3A_596 = tpu.vector_load %arg14[%get3A_594, %get3A_595] {strides = array<i32>} : memref<64x768xf32, #tpu.memory_space<vmem>>, vector<1x16xf32>,
      %get3A_597 = vector.shape_cast %get3A_596 : vector<1x16xf32> to vector<16xf32>
      %get3A_598 = arith.index_cast %add3A_364 : i32 to index
      %get3A_599 = arith.constant 240 : index
      %get3A_600 = tpu.vector_load %arg13[%get3A_598, %get3A_599] {strides = array<i32>} : memref<64x768xf32, #tpu.memory_space<vmem>>, vector<1x16xf32>,
      %get3A_601 = vector.shape_cast %get3A_600 : vector<1x16xf32> to vector<16xf32>
      %sub3A_602 = arith.subf %get3A_597, %get3A_601 : vector<16xf32>
      %mul3A_603 = arith.mulf %sub3A_602, %get3A_368 : vector<16xf32>
      %swap3A_604 = arith.index_cast %add3A_364 : i32 to index
      %swap3A_605 = arith.constant 240 : index
      %swap3A_606 = tpu.vector_load %arg14[%swap3A_604, %swap3A_605] {strides = array<i32>} : memref<64x768xf32, #tpu.memory_space<vmem>>, vector<1x16xf32>,
      %swap3A_607 = vector.shape_cast %swap3A_606 : vector<1x16xf32> to vector<16xf32>
      %swap3A_608 = vector.shape_cast %mul3A_603 : vector<16xf32> to vector<1x16xf32>
      tpu.vector_store %arg14[%swap3A_604, %swap3A_605], %swap3A_608 {strides = array<i32>} : memref<64x768xf32, #tpu.memory_space<vmem>>, vector<1x16xf32>,
      %get3A_609 = arith.index_cast %add3A_364 : i32 to index
      %get3A_610 = arith.constant 256 : index
      %get3A_611 = tpu.vector_load %arg14[%get3A_609, %get3A_610] {strides = array<i32>} : memref<64x768xf32, #tpu.memory_space<vmem>>, vector<1x16xf32>,
      %get3A_612 = vector.shape_cast %get3A_611 : vector<1x16xf32> to vector<16xf32>
      %get3A_613 = arith.index_cast %add3A_364 : i32 to index
      %get3A_614 = arith.constant 256 : index
      %get3A_615 = tpu.vector_load %arg13[%get3A_613, %get3A_614] {strides = array<i32>} : memref<64x768xf32, #tpu.memory_space<vmem>>, vector<1x16xf32>,
      %get3A_616 = vector.shape_cast %get3A_615 : vector<1x16xf32> to vector<16xf32>
      %sub3A_617 = arith.subf %get3A_612, %get3A_616 : vector<16xf32>
      %mul3A_618 = arith.mulf %sub3A_617, %get3A_368 : vector<16xf32>
      %swap3A_619 = arith.index_cast %add3A_364 : i32 to index
      %swap3A_620 = arith.constant 256 : index
      %swap3A_621 = tpu.vector_load %arg14[%swap3A_619, %swap3A_620] {strides = array<i32>} : memref<64x768xf32, #tpu.memory_space<vmem>>, vector<1x16xf32>,
      %swap3A_622 = vector.shape_cast %swap3A_621 : vector<1x16xf32> to vector<16xf32>
      %swap3A_623 = vector.shape_cast %mul3A_618 : vector<16xf32> to vector<1x16xf32>
      tpu.vector_store %arg14[%swap3A_619, %swap3A_620], %swap3A_623 {strides = array<i32>} : memref<64x768xf32, #tpu.memory_space<vmem>>, vector<1x16xf32>,
      %get3A_624 = arith.index_cast %add3A_364 : i32 to index
      %get3A_625 = arith.constant 272 : index
      %get3A_626 = tpu.vector_load %arg14[%get3A_624, %get3A_625] {strides = array<i32>} : memref<64x768xf32, #tpu.memory_space<vmem>>, vector<1x16xf32>,
      %get3A_627 = vector.shape_cast %get3A_626 : vector<1x16xf32> to vector<16xf32>
      %get3A_628 = arith.index_cast %add3A_364 : i32 to index
      %get3A_629 = arith.constant 272 : index
      %get3A_630 = tpu.vector_load %arg13[%get3A_628, %get3A_629] {strides = array<i32>} : memref<64x768xf32, #tpu.memory_space<vmem>>, vector<1x16xf32>,
      %get3A_631 = vector.shape_cast %get3A_630 : vector<1x16xf32> to vector<16xf32>
      %sub3A_632 = arith.subf %get3A_627, %get3A_631 : vector<16xf32>
      %mul3A_633 = arith.mulf %sub3A_632, %get3A_368 : vector<16xf32>
      %swap3A_634 = arith.index_cast %add3A_364 : i32 to index
      %swap3A_635 = arith.constant 272 : index
      %swap3A_636 = tpu.vector_load %arg14[%swap3A_634, %swap3A_635] {strides = array<i32>} : memref<64x768xf32, #tpu.memory_space<vmem>>, vector<1x16xf32>,
      %swap3A_637 = vector.shape_cast %swap3A_636 : vector<1x16xf32> to vector<16xf32>
      %swap3A_638 = vector.shape_cast %mul3A_633 : vector<16xf32> to vector<1x16xf32>
      tpu.vector_store %arg14[%swap3A_634, %swap3A_635], %swap3A_638 {strides = array<i32>} : memref<64x768xf32, #tpu.memory_space<vmem>>, vector<1x16xf32>,
      %get3A_639 = arith.index_cast %add3A_364 : i32 to index
      %get3A_640 = arith.constant 288 : index
      %get3A_641 = tpu.vector_load %arg14[%get3A_639, %get3A_640] {strides = array<i32>} : memref<64x768xf32, #tpu.memory_space<vmem>>, vector<1x16xf32>,
      %get3A_642 = vector.shape_cast %get3A_641 : vector<1x16xf32> to vector<16xf32>
      %get3A_643 = arith.index_cast %add3A_364 : i32 to index
      %get3A_644 = arith.constant 288 : index
      %get3A_645 = tpu.vector_load %arg13[%get3A_643, %get3A_644] {strides = array<i32>} : memref<64x768xf32, #tpu.memory_space<vmem>>, vector<1x16xf32>,
      %get3A_646 = vector.shape_cast %get3A_645 : vector<1x16xf32> to vector<16xf32>
      %sub3A_647 = arith.subf %get3A_642, %get3A_646 : vector<16xf32>
      %mul3A_648 = arith.mulf %sub3A_647, %get3A_368 : vector<16xf32>
      %swap3A_649 = arith.index_cast %add3A_364 : i32 to index
      %swap3A_650 = arith.constant 288 : index
      %swap3A_651 = tpu.vector_load %arg14[%swap3A_649, %swap3A_650] {strides = array<i32>} : memref<64x768xf32, #tpu.memory_space<vmem>>, vector<1x16xf32>,
      %swap3A_652 = vector.shape_cast %swap3A_651 : vector<1x16xf32> to vector<16xf32>
      %swap3A_653 = vector.shape_cast %mul3A_648 : vector<16xf32> to vector<1x16xf32>
      tpu.vector_store %arg14[%swap3A_649, %swap3A_650], %swap3A_653 {strides = array<i32>} : memref<64x768xf32, #tpu.memory_space<vmem>>, vector<1x16xf32>,
      %get3A_654 = arith.index_cast %add3A_364 : i32 to index
      %get3A_655 = arith.constant 304 : index
      %get3A_656 = tpu.vector_load %arg14[%get3A_654, %get3A_655] {strides = array<i32>} : memref<64x768xf32, #tpu.memory_space<vmem>>, vector<1x16xf32>,
      %get3A_657 = vector.shape_cast %get3A_656 : vector<1x16xf32> to vector<16xf32>
      %get3A_658 = arith.index_cast %add3A_364 : i32 to index
      %get3A_659 = arith.constant 304 : index
      %get3A_660 = tpu.vector_load %arg13[%get3A_658, %get3A_659] {strides = array<i32>} : memref<64x768xf32, #tpu.memory_space<vmem>>, vector<1x16xf32>,
      %get3A_661 = vector.shape_cast %get3A_660 : vector<1x16xf32> to vector<16xf32>
      %sub3A_662 = arith.subf %get3A_657, %get3A_661 : vector<16xf32>
      %mul3A_663 = arith.mulf %sub3A_662, %get3A_368 : vector<16xf32>
      %swap3A_664 = arith.index_cast %add3A_364 : i32 to index
      %swap3A_665 = arith.constant 304 : index
      %swap3A_666 = tpu.vector_load %arg14[%swap3A_664, %swap3A_665] {strides = array<i32>} : memref<64x768xf32, #tpu.memory_space<vmem>>, vector<1x16xf32>,
      %swap3A_667 = vector.shape_cast %swap3A_666 : vector<1x16xf32> to vector<16xf32>
      %swap3A_668 = vector.shape_cast %mul3A_663 : vector<16xf32> to vector<1x16xf32>
      tpu.vector_store %arg14[%swap3A_664, %swap3A_665], %swap3A_668 {strides = array<i32>} : memref<64x768xf32, #tpu.memory_space<vmem>>, vector<1x16xf32>,
      %get3A_669 = arith.index_cast %add3A_364 : i32 to index
      %get3A_670 = arith.constant 320 : index
      %get3A_671 = tpu.vector_load %arg14[%get3A_669, %get3A_670] {strides = array<i32>} : memref<64x768xf32, #tpu.memory_space<vmem>>, vector<1x16xf32>,
      %get3A_672 = vector.shape_cast %get3A_671 : vector<1x16xf32> to vector<16xf32>
      %get3A_673 = arith.index_cast %add3A_364 : i32 to index
      %get3A_674 = arith.constant 320 : index
      %get3A_675 = tpu.vector_load %arg13[%get3A_673, %get3A_674] {strides = array<i32>} : memref<64x768xf32, #tpu.memory_space<vmem>>, vector<1x16xf32>,
      %get3A_676 = vector.shape_cast %get3A_675 : vector<1x16xf32> to vector<16xf32>
      %sub3A_677 = arith.subf %get3A_672, %get3A_676 : vector<16xf32>
      %mul3A_678 = arith.mulf %sub3A_677, %get3A_368 : vector<16xf32>
      %swap3A_679 = arith.index_cast %add3A_364 : i32 to index
      %swap3A_680 = arith.constant 320 : index
      %swap3A_681 = tpu.vector_load %arg14[%swap3A_679, %swap3A_680] {strides = array<i32>} : memref<64x768xf32, #tpu.memory_space<vmem>>, vector<1x16xf32>,
      %swap3A_682 = vector.shape_cast %swap3A_681 : vector<1x16xf32> to vector<16xf32>
      %swap3A_683 = vector.shape_cast %mul3A_678 : vector<16xf32> to vector<1x16xf32>
      tpu.vector_store %arg14[%swap3A_679, %swap3A_680], %swap3A_683 {strides = array<i32>} : memref<64x768xf32, #tpu.memory_space<vmem>>, vector<1x16xf32>,
      %get3A_684 = arith.index_cast %add3A_364 : i32 to index
      %get3A_685 = arith.constant 336 : index
      %get3A_686 = tpu.vector_load %arg14[%get3A_684, %get3A_685] {strides = array<i32>} : memref<64x768xf32, #tpu.memory_space<vmem>>, vector<1x16xf32>,
      %get3A_687 = vector.shape_cast %get3A_686 : vector<1x16xf32> to vector<16xf32>
      %get3A_688 = arith.index_cast %add3A_364 : i32 to index
      %get3A_689 = arith.constant 336 : index
      %get3A_690 = tpu.vector_load %arg13[%get3A_688, %get3A_689] {strides = array<i32>} : memref<64x768xf32, #tpu.memory_space<vmem>>, vector<1x16xf32>,
      %get3A_691 = vector.shape_cast %get3A_690 : vector<1x16xf32> to vector<16xf32>
      %sub3A_692 = arith.subf %get3A_687, %get3A_691 : vector<16xf32>
      %mul3A_693 = arith.mulf %sub3A_692, %get3A_368 : vector<16xf32>
      %swap3A_694 = arith.index_cast %add3A_364 : i32 to index
      %swap3A_695 = arith.constant 336 : index
      %swap3A_696 = tpu.vector_load %arg14[%swap3A_694, %swap3A_695] {strides = array<i32>} : memref<64x768xf32, #tpu.memory_space<vmem>>, vector<1x16xf32>,
      %swap3A_697 = vector.shape_cast %swap3A_696 : vector<1x16xf32> to vector<16xf32>
      %swap3A_698 = vector.shape_cast %mul3A_693 : vector<16xf32> to vector<1x16xf32>
      tpu.vector_store %arg14[%swap3A_694, %swap3A_695], %swap3A_698 {strides = array<i32>} : memref<64x768xf32, #tpu.memory_space<vmem>>, vector<1x16xf32>,
      %get3A_699 = arith.index_cast %add3A_364 : i32 to index
      %get3A_700 = arith.constant 352 : index
      %get3A_701 = tpu.vector_load %arg14[%get3A_699, %get3A_700] {strides = array<i32>} : memref<64x768xf32, #tpu.memory_space<vmem>>, vector<1x16xf32>,
      %get3A_702 = vector.shape_cast %get3A_701 : vector<1x16xf32> to vector<16xf32>
      %get3A_703 = arith.index_cast %add3A_364 : i32 to index
      %get3A_704 = arith.constant 352 : index
      %get3A_705 = tpu.vector_load %arg13[%get3A_703, %get3A_704] {strides = array<i32>} : memref<64x768xf32, #tpu.memory_space<vmem>>, vector<1x16xf32>,
      %get3A_706 = vector.shape_cast %get3A_705 : vector<1x16xf32> to vector<16xf32>
      %sub3A_707 = arith.subf %get3A_702, %get3A_706 : vector<16xf32>
      %mul3A_708 = arith.mulf %sub3A_707, %get3A_368 : vector<16xf32>
      %swap3A_709 = arith.index_cast %add3A_364 : i32 to index
      %swap3A_710 = arith.constant 352 : index
      %swap3A_711 = tpu.vector_load %arg14[%swap3A_709, %swap3A_710] {strides = array<i32>} : memref<64x768xf32, #tpu.memory_space<vmem>>, vector<1x16xf32>,
      %swap3A_712 = vector.shape_cast %swap3A_711 : vector<1x16xf32> to vector<16xf32>
      %swap3A_713 = vector.shape_cast %mul3A_708 : vector<16xf32> to vector<1x16xf32>
      tpu.vector_store %arg14[%swap3A_709, %swap3A_710], %swap3A_713 {strides = array<i32>} : memref<64x768xf32, #tpu.memory_space<vmem>>, vector<1x16xf32>,
      %get3A_714 = arith.index_cast %add3A_364 : i32 to index
      %get3A_715 = arith.constant 368 : index
      %get3A_716 = tpu.vector_load %arg14[%get3A_714, %get3A_715] {strides = array<i32>} : memref<64x768xf32, #tpu.memory_space<vmem>>, vector<1x16xf32>,
      %get3A_717 = vector.shape_cast %get3A_716 : vector<1x16xf32> to vector<16xf32>
      %get3A_718 = arith.index_cast %add3A_364 : i32 to index
      %get3A_719 = arith.constant 368 : index
      %get3A_720 = tpu.vector_load %arg13[%get3A_718, %get3A_719] {strides = array<i32>} : memref<64x768xf32, #tpu.memory_space<vmem>>, vector<1x16xf32>,
      %get3A_721 = vector.shape_cast %get3A_720 : vector<1x16xf32> to vector<16xf32>
      %sub3A_722 = arith.subf %get3A_717, %get3A_721 : vector<16xf32>
      %mul3A_723 = arith.mulf %sub3A_722, %get3A_368 : vector<16xf32>
      %swap3A_724 = arith.index_cast %add3A_364 : i32 to index
      %swap3A_725 = arith.constant 368 : index
      %swap3A_726 = tpu.vector_load %arg14[%swap3A_724, %swap3A_725] {strides = array<i32>} : memref<64x768xf32, #tpu.memory_space<vmem>>, vector<1x16xf32>,
      %swap3A_727 = vector.shape_cast %swap3A_726 : vector<1x16xf32> to vector<16xf32>
      %swap3A_728 = vector.shape_cast %mul3A_723 : vector<16xf32> to vector<1x16xf32>
      tpu.vector_store %arg14[%swap3A_724, %swap3A_725], %swap3A_728 {strides = array<i32>} : memref<64x768xf32, #tpu.memory_space<vmem>>, vector<1x16xf32>,
      %get3A_729 = arith.index_cast %add3A_364 : i32 to index
      %get3A_730 = arith.constant 384 : index
      %get3A_731 = tpu.vector_load %arg14[%get3A_729, %get3A_730] {strides = array<i32>} : memref<64x768xf32, #tpu.memory_space<vmem>>, vector<1x16xf32>,
      %get3A_732 = vector.shape_cast %get3A_731 : vector<1x16xf32> to vector<16xf32>
      %get3A_733 = arith.index_cast %add3A_364 : i32 to index
      %get3A_734 = arith.constant 384 : index
      %get3A_735 = tpu.vector_load %arg13[%get3A_733, %get3A_734] {strides = array<i32>} : memref<64x768xf32, #tpu.memory_space<vmem>>, vector<1x16xf32>,
      %get3A_736 = vector.shape_cast %get3A_735 : vector<1x16xf32> to vector<16xf32>
      %sub3A_737 = arith.subf %get3A_732, %get3A_736 : vector<16xf32>
      %mul3A_738 = arith.mulf %sub3A_737, %get3A_368 : vector<16xf32>
      %swap3A_739 = arith.index_cast %add3A_364 : i32 to index
      %swap3A_740 = arith.constant 384 : index
      %swap3A_741 = tpu.vector_load %arg14[%swap3A_739, %swap3A_740] {strides = array<i32>} : memref<64x768xf32, #tpu.memory_space<vmem>>, vector<1x16xf32>,
      %swap3A_742 = vector.shape_cast %swap3A_741 : vector<1x16xf32> to vector<16xf32>
      %swap3A_743 = vector.shape_cast %mul3A_738 : vector<16xf32> to vector<1x16xf32>
      tpu.vector_store %arg14[%swap3A_739, %swap3A_740], %swap3A_743 {strides = array<i32>} : memref<64x768xf32, #tpu.memory_space<vmem>>, vector<1x16xf32>,
      %get3A_744 = arith.index_cast %add3A_364 : i32 to index
      %get3A_745 = arith.constant 400 : index
      %get3A_746 = tpu.vector_load %arg14[%get3A_744, %get3A_745] {strides = array<i32>} : memref<64x768xf32, #tpu.memory_space<vmem>>, vector<1x16xf32>,
      %get3A_747 = vector.shape_cast %get3A_746 : vector<1x16xf32> to vector<16xf32>
      %get3A_748 = arith.index_cast %add3A_364 : i32 to index
      %get3A_749 = arith.constant 400 : index
      %get3A_750 = tpu.vector_load %arg13[%get3A_748, %get3A_749] {strides = array<i32>} : memref<64x768xf32, #tpu.memory_space<vmem>>, vector<1x16xf32>,
      %get3A_751 = vector.shape_cast %get3A_750 : vector<1x16xf32> to vector<16xf32>
      %sub3A_752 = arith.subf %get3A_747, %get3A_751 : vector<16xf32>
      %mul3A_753 = arith.mulf %sub3A_752, %get3A_368 : vector<16xf32>
      %swap3A_754 = arith.index_cast %add3A_364 : i32 to index
      %swap3A_755 = arith.constant 400 : index
      %swap3A_756 = tpu.vector_load %arg14[%swap3A_754, %swap3A_755] {strides = array<i32>} : memref<64x768xf32, #tpu.memory_space<vmem>>, vector<1x16xf32>,
      %swap3A_757 = vector.shape_cast %swap3A_756 : vector<1x16xf32> to vector<16xf32>
      %swap3A_758 = vector.shape_cast %mul3A_753 : vector<16xf32> to vector<1x16xf32>
      tpu.vector_store %arg14[%swap3A_754, %swap3A_755], %swap3A_758 {strides = array<i32>} : memref<64x768xf32, #tpu.memory_space<vmem>>, vector<1x16xf32>,
      %get3A_759 = arith.index_cast %add3A_364 : i32 to index
      %get3A_760 = arith.constant 416 : index
      %get3A_761 = tpu.vector_load %arg14[%get3A_759, %get3A_760] {strides = array<i32>} : memref<64x768xf32, #tpu.memory_space<vmem>>, vector<1x16xf32>,
      %get3A_762 = vector.shape_cast %get3A_761 : vector<1x16xf32> to vector<16xf32>
      %get3A_763 = arith.index_cast %add3A_364 : i32 to index
      %get3A_764 = arith.constant 416 : index
      %get3A_765 = tpu.vector_load %arg13[%get3A_763, %get3A_764] {strides = array<i32>} : memref<64x768xf32, #tpu.memory_space<vmem>>, vector<1x16xf32>,
      %get3A_766 = vector.shape_cast %get3A_765 : vector<1x16xf32> to vector<16xf32>
      %sub3A_767 = arith.subf %get3A_762, %get3A_766 : vector<16xf32>
      %mul3A_768 = arith.mulf %sub3A_767, %get3A_368 : vector<16xf32>
      %swap3A_769 = arith.index_cast %add3A_364 : i32 to index
      %swap3A_770 = arith.constant 416 : index
      %swap3A_771 = tpu.vector_load %arg14[%swap3A_769, %swap3A_770] {strides = array<i32>} : memref<64x768xf32, #tpu.memory_space<vmem>>, vector<1x16xf32>,
      %swap3A_772 = vector.shape_cast %swap3A_771 : vector<1x16xf32> to vector<16xf32>
      %swap3A_773 = vector.shape_cast %mul3A_768 : vector<16xf32> to vector<1x16xf32>
      tpu.vector_store %arg14[%swap3A_769, %swap3A_770], %swap3A_773 {strides = array<i32>} : memref<64x768xf32, #tpu.memory_space<vmem>>, vector<1x16xf32>,
      %get3A_774 = arith.index_cast %add3A_364 : i32 to index
      %get3A_775 = arith.constant 432 : index
      %get3A_776 = tpu.vector_load %arg14[%get3A_774, %get3A_775] {strides = array<i32>} : memref<64x768xf32, #tpu.memory_space<vmem>>, vector<1x16xf32>,
      %get3A_777 = vector.shape_cast %get3A_776 : vector<1x16xf32> to vector<16xf32>
      %get3A_778 = arith.index_cast %add3A_364 : i32 to index
      %get3A_779 = arith.constant 432 : index
      %get3A_780 = tpu.vector_load %arg13[%get3A_778, %get3A_779] {strides = array<i32>} : memref<64x768xf32, #tpu.memory_space<vmem>>, vector<1x16xf32>,
      %get3A_781 = vector.shape_cast %get3A_780 : vector<1x16xf32> to vector<16xf32>
      %sub3A_782 = arith.subf %get3A_777, %get3A_781 : vector<16xf32>
      %mul3A_783 = arith.mulf %sub3A_782, %get3A_368 : vector<16xf32>
      %swap3A_784 = arith.index_cast %add3A_364 : i32 to index
      %swap3A_785 = arith.constant 432 : index
      %swap3A_786 = tpu.vector_load %arg14[%swap3A_784, %swap3A_785] {strides = array<i32>} : memref<64x768xf32, #tpu.memory_space<vmem>>, vector<1x16xf32>,
      %swap3A_787 = vector.shape_cast %swap3A_786 : vector<1x16xf32> to vector<16xf32>
      %swap3A_788 = vector.shape_cast %mul3A_783 : vector<16xf32> to vector<1x16xf32>
      tpu.vector_store %arg14[%swap3A_784, %swap3A_785], %swap3A_788 {strides = array<i32>} : memref<64x768xf32, #tpu.memory_space<vmem>>, vector<1x16xf32>,
      %get3A_789 = arith.index_cast %add3A_364 : i32 to index
      %get3A_790 = arith.constant 448 : index
      %get3A_791 = tpu.vector_load %arg14[%get3A_789, %get3A_790] {strides = array<i32>} : memref<64x768xf32, #tpu.memory_space<vmem>>, vector<1x16xf32>,
      %get3A_792 = vector.shape_cast %get3A_791 : vector<1x16xf32> to vector<16xf32>
      %get3A_793 = arith.index_cast %add3A_364 : i32 to index
      %get3A_794 = arith.constant 448 : index
      %get3A_795 = tpu.vector_load %arg13[%get3A_793, %get3A_794] {strides = array<i32>} : memref<64x768xf32, #tpu.memory_space<vmem>>, vector<1x16xf32>,
      %get3A_796 = vector.shape_cast %get3A_795 : vector<1x16xf32> to vector<16xf32>
      %sub3A_797 = arith.subf %get3A_792, %get3A_796 : vector<16xf32>
      %mul3A_798 = arith.mulf %sub3A_797, %get3A_368 : vector<16xf32>
      %swap3A_799 = arith.index_cast %add3A_364 : i32 to index
      %swap3A_800 = arith.constant 448 : index
      %swap3A_801 = tpu.vector_load %arg14[%swap3A_799, %swap3A_800] {strides = array<i32>} : memref<64x768xf32, #tpu.memory_space<vmem>>, vector<1x16xf32>,
      %swap3A_802 = vector.shape_cast %swap3A_801 : vector<1x16xf32> to vector<16xf32>
      %swap3A_803 = vector.shape_cast %mul3A_798 : vector<16xf32> to vector<1x16xf32>
      tpu.vector_store %arg14[%swap3A_799, %swap3A_800], %swap3A_803 {strides = array<i32>} : memref<64x768xf32, #tpu.memory_space<vmem>>, vector<1x16xf32>,
      %get3A_804 = arith.index_cast %add3A_364 : i32 to index
      %get3A_805 = arith.constant 464 : index
      %get3A_806 = tpu.vector_load %arg14[%get3A_804, %get3A_805] {strides = array<i32>} : memref<64x768xf32, #tpu.memory_space<vmem>>, vector<1x16xf32>,
      %get3A_807 = vector.shape_cast %get3A_806 : vector<1x16xf32> to vector<16xf32>
      %get3A_808 = arith.index_cast %add3A_364 : i32 to index
      %get3A_809 = arith.constant 464 : index
      %get3A_810 = tpu.vector_load %arg13[%get3A_808, %get3A_809] {strides = array<i32>} : memref<64x768xf32, #tpu.memory_space<vmem>>, vector<1x16xf32>,
      %get3A_811 = vector.shape_cast %get3A_810 : vector<1x16xf32> to vector<16xf32>
      %sub3A_812 = arith.subf %get3A_807, %get3A_811 : vector<16xf32>
      %mul3A_813 = arith.mulf %sub3A_812, %get3A_368 : vector<16xf32>
      %swap3A_814 = arith.index_cast %add3A_364 : i32 to index
      %swap3A_815 = arith.constant 464 : index
      %swap3A_816 = tpu.vector_load %arg14[%swap3A_814, %swap3A_815] {strides = array<i32>} : memref<64x768xf32, #tpu.memory_space<vmem>>, vector<1x16xf32>,
      %swap3A_817 = vector.shape_cast %swap3A_816 : vector<1x16xf32> to vector<16xf32>
      %swap3A_818 = vector.shape_cast %mul3A_813 : vector<16xf32> to vector<1x16xf32>
      tpu.vector_store %arg14[%swap3A_814, %swap3A_815], %swap3A_818 {strides = array<i32>} : memref<64x768xf32, #tpu.memory_space<vmem>>, vector<1x16xf32>,
      %get3A_819 = arith.index_cast %add3A_364 : i32 to index
      %get3A_820 = arith.constant 480 : index
      %get3A_821 = tpu.vector_load %arg14[%get3A_819, %get3A_820] {strides = array<i32>} : memref<64x768xf32, #tpu.memory_space<vmem>>, vector<1x16xf32>,
      %get3A_822 = vector.shape_cast %get3A_821 : vector<1x16xf32> to vector<16xf32>
      %get3A_823 = arith.index_cast %add3A_364 : i32 to index
      %get3A_824 = arith.constant 480 : index
      %get3A_825 = tpu.vector_load %arg13[%get3A_823, %get3A_824] {strides = array<i32>} : memref<64x768xf32, #tpu.memory_space<vmem>>, vector<1x16xf32>,
      %get3A_826 = vector.shape_cast %get3A_825 : vector<1x16xf32> to vector<16xf32>
      %sub3A_827 = arith.subf %get3A_822, %get3A_826 : vector<16xf32>
      %mul3A_828 = arith.mulf %sub3A_827, %get3A_368 : vector<16xf32>
      %swap3A_829 = arith.index_cast %add3A_364 : i32 to index
      %swap3A_830 = arith.constant 480 : index
      %swap3A_831 = tpu.vector_load %arg14[%swap3A_829, %swap3A_830] {strides = array<i32>} : memref<64x768xf32, #tpu.memory_space<vmem>>, vector<1x16xf32>,
      %swap3A_832 = vector.shape_cast %swap3A_831 : vector<1x16xf32> to vector<16xf32>
      %swap3A_833 = vector.shape_cast %mul3A_828 : vector<16xf32> to vector<1x16xf32>
      tpu.vector_store %arg14[%swap3A_829, %swap3A_830], %swap3A_833 {strides = array<i32>} : memref<64x768xf32, #tpu.memory_space<vmem>>, vector<1x16xf32>,
      %get3A_834 = arith.index_cast %add3A_364 : i32 to index
      %get3A_835 = arith.constant 496 : index
      %get3A_836 = tpu.vector_load %arg14[%get3A_834, %get3A_835] {strides = array<i32>} : memref<64x768xf32, #tpu.memory_space<vmem>>, vector<1x16xf32>,
      %get3A_837 = vector.shape_cast %get3A_836 : vector<1x16xf32> to vector<16xf32>
      %get3A_838 = arith.index_cast %add3A_364 : i32 to index
      %get3A_839 = arith.constant 496 : index
      %get3A_840 = tpu.vector_load %arg13[%get3A_838, %get3A_839] {strides = array<i32>} : memref<64x768xf32, #tpu.memory_space<vmem>>, vector<1x16xf32>,
      %get3A_841 = vector.shape_cast %get3A_840 : vector<1x16xf32> to vector<16xf32>
      %sub3A_842 = arith.subf %get3A_837, %get3A_841 : vector<16xf32>
      %mul3A_843 = arith.mulf %sub3A_842, %get3A_368 : vector<16xf32>
      %swap3A_844 = arith.index_cast %add3A_364 : i32 to index
      %swap3A_845 = arith.constant 496 : index
      %swap3A_846 = tpu.vector_load %arg14[%swap3A_844, %swap3A_845] {strides = array<i32>} : memref<64x768xf32, #tpu.memory_space<vmem>>, vector<1x16xf32>,
      %swap3A_847 = vector.shape_cast %swap3A_846 : vector<1x16xf32> to vector<16xf32>
      %swap3A_848 = vector.shape_cast %mul3A_843 : vector<16xf32> to vector<1x16xf32>
      tpu.vector_store %arg14[%swap3A_844, %swap3A_845], %swap3A_848 {strides = array<i32>} : memref<64x768xf32, #tpu.memory_space<vmem>>, vector<1x16xf32>,
      %get3A_849 = arith.index_cast %add3A_364 : i32 to index
      %get3A_850 = arith.constant 512 : index
      %get3A_851 = tpu.vector_load %arg14[%get3A_849, %get3A_850] {strides = array<i32>} : memref<64x768xf32, #tpu.memory_space<vmem>>, vector<1x16xf32>,
      %get3A_852 = vector.shape_cast %get3A_851 : vector<1x16xf32> to vector<16xf32>
      %get3A_853 = arith.index_cast %add3A_364 : i32 to index
      %get3A_854 = arith.constant 512 : index
      %get3A_855 = tpu.vector_load %arg13[%get3A_853, %get3A_854] {strides = array<i32>} : memref<64x768xf32, #tpu.memory_space<vmem>>, vector<1x16xf32>,
      %get3A_856 = vector.shape_cast %get3A_855 : vector<1x16xf32> to vector<16xf32>
      %sub3A_857 = arith.subf %get3A_852, %get3A_856 : vector<16xf32>
      %mul3A_858 = arith.mulf %sub3A_857, %get3A_368 : vector<16xf32>
      %swap3A_859 = arith.index_cast %add3A_364 : i32 to index
      %swap3A_860 = arith.constant 512 : index
      %swap3A_861 = tpu.vector_load %arg14[%swap3A_859, %swap3A_860] {strides = array<i32>} : memref<64x768xf32, #tpu.memory_space<vmem>>, vector<1x16xf32>,
      %swap3A_862 = vector.shape_cast %swap3A_861 : vector<1x16xf32> to vector<16xf32>
      %swap3A_863 = vector.shape_cast %mul3A_858 : vector<16xf32> to vector<1x16xf32>
      tpu.vector_store %arg14[%swap3A_859, %swap3A_860], %swap3A_863 {strides = array<i32>} : memref<64x768xf32, #tpu.memory_space<vmem>>, vector<1x16xf32>,
      %get3A_864 = arith.index_cast %add3A_364 : i32 to index
      %get3A_865 = arith.constant 528 : index
      %get3A_866 = tpu.vector_load %arg14[%get3A_864, %get3A_865] {strides = array<i32>} : memref<64x768xf32, #tpu.memory_space<vmem>>, vector<1x16xf32>,
      %get3A_867 = vector.shape_cast %get3A_866 : vector<1x16xf32> to vector<16xf32>
      %get3A_868 = arith.index_cast %add3A_364 : i32 to index
      %get3A_869 = arith.constant 528 : index
      %get3A_870 = tpu.vector_load %arg13[%get3A_868, %get3A_869] {strides = array<i32>} : memref<64x768xf32, #tpu.memory_space<vmem>>, vector<1x16xf32>,
      %get3A_871 = vector.shape_cast %get3A_870 : vector<1x16xf32> to vector<16xf32>
      %sub3A_872 = arith.subf %get3A_867, %get3A_871 : vector<16xf32>
      %mul3A_873 = arith.mulf %sub3A_872, %get3A_368 : vector<16xf32>
      %swap3A_874 = arith.index_cast %add3A_364 : i32 to index
      %swap3A_875 = arith.constant 528 : index
      %swap3A_876 = tpu.vector_load %arg14[%swap3A_874, %swap3A_875] {strides = array<i32>} : memref<64x768xf32, #tpu.memory_space<vmem>>, vector<1x16xf32>,
      %swap3A_877 = vector.shape_cast %swap3A_876 : vector<1x16xf32> to vector<16xf32>
      %swap3A_878 = vector.shape_cast %mul3A_873 : vector<16xf32> to vector<1x16xf32>
      tpu.vector_store %arg14[%swap3A_874, %swap3A_875], %swap3A_878 {strides = array<i32>} : memref<64x768xf32, #tpu.memory_space<vmem>>, vector<1x16xf32>,
      %get3A_879 = arith.index_cast %add3A_364 : i32 to index
      %get3A_880 = arith.constant 544 : index
      %get3A_881 = tpu.vector_load %arg14[%get3A_879, %get3A_880] {strides = array<i32>} : memref<64x768xf32, #tpu.memory_space<vmem>>, vector<1x16xf32>,
      %get3A_882 = vector.shape_cast %get3A_881 : vector<1x16xf32> to vector<16xf32>
      %get3A_883 = arith.index_cast %add3A_364 : i32 to index
      %get3A_884 = arith.constant 544 : index
      %get3A_885 = tpu.vector_load %arg13[%get3A_883, %get3A_884] {strides = array<i32>} : memref<64x768xf32, #tpu.memory_space<vmem>>, vector<1x16xf32>,
      %get3A_886 = vector.shape_cast %get3A_885 : vector<1x16xf32> to vector<16xf32>
      %sub3A_887 = arith.subf %get3A_882, %get3A_886 : vector<16xf32>
      %mul3A_888 = arith.mulf %sub3A_887, %get3A_368 : vector<16xf32>
      %swap3A_889 = arith.index_cast %add3A_364 : i32 to index
      %swap3A_890 = arith.constant 544 : index
      %swap3A_891 = tpu.vector_load %arg14[%swap3A_889, %swap3A_890] {strides = array<i32>} : memref<64x768xf32, #tpu.memory_space<vmem>>, vector<1x16xf32>,
      %swap3A_892 = vector.shape_cast %swap3A_891 : vector<1x16xf32> to vector<16xf32>
      %swap3A_893 = vector.shape_cast %mul3A_888 : vector<16xf32> to vector<1x16xf32>
      tpu.vector_store %arg14[%swap3A_889, %swap3A_890], %swap3A_893 {strides = array<i32>} : memref<64x768xf32, #tpu.memory_space<vmem>>, vector<1x16xf32>,
      %get3A_894 = arith.index_cast %add3A_364 : i32 to index
      %get3A_895 = arith.constant 560 : index
      %get3A_896 = tpu.vector_load %arg14[%get3A_894, %get3A_895] {strides = array<i32>} : memref<64x768xf32, #tpu.memory_space<vmem>>, vector<1x16xf32>,
      %get3A_897 = vector.shape_cast %get3A_896 : vector<1x16xf32> to vector<16xf32>
      %get3A_898 = arith.index_cast %add3A_364 : i32 to index
      %get3A_899 = arith.constant 560 : index
      %get3A_900 = tpu.vector_load %arg13[%get3A_898, %get3A_899] {strides = array<i32>} : memref<64x768xf32, #tpu.memory_space<vmem>>, vector<1x16xf32>,
      %get3A_901 = vector.shape_cast %get3A_900 : vector<1x16xf32> to vector<16xf32>
      %sub3A_902 = arith.subf %get3A_897, %get3A_901 : vector<16xf32>
      %mul3A_903 = arith.mulf %sub3A_902, %get3A_368 : vector<16xf32>
      %swap3A_904 = arith.index_cast %add3A_364 : i32 to index
      %swap3A_905 = arith.constant 560 : index
      %swap3A_906 = tpu.vector_load %arg14[%swap3A_904, %swap3A_905] {strides = array<i32>} : memref<64x768xf32, #tpu.memory_space<vmem>>, vector<1x16xf32>,
      %swap3A_907 = vector.shape_cast %swap3A_906 : vector<1x16xf32> to vector<16xf32>
      %swap3A_908 = vector.shape_cast %mul3A_903 : vector<16xf32> to vector<1x16xf32>
      tpu.vector_store %arg14[%swap3A_904, %swap3A_905], %swap3A_908 {strides = array<i32>} : memref<64x768xf32, #tpu.memory_space<vmem>>, vector<1x16xf32>,
      %get3A_909 = arith.index_cast %add3A_364 : i32 to index
      %get3A_910 = arith.constant 576 : index
      %get3A_911 = tpu.vector_load %arg14[%get3A_909, %get3A_910] {strides = array<i32>} : memref<64x768xf32, #tpu.memory_space<vmem>>, vector<1x16xf32>,
      %get3A_912 = vector.shape_cast %get3A_911 : vector<1x16xf32> to vector<16xf32>
      %get3A_913 = arith.index_cast %add3A_364 : i32 to index
      %get3A_914 = arith.constant 576 : index
      %get3A_915 = tpu.vector_load %arg13[%get3A_913, %get3A_914] {strides = array<i32>} : memref<64x768xf32, #tpu.memory_space<vmem>>, vector<1x16xf32>,
      %get3A_916 = vector.shape_cast %get3A_915 : vector<1x16xf32> to vector<16xf32>
      %sub3A_917 = arith.subf %get3A_912, %get3A_916 : vector<16xf32>
      %mul3A_918 = arith.mulf %sub3A_917, %get3A_368 : vector<16xf32>
      %swap3A_919 = arith.index_cast %add3A_364 : i32 to index
      %swap3A_920 = arith.constant 576 : index
      %swap3A_921 = tpu.vector_load %arg14[%swap3A_919, %swap3A_920] {strides = array<i32>} : memref<64x768xf32, #tpu.memory_space<vmem>>, vector<1x16xf32>,
      %swap3A_922 = vector.shape_cast %swap3A_921 : vector<1x16xf32> to vector<16xf32>
      %swap3A_923 = vector.shape_cast %mul3A_918 : vector<16xf32> to vector<1x16xf32>
      tpu.vector_store %arg14[%swap3A_919, %swap3A_920], %swap3A_923 {strides = array<i32>} : memref<64x768xf32, #tpu.memory_space<vmem>>, vector<1x16xf32>,
      %get3A_924 = arith.index_cast %add3A_364 : i32 to index
      %get3A_925 = arith.constant 592 : index
      %get3A_926 = tpu.vector_load %arg14[%get3A_924, %get3A_925] {strides = array<i32>} : memref<64x768xf32, #tpu.memory_space<vmem>>, vector<1x16xf32>,
      %get3A_927 = vector.shape_cast %get3A_926 : vector<1x16xf32> to vector<16xf32>
      %get3A_928 = arith.index_cast %add3A_364 : i32 to index
      %get3A_929 = arith.constant 592 : index
      %get3A_930 = tpu.vector_load %arg13[%get3A_928, %get3A_929] {strides = array<i32>} : memref<64x768xf32, #tpu.memory_space<vmem>>, vector<1x16xf32>,
      %get3A_931 = vector.shape_cast %get3A_930 : vector<1x16xf32> to vector<16xf32>
      %sub3A_932 = arith.subf %get3A_927, %get3A_931 : vector<16xf32>
      %mul3A_933 = arith.mulf %sub3A_932, %get3A_368 : vector<16xf32>
      %swap3A_934 = arith.index_cast %add3A_364 : i32 to index
      %swap3A_935 = arith.constant 592 : index
      %swap3A_936 = tpu.vector_load %arg14[%swap3A_934, %swap3A_935] {strides = array<i32>} : memref<64x768xf32, #tpu.memory_space<vmem>>, vector<1x16xf32>,
      %swap3A_937 = vector.shape_cast %swap3A_936 : vector<1x16xf32> to vector<16xf32>
      %swap3A_938 = vector.shape_cast %mul3A_933 : vector<16xf32> to vector<1x16xf32>
      tpu.vector_store %arg14[%swap3A_934, %swap3A_935], %swap3A_938 {strides = array<i32>} : memref<64x768xf32, #tpu.memory_space<vmem>>, vector<1x16xf32>,
      %get3A_939 = arith.index_cast %add3A_364 : i32 to index
      %get3A_940 = arith.constant 608 : index
      %get3A_941 = tpu.vector_load %arg14[%get3A_939, %get3A_940] {strides = array<i32>} : memref<64x768xf32, #tpu.memory_space<vmem>>, vector<1x16xf32>,
      %get3A_942 = vector.shape_cast %get3A_941 : vector<1x16xf32> to vector<16xf32>
      %get3A_943 = arith.index_cast %add3A_364 : i32 to index
      %get3A_944 = arith.constant 608 : index
      %get3A_945 = tpu.vector_load %arg13[%get3A_943, %get3A_944] {strides = array<i32>} : memref<64x768xf32, #tpu.memory_space<vmem>>, vector<1x16xf32>,
      %get3A_946 = vector.shape_cast %get3A_945 : vector<1x16xf32> to vector<16xf32>
      %sub3A_947 = arith.subf %get3A_942, %get3A_946 : vector<16xf32>
      %mul3A_948 = arith.mulf %sub3A_947, %get3A_368 : vector<16xf32>
      %swap3A_949 = arith.index_cast %add3A_364 : i32 to index
      %swap3A_950 = arith.constant 608 : index
      %swap3A_951 = tpu.vector_load %arg14[%swap3A_949, %swap3A_950] {strides = array<i32>} : memref<64x768xf32, #tpu.memory_space<vmem>>, vector<1x16xf32>,
      %swap3A_952 = vector.shape_cast %swap3A_951 : vector<1x16xf32> to vector<16xf32>
      %swap3A_953 = vector.shape_cast %mul3A_948 : vector<16xf32> to vector<1x16xf32>
      tpu.vector_store %arg14[%swap3A_949, %swap3A_950], %swap3A_953 {strides = array<i32>} : memref<64x768xf32, #tpu.memory_space<vmem>>, vector<1x16xf32>,
      %get3A_954 = arith.index_cast %add3A_364 : i32 to index
      %get3A_955 = arith.constant 624 : index
      %get3A_956 = tpu.vector_load %arg14[%get3A_954, %get3A_955] {strides = array<i32>} : memref<64x768xf32, #tpu.memory_space<vmem>>, vector<1x16xf32>,
      %get3A_957 = vector.shape_cast %get3A_956 : vector<1x16xf32> to vector<16xf32>
      %get3A_958 = arith.index_cast %add3A_364 : i32 to index
      %get3A_959 = arith.constant 624 : index
      %get3A_960 = tpu.vector_load %arg13[%get3A_958, %get3A_959] {strides = array<i32>} : memref<64x768xf32, #tpu.memory_space<vmem>>, vector<1x16xf32>,
      %get3A_961 = vector.shape_cast %get3A_960 : vector<1x16xf32> to vector<16xf32>
      %sub3A_962 = arith.subf %get3A_957, %get3A_961 : vector<16xf32>
      %mul3A_963 = arith.mulf %sub3A_962, %get3A_368 : vector<16xf32>
      %swap3A_964 = arith.index_cast %add3A_364 : i32 to index
      %swap3A_965 = arith.constant 624 : index
      %swap3A_966 = tpu.vector_load %arg14[%swap3A_964, %swap3A_965] {strides = array<i32>} : memref<64x768xf32, #tpu.memory_space<vmem>>, vector<1x16xf32>,
      %swap3A_967 = vector.shape_cast %swap3A_966 : vector<1x16xf32> to vector<16xf32>
      %swap3A_968 = vector.shape_cast %mul3A_963 : vector<16xf32> to vector<1x16xf32>
      tpu.vector_store %arg14[%swap3A_964, %swap3A_965], %swap3A_968 {strides = array<i32>} : memref<64x768xf32, #tpu.memory_space<vmem>>, vector<1x16xf32>,
      %get3A_969 = arith.index_cast %add3A_364 : i32 to index
      %get3A_970 = arith.constant 640 : index
      %get3A_971 = tpu.vector_load %arg14[%get3A_969, %get3A_970] {strides = array<i32>} : memref<64x768xf32, #tpu.memory_space<vmem>>, vector<1x16xf32>,
      %get3A_972 = vector.shape_cast %get3A_971 : vector<1x16xf32> to vector<16xf32>
      %get3A_973 = arith.index_cast %add3A_364 : i32 to index
      %get3A_974 = arith.constant 640 : index
      %get3A_975 = tpu.vector_load %arg13[%get3A_973, %get3A_974] {strides = array<i32>} : memref<64x768xf32, #tpu.memory_space<vmem>>, vector<1x16xf32>,
      %get3A_976 = vector.shape_cast %get3A_975 : vector<1x16xf32> to vector<16xf32>
      %sub3A_977 = arith.subf %get3A_972, %get3A_976 : vector<16xf32>
      %mul3A_978 = arith.mulf %sub3A_977, %get3A_368 : vector<16xf32>
      %swap3A_979 = arith.index_cast %add3A_364 : i32 to index
      %swap3A_980 = arith.constant 640 : index
      %swap3A_981 = tpu.vector_load %arg14[%swap3A_979, %swap3A_980] {strides = array<i32>} : memref<64x768xf32, #tpu.memory_space<vmem>>, vector<1x16xf32>,
      %swap3A_982 = vector.shape_cast %swap3A_981 : vector<1x16xf32> to vector<16xf32>
      %swap3A_983 = vector.shape_cast %mul3A_978 : vector<16xf32> to vector<1x16xf32>
      tpu.vector_store %arg14[%swap3A_979, %swap3A_980], %swap3A_983 {strides = array<i32>} : memref<64x768xf32, #tpu.memory_space<vmem>>, vector<1x16xf32>,
      %get3A_984 = arith.index_cast %add3A_364 : i32 to index
      %get3A_985 = arith.constant 656 : index
      %get3A_986 = tpu.vector_load %arg14[%get3A_984, %get3A_985] {strides = array<i32>} : memref<64x768xf32, #tpu.memory_space<vmem>>, vector<1x16xf32>,
      %get3A_987 = vector.shape_cast %get3A_986 : vector<1x16xf32> to vector<16xf32>
      %get3A_988 = arith.index_cast %add3A_364 : i32 to index
      %get3A_989 = arith.constant 656 : index
      %get3A_990 = tpu.vector_load %arg13[%get3A_988, %get3A_989] {strides = array<i32>} : memref<64x768xf32, #tpu.memory_space<vmem>>, vector<1x16xf32>,
      %get3A_991 = vector.shape_cast %get3A_990 : vector<1x16xf32> to vector<16xf32>
      %sub3A_992 = arith.subf %get3A_987, %get3A_991 : vector<16xf32>
      %mul3A_993 = arith.mulf %sub3A_992, %get3A_368 : vector<16xf32>
      %swap3A_994 = arith.index_cast %add3A_364 : i32 to index
      %swap3A_995 = arith.constant 656 : index
      %swap3A_996 = tpu.vector_load %arg14[%swap3A_994, %swap3A_995] {strides = array<i32>} : memref<64x768xf32, #tpu.memory_space<vmem>>, vector<1x16xf32>,
      %swap3A_997 = vector.shape_cast %swap3A_996 : vector<1x16xf32> to vector<16xf32>
      %swap3A_998 = vector.shape_cast %mul3A_993 : vector<16xf32> to vector<1x16xf32>
      tpu.vector_store %arg14[%swap3A_994, %swap3A_995], %swap3A_998 {strides = array<i32>} : memref<64x768xf32, #tpu.memory_space<vmem>>, vector<1x16xf32>,
      %get3A_999 = arith.index_cast %add3A_364 : i32 to index
      %get3A_1000 = arith.constant 672 : index
      %get3A_1001 = tpu.vector_load %arg14[%get3A_999, %get3A_1000] {strides = array<i32>} : memref<64x768xf32, #tpu.memory_space<vmem>>, vector<1x16xf32>,
      %get3A_1002 = vector.shape_cast %get3A_1001 : vector<1x16xf32> to vector<16xf32>
      %get3A_1003 = arith.index_cast %add3A_364 : i32 to index
      %get3A_1004 = arith.constant 672 : index
      %get3A_1005 = tpu.vector_load %arg13[%get3A_1003, %get3A_1004] {strides = array<i32>} : memref<64x768xf32, #tpu.memory_space<vmem>>, vector<1x16xf32>,
      %get3A_1006 = vector.shape_cast %get3A_1005 : vector<1x16xf32> to vector<16xf32>
      %sub3A_1007 = arith.subf %get3A_1002, %get3A_1006 : vector<16xf32>
      %mul3A_1008 = arith.mulf %sub3A_1007, %get3A_368 : vector<16xf32>
      %swap3A_1009 = arith.index_cast %add3A_364 : i32 to index
      %swap3A_1010 = arith.constant 672 : index
      %swap3A_1011 = tpu.vector_load %arg14[%swap3A_1009, %swap3A_1010] {strides = array<i32>} : memref<64x768xf32, #tpu.memory_space<vmem>>, vector<1x16xf32>,
      %swap3A_1012 = vector.shape_cast %swap3A_1011 : vector<1x16xf32> to vector<16xf32>
      %swap3A_1013 = vector.shape_cast %mul3A_1008 : vector<16xf32> to vector<1x16xf32>
      tpu.vector_store %arg14[%swap3A_1009, %swap3A_1010], %swap3A_1013 {strides = array<i32>} : memref<64x768xf32, #tpu.memory_space<vmem>>, vector<1x16xf32>,
      %get3A_1014 = arith.index_cast %add3A_364 : i32 to index
      %get3A_1015 = arith.constant 688 : index
      %get3A_1016 = tpu.vector_load %arg14[%get3A_1014, %get3A_1015] {strides = array<i32>} : memref<64x768xf32, #tpu.memory_space<vmem>>, vector<1x16xf32>,
      %get3A_1017 = vector.shape_cast %get3A_1016 : vector<1x16xf32> to vector<16xf32>
      %get3A_1018 = arith.index_cast %add3A_364 : i32 to index
      %get3A_1019 = arith.constant 688 : index
      %get3A_1020 = tpu.vector_load %arg13[%get3A_1018, %get3A_1019] {strides = array<i32>} : memref<64x768xf32, #tpu.memory_space<vmem>>, vector<1x16xf32>,
      %get3A_1021 = vector.shape_cast %get3A_1020 : vector<1x16xf32> to vector<16xf32>
      %sub3A_1022 = arith.subf %get3A_1017, %get3A_1021 : vector<16xf32>
      %mul3A_1023 = arith.mulf %sub3A_1022, %get3A_368 : vector<16xf32>
      %swap3A_1024 = arith.index_cast %add3A_364 : i32 to index
      %swap3A_1025 = arith.constant 688 : index
      %swap3A_1026 = tpu.vector_load %arg14[%swap3A_1024, %swap3A_1025] {strides = array<i32>} : memref<64x768xf32, #tpu.memory_space<vmem>>, vector<1x16xf32>,
      %swap3A_1027 = vector.shape_cast %swap3A_1026 : vector<1x16xf32> to vector<16xf32>
      %swap3A_1028 = vector.shape_cast %mul3A_1023 : vector<16xf32> to vector<1x16xf32>
      tpu.vector_store %arg14[%swap3A_1024, %swap3A_1025], %swap3A_1028 {strides = array<i32>} : memref<64x768xf32, #tpu.memory_space<vmem>>, vector<1x16xf32>,
      %get3A_1029 = arith.index_cast %add3A_364 : i32 to index
      %get3A_1030 = arith.constant 704 : index
      %get3A_1031 = tpu.vector_load %arg14[%get3A_1029, %get3A_1030] {strides = array<i32>} : memref<64x768xf32, #tpu.memory_space<vmem>>, vector<1x16xf32>,
      %get3A_1032 = vector.shape_cast %get3A_1031 : vector<1x16xf32> to vector<16xf32>
      %get3A_1033 = arith.index_cast %add3A_364 : i32 to index
      %get3A_1034 = arith.constant 704 : index
      %get3A_1035 = tpu.vector_load %arg13[%get3A_1033, %get3A_1034] {strides = array<i32>} : memref<64x768xf32, #tpu.memory_space<vmem>>, vector<1x16xf32>,
      %get3A_1036 = vector.shape_cast %get3A_1035 : vector<1x16xf32> to vector<16xf32>
      %sub3A_1037 = arith.subf %get3A_1032, %get3A_1036 : vector<16xf32>
      %mul3A_1038 = arith.mulf %sub3A_1037, %get3A_368 : vector<16xf32>
      %swap3A_1039 = arith.index_cast %add3A_364 : i32 to index
      %swap3A_1040 = arith.constant 704 : index
      %swap3A_1041 = tpu.vector_load %arg14[%swap3A_1039, %swap3A_1040] {strides = array<i32>} : memref<64x768xf32, #tpu.memory_space<vmem>>, vector<1x16xf32>,
      %swap3A_1042 = vector.shape_cast %swap3A_1041 : vector<1x16xf32> to vector<16xf32>
      %swap3A_1043 = vector.shape_cast %mul3A_1038 : vector<16xf32> to vector<1x16xf32>
      tpu.vector_store %arg14[%swap3A_1039, %swap3A_1040], %swap3A_1043 {strides = array<i32>} : memref<64x768xf32, #tpu.memory_space<vmem>>, vector<1x16xf32>,
      %get3A_1044 = arith.index_cast %add3A_364 : i32 to index
      %get3A_1045 = arith.constant 720 : index
      %get3A_1046 = tpu.vector_load %arg14[%get3A_1044, %get3A_1045] {strides = array<i32>} : memref<64x768xf32, #tpu.memory_space<vmem>>, vector<1x16xf32>,
      %get3A_1047 = vector.shape_cast %get3A_1046 : vector<1x16xf32> to vector<16xf32>
      %get3A_1048 = arith.index_cast %add3A_364 : i32 to index
      %get3A_1049 = arith.constant 720 : index
      %get3A_1050 = tpu.vector_load %arg13[%get3A_1048, %get3A_1049] {strides = array<i32>} : memref<64x768xf32, #tpu.memory_space<vmem>>, vector<1x16xf32>,
      %get3A_1051 = vector.shape_cast %get3A_1050 : vector<1x16xf32> to vector<16xf32>
      %sub3A_1052 = arith.subf %get3A_1047, %get3A_1051 : vector<16xf32>
      %mul3A_1053 = arith.mulf %sub3A_1052, %get3A_368 : vector<16xf32>
      %swap3A_1054 = arith.index_cast %add3A_364 : i32 to index
      %swap3A_1055 = arith.constant 720 : index
      %swap3A_1056 = tpu.vector_load %arg14[%swap3A_1054, %swap3A_1055] {strides = array<i32>} : memref<64x768xf32, #tpu.memory_space<vmem>>, vector<1x16xf32>,
      %swap3A_1057 = vector.shape_cast %swap3A_1056 : vector<1x16xf32> to vector<16xf32>
      %swap3A_1058 = vector.shape_cast %mul3A_1053 : vector<16xf32> to vector<1x16xf32>
      tpu.vector_store %arg14[%swap3A_1054, %swap3A_1055], %swap3A_1058 {strides = array<i32>} : memref<64x768xf32, #tpu.memory_space<vmem>>, vector<1x16xf32>,
      %get3A_1059 = arith.index_cast %add3A_364 : i32 to index
      %get3A_1060 = arith.constant 736 : index
      %get3A_1061 = tpu.vector_load %arg14[%get3A_1059, %get3A_1060] {strides = array<i32>} : memref<64x768xf32, #tpu.memory_space<vmem>>, vector<1x16xf32>,
      %get3A_1062 = vector.shape_cast %get3A_1061 : vector<1x16xf32> to vector<16xf32>
      %get3A_1063 = arith.index_cast %add3A_364 : i32 to index
      %get3A_1064 = arith.constant 736 : index
      %get3A_1065 = tpu.vector_load %arg13[%get3A_1063, %get3A_1064] {strides = array<i32>} : memref<64x768xf32, #tpu.memory_space<vmem>>, vector<1x16xf32>,
      %get3A_1066 = vector.shape_cast %get3A_1065 : vector<1x16xf32> to vector<16xf32>
      %sub3A_1067 = arith.subf %get3A_1062, %get3A_1066 : vector<16xf32>
      %mul3A_1068 = arith.mulf %sub3A_1067, %get3A_368 : vector<16xf32>
      %swap3A_1069 = arith.index_cast %add3A_364 : i32 to index
      %swap3A_1070 = arith.constant 736 : index
      %swap3A_1071 = tpu.vector_load %arg14[%swap3A_1069, %swap3A_1070] {strides = array<i32>} : memref<64x768xf32, #tpu.memory_space<vmem>>, vector<1x16xf32>,
      %swap3A_1072 = vector.shape_cast %swap3A_1071 : vector<1x16xf32> to vector<16xf32>
      %swap3A_1073 = vector.shape_cast %mul3A_1068 : vector<16xf32> to vector<1x16xf32>
      tpu.vector_store %arg14[%swap3A_1069, %swap3A_1070], %swap3A_1073 {strides = array<i32>} : memref<64x768xf32, #tpu.memory_space<vmem>>, vector<1x16xf32>,
      %get3A_1074 = arith.index_cast %add3A_364 : i32 to index
      %get3A_1075 = arith.constant 752 : index
      %get3A_1076 = tpu.vector_load %arg14[%get3A_1074, %get3A_1075] {strides = array<i32>} : memref<64x768xf32, #tpu.memory_space<vmem>>, vector<1x16xf32>,
      %get3A_1077 = vector.shape_cast %get3A_1076 : vector<1x16xf32> to vector<16xf32>
      %get3A_1078 = arith.index_cast %add3A_364 : i32 to index
      %get3A_1079 = arith.constant 752 : index
      %get3A_1080 = tpu.vector_load %arg13[%get3A_1078, %get3A_1079] {strides = array<i32>} : memref<64x768xf32, #tpu.memory_space<vmem>>, vector<1x16xf32>,
      %get3A_1081 = vector.shape_cast %get3A_1080 : vector<1x16xf32> to vector<16xf32>
      %sub3A_1082 = arith.subf %get3A_1077, %get3A_1081 : vector<16xf32>
      %mul3A_1083 = arith.mulf %sub3A_1082, %get3A_368 : vector<16xf32>
      %swap3A_1084 = arith.index_cast %add3A_364 : i32 to index
      %swap3A_1085 = arith.constant 752 : index
      %swap3A_1086 = tpu.vector_load %arg14[%swap3A_1084, %swap3A_1085] {strides = array<i32>} : memref<64x768xf32, #tpu.memory_space<vmem>>, vector<1x16xf32>,
      %swap3A_1087 = vector.shape_cast %swap3A_1086 : vector<1x16xf32> to vector<16xf32>
      %swap3A_1088 = vector.shape_cast %mul3A_1083 : vector<16xf32> to vector<1x16xf32>
      tpu.vector_store %arg14[%swap3A_1084, %swap3A_1085], %swap3A_1088 {strides = array<i32>} : memref<64x768xf32, #tpu.memory_space<vmem>>, vector<1x16xf32>,
    }
    %scan3A_275 = arith.constant 16 : i32
    %add3A_276 = arith.constant 32 : i32
    %add3A_277 = arith.addi %mul3A_2, %add3A_276 : i32
    %dma_start3A_278 = arith.constant 32 : i32
    %dma_start3A_279 = arith.constant 0 : i32
    %dma_start3A_280 = tpu.memref_slice %arg14[%dma_start3A_278, %dma_start3A_279] : memref<64x768xf32, #tpu.memory_space<vmem>> -> memref<16x768xf32, #tpu.memory_space<vmem>>
    %dma_start3A_281 = arith.constant 0 : i32
    %dma_start3A_282 = tpu.memref_slice %arg6[%add3A_277, %dma_start3A_281] : memref<2048x768xf32, #tpu.memory_space<hbm>> -> memref<16x768xf32, #tpu.memory_space<hbm>>
    %dma_start3A_283 = arith.constant 0 : i32
    %dma_start3A_284 = tpu.memref_slice %arg6[%add3A_277, %dma_start3A_283] : memref<2048x768xf32, #tpu.memory_space<hbm>> -> memref<16x768xf32, #tpu.memory_space<hbm>>
    %dma_start3A_285 = arith.constant 32 : i32
    %dma_start3A_286 = arith.constant 0 : i32
    %dma_start3A_287 = tpu.memref_slice %arg14[%dma_start3A_285, %dma_start3A_286] : memref<64x768xf32, #tpu.memory_space<vmem>> -> memref<16x768xf32, #tpu.memory_space<vmem>>
    tpu.enqueue_dma source(%dma_start3A_287 : memref<16x768xf32, #tpu.memory_space<vmem>>) target(%dma_start3A_284 : memref<16x768xf32, #tpu.memory_space<hbm>>) target_semaphore(%arg26 : memref<!tpu.dma_semaphore, #tpu.memory_space<semaphore_mem>>)
    %dma_wait3A_288 = arith.constant 48 : i32
    %dma_wait3A_289 = arith.constant 0 : i32
    %dma_wait3A_290 = tpu.memref_slice %arg14[%dma_wait3A_288, %dma_wait3A_289] : memref<64x768xf32, #tpu.memory_space<vmem>> -> memref<16x768xf32, #tpu.memory_space<vmem>>
    %dma_wait3A_291 = arith.constant 48 : i32
    %dma_wait3A_292 = tpu.memref_slice %arg10[%dma_wait3A_291] : memref<64xi32, #tpu.memory_space<vmem>> -> memref<16xi32, #tpu.memory_space<vmem>>
    %dma_wait3A_293 = arith.constant 0 : i32
    %dma_wait3A_294 = arith.constant 0 : i32
    %dma_wait3A_295 = tpu.memref_slice %arg2[%dma_wait3A_293, %dma_wait3A_294] : memref<260x768xf32, #tpu.memory_space<hbm>> -> memref<260x768xf32, #tpu.memory_space<hbm>>
    tpu.wait_indirect_dma semaphore(%arg23 : memref<!tpu.dma_semaphore, #tpu.memory_space<semaphore_mem>>) src(%dma_wait3A_295 : memref<260x768xf32, #tpu.memory_space<hbm>>) dst(%dma_wait3A_290 : memref<16x768xf32, #tpu.memory_space<vmem>>)
    %dma_wait3A_296 = arith.constant 48 : i32
    %dma_wait3A_297 = arith.constant 0 : i32
    %dma_wait3A_298 = tpu.memref_slice %arg13[%dma_wait3A_296, %dma_wait3A_297] : memref<64x768xf32, #tpu.memory_space<vmem>> -> memref<16x768xf32, #tpu.memory_space<vmem>>
    %dma_wait3A_299 = arith.constant 48 : i32
    %dma_wait3A_300 = tpu.memref_slice %arg9[%dma_wait3A_299] : memref<64xi32, #tpu.memory_space<vmem>> -> memref<16xi32, #tpu.memory_space<vmem>>
    %dma_wait3A_301 = arith.constant 0 : i32
    %dma_wait3A_302 = arith.constant 0 : i32
    %dma_wait3A_303 = tpu.memref_slice %arg2[%dma_wait3A_301, %dma_wait3A_302] : memref<260x768xf32, #tpu.memory_space<hbm>> -> memref<260x768xf32, #tpu.memory_space<hbm>>
    tpu.wait_indirect_dma semaphore(%arg19 : memref<!tpu.dma_semaphore, #tpu.memory_space<semaphore_mem>>) src(%dma_wait3A_303 : memref<260x768xf32, #tpu.memory_space<hbm>>) dst(%dma_wait3A_298 : memref<16x768xf32, #tpu.memory_space<vmem>>)
    %scan3A_304 = arith.constant 0 : i32
    %scan3A_305 = arith.constant 0 : i32
    %scan3A_306 = arith.constant 16 : i32
    %scan3A_307 = arith.addi %scan3A_305, %scan3A_306 : i32
    %scan3A_308 = arith.constant 1 : i32
    scf.for %scan3A_362 = %scan3A_305 to %scan3A_307 step %scan3A_308  : i32 {
      %add3A_363 = arith.constant 48 : i32
      %add3A_364 = arith.addi %add3A_363, %scan3A_362 : i32
      %get3A_365 = arith.index_cast %add3A_364 : i32 to index
      %get3A_366 = arith.constant 0 : index
      %get3A_367 = tpu.vector_load %arg12[%get3A_365, %get3A_366] {strides = array<i32>} : memref<64x128xf32, #tpu.memory_space<vmem>>, vector<1x16xf32>,
      %get3A_368 = vector.shape_cast %get3A_367 : vector<1x16xf32> to vector<16xf32>
      %get3A_369 = arith.index_cast %add3A_364 : i32 to index
      %get3A_370 = arith.constant 0 : index
      %get3A_371 = tpu.vector_load %arg14[%get3A_369, %get3A_370] {strides = array<i32>} : memref<64x768xf32, #tpu.memory_space<vmem>>, vector<1x16xf32>,
      %get3A_372 = vector.shape_cast %get3A_371 : vector<1x16xf32> to vector<16xf32>
      %get3A_373 = arith.index_cast %add3A_364 : i32 to index
      %get3A_374 = arith.constant 0 : index
      %get3A_375 = tpu.vector_load %arg13[%get3A_373, %get3A_374] {strides = array<i32>} : memref<64x768xf32, #tpu.memory_space<vmem>>, vector<1x16xf32>,
      %get3A_376 = vector.shape_cast %get3A_375 : vector<1x16xf32> to vector<16xf32>
      %sub3A_377 = arith.subf %get3A_372, %get3A_376 : vector<16xf32>
      %mul3A_378 = arith.mulf %sub3A_377, %get3A_368 : vector<16xf32>
      %swap3A_379 = arith.index_cast %add3A_364 : i32 to index
      %swap3A_380 = arith.constant 0 : index
      %swap3A_381 = tpu.vector_load %arg14[%swap3A_379, %swap3A_380] {strides = array<i32>} : memref<64x768xf32, #tpu.memory_space<vmem>>, vector<1x16xf32>,
      %swap3A_382 = vector.shape_cast %swap3A_381 : vector<1x16xf32> to vector<16xf32>
      %swap3A_383 = vector.shape_cast %mul3A_378 : vector<16xf32> to vector<1x16xf32>
      tpu.vector_store %arg14[%swap3A_379, %swap3A_380], %swap3A_383 {strides = array<i32>} : memref<64x768xf32, #tpu.memory_space<vmem>>, vector<1x16xf32>,
      %get3A_384 = arith.index_cast %add3A_364 : i32 to index
      %get3A_385 = arith.constant 16 : index
      %get3A_386 = tpu.vector_load %arg14[%get3A_384, %get3A_385] {strides = array<i32>} : memref<64x768xf32, #tpu.memory_space<vmem>>, vector<1x16xf32>,
      %get3A_387 = vector.shape_cast %get3A_386 : vector<1x16xf32> to vector<16xf32>
      %get3A_388 = arith.index_cast %add3A_364 : i32 to index
      %get3A_389 = arith.constant 16 : index
      %get3A_390 = tpu.vector_load %arg13[%get3A_388, %get3A_389] {strides = array<i32>} : memref<64x768xf32, #tpu.memory_space<vmem>>, vector<1x16xf32>,
      %get3A_391 = vector.shape_cast %get3A_390 : vector<1x16xf32> to vector<16xf32>
      %sub3A_392 = arith.subf %get3A_387, %get3A_391 : vector<16xf32>
      %mul3A_393 = arith.mulf %sub3A_392, %get3A_368 : vector<16xf32>
      %swap3A_394 = arith.index_cast %add3A_364 : i32 to index
      %swap3A_395 = arith.constant 16 : index
      %swap3A_396 = tpu.vector_load %arg14[%swap3A_394, %swap3A_395] {strides = array<i32>} : memref<64x768xf32, #tpu.memory_space<vmem>>, vector<1x16xf32>,
      %swap3A_397 = vector.shape_cast %swap3A_396 : vector<1x16xf32> to vector<16xf32>
      %swap3A_398 = vector.shape_cast %mul3A_393 : vector<16xf32> to vector<1x16xf32>
      tpu.vector_store %arg14[%swap3A_394, %swap3A_395], %swap3A_398 {strides = array<i32>} : memref<64x768xf32, #tpu.memory_space<vmem>>, vector<1x16xf32>,
      %get3A_399 = arith.index_cast %add3A_364 : i32 to index
      %get3A_400 = arith.constant 32 : index
      %get3A_401 = tpu.vector_load %arg14[%get3A_399, %get3A_400] {strides = array<i32>} : memref<64x768xf32, #tpu.memory_space<vmem>>, vector<1x16xf32>,
      %get3A_402 = vector.shape_cast %get3A_401 : vector<1x16xf32> to vector<16xf32>
      %get3A_403 = arith.index_cast %add3A_364 : i32 to index
      %get3A_404 = arith.constant 32 : index
      %get3A_405 = tpu.vector_load %arg13[%get3A_403, %get3A_404] {strides = array<i32>} : memref<64x768xf32, #tpu.memory_space<vmem>>, vector<1x16xf32>,
      %get3A_406 = vector.shape_cast %get3A_405 : vector<1x16xf32> to vector<16xf32>
      %sub3A_407 = arith.subf %get3A_402, %get3A_406 : vector<16xf32>
      %mul3A_408 = arith.mulf %sub3A_407, %get3A_368 : vector<16xf32>
      %swap3A_409 = arith.index_cast %add3A_364 : i32 to index
      %swap3A_410 = arith.constant 32 : index
      %swap3A_411 = tpu.vector_load %arg14[%swap3A_409, %swap3A_410] {strides = array<i32>} : memref<64x768xf32, #tpu.memory_space<vmem>>, vector<1x16xf32>,
      %swap3A_412 = vector.shape_cast %swap3A_411 : vector<1x16xf32> to vector<16xf32>
      %swap3A_413 = vector.shape_cast %mul3A_408 : vector<16xf32> to vector<1x16xf32>
      tpu.vector_store %arg14[%swap3A_409, %swap3A_410], %swap3A_413 {strides = array<i32>} : memref<64x768xf32, #tpu.memory_space<vmem>>, vector<1x16xf32>,
      %get3A_414 = arith.index_cast %add3A_364 : i32 to index
      %get3A_415 = arith.constant 48 : index
      %get3A_416 = tpu.vector_load %arg14[%get3A_414, %get3A_415] {strides = array<i32>} : memref<64x768xf32, #tpu.memory_space<vmem>>, vector<1x16xf32>,
      %get3A_417 = vector.shape_cast %get3A_416 : vector<1x16xf32> to vector<16xf32>
      %get3A_418 = arith.index_cast %add3A_364 : i32 to index
      %get3A_419 = arith.constant 48 : index
      %get3A_420 = tpu.vector_load %arg13[%get3A_418, %get3A_419] {strides = array<i32>} : memref<64x768xf32, #tpu.memory_space<vmem>>, vector<1x16xf32>,
      %get3A_421 = vector.shape_cast %get3A_420 : vector<1x16xf32> to vector<16xf32>
      %sub3A_422 = arith.subf %get3A_417, %get3A_421 : vector<16xf32>
      %mul3A_423 = arith.mulf %sub3A_422, %get3A_368 : vector<16xf32>
      %swap3A_424 = arith.index_cast %add3A_364 : i32 to index
      %swap3A_425 = arith.constant 48 : index
      %swap3A_426 = tpu.vector_load %arg14[%swap3A_424, %swap3A_425] {strides = array<i32>} : memref<64x768xf32, #tpu.memory_space<vmem>>, vector<1x16xf32>,
      %swap3A_427 = vector.shape_cast %swap3A_426 : vector<1x16xf32> to vector<16xf32>
      %swap3A_428 = vector.shape_cast %mul3A_423 : vector<16xf32> to vector<1x16xf32>
      tpu.vector_store %arg14[%swap3A_424, %swap3A_425], %swap3A_428 {strides = array<i32>} : memref<64x768xf32, #tpu.memory_space<vmem>>, vector<1x16xf32>,
      %get3A_429 = arith.index_cast %add3A_364 : i32 to index
      %get3A_430 = arith.constant 64 : index
      %get3A_431 = tpu.vector_load %arg14[%get3A_429, %get3A_430] {strides = array<i32>} : memref<64x768xf32, #tpu.memory_space<vmem>>, vector<1x16xf32>,
      %get3A_432 = vector.shape_cast %get3A_431 : vector<1x16xf32> to vector<16xf32>
      %get3A_433 = arith.index_cast %add3A_364 : i32 to index
      %get3A_434 = arith.constant 64 : index
      %get3A_435 = tpu.vector_load %arg13[%get3A_433, %get3A_434] {strides = array<i32>} : memref<64x768xf32, #tpu.memory_space<vmem>>, vector<1x16xf32>,
      %get3A_436 = vector.shape_cast %get3A_435 : vector<1x16xf32> to vector<16xf32>
      %sub3A_437 = arith.subf %get3A_432, %get3A_436 : vector<16xf32>
      %mul3A_438 = arith.mulf %sub3A_437, %get3A_368 : vector<16xf32>
      %swap3A_439 = arith.index_cast %add3A_364 : i32 to index
      %swap3A_440 = arith.constant 64 : index
      %swap3A_441 = tpu.vector_load %arg14[%swap3A_439, %swap3A_440] {strides = array<i32>} : memref<64x768xf32, #tpu.memory_space<vmem>>, vector<1x16xf32>,
      %swap3A_442 = vector.shape_cast %swap3A_441 : vector<1x16xf32> to vector<16xf32>
      %swap3A_443 = vector.shape_cast %mul3A_438 : vector<16xf32> to vector<1x16xf32>
      tpu.vector_store %arg14[%swap3A_439, %swap3A_440], %swap3A_443 {strides = array<i32>} : memref<64x768xf32, #tpu.memory_space<vmem>>, vector<1x16xf32>,
      %get3A_444 = arith.index_cast %add3A_364 : i32 to index
      %get3A_445 = arith.constant 80 : index
      %get3A_446 = tpu.vector_load %arg14[%get3A_444, %get3A_445] {strides = array<i32>} : memref<64x768xf32, #tpu.memory_space<vmem>>, vector<1x16xf32>,
      %get3A_447 = vector.shape_cast %get3A_446 : vector<1x16xf32> to vector<16xf32>
      %get3A_448 = arith.index_cast %add3A_364 : i32 to index
      %get3A_449 = arith.constant 80 : index
      %get3A_450 = tpu.vector_load %arg13[%get3A_448, %get3A_449] {strides = array<i32>} : memref<64x768xf32, #tpu.memory_space<vmem>>, vector<1x16xf32>,
      %get3A_451 = vector.shape_cast %get3A_450 : vector<1x16xf32> to vector<16xf32>
      %sub3A_452 = arith.subf %get3A_447, %get3A_451 : vector<16xf32>
      %mul3A_453 = arith.mulf %sub3A_452, %get3A_368 : vector<16xf32>
      %swap3A_454 = arith.index_cast %add3A_364 : i32 to index
      %swap3A_455 = arith.constant 80 : index
      %swap3A_456 = tpu.vector_load %arg14[%swap3A_454, %swap3A_455] {strides = array<i32>} : memref<64x768xf32, #tpu.memory_space<vmem>>, vector<1x16xf32>,
      %swap3A_457 = vector.shape_cast %swap3A_456 : vector<1x16xf32> to vector<16xf32>
      %swap3A_458 = vector.shape_cast %mul3A_453 : vector<16xf32> to vector<1x16xf32>
      tpu.vector_store %arg14[%swap3A_454, %swap3A_455], %swap3A_458 {strides = array<i32>} : memref<64x768xf32, #tpu.memory_space<vmem>>, vector<1x16xf32>,
      %get3A_459 = arith.index_cast %add3A_364 : i32 to index
      %get3A_460 = arith.constant 96 : index
      %get3A_461 = tpu.vector_load %arg14[%get3A_459, %get3A_460] {strides = array<i32>} : memref<64x768xf32, #tpu.memory_space<vmem>>, vector<1x16xf32>,
      %get3A_462 = vector.shape_cast %get3A_461 : vector<1x16xf32> to vector<16xf32>
      %get3A_463 = arith.index_cast %add3A_364 : i32 to index
      %get3A_464 = arith.constant 96 : index
      %get3A_465 = tpu.vector_load %arg13[%get3A_463, %get3A_464] {strides = array<i32>} : memref<64x768xf32, #tpu.memory_space<vmem>>, vector<1x16xf32>,
      %get3A_466 = vector.shape_cast %get3A_465 : vector<1x16xf32> to vector<16xf32>
      %sub3A_467 = arith.subf %get3A_462, %get3A_466 : vector<16xf32>
      %mul3A_468 = arith.mulf %sub3A_467, %get3A_368 : vector<16xf32>
      %swap3A_469 = arith.index_cast %add3A_364 : i32 to index
      %swap3A_470 = arith.constant 96 : index
      %swap3A_471 = tpu.vector_load %arg14[%swap3A_469, %swap3A_470] {strides = array<i32>} : memref<64x768xf32, #tpu.memory_space<vmem>>, vector<1x16xf32>,
      %swap3A_472 = vector.shape_cast %swap3A_471 : vector<1x16xf32> to vector<16xf32>
      %swap3A_473 = vector.shape_cast %mul3A_468 : vector<16xf32> to vector<1x16xf32>
      tpu.vector_store %arg14[%swap3A_469, %swap3A_470], %swap3A_473 {strides = array<i32>} : memref<64x768xf32, #tpu.memory_space<vmem>>, vector<1x16xf32>,
      %get3A_474 = arith.index_cast %add3A_364 : i32 to index
      %get3A_475 = arith.constant 112 : index
      %get3A_476 = tpu.vector_load %arg14[%get3A_474, %get3A_475] {strides = array<i32>} : memref<64x768xf32, #tpu.memory_space<vmem>>, vector<1x16xf32>,
      %get3A_477 = vector.shape_cast %get3A_476 : vector<1x16xf32> to vector<16xf32>
      %get3A_478 = arith.index_cast %add3A_364 : i32 to index
      %get3A_479 = arith.constant 112 : index
      %get3A_480 = tpu.vector_load %arg13[%get3A_478, %get3A_479] {strides = array<i32>} : memref<64x768xf32, #tpu.memory_space<vmem>>, vector<1x16xf32>,
      %get3A_481 = vector.shape_cast %get3A_480 : vector<1x16xf32> to vector<16xf32>
      %sub3A_482 = arith.subf %get3A_477, %get3A_481 : vector<16xf32>
      %mul3A_483 = arith.mulf %sub3A_482, %get3A_368 : vector<16xf32>
      %swap3A_484 = arith.index_cast %add3A_364 : i32 to index
      %swap3A_485 = arith.constant 112 : index
      %swap3A_486 = tpu.vector_load %arg14[%swap3A_484, %swap3A_485] {strides = array<i32>} : memref<64x768xf32, #tpu.memory_space<vmem>>, vector<1x16xf32>,
      %swap3A_487 = vector.shape_cast %swap3A_486 : vector<1x16xf32> to vector<16xf32>
      %swap3A_488 = vector.shape_cast %mul3A_483 : vector<16xf32> to vector<1x16xf32>
      tpu.vector_store %arg14[%swap3A_484, %swap3A_485], %swap3A_488 {strides = array<i32>} : memref<64x768xf32, #tpu.memory_space<vmem>>, vector<1x16xf32>,
      %get3A_489 = arith.index_cast %add3A_364 : i32 to index
      %get3A_490 = arith.constant 128 : index
      %get3A_491 = tpu.vector_load %arg14[%get3A_489, %get3A_490] {strides = array<i32>} : memref<64x768xf32, #tpu.memory_space<vmem>>, vector<1x16xf32>,
      %get3A_492 = vector.shape_cast %get3A_491 : vector<1x16xf32> to vector<16xf32>
      %get3A_493 = arith.index_cast %add3A_364 : i32 to index
      %get3A_494 = arith.constant 128 : index
      %get3A_495 = tpu.vector_load %arg13[%get3A_493, %get3A_494] {strides = array<i32>} : memref<64x768xf32, #tpu.memory_space<vmem>>, vector<1x16xf32>,
      %get3A_496 = vector.shape_cast %get3A_495 : vector<1x16xf32> to vector<16xf32>
      %sub3A_497 = arith.subf %get3A_492, %get3A_496 : vector<16xf32>
      %mul3A_498 = arith.mulf %sub3A_497, %get3A_368 : vector<16xf32>
      %swap3A_499 = arith.index_cast %add3A_364 : i32 to index
      %swap3A_500 = arith.constant 128 : index
      %swap3A_501 = tpu.vector_load %arg14[%swap3A_499, %swap3A_500] {strides = array<i32>} : memref<64x768xf32, #tpu.memory_space<vmem>>, vector<1x16xf32>,
      %swap3A_502 = vector.shape_cast %swap3A_501 : vector<1x16xf32> to vector<16xf32>
      %swap3A_503 = vector.shape_cast %mul3A_498 : vector<16xf32> to vector<1x16xf32>
      tpu.vector_store %arg14[%swap3A_499, %swap3A_500], %swap3A_503 {strides = array<i32>} : memref<64x768xf32, #tpu.memory_space<vmem>>, vector<1x16xf32>,
      %get3A_504 = arith.index_cast %add3A_364 : i32 to index
      %get3A_505 = arith.constant 144 : index
      %get3A_506 = tpu.vector_load %arg14[%get3A_504, %get3A_505] {strides = array<i32>} : memref<64x768xf32, #tpu.memory_space<vmem>>, vector<1x16xf32>,
      %get3A_507 = vector.shape_cast %get3A_506 : vector<1x16xf32> to vector<16xf32>
      %get3A_508 = arith.index_cast %add3A_364 : i32 to index
      %get3A_509 = arith.constant 144 : index
      %get3A_510 = tpu.vector_load %arg13[%get3A_508, %get3A_509] {strides = array<i32>} : memref<64x768xf32, #tpu.memory_space<vmem>>, vector<1x16xf32>,
      %get3A_511 = vector.shape_cast %get3A_510 : vector<1x16xf32> to vector<16xf32>
      %sub3A_512 = arith.subf %get3A_507, %get3A_511 : vector<16xf32>
      %mul3A_513 = arith.mulf %sub3A_512, %get3A_368 : vector<16xf32>
      %swap3A_514 = arith.index_cast %add3A_364 : i32 to index
      %swap3A_515 = arith.constant 144 : index
      %swap3A_516 = tpu.vector_load %arg14[%swap3A_514, %swap3A_515] {strides = array<i32>} : memref<64x768xf32, #tpu.memory_space<vmem>>, vector<1x16xf32>,
      %swap3A_517 = vector.shape_cast %swap3A_516 : vector<1x16xf32> to vector<16xf32>
      %swap3A_518 = vector.shape_cast %mul3A_513 : vector<16xf32> to vector<1x16xf32>
      tpu.vector_store %arg14[%swap3A_514, %swap3A_515], %swap3A_518 {strides = array<i32>} : memref<64x768xf32, #tpu.memory_space<vmem>>, vector<1x16xf32>,
      %get3A_519 = arith.index_cast %add3A_364 : i32 to index
      %get3A_520 = arith.constant 160 : index
      %get3A_521 = tpu.vector_load %arg14[%get3A_519, %get3A_520] {strides = array<i32>} : memref<64x768xf32, #tpu.memory_space<vmem>>, vector<1x16xf32>,
      %get3A_522 = vector.shape_cast %get3A_521 : vector<1x16xf32> to vector<16xf32>
      %get3A_523 = arith.index_cast %add3A_364 : i32 to index
      %get3A_524 = arith.constant 160 : index
      %get3A_525 = tpu.vector_load %arg13[%get3A_523, %get3A_524] {strides = array<i32>} : memref<64x768xf32, #tpu.memory_space<vmem>>, vector<1x16xf32>,
      %get3A_526 = vector.shape_cast %get3A_525 : vector<1x16xf32> to vector<16xf32>
      %sub3A_527 = arith.subf %get3A_522, %get3A_526 : vector<16xf32>
      %mul3A_528 = arith.mulf %sub3A_527, %get3A_368 : vector<16xf32>
      %swap3A_529 = arith.index_cast %add3A_364 : i32 to index
      %swap3A_530 = arith.constant 160 : index
      %swap3A_531 = tpu.vector_load %arg14[%swap3A_529, %swap3A_530] {strides = array<i32>} : memref<64x768xf32, #tpu.memory_space<vmem>>, vector<1x16xf32>,
      %swap3A_532 = vector.shape_cast %swap3A_531 : vector<1x16xf32> to vector<16xf32>
      %swap3A_533 = vector.shape_cast %mul3A_528 : vector<16xf32> to vector<1x16xf32>
      tpu.vector_store %arg14[%swap3A_529, %swap3A_530], %swap3A_533 {strides = array<i32>} : memref<64x768xf32, #tpu.memory_space<vmem>>, vector<1x16xf32>,
      %get3A_534 = arith.index_cast %add3A_364 : i32 to index
      %get3A_535 = arith.constant 176 : index
      %get3A_536 = tpu.vector_load %arg14[%get3A_534, %get3A_535] {strides = array<i32>} : memref<64x768xf32, #tpu.memory_space<vmem>>, vector<1x16xf32>,
      %get3A_537 = vector.shape_cast %get3A_536 : vector<1x16xf32> to vector<16xf32>
      %get3A_538 = arith.index_cast %add3A_364 : i32 to index
      %get3A_539 = arith.constant 176 : index
      %get3A_540 = tpu.vector_load %arg13[%get3A_538, %get3A_539] {strides = array<i32>} : memref<64x768xf32, #tpu.memory_space<vmem>>, vector<1x16xf32>,
      %get3A_541 = vector.shape_cast %get3A_540 : vector<1x16xf32> to vector<16xf32>
      %sub3A_542 = arith.subf %get3A_537, %get3A_541 : vector<16xf32>
      %mul3A_543 = arith.mulf %sub3A_542, %get3A_368 : vector<16xf32>
      %swap3A_544 = arith.index_cast %add3A_364 : i32 to index
      %swap3A_545 = arith.constant 176 : index
      %swap3A_546 = tpu.vector_load %arg14[%swap3A_544, %swap3A_545] {strides = array<i32>} : memref<64x768xf32, #tpu.memory_space<vmem>>, vector<1x16xf32>,
      %swap3A_547 = vector.shape_cast %swap3A_546 : vector<1x16xf32> to vector<16xf32>
      %swap3A_548 = vector.shape_cast %mul3A_543 : vector<16xf32> to vector<1x16xf32>
      tpu.vector_store %arg14[%swap3A_544, %swap3A_545], %swap3A_548 {strides = array<i32>} : memref<64x768xf32, #tpu.memory_space<vmem>>, vector<1x16xf32>,
      %get3A_549 = arith.index_cast %add3A_364 : i32 to index
      %get3A_550 = arith.constant 192 : index
      %get3A_551 = tpu.vector_load %arg14[%get3A_549, %get3A_550] {strides = array<i32>} : memref<64x768xf32, #tpu.memory_space<vmem>>, vector<1x16xf32>,
      %get3A_552 = vector.shape_cast %get3A_551 : vector<1x16xf32> to vector<16xf32>
      %get3A_553 = arith.index_cast %add3A_364 : i32 to index
      %get3A_554 = arith.constant 192 : index
      %get3A_555 = tpu.vector_load %arg13[%get3A_553, %get3A_554] {strides = array<i32>} : memref<64x768xf32, #tpu.memory_space<vmem>>, vector<1x16xf32>,
      %get3A_556 = vector.shape_cast %get3A_555 : vector<1x16xf32> to vector<16xf32>
      %sub3A_557 = arith.subf %get3A_552, %get3A_556 : vector<16xf32>
      %mul3A_558 = arith.mulf %sub3A_557, %get3A_368 : vector<16xf32>
      %swap3A_559 = arith.index_cast %add3A_364 : i32 to index
      %swap3A_560 = arith.constant 192 : index
      %swap3A_561 = tpu.vector_load %arg14[%swap3A_559, %swap3A_560] {strides = array<i32>} : memref<64x768xf32, #tpu.memory_space<vmem>>, vector<1x16xf32>,
      %swap3A_562 = vector.shape_cast %swap3A_561 : vector<1x16xf32> to vector<16xf32>
      %swap3A_563 = vector.shape_cast %mul3A_558 : vector<16xf32> to vector<1x16xf32>
      tpu.vector_store %arg14[%swap3A_559, %swap3A_560], %swap3A_563 {strides = array<i32>} : memref<64x768xf32, #tpu.memory_space<vmem>>, vector<1x16xf32>,
      %get3A_564 = arith.index_cast %add3A_364 : i32 to index
      %get3A_565 = arith.constant 208 : index
      %get3A_566 = tpu.vector_load %arg14[%get3A_564, %get3A_565] {strides = array<i32>} : memref<64x768xf32, #tpu.memory_space<vmem>>, vector<1x16xf32>,
      %get3A_567 = vector.shape_cast %get3A_566 : vector<1x16xf32> to vector<16xf32>
      %get3A_568 = arith.index_cast %add3A_364 : i32 to index
      %get3A_569 = arith.constant 208 : index
      %get3A_570 = tpu.vector_load %arg13[%get3A_568, %get3A_569] {strides = array<i32>} : memref<64x768xf32, #tpu.memory_space<vmem>>, vector<1x16xf32>,
      %get3A_571 = vector.shape_cast %get3A_570 : vector<1x16xf32> to vector<16xf32>
      %sub3A_572 = arith.subf %get3A_567, %get3A_571 : vector<16xf32>
      %mul3A_573 = arith.mulf %sub3A_572, %get3A_368 : vector<16xf32>
      %swap3A_574 = arith.index_cast %add3A_364 : i32 to index
      %swap3A_575 = arith.constant 208 : index
      %swap3A_576 = tpu.vector_load %arg14[%swap3A_574, %swap3A_575] {strides = array<i32>} : memref<64x768xf32, #tpu.memory_space<vmem>>, vector<1x16xf32>,
      %swap3A_577 = vector.shape_cast %swap3A_576 : vector<1x16xf32> to vector<16xf32>
      %swap3A_578 = vector.shape_cast %mul3A_573 : vector<16xf32> to vector<1x16xf32>
      tpu.vector_store %arg14[%swap3A_574, %swap3A_575], %swap3A_578 {strides = array<i32>} : memref<64x768xf32, #tpu.memory_space<vmem>>, vector<1x16xf32>,
      %get3A_579 = arith.index_cast %add3A_364 : i32 to index
      %get3A_580 = arith.constant 224 : index
      %get3A_581 = tpu.vector_load %arg14[%get3A_579, %get3A_580] {strides = array<i32>} : memref<64x768xf32, #tpu.memory_space<vmem>>, vector<1x16xf32>,
      %get3A_582 = vector.shape_cast %get3A_581 : vector<1x16xf32> to vector<16xf32>
      %get3A_583 = arith.index_cast %add3A_364 : i32 to index
      %get3A_584 = arith.constant 224 : index
      %get3A_585 = tpu.vector_load %arg13[%get3A_583, %get3A_584] {strides = array<i32>} : memref<64x768xf32, #tpu.memory_space<vmem>>, vector<1x16xf32>,
      %get3A_586 = vector.shape_cast %get3A_585 : vector<1x16xf32> to vector<16xf32>
      %sub3A_587 = arith.subf %get3A_582, %get3A_586 : vector<16xf32>
      %mul3A_588 = arith.mulf %sub3A_587, %get3A_368 : vector<16xf32>
      %swap3A_589 = arith.index_cast %add3A_364 : i32 to index
      %swap3A_590 = arith.constant 224 : index
      %swap3A_591 = tpu.vector_load %arg14[%swap3A_589, %swap3A_590] {strides = array<i32>} : memref<64x768xf32, #tpu.memory_space<vmem>>, vector<1x16xf32>,
      %swap3A_592 = vector.shape_cast %swap3A_591 : vector<1x16xf32> to vector<16xf32>
      %swap3A_593 = vector.shape_cast %mul3A_588 : vector<16xf32> to vector<1x16xf32>
      tpu.vector_store %arg14[%swap3A_589, %swap3A_590], %swap3A_593 {strides = array<i32>} : memref<64x768xf32, #tpu.memory_space<vmem>>, vector<1x16xf32>,
      %get3A_594 = arith.index_cast %add3A_364 : i32 to index
      %get3A_595 = arith.constant 240 : index
      %get3A_596 = tpu.vector_load %arg14[%get3A_594, %get3A_595] {strides = array<i32>} : memref<64x768xf32, #tpu.memory_space<vmem>>, vector<1x16xf32>,
      %get3A_597 = vector.shape_cast %get3A_596 : vector<1x16xf32> to vector<16xf32>
      %get3A_598 = arith.index_cast %add3A_364 : i32 to index
      %get3A_599 = arith.constant 240 : index
      %get3A_600 = tpu.vector_load %arg13[%get3A_598, %get3A_599] {strides = array<i32>} : memref<64x768xf32, #tpu.memory_space<vmem>>, vector<1x16xf32>,
      %get3A_601 = vector.shape_cast %get3A_600 : vector<1x16xf32> to vector<16xf32>
      %sub3A_602 = arith.subf %get3A_597, %get3A_601 : vector<16xf32>
      %mul3A_603 = arith.mulf %sub3A_602, %get3A_368 : vector<16xf32>
      %swap3A_604 = arith.index_cast %add3A_364 : i32 to index
      %swap3A_605 = arith.constant 240 : index
      %swap3A_606 = tpu.vector_load %arg14[%swap3A_604, %swap3A_605] {strides = array<i32>} : memref<64x768xf32, #tpu.memory_space<vmem>>, vector<1x16xf32>,
      %swap3A_607 = vector.shape_cast %swap3A_606 : vector<1x16xf32> to vector<16xf32>
      %swap3A_608 = vector.shape_cast %mul3A_603 : vector<16xf32> to vector<1x16xf32>
      tpu.vector_store %arg14[%swap3A_604, %swap3A_605], %swap3A_608 {strides = array<i32>} : memref<64x768xf32, #tpu.memory_space<vmem>>, vector<1x16xf32>,
      %get3A_609 = arith.index_cast %add3A_364 : i32 to index
      %get3A_610 = arith.constant 256 : index
      %get3A_611 = tpu.vector_load %arg14[%get3A_609, %get3A_610] {strides = array<i32>} : memref<64x768xf32, #tpu.memory_space<vmem>>, vector<1x16xf32>,
      %get3A_612 = vector.shape_cast %get3A_611 : vector<1x16xf32> to vector<16xf32>
      %get3A_613 = arith.index_cast %add3A_364 : i32 to index
      %get3A_614 = arith.constant 256 : index
      %get3A_615 = tpu.vector_load %arg13[%get3A_613, %get3A_614] {strides = array<i32>} : memref<64x768xf32, #tpu.memory_space<vmem>>, vector<1x16xf32>,
      %get3A_616 = vector.shape_cast %get3A_615 : vector<1x16xf32> to vector<16xf32>
      %sub3A_617 = arith.subf %get3A_612, %get3A_616 : vector<16xf32>
      %mul3A_618 = arith.mulf %sub3A_617, %get3A_368 : vector<16xf32>
      %swap3A_619 = arith.index_cast %add3A_364 : i32 to index
      %swap3A_620 = arith.constant 256 : index
      %swap3A_621 = tpu.vector_load %arg14[%swap3A_619, %swap3A_620] {strides = array<i32>} : memref<64x768xf32, #tpu.memory_space<vmem>>, vector<1x16xf32>,
      %swap3A_622 = vector.shape_cast %swap3A_621 : vector<1x16xf32> to vector<16xf32>
      %swap3A_623 = vector.shape_cast %mul3A_618 : vector<16xf32> to vector<1x16xf32>
      tpu.vector_store %arg14[%swap3A_619, %swap3A_620], %swap3A_623 {strides = array<i32>} : memref<64x768xf32, #tpu.memory_space<vmem>>, vector<1x16xf32>,
      %get3A_624 = arith.index_cast %add3A_364 : i32 to index
      %get3A_625 = arith.constant 272 : index
      %get3A_626 = tpu.vector_load %arg14[%get3A_624, %get3A_625] {strides = array<i32>} : memref<64x768xf32, #tpu.memory_space<vmem>>, vector<1x16xf32>,
      %get3A_627 = vector.shape_cast %get3A_626 : vector<1x16xf32> to vector<16xf32>
      %get3A_628 = arith.index_cast %add3A_364 : i32 to index
      %get3A_629 = arith.constant 272 : index
      %get3A_630 = tpu.vector_load %arg13[%get3A_628, %get3A_629] {strides = array<i32>} : memref<64x768xf32, #tpu.memory_space<vmem>>, vector<1x16xf32>,
      %get3A_631 = vector.shape_cast %get3A_630 : vector<1x16xf32> to vector<16xf32>
      %sub3A_632 = arith.subf %get3A_627, %get3A_631 : vector<16xf32>
      %mul3A_633 = arith.mulf %sub3A_632, %get3A_368 : vector<16xf32>
      %swap3A_634 = arith.index_cast %add3A_364 : i32 to index
      %swap3A_635 = arith.constant 272 : index
      %swap3A_636 = tpu.vector_load %arg14[%swap3A_634, %swap3A_635] {strides = array<i32>} : memref<64x768xf32, #tpu.memory_space<vmem>>, vector<1x16xf32>,
      %swap3A_637 = vector.shape_cast %swap3A_636 : vector<1x16xf32> to vector<16xf32>
      %swap3A_638 = vector.shape_cast %mul3A_633 : vector<16xf32> to vector<1x16xf32>
      tpu.vector_store %arg14[%swap3A_634, %swap3A_635], %swap3A_638 {strides = array<i32>} : memref<64x768xf32, #tpu.memory_space<vmem>>, vector<1x16xf32>,
      %get3A_639 = arith.index_cast %add3A_364 : i32 to index
      %get3A_640 = arith.constant 288 : index
      %get3A_641 = tpu.vector_load %arg14[%get3A_639, %get3A_640] {strides = array<i32>} : memref<64x768xf32, #tpu.memory_space<vmem>>, vector<1x16xf32>,
      %get3A_642 = vector.shape_cast %get3A_641 : vector<1x16xf32> to vector<16xf32>
      %get3A_643 = arith.index_cast %add3A_364 : i32 to index
      %get3A_644 = arith.constant 288 : index
      %get3A_645 = tpu.vector_load %arg13[%get3A_643, %get3A_644] {strides = array<i32>} : memref<64x768xf32, #tpu.memory_space<vmem>>, vector<1x16xf32>,
      %get3A_646 = vector.shape_cast %get3A_645 : vector<1x16xf32> to vector<16xf32>
      %sub3A_647 = arith.subf %get3A_642, %get3A_646 : vector<16xf32>
      %mul3A_648 = arith.mulf %sub3A_647, %get3A_368 : vector<16xf32>
      %swap3A_649 = arith.index_cast %add3A_364 : i32 to index
      %swap3A_650 = arith.constant 288 : index
      %swap3A_651 = tpu.vector_load %arg14[%swap3A_649, %swap3A_650] {strides = array<i32>} : memref<64x768xf32, #tpu.memory_space<vmem>>, vector<1x16xf32>,
      %swap3A_652 = vector.shape_cast %swap3A_651 : vector<1x16xf32> to vector<16xf32>
      %swap3A_653 = vector.shape_cast %mul3A_648 : vector<16xf32> to vector<1x16xf32>
      tpu.vector_store %arg14[%swap3A_649, %swap3A_650], %swap3A_653 {strides = array<i32>} : memref<64x768xf32, #tpu.memory_space<vmem>>, vector<1x16xf32>,
      %get3A_654 = arith.index_cast %add3A_364 : i32 to index
      %get3A_655 = arith.constant 304 : index
      %get3A_656 = tpu.vector_load %arg14[%get3A_654, %get3A_655] {strides = array<i32>} : memref<64x768xf32, #tpu.memory_space<vmem>>, vector<1x16xf32>,
      %get3A_657 = vector.shape_cast %get3A_656 : vector<1x16xf32> to vector<16xf32>
      %get3A_658 = arith.index_cast %add3A_364 : i32 to index
      %get3A_659 = arith.constant 304 : index
      %get3A_660 = tpu.vector_load %arg13[%get3A_658, %get3A_659] {strides = array<i32>} : memref<64x768xf32, #tpu.memory_space<vmem>>, vector<1x16xf32>,
      %get3A_661 = vector.shape_cast %get3A_660 : vector<1x16xf32> to vector<16xf32>
      %sub3A_662 = arith.subf %get3A_657, %get3A_661 : vector<16xf32>
      %mul3A_663 = arith.mulf %sub3A_662, %get3A_368 : vector<16xf32>
      %swap3A_664 = arith.index_cast %add3A_364 : i32 to index
      %swap3A_665 = arith.constant 304 : index
      %swap3A_666 = tpu.vector_load %arg14[%swap3A_664, %swap3A_665] {strides = array<i32>} : memref<64x768xf32, #tpu.memory_space<vmem>>, vector<1x16xf32>,
      %swap3A_667 = vector.shape_cast %swap3A_666 : vector<1x16xf32> to vector<16xf32>
      %swap3A_668 = vector.shape_cast %mul3A_663 : vector<16xf32> to vector<1x16xf32>
      tpu.vector_store %arg14[%swap3A_664, %swap3A_665], %swap3A_668 {strides = array<i32>} : memref<64x768xf32, #tpu.memory_space<vmem>>, vector<1x16xf32>,
      %get3A_669 = arith.index_cast %add3A_364 : i32 to index
      %get3A_670 = arith.constant 320 : index
      %get3A_671 = tpu.vector_load %arg14[%get3A_669, %get3A_670] {strides = array<i32>} : memref<64x768xf32, #tpu.memory_space<vmem>>, vector<1x16xf32>,
      %get3A_672 = vector.shape_cast %get3A_671 : vector<1x16xf32> to vector<16xf32>
      %get3A_673 = arith.index_cast %add3A_364 : i32 to index
      %get3A_674 = arith.constant 320 : index
      %get3A_675 = tpu.vector_load %arg13[%get3A_673, %get3A_674] {strides = array<i32>} : memref<64x768xf32, #tpu.memory_space<vmem>>, vector<1x16xf32>,
      %get3A_676 = vector.shape_cast %get3A_675 : vector<1x16xf32> to vector<16xf32>
      %sub3A_677 = arith.subf %get3A_672, %get3A_676 : vector<16xf32>
      %mul3A_678 = arith.mulf %sub3A_677, %get3A_368 : vector<16xf32>
      %swap3A_679 = arith.index_cast %add3A_364 : i32 to index
      %swap3A_680 = arith.constant 320 : index
      %swap3A_681 = tpu.vector_load %arg14[%swap3A_679, %swap3A_680] {strides = array<i32>} : memref<64x768xf32, #tpu.memory_space<vmem>>, vector<1x16xf32>,
      %swap3A_682 = vector.shape_cast %swap3A_681 : vector<1x16xf32> to vector<16xf32>
      %swap3A_683 = vector.shape_cast %mul3A_678 : vector<16xf32> to vector<1x16xf32>
      tpu.vector_store %arg14[%swap3A_679, %swap3A_680], %swap3A_683 {strides = array<i32>} : memref<64x768xf32, #tpu.memory_space<vmem>>, vector<1x16xf32>,
      %get3A_684 = arith.index_cast %add3A_364 : i32 to index
      %get3A_685 = arith.constant 336 : index
      %get3A_686 = tpu.vector_load %arg14[%get3A_684, %get3A_685] {strides = array<i32>} : memref<64x768xf32, #tpu.memory_space<vmem>>, vector<1x16xf32>,
      %get3A_687 = vector.shape_cast %get3A_686 : vector<1x16xf32> to vector<16xf32>
      %get3A_688 = arith.index_cast %add3A_364 : i32 to index
      %get3A_689 = arith.constant 336 : index
      %get3A_690 = tpu.vector_load %arg13[%get3A_688, %get3A_689] {strides = array<i32>} : memref<64x768xf32, #tpu.memory_space<vmem>>, vector<1x16xf32>,
      %get3A_691 = vector.shape_cast %get3A_690 : vector<1x16xf32> to vector<16xf32>
      %sub3A_692 = arith.subf %get3A_687, %get3A_691 : vector<16xf32>
      %mul3A_693 = arith.mulf %sub3A_692, %get3A_368 : vector<16xf32>
      %swap3A_694 = arith.index_cast %add3A_364 : i32 to index
      %swap3A_695 = arith.constant 336 : index
      %swap3A_696 = tpu.vector_load %arg14[%swap3A_694, %swap3A_695] {strides = array<i32>} : memref<64x768xf32, #tpu.memory_space<vmem>>, vector<1x16xf32>,
      %swap3A_697 = vector.shape_cast %swap3A_696 : vector<1x16xf32> to vector<16xf32>
      %swap3A_698 = vector.shape_cast %mul3A_693 : vector<16xf32> to vector<1x16xf32>
      tpu.vector_store %arg14[%swap3A_694, %swap3A_695], %swap3A_698 {strides = array<i32>} : memref<64x768xf32, #tpu.memory_space<vmem>>, vector<1x16xf32>,
      %get3A_699 = arith.index_cast %add3A_364 : i32 to index
      %get3A_700 = arith.constant 352 : index
      %get3A_701 = tpu.vector_load %arg14[%get3A_699, %get3A_700] {strides = array<i32>} : memref<64x768xf32, #tpu.memory_space<vmem>>, vector<1x16xf32>,
      %get3A_702 = vector.shape_cast %get3A_701 : vector<1x16xf32> to vector<16xf32>
      %get3A_703 = arith.index_cast %add3A_364 : i32 to index
      %get3A_704 = arith.constant 352 : index
      %get3A_705 = tpu.vector_load %arg13[%get3A_703, %get3A_704] {strides = array<i32>} : memref<64x768xf32, #tpu.memory_space<vmem>>, vector<1x16xf32>,
      %get3A_706 = vector.shape_cast %get3A_705 : vector<1x16xf32> to vector<16xf32>
      %sub3A_707 = arith.subf %get3A_702, %get3A_706 : vector<16xf32>
      %mul3A_708 = arith.mulf %sub3A_707, %get3A_368 : vector<16xf32>
      %swap3A_709 = arith.index_cast %add3A_364 : i32 to index
      %swap3A_710 = arith.constant 352 : index
      %swap3A_711 = tpu.vector_load %arg14[%swap3A_709, %swap3A_710] {strides = array<i32>} : memref<64x768xf32, #tpu.memory_space<vmem>>, vector<1x16xf32>,
      %swap3A_712 = vector.shape_cast %swap3A_711 : vector<1x16xf32> to vector<16xf32>
      %swap3A_713 = vector.shape_cast %mul3A_708 : vector<16xf32> to vector<1x16xf32>
      tpu.vector_store %arg14[%swap3A_709, %swap3A_710], %swap3A_713 {strides = array<i32>} : memref<64x768xf32, #tpu.memory_space<vmem>>, vector<1x16xf32>,
      %get3A_714 = arith.index_cast %add3A_364 : i32 to index
      %get3A_715 = arith.constant 368 : index
      %get3A_716 = tpu.vector_load %arg14[%get3A_714, %get3A_715] {strides = array<i32>} : memref<64x768xf32, #tpu.memory_space<vmem>>, vector<1x16xf32>,
      %get3A_717 = vector.shape_cast %get3A_716 : vector<1x16xf32> to vector<16xf32>
      %get3A_718 = arith.index_cast %add3A_364 : i32 to index
      %get3A_719 = arith.constant 368 : index
      %get3A_720 = tpu.vector_load %arg13[%get3A_718, %get3A_719] {strides = array<i32>} : memref<64x768xf32, #tpu.memory_space<vmem>>, vector<1x16xf32>,
      %get3A_721 = vector.shape_cast %get3A_720 : vector<1x16xf32> to vector<16xf32>
      %sub3A_722 = arith.subf %get3A_717, %get3A_721 : vector<16xf32>
      %mul3A_723 = arith.mulf %sub3A_722, %get3A_368 : vector<16xf32>
      %swap3A_724 = arith.index_cast %add3A_364 : i32 to index
      %swap3A_725 = arith.constant 368 : index
      %swap3A_726 = tpu.vector_load %arg14[%swap3A_724, %swap3A_725] {strides = array<i32>} : memref<64x768xf32, #tpu.memory_space<vmem>>, vector<1x16xf32>,
      %swap3A_727 = vector.shape_cast %swap3A_726 : vector<1x16xf32> to vector<16xf32>
      %swap3A_728 = vector.shape_cast %mul3A_723 : vector<16xf32> to vector<1x16xf32>
      tpu.vector_store %arg14[%swap3A_724, %swap3A_725], %swap3A_728 {strides = array<i32>} : memref<64x768xf32, #tpu.memory_space<vmem>>, vector<1x16xf32>,
      %get3A_729 = arith.index_cast %add3A_364 : i32 to index
      %get3A_730 = arith.constant 384 : index
      %get3A_731 = tpu.vector_load %arg14[%get3A_729, %get3A_730] {strides = array<i32>} : memref<64x768xf32, #tpu.memory_space<vmem>>, vector<1x16xf32>,
      %get3A_732 = vector.shape_cast %get3A_731 : vector<1x16xf32> to vector<16xf32>
      %get3A_733 = arith.index_cast %add3A_364 : i32 to index
      %get3A_734 = arith.constant 384 : index
      %get3A_735 = tpu.vector_load %arg13[%get3A_733, %get3A_734] {strides = array<i32>} : memref<64x768xf32, #tpu.memory_space<vmem>>, vector<1x16xf32>,
      %get3A_736 = vector.shape_cast %get3A_735 : vector<1x16xf32> to vector<16xf32>
      %sub3A_737 = arith.subf %get3A_732, %get3A_736 : vector<16xf32>
      %mul3A_738 = arith.mulf %sub3A_737, %get3A_368 : vector<16xf32>
      %swap3A_739 = arith.index_cast %add3A_364 : i32 to index
      %swap3A_740 = arith.constant 384 : index
      %swap3A_741 = tpu.vector_load %arg14[%swap3A_739, %swap3A_740] {strides = array<i32>} : memref<64x768xf32, #tpu.memory_space<vmem>>, vector<1x16xf32>,
      %swap3A_742 = vector.shape_cast %swap3A_741 : vector<1x16xf32> to vector<16xf32>
      %swap3A_743 = vector.shape_cast %mul3A_738 : vector<16xf32> to vector<1x16xf32>
      tpu.vector_store %arg14[%swap3A_739, %swap3A_740], %swap3A_743 {strides = array<i32>} : memref<64x768xf32, #tpu.memory_space<vmem>>, vector<1x16xf32>,
      %get3A_744 = arith.index_cast %add3A_364 : i32 to index
      %get3A_745 = arith.constant 400 : index
      %get3A_746 = tpu.vector_load %arg14[%get3A_744, %get3A_745] {strides = array<i32>} : memref<64x768xf32, #tpu.memory_space<vmem>>, vector<1x16xf32>,
      %get3A_747 = vector.shape_cast %get3A_746 : vector<1x16xf32> to vector<16xf32>
      %get3A_748 = arith.index_cast %add3A_364 : i32 to index
      %get3A_749 = arith.constant 400 : index
      %get3A_750 = tpu.vector_load %arg13[%get3A_748, %get3A_749] {strides = array<i32>} : memref<64x768xf32, #tpu.memory_space<vmem>>, vector<1x16xf32>,
      %get3A_751 = vector.shape_cast %get3A_750 : vector<1x16xf32> to vector<16xf32>
      %sub3A_752 = arith.subf %get3A_747, %get3A_751 : vector<16xf32>
      %mul3A_753 = arith.mulf %sub3A_752, %get3A_368 : vector<16xf32>
      %swap3A_754 = arith.index_cast %add3A_364 : i32 to index
      %swap3A_755 = arith.constant 400 : index
      %swap3A_756 = tpu.vector_load %arg14[%swap3A_754, %swap3A_755] {strides = array<i32>} : memref<64x768xf32, #tpu.memory_space<vmem>>, vector<1x16xf32>,
      %swap3A_757 = vector.shape_cast %swap3A_756 : vector<1x16xf32> to vector<16xf32>
      %swap3A_758 = vector.shape_cast %mul3A_753 : vector<16xf32> to vector<1x16xf32>
      tpu.vector_store %arg14[%swap3A_754, %swap3A_755], %swap3A_758 {strides = array<i32>} : memref<64x768xf32, #tpu.memory_space<vmem>>, vector<1x16xf32>,
      %get3A_759 = arith.index_cast %add3A_364 : i32 to index
      %get3A_760 = arith.constant 416 : index
      %get3A_761 = tpu.vector_load %arg14[%get3A_759, %get3A_760] {strides = array<i32>} : memref<64x768xf32, #tpu.memory_space<vmem>>, vector<1x16xf32>,
      %get3A_762 = vector.shape_cast %get3A_761 : vector<1x16xf32> to vector<16xf32>
      %get3A_763 = arith.index_cast %add3A_364 : i32 to index
      %get3A_764 = arith.constant 416 : index
      %get3A_765 = tpu.vector_load %arg13[%get3A_763, %get3A_764] {strides = array<i32>} : memref<64x768xf32, #tpu.memory_space<vmem>>, vector<1x16xf32>,
      %get3A_766 = vector.shape_cast %get3A_765 : vector<1x16xf32> to vector<16xf32>
      %sub3A_767 = arith.subf %get3A_762, %get3A_766 : vector<16xf32>
      %mul3A_768 = arith.mulf %sub3A_767, %get3A_368 : vector<16xf32>
      %swap3A_769 = arith.index_cast %add3A_364 : i32 to index
      %swap3A_770 = arith.constant 416 : index
      %swap3A_771 = tpu.vector_load %arg14[%swap3A_769, %swap3A_770] {strides = array<i32>} : memref<64x768xf32, #tpu.memory_space<vmem>>, vector<1x16xf32>,
      %swap3A_772 = vector.shape_cast %swap3A_771 : vector<1x16xf32> to vector<16xf32>
      %swap3A_773 = vector.shape_cast %mul3A_768 : vector<16xf32> to vector<1x16xf32>
      tpu.vector_store %arg14[%swap3A_769, %swap3A_770], %swap3A_773 {strides = array<i32>} : memref<64x768xf32, #tpu.memory_space<vmem>>, vector<1x16xf32>,
      %get3A_774 = arith.index_cast %add3A_364 : i32 to index
      %get3A_775 = arith.constant 432 : index
      %get3A_776 = tpu.vector_load %arg14[%get3A_774, %get3A_775] {strides = array<i32>} : memref<64x768xf32, #tpu.memory_space<vmem>>, vector<1x16xf32>,
      %get3A_777 = vector.shape_cast %get3A_776 : vector<1x16xf32> to vector<16xf32>
      %get3A_778 = arith.index_cast %add3A_364 : i32 to index
      %get3A_779 = arith.constant 432 : index
      %get3A_780 = tpu.vector_load %arg13[%get3A_778, %get3A_779] {strides = array<i32>} : memref<64x768xf32, #tpu.memory_space<vmem>>, vector<1x16xf32>,
      %get3A_781 = vector.shape_cast %get3A_780 : vector<1x16xf32> to vector<16xf32>
      %sub3A_782 = arith.subf %get3A_777, %get3A_781 : vector<16xf32>
      %mul3A_783 = arith.mulf %sub3A_782, %get3A_368 : vector<16xf32>
      %swap3A_784 = arith.index_cast %add3A_364 : i32 to index
      %swap3A_785 = arith.constant 432 : index
      %swap3A_786 = tpu.vector_load %arg14[%swap3A_784, %swap3A_785] {strides = array<i32>} : memref<64x768xf32, #tpu.memory_space<vmem>>, vector<1x16xf32>,
      %swap3A_787 = vector.shape_cast %swap3A_786 : vector<1x16xf32> to vector<16xf32>
      %swap3A_788 = vector.shape_cast %mul3A_783 : vector<16xf32> to vector<1x16xf32>
      tpu.vector_store %arg14[%swap3A_784, %swap3A_785], %swap3A_788 {strides = array<i32>} : memref<64x768xf32, #tpu.memory_space<vmem>>, vector<1x16xf32>,
      %get3A_789 = arith.index_cast %add3A_364 : i32 to index
      %get3A_790 = arith.constant 448 : index
      %get3A_791 = tpu.vector_load %arg14[%get3A_789, %get3A_790] {strides = array<i32>} : memref<64x768xf32, #tpu.memory_space<vmem>>, vector<1x16xf32>,
      %get3A_792 = vector.shape_cast %get3A_791 : vector<1x16xf32> to vector<16xf32>
      %get3A_793 = arith.index_cast %add3A_364 : i32 to index
      %get3A_794 = arith.constant 448 : index
      %get3A_795 = tpu.vector_load %arg13[%get3A_793, %get3A_794] {strides = array<i32>} : memref<64x768xf32, #tpu.memory_space<vmem>>, vector<1x16xf32>,
      %get3A_796 = vector.shape_cast %get3A_795 : vector<1x16xf32> to vector<16xf32>
      %sub3A_797 = arith.subf %get3A_792, %get3A_796 : vector<16xf32>
      %mul3A_798 = arith.mulf %sub3A_797, %get3A_368 : vector<16xf32>
      %swap3A_799 = arith.index_cast %add3A_364 : i32 to index
      %swap3A_800 = arith.constant 448 : index
      %swap3A_801 = tpu.vector_load %arg14[%swap3A_799, %swap3A_800] {strides = array<i32>} : memref<64x768xf32, #tpu.memory_space<vmem>>, vector<1x16xf32>,
      %swap3A_802 = vector.shape_cast %swap3A_801 : vector<1x16xf32> to vector<16xf32>
      %swap3A_803 = vector.shape_cast %mul3A_798 : vector<16xf32> to vector<1x16xf32>
      tpu.vector_store %arg14[%swap3A_799, %swap3A_800], %swap3A_803 {strides = array<i32>} : memref<64x768xf32, #tpu.memory_space<vmem>>, vector<1x16xf32>,
      %get3A_804 = arith.index_cast %add3A_364 : i32 to index
      %get3A_805 = arith.constant 464 : index
      %get3A_806 = tpu.vector_load %arg14[%get3A_804, %get3A_805] {strides = array<i32>} : memref<64x768xf32, #tpu.memory_space<vmem>>, vector<1x16xf32>,
      %get3A_807 = vector.shape_cast %get3A_806 : vector<1x16xf32> to vector<16xf32>
      %get3A_808 = arith.index_cast %add3A_364 : i32 to index
      %get3A_809 = arith.constant 464 : index
      %get3A_810 = tpu.vector_load %arg13[%get3A_808, %get3A_809] {strides = array<i32>} : memref<64x768xf32, #tpu.memory_space<vmem>>, vector<1x16xf32>,
      %get3A_811 = vector.shape_cast %get3A_810 : vector<1x16xf32> to vector<16xf32>
      %sub3A_812 = arith.subf %get3A_807, %get3A_811 : vector<16xf32>
      %mul3A_813 = arith.mulf %sub3A_812, %get3A_368 : vector<16xf32>
      %swap3A_814 = arith.index_cast %add3A_364 : i32 to index
      %swap3A_815 = arith.constant 464 : index
      %swap3A_816 = tpu.vector_load %arg14[%swap3A_814, %swap3A_815] {strides = array<i32>} : memref<64x768xf32, #tpu.memory_space<vmem>>, vector<1x16xf32>,
      %swap3A_817 = vector.shape_cast %swap3A_816 : vector<1x16xf32> to vector<16xf32>
      %swap3A_818 = vector.shape_cast %mul3A_813 : vector<16xf32> to vector<1x16xf32>
      tpu.vector_store %arg14[%swap3A_814, %swap3A_815], %swap3A_818 {strides = array<i32>} : memref<64x768xf32, #tpu.memory_space<vmem>>, vector<1x16xf32>,
      %get3A_819 = arith.index_cast %add3A_364 : i32 to index
      %get3A_820 = arith.constant 480 : index
      %get3A_821 = tpu.vector_load %arg14[%get3A_819, %get3A_820] {strides = array<i32>} : memref<64x768xf32, #tpu.memory_space<vmem>>, vector<1x16xf32>,
      %get3A_822 = vector.shape_cast %get3A_821 : vector<1x16xf32> to vector<16xf32>
      %get3A_823 = arith.index_cast %add3A_364 : i32 to index
      %get3A_824 = arith.constant 480 : index
      %get3A_825 = tpu.vector_load %arg13[%get3A_823, %get3A_824] {strides = array<i32>} : memref<64x768xf32, #tpu.memory_space<vmem>>, vector<1x16xf32>,
      %get3A_826 = vector.shape_cast %get3A_825 : vector<1x16xf32> to vector<16xf32>
      %sub3A_827 = arith.subf %get3A_822, %get3A_826 : vector<16xf32>
      %mul3A_828 = arith.mulf %sub3A_827, %get3A_368 : vector<16xf32>
      %swap3A_829 = arith.index_cast %add3A_364 : i32 to index
      %swap3A_830 = arith.constant 480 : index
      %swap3A_831 = tpu.vector_load %arg14[%swap3A_829, %swap3A_830] {strides = array<i32>} : memref<64x768xf32, #tpu.memory_space<vmem>>, vector<1x16xf32>,
      %swap3A_832 = vector.shape_cast %swap3A_831 : vector<1x16xf32> to vector<16xf32>
      %swap3A_833 = vector.shape_cast %mul3A_828 : vector<16xf32> to vector<1x16xf32>
      tpu.vector_store %arg14[%swap3A_829, %swap3A_830], %swap3A_833 {strides = array<i32>} : memref<64x768xf32, #tpu.memory_space<vmem>>, vector<1x16xf32>,
      %get3A_834 = arith.index_cast %add3A_364 : i32 to index
      %get3A_835 = arith.constant 496 : index
      %get3A_836 = tpu.vector_load %arg14[%get3A_834, %get3A_835] {strides = array<i32>} : memref<64x768xf32, #tpu.memory_space<vmem>>, vector<1x16xf32>,
      %get3A_837 = vector.shape_cast %get3A_836 : vector<1x16xf32> to vector<16xf32>
      %get3A_838 = arith.index_cast %add3A_364 : i32 to index
      %get3A_839 = arith.constant 496 : index
      %get3A_840 = tpu.vector_load %arg13[%get3A_838, %get3A_839] {strides = array<i32>} : memref<64x768xf32, #tpu.memory_space<vmem>>, vector<1x16xf32>,
      %get3A_841 = vector.shape_cast %get3A_840 : vector<1x16xf32> to vector<16xf32>
      %sub3A_842 = arith.subf %get3A_837, %get3A_841 : vector<16xf32>
      %mul3A_843 = arith.mulf %sub3A_842, %get3A_368 : vector<16xf32>
      %swap3A_844 = arith.index_cast %add3A_364 : i32 to index
      %swap3A_845 = arith.constant 496 : index
      %swap3A_846 = tpu.vector_load %arg14[%swap3A_844, %swap3A_845] {strides = array<i32>} : memref<64x768xf32, #tpu.memory_space<vmem>>, vector<1x16xf32>,
      %swap3A_847 = vector.shape_cast %swap3A_846 : vector<1x16xf32> to vector<16xf32>
      %swap3A_848 = vector.shape_cast %mul3A_843 : vector<16xf32> to vector<1x16xf32>
      tpu.vector_store %arg14[%swap3A_844, %swap3A_845], %swap3A_848 {strides = array<i32>} : memref<64x768xf32, #tpu.memory_space<vmem>>, vector<1x16xf32>,
      %get3A_849 = arith.index_cast %add3A_364 : i32 to index
      %get3A_850 = arith.constant 512 : index
      %get3A_851 = tpu.vector_load %arg14[%get3A_849, %get3A_850] {strides = array<i32>} : memref<64x768xf32, #tpu.memory_space<vmem>>, vector<1x16xf32>,
      %get3A_852 = vector.shape_cast %get3A_851 : vector<1x16xf32> to vector<16xf32>
      %get3A_853 = arith.index_cast %add3A_364 : i32 to index
      %get3A_854 = arith.constant 512 : index
      %get3A_855 = tpu.vector_load %arg13[%get3A_853, %get3A_854] {strides = array<i32>} : memref<64x768xf32, #tpu.memory_space<vmem>>, vector<1x16xf32>,
      %get3A_856 = vector.shape_cast %get3A_855 : vector<1x16xf32> to vector<16xf32>
      %sub3A_857 = arith.subf %get3A_852, %get3A_856 : vector<16xf32>
      %mul3A_858 = arith.mulf %sub3A_857, %get3A_368 : vector<16xf32>
      %swap3A_859 = arith.index_cast %add3A_364 : i32 to index
      %swap3A_860 = arith.constant 512 : index
      %swap3A_861 = tpu.vector_load %arg14[%swap3A_859, %swap3A_860] {strides = array<i32>} : memref<64x768xf32, #tpu.memory_space<vmem>>, vector<1x16xf32>,
      %swap3A_862 = vector.shape_cast %swap3A_861 : vector<1x16xf32> to vector<16xf32>
      %swap3A_863 = vector.shape_cast %mul3A_858 : vector<16xf32> to vector<1x16xf32>
      tpu.vector_store %arg14[%swap3A_859, %swap3A_860], %swap3A_863 {strides = array<i32>} : memref<64x768xf32, #tpu.memory_space<vmem>>, vector<1x16xf32>,
      %get3A_864 = arith.index_cast %add3A_364 : i32 to index
      %get3A_865 = arith.constant 528 : index
      %get3A_866 = tpu.vector_load %arg14[%get3A_864, %get3A_865] {strides = array<i32>} : memref<64x768xf32, #tpu.memory_space<vmem>>, vector<1x16xf32>,
      %get3A_867 = vector.shape_cast %get3A_866 : vector<1x16xf32> to vector<16xf32>
      %get3A_868 = arith.index_cast %add3A_364 : i32 to index
      %get3A_869 = arith.constant 528 : index
      %get3A_870 = tpu.vector_load %arg13[%get3A_868, %get3A_869] {strides = array<i32>} : memref<64x768xf32, #tpu.memory_space<vmem>>, vector<1x16xf32>,
      %get3A_871 = vector.shape_cast %get3A_870 : vector<1x16xf32> to vector<16xf32>
      %sub3A_872 = arith.subf %get3A_867, %get3A_871 : vector<16xf32>
      %mul3A_873 = arith.mulf %sub3A_872, %get3A_368 : vector<16xf32>
      %swap3A_874 = arith.index_cast %add3A_364 : i32 to index
      %swap3A_875 = arith.constant 528 : index
      %swap3A_876 = tpu.vector_load %arg14[%swap3A_874, %swap3A_875] {strides = array<i32>} : memref<64x768xf32, #tpu.memory_space<vmem>>, vector<1x16xf32>,
      %swap3A_877 = vector.shape_cast %swap3A_876 : vector<1x16xf32> to vector<16xf32>
      %swap3A_878 = vector.shape_cast %mul3A_873 : vector<16xf32> to vector<1x16xf32>
      tpu.vector_store %arg14[%swap3A_874, %swap3A_875], %swap3A_878 {strides = array<i32>} : memref<64x768xf32, #tpu.memory_space<vmem>>, vector<1x16xf32>,
      %get3A_879 = arith.index_cast %add3A_364 : i32 to index
      %get3A_880 = arith.constant 544 : index
      %get3A_881 = tpu.vector_load %arg14[%get3A_879, %get3A_880] {strides = array<i32>} : memref<64x768xf32, #tpu.memory_space<vmem>>, vector<1x16xf32>,
      %get3A_882 = vector.shape_cast %get3A_881 : vector<1x16xf32> to vector<16xf32>
      %get3A_883 = arith.index_cast %add3A_364 : i32 to index
      %get3A_884 = arith.constant 544 : index
      %get3A_885 = tpu.vector_load %arg13[%get3A_883, %get3A_884] {strides = array<i32>} : memref<64x768xf32, #tpu.memory_space<vmem>>, vector<1x16xf32>,
      %get3A_886 = vector.shape_cast %get3A_885 : vector<1x16xf32> to vector<16xf32>
      %sub3A_887 = arith.subf %get3A_882, %get3A_886 : vector<16xf32>
      %mul3A_888 = arith.mulf %sub3A_887, %get3A_368 : vector<16xf32>
      %swap3A_889 = arith.index_cast %add3A_364 : i32 to index
      %swap3A_890 = arith.constant 544 : index
      %swap3A_891 = tpu.vector_load %arg14[%swap3A_889, %swap3A_890] {strides = array<i32>} : memref<64x768xf32, #tpu.memory_space<vmem>>, vector<1x16xf32>,
      %swap3A_892 = vector.shape_cast %swap3A_891 : vector<1x16xf32> to vector<16xf32>
      %swap3A_893 = vector.shape_cast %mul3A_888 : vector<16xf32> to vector<1x16xf32>
      tpu.vector_store %arg14[%swap3A_889, %swap3A_890], %swap3A_893 {strides = array<i32>} : memref<64x768xf32, #tpu.memory_space<vmem>>, vector<1x16xf32>,
      %get3A_894 = arith.index_cast %add3A_364 : i32 to index
      %get3A_895 = arith.constant 560 : index
      %get3A_896 = tpu.vector_load %arg14[%get3A_894, %get3A_895] {strides = array<i32>} : memref<64x768xf32, #tpu.memory_space<vmem>>, vector<1x16xf32>,
      %get3A_897 = vector.shape_cast %get3A_896 : vector<1x16xf32> to vector<16xf32>
      %get3A_898 = arith.index_cast %add3A_364 : i32 to index
      %get3A_899 = arith.constant 560 : index
      %get3A_900 = tpu.vector_load %arg13[%get3A_898, %get3A_899] {strides = array<i32>} : memref<64x768xf32, #tpu.memory_space<vmem>>, vector<1x16xf32>,
      %get3A_901 = vector.shape_cast %get3A_900 : vector<1x16xf32> to vector<16xf32>
      %sub3A_902 = arith.subf %get3A_897, %get3A_901 : vector<16xf32>
      %mul3A_903 = arith.mulf %sub3A_902, %get3A_368 : vector<16xf32>
      %swap3A_904 = arith.index_cast %add3A_364 : i32 to index
      %swap3A_905 = arith.constant 560 : index
      %swap3A_906 = tpu.vector_load %arg14[%swap3A_904, %swap3A_905] {strides = array<i32>} : memref<64x768xf32, #tpu.memory_space<vmem>>, vector<1x16xf32>,
      %swap3A_907 = vector.shape_cast %swap3A_906 : vector<1x16xf32> to vector<16xf32>
      %swap3A_908 = vector.shape_cast %mul3A_903 : vector<16xf32> to vector<1x16xf32>
      tpu.vector_store %arg14[%swap3A_904, %swap3A_905], %swap3A_908 {strides = array<i32>} : memref<64x768xf32, #tpu.memory_space<vmem>>, vector<1x16xf32>,
      %get3A_909 = arith.index_cast %add3A_364 : i32 to index
      %get3A_910 = arith.constant 576 : index
      %get3A_911 = tpu.vector_load %arg14[%get3A_909, %get3A_910] {strides = array<i32>} : memref<64x768xf32, #tpu.memory_space<vmem>>, vector<1x16xf32>,
      %get3A_912 = vector.shape_cast %get3A_911 : vector<1x16xf32> to vector<16xf32>
      %get3A_913 = arith.index_cast %add3A_364 : i32 to index
      %get3A_914 = arith.constant 576 : index
      %get3A_915 = tpu.vector_load %arg13[%get3A_913, %get3A_914] {strides = array<i32>} : memref<64x768xf32, #tpu.memory_space<vmem>>, vector<1x16xf32>,
      %get3A_916 = vector.shape_cast %get3A_915 : vector<1x16xf32> to vector<16xf32>
      %sub3A_917 = arith.subf %get3A_912, %get3A_916 : vector<16xf32>
      %mul3A_918 = arith.mulf %sub3A_917, %get3A_368 : vector<16xf32>
      %swap3A_919 = arith.index_cast %add3A_364 : i32 to index
      %swap3A_920 = arith.constant 576 : index
      %swap3A_921 = tpu.vector_load %arg14[%swap3A_919, %swap3A_920] {strides = array<i32>} : memref<64x768xf32, #tpu.memory_space<vmem>>, vector<1x16xf32>,
      %swap3A_922 = vector.shape_cast %swap3A_921 : vector<1x16xf32> to vector<16xf32>
      %swap3A_923 = vector.shape_cast %mul3A_918 : vector<16xf32> to vector<1x16xf32>
      tpu.vector_store %arg14[%swap3A_919, %swap3A_920], %swap3A_923 {strides = array<i32>} : memref<64x768xf32, #tpu.memory_space<vmem>>, vector<1x16xf32>,
      %get3A_924 = arith.index_cast %add3A_364 : i32 to index
      %get3A_925 = arith.constant 592 : index
      %get3A_926 = tpu.vector_load %arg14[%get3A_924, %get3A_925] {strides = array<i32>} : memref<64x768xf32, #tpu.memory_space<vmem>>, vector<1x16xf32>,
      %get3A_927 = vector.shape_cast %get3A_926 : vector<1x16xf32> to vector<16xf32>
      %get3A_928 = arith.index_cast %add3A_364 : i32 to index
      %get3A_929 = arith.constant 592 : index
      %get3A_930 = tpu.vector_load %arg13[%get3A_928, %get3A_929] {strides = array<i32>} : memref<64x768xf32, #tpu.memory_space<vmem>>, vector<1x16xf32>,
      %get3A_931 = vector.shape_cast %get3A_930 : vector<1x16xf32> to vector<16xf32>
      %sub3A_932 = arith.subf %get3A_927, %get3A_931 : vector<16xf32>
      %mul3A_933 = arith.mulf %sub3A_932, %get3A_368 : vector<16xf32>
      %swap3A_934 = arith.index_cast %add3A_364 : i32 to index
      %swap3A_935 = arith.constant 592 : index
      %swap3A_936 = tpu.vector_load %arg14[%swap3A_934, %swap3A_935] {strides = array<i32>} : memref<64x768xf32, #tpu.memory_space<vmem>>, vector<1x16xf32>,
      %swap3A_937 = vector.shape_cast %swap3A_936 : vector<1x16xf32> to vector<16xf32>
      %swap3A_938 = vector.shape_cast %mul3A_933 : vector<16xf32> to vector<1x16xf32>
      tpu.vector_store %arg14[%swap3A_934, %swap3A_935], %swap3A_938 {strides = array<i32>} : memref<64x768xf32, #tpu.memory_space<vmem>>, vector<1x16xf32>,
      %get3A_939 = arith.index_cast %add3A_364 : i32 to index
      %get3A_940 = arith.constant 608 : index
      %get3A_941 = tpu.vector_load %arg14[%get3A_939, %get3A_940] {strides = array<i32>} : memref<64x768xf32, #tpu.memory_space<vmem>>, vector<1x16xf32>,
      %get3A_942 = vector.shape_cast %get3A_941 : vector<1x16xf32> to vector<16xf32>
      %get3A_943 = arith.index_cast %add3A_364 : i32 to index
      %get3A_944 = arith.constant 608 : index
      %get3A_945 = tpu.vector_load %arg13[%get3A_943, %get3A_944] {strides = array<i32>} : memref<64x768xf32, #tpu.memory_space<vmem>>, vector<1x16xf32>,
      %get3A_946 = vector.shape_cast %get3A_945 : vector<1x16xf32> to vector<16xf32>
      %sub3A_947 = arith.subf %get3A_942, %get3A_946 : vector<16xf32>
      %mul3A_948 = arith.mulf %sub3A_947, %get3A_368 : vector<16xf32>
      %swap3A_949 = arith.index_cast %add3A_364 : i32 to index
      %swap3A_950 = arith.constant 608 : index
      %swap3A_951 = tpu.vector_load %arg14[%swap3A_949, %swap3A_950] {strides = array<i32>} : memref<64x768xf32, #tpu.memory_space<vmem>>, vector<1x16xf32>,
      %swap3A_952 = vector.shape_cast %swap3A_951 : vector<1x16xf32> to vector<16xf32>
      %swap3A_953 = vector.shape_cast %mul3A_948 : vector<16xf32> to vector<1x16xf32>
      tpu.vector_store %arg14[%swap3A_949, %swap3A_950], %swap3A_953 {strides = array<i32>} : memref<64x768xf32, #tpu.memory_space<vmem>>, vector<1x16xf32>,
      %get3A_954 = arith.index_cast %add3A_364 : i32 to index
      %get3A_955 = arith.constant 624 : index
      %get3A_956 = tpu.vector_load %arg14[%get3A_954, %get3A_955] {strides = array<i32>} : memref<64x768xf32, #tpu.memory_space<vmem>>, vector<1x16xf32>,
      %get3A_957 = vector.shape_cast %get3A_956 : vector<1x16xf32> to vector<16xf32>
      %get3A_958 = arith.index_cast %add3A_364 : i32 to index
      %get3A_959 = arith.constant 624 : index
      %get3A_960 = tpu.vector_load %arg13[%get3A_958, %get3A_959] {strides = array<i32>} : memref<64x768xf32, #tpu.memory_space<vmem>>, vector<1x16xf32>,
      %get3A_961 = vector.shape_cast %get3A_960 : vector<1x16xf32> to vector<16xf32>
      %sub3A_962 = arith.subf %get3A_957, %get3A_961 : vector<16xf32>
      %mul3A_963 = arith.mulf %sub3A_962, %get3A_368 : vector<16xf32>
      %swap3A_964 = arith.index_cast %add3A_364 : i32 to index
      %swap3A_965 = arith.constant 624 : index
      %swap3A_966 = tpu.vector_load %arg14[%swap3A_964, %swap3A_965] {strides = array<i32>} : memref<64x768xf32, #tpu.memory_space<vmem>>, vector<1x16xf32>,
      %swap3A_967 = vector.shape_cast %swap3A_966 : vector<1x16xf32> to vector<16xf32>
      %swap3A_968 = vector.shape_cast %mul3A_963 : vector<16xf32> to vector<1x16xf32>
      tpu.vector_store %arg14[%swap3A_964, %swap3A_965], %swap3A_968 {strides = array<i32>} : memref<64x768xf32, #tpu.memory_space<vmem>>, vector<1x16xf32>,
      %get3A_969 = arith.index_cast %add3A_364 : i32 to index
      %get3A_970 = arith.constant 640 : index
      %get3A_971 = tpu.vector_load %arg14[%get3A_969, %get3A_970] {strides = array<i32>} : memref<64x768xf32, #tpu.memory_space<vmem>>, vector<1x16xf32>,
      %get3A_972 = vector.shape_cast %get3A_971 : vector<1x16xf32> to vector<16xf32>
      %get3A_973 = arith.index_cast %add3A_364 : i32 to index
      %get3A_974 = arith.constant 640 : index
      %get3A_975 = tpu.vector_load %arg13[%get3A_973, %get3A_974] {strides = array<i32>} : memref<64x768xf32, #tpu.memory_space<vmem>>, vector<1x16xf32>,
      %get3A_976 = vector.shape_cast %get3A_975 : vector<1x16xf32> to vector<16xf32>
      %sub3A_977 = arith.subf %get3A_972, %get3A_976 : vector<16xf32>
      %mul3A_978 = arith.mulf %sub3A_977, %get3A_368 : vector<16xf32>
      %swap3A_979 = arith.index_cast %add3A_364 : i32 to index
      %swap3A_980 = arith.constant 640 : index
      %swap3A_981 = tpu.vector_load %arg14[%swap3A_979, %swap3A_980] {strides = array<i32>} : memref<64x768xf32, #tpu.memory_space<vmem>>, vector<1x16xf32>,
      %swap3A_982 = vector.shape_cast %swap3A_981 : vector<1x16xf32> to vector<16xf32>
      %swap3A_983 = vector.shape_cast %mul3A_978 : vector<16xf32> to vector<1x16xf32>
      tpu.vector_store %arg14[%swap3A_979, %swap3A_980], %swap3A_983 {strides = array<i32>} : memref<64x768xf32, #tpu.memory_space<vmem>>, vector<1x16xf32>,
      %get3A_984 = arith.index_cast %add3A_364 : i32 to index
      %get3A_985 = arith.constant 656 : index
      %get3A_986 = tpu.vector_load %arg14[%get3A_984, %get3A_985] {strides = array<i32>} : memref<64x768xf32, #tpu.memory_space<vmem>>, vector<1x16xf32>,
      %get3A_987 = vector.shape_cast %get3A_986 : vector<1x16xf32> to vector<16xf32>
      %get3A_988 = arith.index_cast %add3A_364 : i32 to index
      %get3A_989 = arith.constant 656 : index
      %get3A_990 = tpu.vector_load %arg13[%get3A_988, %get3A_989] {strides = array<i32>} : memref<64x768xf32, #tpu.memory_space<vmem>>, vector<1x16xf32>,
      %get3A_991 = vector.shape_cast %get3A_990 : vector<1x16xf32> to vector<16xf32>
      %sub3A_992 = arith.subf %get3A_987, %get3A_991 : vector<16xf32>
      %mul3A_993 = arith.mulf %sub3A_992, %get3A_368 : vector<16xf32>
      %swap3A_994 = arith.index_cast %add3A_364 : i32 to index
      %swap3A_995 = arith.constant 656 : index
      %swap3A_996 = tpu.vector_load %arg14[%swap3A_994, %swap3A_995] {strides = array<i32>} : memref<64x768xf32, #tpu.memory_space<vmem>>, vector<1x16xf32>,
      %swap3A_997 = vector.shape_cast %swap3A_996 : vector<1x16xf32> to vector<16xf32>
      %swap3A_998 = vector.shape_cast %mul3A_993 : vector<16xf32> to vector<1x16xf32>
      tpu.vector_store %arg14[%swap3A_994, %swap3A_995], %swap3A_998 {strides = array<i32>} : memref<64x768xf32, #tpu.memory_space<vmem>>, vector<1x16xf32>,
      %get3A_999 = arith.index_cast %add3A_364 : i32 to index
      %get3A_1000 = arith.constant 672 : index
      %get3A_1001 = tpu.vector_load %arg14[%get3A_999, %get3A_1000] {strides = array<i32>} : memref<64x768xf32, #tpu.memory_space<vmem>>, vector<1x16xf32>,
      %get3A_1002 = vector.shape_cast %get3A_1001 : vector<1x16xf32> to vector<16xf32>
      %get3A_1003 = arith.index_cast %add3A_364 : i32 to index
      %get3A_1004 = arith.constant 672 : index
      %get3A_1005 = tpu.vector_load %arg13[%get3A_1003, %get3A_1004] {strides = array<i32>} : memref<64x768xf32, #tpu.memory_space<vmem>>, vector<1x16xf32>,
      %get3A_1006 = vector.shape_cast %get3A_1005 : vector<1x16xf32> to vector<16xf32>
      %sub3A_1007 = arith.subf %get3A_1002, %get3A_1006 : vector<16xf32>
      %mul3A_1008 = arith.mulf %sub3A_1007, %get3A_368 : vector<16xf32>
      %swap3A_1009 = arith.index_cast %add3A_364 : i32 to index
      %swap3A_1010 = arith.constant 672 : index
      %swap3A_1011 = tpu.vector_load %arg14[%swap3A_1009, %swap3A_1010] {strides = array<i32>} : memref<64x768xf32, #tpu.memory_space<vmem>>, vector<1x16xf32>,
      %swap3A_1012 = vector.shape_cast %swap3A_1011 : vector<1x16xf32> to vector<16xf32>
      %swap3A_1013 = vector.shape_cast %mul3A_1008 : vector<16xf32> to vector<1x16xf32>
      tpu.vector_store %arg14[%swap3A_1009, %swap3A_1010], %swap3A_1013 {strides = array<i32>} : memref<64x768xf32, #tpu.memory_space<vmem>>, vector<1x16xf32>,
      %get3A_1014 = arith.index_cast %add3A_364 : i32 to index
      %get3A_1015 = arith.constant 688 : index
      %get3A_1016 = tpu.vector_load %arg14[%get3A_1014, %get3A_1015] {strides = array<i32>} : memref<64x768xf32, #tpu.memory_space<vmem>>, vector<1x16xf32>,
      %get3A_1017 = vector.shape_cast %get3A_1016 : vector<1x16xf32> to vector<16xf32>
      %get3A_1018 = arith.index_cast %add3A_364 : i32 to index
      %get3A_1019 = arith.constant 688 : index
      %get3A_1020 = tpu.vector_load %arg13[%get3A_1018, %get3A_1019] {strides = array<i32>} : memref<64x768xf32, #tpu.memory_space<vmem>>, vector<1x16xf32>,
      %get3A_1021 = vector.shape_cast %get3A_1020 : vector<1x16xf32> to vector<16xf32>
      %sub3A_1022 = arith.subf %get3A_1017, %get3A_1021 : vector<16xf32>
      %mul3A_1023 = arith.mulf %sub3A_1022, %get3A_368 : vector<16xf32>
      %swap3A_1024 = arith.index_cast %add3A_364 : i32 to index
      %swap3A_1025 = arith.constant 688 : index
      %swap3A_1026 = tpu.vector_load %arg14[%swap3A_1024, %swap3A_1025] {strides = array<i32>} : memref<64x768xf32, #tpu.memory_space<vmem>>, vector<1x16xf32>,
      %swap3A_1027 = vector.shape_cast %swap3A_1026 : vector<1x16xf32> to vector<16xf32>
      %swap3A_1028 = vector.shape_cast %mul3A_1023 : vector<16xf32> to vector<1x16xf32>
      tpu.vector_store %arg14[%swap3A_1024, %swap3A_1025], %swap3A_1028 {strides = array<i32>} : memref<64x768xf32, #tpu.memory_space<vmem>>, vector<1x16xf32>,
      %get3A_1029 = arith.index_cast %add3A_364 : i32 to index
      %get3A_1030 = arith.constant 704 : index
      %get3A_1031 = tpu.vector_load %arg14[%get3A_1029, %get3A_1030] {strides = array<i32>} : memref<64x768xf32, #tpu.memory_space<vmem>>, vector<1x16xf32>,
      %get3A_1032 = vector.shape_cast %get3A_1031 : vector<1x16xf32> to vector<16xf32>
      %get3A_1033 = arith.index_cast %add3A_364 : i32 to index
      %get3A_1034 = arith.constant 704 : index
      %get3A_1035 = tpu.vector_load %arg13[%get3A_1033, %get3A_1034] {strides = array<i32>} : memref<64x768xf32, #tpu.memory_space<vmem>>, vector<1x16xf32>,
      %get3A_1036 = vector.shape_cast %get3A_1035 : vector<1x16xf32> to vector<16xf32>
      %sub3A_1037 = arith.subf %get3A_1032, %get3A_1036 : vector<16xf32>
      %mul3A_1038 = arith.mulf %sub3A_1037, %get3A_368 : vector<16xf32>
      %swap3A_1039 = arith.index_cast %add3A_364 : i32 to index
      %swap3A_1040 = arith.constant 704 : index
      %swap3A_1041 = tpu.vector_load %arg14[%swap3A_1039, %swap3A_1040] {strides = array<i32>} : memref<64x768xf32, #tpu.memory_space<vmem>>, vector<1x16xf32>,
      %swap3A_1042 = vector.shape_cast %swap3A_1041 : vector<1x16xf32> to vector<16xf32>
      %swap3A_1043 = vector.shape_cast %mul3A_1038 : vector<16xf32> to vector<1x16xf32>
      tpu.vector_store %arg14[%swap3A_1039, %swap3A_1040], %swap3A_1043 {strides = array<i32>} : memref<64x768xf32, #tpu.memory_space<vmem>>, vector<1x16xf32>,
      %get3A_1044 = arith.index_cast %add3A_364 : i32 to index
      %get3A_1045 = arith.constant 720 : index
      %get3A_1046 = tpu.vector_load %arg14[%get3A_1044, %get3A_1045] {strides = array<i32>} : memref<64x768xf32, #tpu.memory_space<vmem>>, vector<1x16xf32>,
      %get3A_1047 = vector.shape_cast %get3A_1046 : vector<1x16xf32> to vector<16xf32>
      %get3A_1048 = arith.index_cast %add3A_364 : i32 to index
      %get3A_1049 = arith.constant 720 : index
      %get3A_1050 = tpu.vector_load %arg13[%get3A_1048, %get3A_1049] {strides = array<i32>} : memref<64x768xf32, #tpu.memory_space<vmem>>, vector<1x16xf32>,
      %get3A_1051 = vector.shape_cast %get3A_1050 : vector<1x16xf32> to vector<16xf32>
      %sub3A_1052 = arith.subf %get3A_1047, %get3A_1051 : vector<16xf32>
      %mul3A_1053 = arith.mulf %sub3A_1052, %get3A_368 : vector<16xf32>
      %swap3A_1054 = arith.index_cast %add3A_364 : i32 to index
      %swap3A_1055 = arith.constant 720 : index
      %swap3A_1056 = tpu.vector_load %arg14[%swap3A_1054, %swap3A_1055] {strides = array<i32>} : memref<64x768xf32, #tpu.memory_space<vmem>>, vector<1x16xf32>,
      %swap3A_1057 = vector.shape_cast %swap3A_1056 : vector<1x16xf32> to vector<16xf32>
      %swap3A_1058 = vector.shape_cast %mul3A_1053 : vector<16xf32> to vector<1x16xf32>
      tpu.vector_store %arg14[%swap3A_1054, %swap3A_1055], %swap3A_1058 {strides = array<i32>} : memref<64x768xf32, #tpu.memory_space<vmem>>, vector<1x16xf32>,
      %get3A_1059 = arith.index_cast %add3A_364 : i32 to index
      %get3A_1060 = arith.constant 736 : index
      %get3A_1061 = tpu.vector_load %arg14[%get3A_1059, %get3A_1060] {strides = array<i32>} : memref<64x768xf32, #tpu.memory_space<vmem>>, vector<1x16xf32>,
      %get3A_1062 = vector.shape_cast %get3A_1061 : vector<1x16xf32> to vector<16xf32>
      %get3A_1063 = arith.index_cast %add3A_364 : i32 to index
      %get3A_1064 = arith.constant 736 : index
      %get3A_1065 = tpu.vector_load %arg13[%get3A_1063, %get3A_1064] {strides = array<i32>} : memref<64x768xf32, #tpu.memory_space<vmem>>, vector<1x16xf32>,
      %get3A_1066 = vector.shape_cast %get3A_1065 : vector<1x16xf32> to vector<16xf32>
      %sub3A_1067 = arith.subf %get3A_1062, %get3A_1066 : vector<16xf32>
      %mul3A_1068 = arith.mulf %sub3A_1067, %get3A_368 : vector<16xf32>
      %swap3A_1069 = arith.index_cast %add3A_364 : i32 to index
      %swap3A_1070 = arith.constant 736 : index
      %swap3A_1071 = tpu.vector_load %arg14[%swap3A_1069, %swap3A_1070] {strides = array<i32>} : memref<64x768xf32, #tpu.memory_space<vmem>>, vector<1x16xf32>,
      %swap3A_1072 = vector.shape_cast %swap3A_1071 : vector<1x16xf32> to vector<16xf32>
      %swap3A_1073 = vector.shape_cast %mul3A_1068 : vector<16xf32> to vector<1x16xf32>
      tpu.vector_store %arg14[%swap3A_1069, %swap3A_1070], %swap3A_1073 {strides = array<i32>} : memref<64x768xf32, #tpu.memory_space<vmem>>, vector<1x16xf32>,
      %get3A_1074 = arith.index_cast %add3A_364 : i32 to index
      %get3A_1075 = arith.constant 752 : index
      %get3A_1076 = tpu.vector_load %arg14[%get3A_1074, %get3A_1075] {strides = array<i32>} : memref<64x768xf32, #tpu.memory_space<vmem>>, vector<1x16xf32>,
      %get3A_1077 = vector.shape_cast %get3A_1076 : vector<1x16xf32> to vector<16xf32>
      %get3A_1078 = arith.index_cast %add3A_364 : i32 to index
      %get3A_1079 = arith.constant 752 : index
      %get3A_1080 = tpu.vector_load %arg13[%get3A_1078, %get3A_1079] {strides = array<i32>} : memref<64x768xf32, #tpu.memory_space<vmem>>, vector<1x16xf32>,
      %get3A_1081 = vector.shape_cast %get3A_1080 : vector<1x16xf32> to vector<16xf32>
      %sub3A_1082 = arith.subf %get3A_1077, %get3A_1081 : vector<16xf32>
      %mul3A_1083 = arith.mulf %sub3A_1082, %get3A_368 : vector<16xf32>
      %swap3A_1084 = arith.index_cast %add3A_364 : i32 to index
      %swap3A_1085 = arith.constant 752 : index
      %swap3A_1086 = tpu.vector_load %arg14[%swap3A_1084, %swap3A_1085] {strides = array<i32>} : memref<64x768xf32, #tpu.memory_space<vmem>>, vector<1x16xf32>,
      %swap3A_1087 = vector.shape_cast %swap3A_1086 : vector<1x16xf32> to vector<16xf32>
      %swap3A_1088 = vector.shape_cast %mul3A_1083 : vector<16xf32> to vector<1x16xf32>
      tpu.vector_store %arg14[%swap3A_1084, %swap3A_1085], %swap3A_1088 {strides = array<i32>} : memref<64x768xf32, #tpu.memory_space<vmem>>, vector<1x16xf32>,
    }
    %scan3A_309 = arith.constant 16 : i32
    %add3A_310 = arith.constant 48 : i32
    %add3A_311 = arith.addi %mul3A_2, %add3A_310 : i32
    %dma_start3A_312 = arith.constant 48 : i32
    %dma_start3A_313 = arith.constant 0 : i32
    %dma_start3A_314 = tpu.memref_slice %arg14[%dma_start3A_312, %dma_start3A_313] : memref<64x768xf32, #tpu.memory_space<vmem>> -> memref<16x768xf32, #tpu.memory_space<vmem>>
    %dma_start3A_315 = arith.constant 0 : i32
    %dma_start3A_316 = tpu.memref_slice %arg6[%add3A_311, %dma_start3A_315] : memref<2048x768xf32, #tpu.memory_space<hbm>> -> memref<16x768xf32, #tpu.memory_space<hbm>>
    %dma_start3A_317 = arith.constant 0 : i32
    %dma_start3A_318 = tpu.memref_slice %arg6[%add3A_311, %dma_start3A_317] : memref<2048x768xf32, #tpu.memory_space<hbm>> -> memref<16x768xf32, #tpu.memory_space<hbm>>
    %dma_start3A_319 = arith.constant 48 : i32
    %dma_start3A_320 = arith.constant 0 : i32
    %dma_start3A_321 = tpu.memref_slice %arg14[%dma_start3A_319, %dma_start3A_320] : memref<64x768xf32, #tpu.memory_space<vmem>> -> memref<16x768xf32, #tpu.memory_space<vmem>>
    tpu.enqueue_dma source(%dma_start3A_321 : memref<16x768xf32, #tpu.memory_space<vmem>>) target(%dma_start3A_318 : memref<16x768xf32, #tpu.memory_space<hbm>>) target_semaphore(%arg27 : memref<!tpu.dma_semaphore, #tpu.memory_space<semaphore_mem>>)
    %dma_wait3A_322 = arith.constant 0 : i32
    %dma_wait3A_323 = arith.constant 0 : i32
    %dma_wait3A_324 = tpu.memref_slice %arg14[%dma_wait3A_322, %dma_wait3A_323] : memref<64x768xf32, #tpu.memory_space<vmem>> -> memref<16x768xf32, #tpu.memory_space<vmem>>
    %dma_wait3A_325 = arith.constant 0 : i32
    %dma_wait3A_326 = tpu.memref_slice %arg6[%add3A_209, %dma_wait3A_325] : memref<2048x768xf32, #tpu.memory_space<hbm>> -> memref<16x768xf32, #tpu.memory_space<hbm>>
    %dma_wait3A_327 = arith.constant 0 : i32
    %dma_wait3A_328 = tpu.memref_slice %arg6[%add3A_209, %dma_wait3A_327] : memref<2048x768xf32, #tpu.memory_space<hbm>> -> memref<16x768xf32, #tpu.memory_space<hbm>>
    %dma_wait3A_329 = arith.constant 0 : i32
    %dma_wait3A_330 = arith.constant 0 : i32
    %dma_wait3A_331 = tpu.memref_slice %arg14[%dma_wait3A_329, %dma_wait3A_330] : memref<64x768xf32, #tpu.memory_space<vmem>> -> memref<16x768xf32, #tpu.memory_space<vmem>>
    tpu.wait_dma2 semaphore(%arg24 : memref<!tpu.dma_semaphore, #tpu.memory_space<semaphore_mem>>) src(%dma_wait3A_331 : memref<16x768xf32, #tpu.memory_space<vmem>>) dst(%dma_wait3A_328 : memref<16x768xf32, #tpu.memory_space<hbm>>)
    %dma_wait3A_332 = arith.constant 16 : i32
    %dma_wait3A_333 = arith.constant 0 : i32
    %dma_wait3A_334 = tpu.memref_slice %arg14[%dma_wait3A_332, %dma_wait3A_333] : memref<64x768xf32, #tpu.memory_space<vmem>> -> memref<16x768xf32, #tpu.memory_space<vmem>>
    %dma_wait3A_335 = arith.constant 0 : i32
    %dma_wait3A_336 = tpu.memref_slice %arg6[%add3A_243, %dma_wait3A_335] : memref<2048x768xf32, #tpu.memory_space<hbm>> -> memref<16x768xf32, #tpu.memory_space<hbm>>
    %dma_wait3A_337 = arith.constant 0 : i32
    %dma_wait3A_338 = tpu.memref_slice %arg6[%add3A_243, %dma_wait3A_337] : memref<2048x768xf32, #tpu.memory_space<hbm>> -> memref<16x768xf32, #tpu.memory_space<hbm>>
    %dma_wait3A_339 = arith.constant 16 : i32
    %dma_wait3A_340 = arith.constant 0 : i32
    %dma_wait3A_341 = tpu.memref_slice %arg14[%dma_wait3A_339, %dma_wait3A_340] : memref<64x768xf32, #tpu.memory_space<vmem>> -> memref<16x768xf32, #tpu.memory_space<vmem>>
    tpu.wait_dma2 semaphore(%arg25 : memref<!tpu.dma_semaphore, #tpu.memory_space<semaphore_mem>>) src(%dma_wait3A_341 : memref<16x768xf32, #tpu.memory_space<vmem>>) dst(%dma_wait3A_338 : memref<16x768xf32, #tpu.memory_space<hbm>>)
    %dma_wait3A_342 = arith.constant 32 : i32
    %dma_wait3A_343 = arith.constant 0 : i32
    %dma_wait3A_344 = tpu.memref_slice %arg14[%dma_wait3A_342, %dma_wait3A_343] : memref<64x768xf32, #tpu.memory_space<vmem>> -> memref<16x768xf32, #tpu.memory_space<vmem>>
    %dma_wait3A_345 = arith.constant 0 : i32
    %dma_wait3A_346 = tpu.memref_slice %arg6[%add3A_277, %dma_wait3A_345] : memref<2048x768xf32, #tpu.memory_space<hbm>> -> memref<16x768xf32, #tpu.memory_space<hbm>>
    %dma_wait3A_347 = arith.constant 0 : i32
    %dma_wait3A_348 = tpu.memref_slice %arg6[%add3A_277, %dma_wait3A_347] : memref<2048x768xf32, #tpu.memory_space<hbm>> -> memref<16x768xf32, #tpu.memory_space<hbm>>
    %dma_wait3A_349 = arith.constant 32 : i32
    %dma_wait3A_350 = arith.constant 0 : i32
    %dma_wait3A_351 = tpu.memref_slice %arg14[%dma_wait3A_349, %dma_wait3A_350] : memref<64x768xf32, #tpu.memory_space<vmem>> -> memref<16x768xf32, #tpu.memory_space<vmem>>
    tpu.wait_dma2 semaphore(%arg26 : memref<!tpu.dma_semaphore, #tpu.memory_space<semaphore_mem>>) src(%dma_wait3A_351 : memref<16x768xf32, #tpu.memory_space<vmem>>) dst(%dma_wait3A_348 : memref<16x768xf32, #tpu.memory_space<hbm>>)
    %dma_wait3A_352 = arith.constant 48 : i32
    %dma_wait3A_353 = arith.constant 0 : i32
    %dma_wait3A_354 = tpu.memref_slice %arg14[%dma_wait3A_352, %dma_wait3A_353] : memref<64x768xf32, #tpu.memory_space<vmem>> -> memref<16x768xf32, #tpu.memory_space<vmem>>
    %dma_wait3A_355 = arith.constant 0 : i32
    %dma_wait3A_356 = tpu.memref_slice %arg6[%add3A_311, %dma_wait3A_355] : memref<2048x768xf32, #tpu.memory_space<hbm>> -> memref<16x768xf32, #tpu.memory_space<hbm>>
    %dma_wait3A_357 = arith.constant 0 : i32
    %dma_wait3A_358 = tpu.memref_slice %arg6[%add3A_311, %dma_wait3A_357] : memref<2048x768xf32, #tpu.memory_space<hbm>> -> memref<16x768xf32, #tpu.memory_space<hbm>>
    %dma_wait3A_359 = arith.constant 48 : i32
    %dma_wait3A_360 = arith.constant 0 : i32
    %dma_wait3A_361 = tpu.memref_slice %arg14[%dma_wait3A_359, %dma_wait3A_360] : memref<64x768xf32, #tpu.memory_space<vmem>> -> memref<16x768xf32, #tpu.memory_space<vmem>>
    tpu.wait_dma2 semaphore(%arg27 : memref<!tpu.dma_semaphore, #tpu.memory_space<semaphore_mem>>) src(%dma_wait3A_361 : memref<16x768xf32, #tpu.memory_space<vmem>>) dst(%dma_wait3A_358 : memref<16x768xf32, #tpu.memory_space<hbm>>)
    return
  }
}

module attributes {stable_mosaic.version = 14 : i64} {
  func.func @_prefix_kernel(%arg0: i32, %arg1: memref<4x64x768xf32, #tpu.memory_space<vmem>>, %arg2: memref<260x768xf32, #tpu.memory_space<vmem>>) attributes {dimension_semantics = [#tpu.dimension_semantics<arbitrary>], iteration_bounds = array<i64: 1>, scalar_prefetch = 0 : i64, scratch_operands = 0 : i64, tpu.core_type = #tpu.core_type<tc>, window_params = [{transform_indices = @transform_0, window_bounds = array<i64: 4, 64, 768>}, {pipeline_mode = #tpu.pipeline_mode<synchronous>, transform_indices = @transform_1, window_bounds = array<i64: 260, 768>}]} {
    %get3A = arith.constant 0 : index
    %get3A_0 = arith.constant 0 : index
    %get3A_1 = arith.constant 0 : index
    %get3A_2 = vector.load %arg1[%get3A, %get3A_0, %get3A_1] : memref<4x64x768xf32, #tpu.memory_space<vmem>>, vector<4x64x768xf32>
    %reshape3A = vector.shape_cast %get3A_2 : vector<4x64x768xf32> to vector<256x768xf32>
    %iota3A = tpu.iota {dimensions = array<i32: 0>} : vector<260x256xi32>
    %iota3A_3 = tpu.iota {dimensions = array<i32: 1>} : vector<260x256xi32>
    %jit3A = arith.constant 65 : i32
    %div3A = vector.broadcast %jit3A : i32 to vector<260x256xi32>
    %div3A_4 = arith.divsi %iota3A, %div3A : vector<260x256xi32>
    %sign3A = arith.constant 0 : i32
    %sign3A_5 = vector.broadcast %sign3A : i32 to vector<260x256xi32>
    %sign3A_6 = arith.cmpi sgt, %iota3A, %sign3A_5 : vector<260x256xi32>
    %sign3A_7 = arith.extui %sign3A_6 : vector<260x256xi1> to vector<260x256xi32>
    %sign3A_8 = arith.constant 0 : i32
    %sign3A_9 = vector.broadcast %sign3A_8 : i32 to vector<260x256xi32>
    %sign3A_10 = arith.cmpi slt, %iota3A, %sign3A_9 : vector<260x256xi32>
    %sign3A_11 = arith.extui %sign3A_10 : vector<260x256xi1> to vector<260x256xi32>
    %sign3A_12 = arith.subi %sign3A_7, %sign3A_11 : vector<260x256xi32>
    %sign3A_13 = arith.constant 0 : i32
    %sign3A_14 = arith.cmpi sgt, %jit3A, %sign3A_13 : i32
    %sign3A_15 = arith.extui %sign3A_14 : i1 to i32
    %sign3A_16 = arith.constant 0 : i32
    %sign3A_17 = arith.cmpi slt, %jit3A, %sign3A_16 : i32
    %sign3A_18 = arith.extui %sign3A_17 : i1 to i32
    %sign3A_19 = arith.subi %sign3A_15, %sign3A_18 : i32
    %ne3A = vector.broadcast %sign3A_19 : i32 to vector<260x256xi32>
    %ne3A_20 = arith.cmpi ne, %sign3A_12, %ne3A : vector<260x256xi32>
    %rem3A = vector.broadcast %jit3A : i32 to vector<260x256xi32>
    %rem3A_21 = arith.remsi %iota3A, %rem3A : vector<260x256xi32>
    %ne3A_22 = arith.constant 0 : i32
    %ne3A_23 = vector.broadcast %ne3A_22 : i32 to vector<260x256xi32>
    %ne3A_24 = arith.cmpi ne, %rem3A_21, %ne3A_23 : vector<260x256xi32>
    %and3A = arith.andi %ne3A_20, %ne3A_24 : vector<260x256xi1>
    %sub3A = arith.constant 1 : i32
    %sub3A_25 = vector.broadcast %sub3A : i32 to vector<260x256xi32>
    %sub3A_26 = arith.subi %div3A_4, %sub3A_25 : vector<260x256xi32>
    %select_n3A = arith.select %and3A, %sub3A_26, %div3A_4 : vector<260x256xi1>, vector<260x256xi32>
    %jit3A_27 = arith.constant 64 : i32
    %div3A_28 = vector.broadcast %jit3A_27 : i32 to vector<260x256xi32>
    %div3A_29 = arith.divsi %iota3A_3, %div3A_28 : vector<260x256xi32>
    %sign3A_30 = arith.constant 0 : i32
    %sign3A_31 = vector.broadcast %sign3A_30 : i32 to vector<260x256xi32>
    %sign3A_32 = arith.cmpi sgt, %iota3A_3, %sign3A_31 : vector<260x256xi32>
    %sign3A_33 = arith.extui %sign3A_32 : vector<260x256xi1> to vector<260x256xi32>
    %sign3A_34 = arith.constant 0 : i32
    %sign3A_35 = vector.broadcast %sign3A_34 : i32 to vector<260x256xi32>
    %sign3A_36 = arith.cmpi slt, %iota3A_3, %sign3A_35 : vector<260x256xi32>
    %sign3A_37 = arith.extui %sign3A_36 : vector<260x256xi1> to vector<260x256xi32>
    %sign3A_38 = arith.subi %sign3A_33, %sign3A_37 : vector<260x256xi32>
    %sign3A_39 = arith.constant 0 : i32
    %sign3A_40 = arith.cmpi sgt, %jit3A_27, %sign3A_39 : i32
    %sign3A_41 = arith.extui %sign3A_40 : i1 to i32
    %sign3A_42 = arith.constant 0 : i32
    %sign3A_43 = arith.cmpi slt, %jit3A_27, %sign3A_42 : i32
    %sign3A_44 = arith.extui %sign3A_43 : i1 to i32
    %sign3A_45 = arith.subi %sign3A_41, %sign3A_44 : i32
    %ne3A_46 = vector.broadcast %sign3A_45 : i32 to vector<260x256xi32>
    %ne3A_47 = arith.cmpi ne, %sign3A_38, %ne3A_46 : vector<260x256xi32>
    %rem3A_48 = vector.broadcast %jit3A_27 : i32 to vector<260x256xi32>
    %rem3A_49 = arith.remsi %iota3A_3, %rem3A_48 : vector<260x256xi32>
    %ne3A_50 = arith.constant 0 : i32
    %ne3A_51 = vector.broadcast %ne3A_50 : i32 to vector<260x256xi32>
    %ne3A_52 = arith.cmpi ne, %rem3A_49, %ne3A_51 : vector<260x256xi32>
    %and3A_53 = arith.andi %ne3A_47, %ne3A_52 : vector<260x256xi1>
    %sub3A_54 = arith.constant 1 : i32
    %sub3A_55 = vector.broadcast %sub3A_54 : i32 to vector<260x256xi32>
    %sub3A_56 = arith.subi %div3A_29, %sub3A_55 : vector<260x256xi32>
    %select_n3A_57 = arith.select %and3A_53, %sub3A_56, %div3A_29 : vector<260x256xi1>, vector<260x256xi32>
    %eq3A = arith.cmpi eq, %select_n3A, %select_n3A_57 : vector<260x256xi32>
    %mul3A = arith.constant 64 : i32
    %mul3A_58 = vector.broadcast %mul3A : i32 to vector<260x256xi32>
    %mul3A_59 = arith.muli %select_n3A_57, %mul3A_58 : vector<260x256xi32>
    %sub3A_60 = arith.subi %iota3A_3, %mul3A_59 : vector<260x256xi32>
    %mul3A_61 = arith.constant 65 : i32
    %mul3A_62 = vector.broadcast %mul3A_61 : i32 to vector<260x256xi32>
    %mul3A_63 = arith.muli %select_n3A, %mul3A_62 : vector<260x256xi32>
    %sub3A_64 = arith.subi %iota3A, %mul3A_63 : vector<260x256xi32>
    %lt3A = arith.cmpi slt, %sub3A_60, %sub3A_64 : vector<260x256xi32>
    %and3A_65 = arith.andi %eq3A, %lt3A : vector<260x256xi1>
    %convert_element_type3A = arith.extui %and3A_65 : vector<260x256xi1> to vector<260x256xi32>
    %convert_element_type3A_66 = arith.sitofp %convert_element_type3A : vector<260x256xi32> to vector<260x256xf32>
    %dot_general3A = arith.constant dense<0.000000e+00> : vector<260x768xf32>
    %dot_general3A_67 = tpu.matmul %convert_element_type3A_66, %reshape3A, %dot_general3A {dimension_numbers = #tpu.dot_dimension_numbers<[1], [0], [0], [1], [0, 0, 1, 1], [], []>, precision = #tpu.contract_precision<fp32>, transpose_lhs_hint = false} : vector<260x256xf32>, vector<256x768xf32>, vector<260x768xf32> -> vector<260x768xf32>
    %swap3A = arith.constant 0 : index
    %swap3A_68 = arith.constant 0 : index
    %swap3A_69 = vector.load %arg2[%swap3A, %swap3A_68] : memref<260x768xf32, #tpu.memory_space<vmem>>, vector<260x768xf32>
    tpu.vector_store %arg2[%swap3A, %swap3A_68], %dot_general3A_67 {strides = array<i32>} : memref<260x768xf32, #tpu.memory_space<vmem>>, vector<260x768xf32>,
    return
  }
  func.func @transform_0(%arg0: i32) -> (i32, i32, i32) {
    %c0_i32 = arith.constant 0 : i32
    %c0_i32_0 = arith.constant 0 : i32
    %c0_i32_1 = arith.constant 0 : i32
    %c0_i32_2 = arith.constant 0 : i32
    return %c0_i32, %c0_i32_0, %c0_i32_1 : i32, i32, i32
  }
  func.func @transform_1(%arg0: i32) -> (i32, i32) {
    %c0_i32 = arith.constant 0 : i32
    %c0_i32_0 = arith.constant 0 : i32
    %c0_i32_1 = arith.constant 0 : i32
    return %c0_i32, %c0_i32_0 : i32, i32
  }
}

</mosaic_0001>

<sc_bundles>
// kernel: kernel.4.cloned.1.call-start
scs
__scs_entry_jumppad:
0x0: {  	(pc) =	sbr.rel $0x88, $3  }
0x1: {  	(tag) =	ssettag $0x0;
	lr =	simm.s32 $0x1  }
0x2: {  	[smem:$0x3F9F] =	sst lr;
	_ =	strace $0xD0000000  }
0x3: {  	_ = 	snop  }
0x4: {  	_ = 	snop  }
0x5: {  	_ = 	snop  }
0x6: {  	_ = 	snop  }
0x7: {  	_ = 	snop  }
__scs_overlays_trampoline_lowered:
0x8: {  	[smem:$0x3FAE] =	sst s0  }
0x9: {  	[smem:$0x3FAF] =	sst s1  }
0xa: {  	[smem:$0x3FB0] =	sst s2  }
0xb: {  	[smem:$0x3FB1] =	sst s3  }
0xc: {  	[smem:$0x3FB2] =	sst s4  }
0xd: {  	[smem:$0x3FB3] =	sst s5  }
0xe: {  	[smem:$0x3FB4] =	sst s6  }
0xf: {  	[smem:$0x3FB5] =	sst s7  }
0x10: {  	[smem:$0x3FB6] =	sst s8  }
0x11: {  	[smem:$0x3FB7] =	sst s9;
	s0 =	simm.s32 @!p0 $0x0  }
0x12: {  	s1 =	sld [smem:$0x3F9D];
	s0 =	simm.s32 @p0 $0x1  }
0x13: {  	[smem:$0x3FB8] =	sst s0;
	s0 =	simm.s32 @!p1 $0x0  }
0x14: {  	s2 =	sld [smem:$0x3F9C];
	s0 =	simm.s32 @p1 $0x1  }
0x15: {  	[smem:$0x3FB9] =	sst s0;
	s0 =	simm.s32 @!p2 $0x0  }
0x16: {  	s3 =	sld [smem:$0x3FDB];
	s0 =	simm.s32 @p2 $0x1  }
0x17: {  	s4 =	simm.s32 $0x1BF5;
	[smem:$0x3FBB] =	sst s0  }
0x18: {  	s0 =	sld [smem:$0x3F9E];
	_ =	swait.ge [sflag:s4], $0x0  }
0x19: {  	s7 =	sld [smem:$0x3F9F]  }
0x1a: {  	s8 =	sadd.s32 $0xFFFFE003, lr  }
0x1b: {  	s9 =	sadd.s32 $0xFFFFFEF7, lr;
	s5 =	simm.s32 $0xFFFFFFFF;
	p2 =	slt.u32 s8, $0xFFFFF086  }
0x1c: {  	p1 =	slt.u32 s9, $0xF7A;
	s5 =	simm.s32 @!p2 $0x0  }
0x1d: {  	s5 =	simm.s32 @p1 $0x1;
	p0 =	seq.s32 s7, s2  }
0x1e: {  	s7 =	smul.u32 @!p0 $0xF7A, s2;
	p2 =	seq.s32 @!p0 s5, $0x0  }
0x1f: {  	s9 =	smul.u32 $0xF7A, s1;
	s8 =	simm.s32 @!p0 $0x1BF5;
	p2 =	por !p2, p0  }
0x20: {  	[sflag:s8] =	ssyncset.s32 @!p0 $0xFFFFF086;
	s6 =	sadd.s32 @!p0 s3, s7;
	s7 =	simm.s32 @!p0 $0x108  }
0x21: {  	s3 =	sadd.s32 s3, s9;
	s6 =	sadd.s32 @!p0 $0x88, s6;
	s7 =	simm.s32 @p2 $0x1082  }
0x22: {  	[simem:s7], [sflag:s8] =	dma.local @!p0 [hbm:s6], $0xF7A  }
0x23: {  	s9 =	sor.u32 $0xD0000000, s2;
	s6 =	simm.s32 $0x108;
	_ =	swait.ge @!p0 [sflag:s8], $0x0  }
0x24: {  	s3 =	sadd.s32 $0x88, s3;
	s6 =	simm.s32 @!p1 $0x1082;
	[sflag:s4] =	ssyncset.s32 $0xFFFFF086  }
0x25: {  	[simem:s6], [sflag:s4] =	dma.local [hbm:s3], $0xF7A  }
0x26: {  	[smem:$0x3F9F] =	sst s1;
	(tag) =	ssettag s2;
	_ =	strace s9  }
0x27: {  	s1 =	sld [smem:$0x3FAF]  }
0x28: {  	s2 =	sld [smem:$0x3FB0]  }
0x29: {  	s4 =	sld [smem:$0x3FB2]  }
0x2a: {  	p0 =	seq.s32 s5, $0x0;
	s5 =	sld [smem:$0x3FB3]  }
0x2b: {  	s6 =	sld [smem:$0x3FB4]  }
0x2c: {  	s7 =	sld [smem:$0x3FB5]  }
0x2d: {  	s3 =	simm.s32 $0x108;
	s8 =	sld [smem:$0x3FB6]  }
0x2e: {  	s3 =	simm.s32 @!p0 $0x1082;
	s9 =	sld [smem:$0x3FB7]  }
0x2f: {  	lr =	sadd.s32 s0, s3;
	s0 =	sld [smem:$0x3FAE]  }
0x30: {  	s3 =	sld [smem:$0x3FB1]  }
0x31: {  	[smem:$0x3FBA] =	sst s10  }
0x32: {  	s10 =	sld [smem:$0x3FB8];
	_ =	sdelay $0x3  }
0x33: {  	p0 =	seq.s32 s10, $0x1;
	s10 =	sld [smem:$0x3FBA];
	_ =	sdelay $0x3  }
0x34: {  	[smem:$0x3FBA] =	sst s10  }
0x35: {  	s10 =	sld [smem:$0x3FB9];
	_ =	sdelay $0x3  }
0x36: {  	p1 =	seq.s32 s10, $0x1;
	s10 =	sld [smem:$0x3FBA];
	_ =	sdelay $0x3  }
0x37: {  	[smem:$0x3FBA] =	sst s10  }
0x38: {  	s10 =	sld [smem:$0x3FBB]  }
0x39: {  	_ = 	snop;
	(pc) =	sbr.ind lr, $3  }
0x3a: {  	_ = 	snop  }
0x3b: {  	_ = 	snop  }
0x3c: {  	p2 =	seq.s32 s10, $0x1;
	s10 =	sld [smem:$0x3FBA]  }
0x3d: {  	_ =	shalt  }
0x3e: {  	_ =	shalt  }
0x3f: {  	_ =	shalt  }
0x40: {  	_ =	shalt  }
0x41: {  	_ =	shalt  }
0x42: {  	_ =	shalt  }
0x43: {  	_ =	shalt  }
0x44: {  	_ =	shalt  }
0x45: {  	_ =	shalt  }
0x46: {  	_ =	shalt  }
0x47: {  	_ =	shalt  }
0x48: {  	_ =	shalt  }
0x49: {  	_ =	shalt  }
0x4a: {  	_ =	shalt  }
0x4b: {  	_ =	shalt  }
0x4c: {  	_ =	shalt  }
0x4d: {  	_ =	shalt  }
0x4e: {  	_ =	shalt  }
0x4f: {  	_ =	shalt  }
0x50: {  	_ =	shalt  }
0x51: {  	_ =	shalt  }
0x52: {  	_ =	shalt  }
0x53: {  	_ =	shalt  }
0x54: {  	_ =	shalt  }
0x55: {  	_ =	shalt  }
0x56: {  	_ =	shalt  }
0x57: {  	_ =	shalt  }
0x58: {  	_ =	shalt  }
0x59: {  	_ =	shalt  }
0x5a: {  	_ =	shalt  }
0x5b: {  	_ =	shalt  }
0x5c: {  	_ =	shalt  }
0x5d: {  	_ =	shalt  }
0x5e: {  	_ =	shalt  }
0x5f: {  	_ =	shalt  }
0x60: {  	_ =	shalt  }
0x61: {  	_ =	shalt  }
0x62: {  	_ =	shalt  }
0x63: {  	_ =	shalt  }
0x64: {  	_ =	shalt  }
0x65: {  	_ =	shalt  }
0x66: {  	_ =	shalt  }
0x67: {  	_ =	shalt  }
0x68: {  	_ =	shalt  }
0x69: {  	_ =	shalt  }
0x6a: {  	_ =	shalt  }
0x6b: {  	_ =	shalt  }
0x6c: {  	_ =	shalt  }
0x6d: {  	_ =	shalt  }
0x6e: {  	_ =	shalt  }
0x6f: {  	_ =	shalt  }
0x70: {  	_ =	shalt  }
0x71: {  	_ =	shalt  }
0x72: {  	_ =	shalt  }
0x73: {  	_ =	shalt  }
0x74: {  	_ =	shalt  }
0x75: {  	_ =	shalt  }
0x76: {  	_ =	shalt  }
0x77: {  	_ =	shalt  }
0x78: {  	_ =	shalt  }
0x79: {  	_ =	shalt  }
0x7a: {  	_ =	shalt  }
0x7b: {  	_ =	shalt  }
0x7c: {  	_ =	shalt  }
0x7d: {  	_ =	shalt  }
0x7e: {  	_ =	shalt  }
0x7f: {  	_ =	shalt  }
0x80: {  	_ =	shalt  }
0x81: {  	_ =	shalt  }
0x82: {  	_ =	shalt  }
0x83: {  	_ =	shalt  }
0x84: {  	_ =	shalt  }
0x85: {  	_ =	shalt  }
0x86: {  	_ =	shalt  }
0x87: {  	_ =	shalt  }
.Lfunc_end0:
.L_simem_size_0:
called_computation_lowered:
.L_overlay_start_0:
0x88: {  	s2 =	sld [smem:$0x3FD9]  }
0x89: {  	s3 =	sld [smem:$0x3FFE];
	_ =	sdelay $0x1  }
0x8a: {  	s1 =	srdreg.scid  }
0x8b: {  	s0 =	sand.u32 $0x1, s1  }
0x8c: {  	s17 =	sshll.u32 s0, $0xA;
	s2 =	sadd.s32 s3, s2  }
0x8d: {  	s2 =	sadd.s32 s2, s17  }
0x8e: {  	[smem:$0x3FC6] =	sst s2  }
0x8f: {  	_ = 	snop  }
0x90: {  	s2 =	sld [smem:$0x3FD0];
	(tm) =	ssettm $0x1  }
0x91: {  	s18 =	sld [smem:$0x3FFB];
	_ =	sdelay $0x3  }
0x92: {  	_ =	strace s18  }
0x93: {  	s3 =	sld [smem:$0x3FFC];
	_ =	sdelay $0x3  }
0x94: {  	_ =	strace s3  }
0x95: {  	s3 =	sld [smem:$0x3FFD];
	_ =	sdelay $0x3  }
0x96: {  	_ =	strace s3  }
0x97: {  	_ =	strace $0x8FFFFFFF  }
0x98: {  	s19 =	sld [smem:$0x3FDB];
	_ =	sdelay $0x1  }
0x99: {  	s4 =	simm.s32 $_scs_section_size  }
0x9a: {  	s5 =	simm.s32 $_size__tile_overlayer_lowered;
	s6 =	simm.s32 $_tile_overlayer_lowered  }
0x9b: {  	s22 =	simm.s32 $0x1BFF;
	s21 =	sshll.u32 s6, $0x1;
	s3 =	sadd.s32 s4, s19  }
0x9c: {  	s7 =	simm.s32 $0x0;
	s20 =	sshll.u32 s5, $0x1;
	s5 =	sadd.s32 s21, s3  }
0x9d: {  	[timem:s7], [sflag:s22] =	dma.local [hbm:s5], s20  }
0x9e: {  	_ =	swait.ge [sflag:s22], s20  }
0x9f: {  	s4 =	ssub.s32 $0x0, s20;
	[sflag:s22] =	ssyncset.done $0x0  }
0xa0: {  	[sflag:s22] =	ssyncadd.s32 s4;
	_ =	sdelay $0x1  }
0xa1: {  	s23 =	simm.s32 $0x1B8B  }
0xa2: {  	_ =	swait.ge [sflag:s23], $0x1  }
0xa3: {  	[sflag:s23] =	ssyncset.done $0x0  }
0xa4: {  	s25 =	simm.s32 $0x1B8E;
	s24 =	sld [smem:$0x3FFE];
	[sflag:s23] =	ssyncadd.s32 $0xFFFFFFFF  }
0xa5: {  	s26 =	simm.s32 $execute0_lowered;
	[smem:$0x3FD2] =	sst s25  }
0xa6: {  	s5 =	sshll.u32 s26, $0x1;
	_ =	strace $0x80000046;
	[dreg:$0x1] =	wrdreg $0xFFFFFFFF  }
0xa7: {  	s28 =	simm.s32 $_size_execute0_lowered;
	s3 =	sadd.s32 s3, s5;
	[dreg:$0x0] =	wrdreg $0x0  }
0xa8: {  	s5 =	sshll.u32 s28, $0x1;
	[dreg:$0x2] =	wrdreg s3  }
0xa9: {  	[dreg:$0x3] =	wrdreg s5  }
0xaa: {  	[dreg:$0x4] =	wrdreg $0xC0  }
0xab: {  	_ =	task [dreg:s7], $0x5FFFF  }
0xac: {  	[dreg:$0x1] =	wrdreg $0xFFFFFFFF  }
0xad: {  	[dreg:$0x0] =	wrdreg $0x60  }
0xae: {  	[dreg:$0x2] =	wrdreg s24  }
0xaf: {  	[dreg:$0x3] =	wrdreg s2  }
0xb0: {  	[dreg:$0x4] =	wrdreg $0x9  }
0xb1: {  	_ =	task.clear_ibuf [dreg:s7], $0x5FFFF;
	_ =	strace $0x90000046  }
0xb2: {  	s29 =	simm.s32 $0x9;
	_ =	strace $0x80000048  }
0xb3: {  	_ =	swait.ge [sflag:s29], $0x1  }
0xb4: {  	[sflag:s29] =	ssyncadd.s32 $0xFFFFFFFF  }
0xb5: {  	_ =	strace $0x90000048  }
0xb6: {  	_ =	sfence  }
0xb7: {  	s30 =	sld [smem:$0x0];
	_ =	sdelay $0x2  }
0xb8: {  	s31 =	sshll.u32 s1, $0xD;
	s1 =	sshrl.u32 s1, $0x2  }
0xb9: {  	s3 =	sand.u32 $0x4000, s31;
	s1 =	sadd.s32 s1, s30  }
0xba: {  	s0 =	sor.u32 s3, s0;
	s1 =	sshll.u32 s1, $0x11  }
0xbb: {  	s0 =	sor.u32 s1, s0  }
0xbc: {  	s0 =	sadd.s32 $0x8F2B, s0  }
0xbd: {  	[sflag:s0] =	ssyncadd.remote.s32 $0x1  }
0xbe: {  	_ =	sfence.sel $0xFFFF  }
0xbf: {  	[dreg:$0x0] =	wrdreg $0xFFFFFFFF;
	(pc) =	sbr.abs _section_cstart, $3  }
0xc0: {  	[dreg:$0x1] =	wrdreg $0xFFFFFFFF  }
0xc1: {  	_ =	task.clear_ibuf [dreg:s7], $0x2FFFF;
	_ =	strace $0x9FFFFFFF  }
0xc2: {  	(tm) =	ssettm $0x7FFFFFFF  }
0xc3: {  	_ =	shalt  }
tec
execute0_lowered:
.L_overlay_start_1:
0x0: {  	(tag) =	ssettag $0x1  }
0x1: {  	s4 =	rddreg [dreg:$0x0]  }
0x2: {  	s11 =	rddreg [dreg:$0x1];
	s1 =	simm.s32 $0x0;
	s0 =	srdreg.scid  }
0x3: {  	s6 =	stileid.u32;
	s14 =	simm.s32 $0xE;
	s19 =	simm.s32 $0x6  }
0x4: {  	s20 =	simm.s32 $0x2;
	s26 =	simm.s32 $0x4;
	s28 =	simm.s32 $0x9  }
0x5: {  	s29 =	simm.s32 $0x5;
	s30 =	simm.s32 $0xA;
	s15 =	simm.s32 $0xD  }
0x6: {  	s16 =	simm.s32 $0x0;
	[smem:$0x7FF] =	sst s1;
	s3 =	sadd.s32 $0xE00, s4  }
0x7: {  	s0 =	sand.u32 $0x1, s0;
	s2 =	sshll.u32 s6, $0x4;
	s6 =	sshrl.u32 s6, $0x2  }
0x8: {  	s9 =	sadd.s32 $0x7200, s4;
	_ =	strace $0x80000047;
	s5 =	sshll.u32 s0, $0x3  }
0x9: {  	s17 =	ssub.s32 $0x2, s0;
	s18 =	smul.u32 $0x41, s6;
	[dreg:$0x3] =	wrdreg s9  }
0xa: {  	s9 =	sadd.s32 $0x1000, s4;
	s0 =	simm.s32 $0xB;
	s2 =	sor.u32 s5, s2  }
0xb: {  	s7 =	sshrl.u32 s17, $0x1;
	s21 =	sadd.s32 s2, s4;
	s8 =	smul.u32 $0x300, s2  }
0xc: {  	s13 =	ssub.s32 s17, s7;
	s22 =	smul.u32 $0x1800, s2;
	s25 =	sadd.s32 $0x1, s18  }
0xd: {  	s7 =	sadd.s32 $0xF00, s4;
	s17 =	simm.s32 $0x1;
	s23 =	sadd.s32 $0xC00, s21  }
0xe: {  	s2 =	simm.s32 $0xC;
	s24 =	sadd.s32 $0xA00, s21;
	[dreg:$0x4] =	wrdreg s23  }
0xf: {  	s13 =	smax.u32 s13, $0x1;
	s21 =	simm.s32 $0x17280;
	[dreg:$0x5] =	wrdreg s24  }
0x10: {  	v4 =	vlaneseq.u32;
	vm0 =	vmmov $0xffff;
	s8 =	sadd.s32 s11, s8;
	s12 =	sshrl.u32 s22, $0x3;
	s22 =	simm.s32 $0x7  }
0x11: {  	v2 =	vand.u32 $0x7, v4;
	v3 =	vshrl.u32 v4, $0x3;
	v4 =	vor.u32 $0x8, v4;
	s23 =	simm.s32 $0x3;
	s24 =	simm.s32 $0x8;
	s31 =	sadd.s32 s11, s12  }
0x12: {  	v3 =	vmul.u32 $0x8, v3;
	v0 =	vmov s18;
	v1 =	vmov s25;
	s10 =	sadd.s32 $0x600, s8;
	s11 =	sadd.s32 $0xC00, s31;
	s12 =	sadd.s32 $0x1200, s31  }
.LBB2_1:
0x13: {  	s4 =	rddreg [dreg:$0x4]  }
0x14: {  	[tilespmem:s1], [sflag:$0xE] =	stream.linear.gather [hbm4b:s4+s1], $0x40, $0x38;
	[tilespmem:$0x1A280] =	vst v63  }
0x15: {  	_ =	swait.ge [sflag:s14], $0x40  }
0x16: {  	[sflag:s14] =	ssyncset.done $0x0  }
0x17: {  	s5 =	simm.s32 $0x80;
	s25 =	rddreg [dreg:$0x5];
	[sflag:s14] =	ssyncadd.s32 $0xFFFFFFC0  }
0x18: {  	[tilespmem:s5], [sflag:$0xE] =	stream.linear.gather [hbm4b:s25+s1], $0x40, $0x38;
	[tilespmem:$0x1A280] =	vst v63  }
0x19: {  	_ =	swait.ge [sflag:s14], $0x40  }
0x1a: {  	[sflag:s14] =	ssyncset.done $0x0  }
0x1b: {  	[sflag:s14] =	ssyncadd.s32 $0xFFFFFFC0  }
0x1c: {  	v5 =	vld [tilespmem:$0x0]  }
0x1d: {  	v6 =	vld [tilespmem:$0x80];
	_ =	sdelay $0x1  }
0x1e: {  	v7 =	vld [tilespmem:$0x10]  }
0x1f: {  	v8 =	vld [tilespmem:$0x90]  }
0x20: {  	v9 =	vadd.s32 v0, v5  }
0x21: {  	v10 =	vld [tilespmem:$0x20];
	v5 =	vsub.s32 v6, v5;
	[tilespmem:$0x100] =	vst v9  }
0x22: {  	v9 =	vadd.s32 v1, v6;
	v6 =	vld [tilespmem:$0xA0];
	[tilespmem:$0x200] =	vst v5  }
0x23: {  	v5 =	vadd.s32 v0, v7;
	[tilespmem:$0x180] =	vst v9  }
0x24: {  	[tilespmem:$0x110] =	vst v5;
	v5 =	vadd.s32 v1, v8;
	v9 =	vld [tilespmem:$0x30]  }
0x25: {  	[tilespmem:$0x190] =	vst v5;
	v5 =	vsub.s32 v8, v7;
	v7 =	vld [tilespmem:$0xB0]  }
0x26: {  	[tilespmem:$0x210] =	vst v5;
	v5 =	vadd.s32 v0, v10  }
0x27: {  	[tilespmem:$0x120] =	vst v5;
	v5 =	vadd.s32 v1, v6  }
0x28: {  	[tilespmem:$0x1A0] =	vst v5;
	v5 =	vsub.s32 v6, v10  }
0x29: {  	[tilespmem:$0x220] =	vst v5;
	v5 =	vadd.s32 v0, v9  }
0x2a: {  	[tilespmem:$0x130] =	vst v5;
	v5 =	vadd.s32 v1, v7  }
0x2b: {  	s18 =	simm.s32 $0x280;
	[tilespmem:$0x1B0] =	vst v5;
	v5 =	vsub.s32 v7, v9  }
0x2c: {  	s6 =	simm.s32 $0x200;
	s25 =	simm.s32 $0x40;
	s5 =	rddreg [dreg:$0x3];
	[tilespmem:$0x230] =	vst v5  }
0x2d: {  	[tilespmem:s18], [sflag:$0x1] =	stream.indirect.gather [hbm4b:s5+s25], $0x80, s6, s25, $0xb8;
	[tilespmem:$0x1A280] =	vst v63  }
0x2e: {  	v5 =	vld [tilespmem:$0x180];
	_ =	sdelay $0x4  }
0x2f: {  	v6 =	vshrl.u32 v5, $0x3  }
0x30: {  	v6 =	vmul.u32 $0x30, v6  }
0x31: {  	v5 =	vand.u32 $0x7, v5  }
0x32: {  	v5 =	vor.u32 v5, v6  }
0x33: {  	v6 =	vperm.xlane v5, v2;
	_ =	sdelay $0x1  }
0x34: {  	v6 =	vadd.s32 v3, v6;
	_ =	sdelay $0x3  }
0x35: {  	s5 =	simm.s32 $0xE280;
	v5 =	vperm.xlane v5, v4  }
0x36: {  	[tilespmem:s5], [sflag:$0x6] =	stream.indirect_vreg.gather [hbm4b:s3+s1], $0x80, v6, vm0, $0xb8;
	[tilespmem:$0x1A280] =	vst v63  }
0x37: {  	s6 =	simm.s32 $0xEA80;
	v5 =	vadd.s32 v3, v5  }
0x38: {  	[tilespmem:s6], [sflag:$0x6] =	stream.indirect_vreg.gather [hbm4b:s7+s1], $0x80, v6, vm0, $0xb8;
	[tilespmem:$0x1A280] =	vst v63  }
0x39: {  	s25 =	simm.s32 $0xF280  }
0x3a: {  	[tilespmem:s25], [sflag:$0x6] =	stream.indirect_vreg.gather [hbm4b:s9+s1], $0x80, v6, vm0, $0xb8;
	[tilespmem:$0x1A280] =	vst v63  }
0x3b: {  	s5 =	simm.s32 $0xFA80  }
0x3c: {  	[tilespmem:s5], [sflag:$0x6] =	stream.indirect_vreg.gather [hbm4b:s3+s1], $0x80, v5, vm0, $0xb8;
	[tilespmem:$0x1A280] =	vst v63  }
0x3d: {  	s6 =	simm.s32 $0x10280  }
0x3e: {  	[tilespmem:s6], [sflag:$0x6] =	stream.indirect_vreg.gather [hbm4b:s7+s1], $0x80, v5, vm0, $0xb8;
	[tilespmem:$0x1A280] =	vst v63  }
0x3f: {  	s25 =	simm.s32 $0x10A80  }
0x40: {  	[tilespmem:s25], [sflag:$0x6] =	stream.indirect_vreg.gather [hbm4b:s9+s1], $0x80, v5, vm0, $0xb8;
	[tilespmem:$0x1A280] =	vst v63  }
0x41: {  	v5 =	vld [tilespmem:$0x100];
	_ =	sdelay $0x4  }
0x42: {  	v6 =	vshrl.u32 v5, $0x3  }
0x43: {  	v6 =	vmul.u32 $0x30, v6  }
0x44: {  	v5 =	vand.u32 $0x7, v5  }
0x45: {  	v5 =	vor.u32 v5, v6  }
0x46: {  	v6 =	vperm.xlane v5, v2;
	_ =	sdelay $0x1  }
0x47: {  	v6 =	vadd.s32 v3, v6;
	_ =	sdelay $0x3  }
0x48: {  	s5 =	simm.s32 $0x2280;
	v5 =	vperm.xlane v5, v4  }
0x49: {  	[tilespmem:s5], [sflag:$0x2] =	stream.indirect_vreg.gather [hbm4b:s3+s1], $0x80, v6, vm0, $0xb8;
	[tilespmem:$0x1A280] =	vst v63  }
0x4a: {  	s6 =	simm.s32 $0x2A80;
	v5 =	vadd.s32 v3, v5  }
0x4b: {  	[tilespmem:s6], [sflag:$0x2] =	stream.indirect_vreg.gather [hbm4b:s7+s1], $0x80, v6, vm0, $0xb8;
	[tilespmem:$0x1A280] =	vst v63  }
0x4c: {  	s25 =	simm.s32 $0x3280  }
0x4d: {  	[tilespmem:s25], [sflag:$0x2] =	stream.indirect_vreg.gather [hbm4b:s9+s1], $0x80, v6, vm0, $0xb8;
	[tilespmem:$0x1A280] =	vst v63  }
0x4e: {  	s5 =	simm.s32 $0x3A80  }
0x4f: {  	[tilespmem:s5], [sflag:$0x2] =	stream.indirect_vreg.gather [hbm4b:s3+s1], $0x80, v5, vm0, $0xb8;
	[tilespmem:$0x1A280] =	vst v63  }
0x50: {  	s6 =	simm.s32 $0x4280  }
0x51: {  	[tilespmem:s6], [sflag:$0x2] =	stream.indirect_vreg.gather [hbm4b:s7+s1], $0x80, v5, vm0, $0xb8;
	[tilespmem:$0x1A280] =	vst v63  }
0x52: {  	s25 =	simm.s32 $0x4A80  }
0x53: {  	[tilespmem:s25], [sflag:$0x2] =	stream.indirect_vreg.gather [hbm4b:s9+s1], $0x80, v5, vm0, $0xb8;
	[tilespmem:$0x1A280] =	vst v63  }
0x54: {  	v5 =	vld [tilespmem:$0x190];
	_ =	sdelay $0x4  }
0x55: {  	v6 =	vshrl.u32 v5, $0x3  }
0x56: {  	v6 =	vmul.u32 $0x30, v6  }
0x57: {  	v5 =	vand.u32 $0x7, v5  }
0x58: {  	v5 =	vor.u32 v5, v6  }
0x59: {  	v6 =	vperm.xlane v5, v2;
	_ =	sdelay $0x1  }
0x5a: {  	v6 =	vadd.s32 v3, v6;
	_ =	sdelay $0x3  }
0x5b: {  	s5 =	simm.s32 $0x11280;
	v5 =	vperm.xlane v5, v4  }
0x5c: {  	[tilespmem:s5], [sflag:$0x7] =	stream.indirect_vreg.gather [hbm4b:s3+s1], $0x80, v6, vm0, $0xb8;
	[tilespmem:$0x1A280] =	vst v63  }
0x5d: {  	s6 =	simm.s32 $0x11A80;
	v5 =	vadd.s32 v3, v5  }
0x5e: {  	[tilespmem:s6], [sflag:$0x7] =	stream.indirect_vreg.gather [hbm4b:s7+s1], $0x80, v6, vm0, $0xb8;
	[tilespmem:$0x1A280] =	vst v63  }
0x5f: {  	s25 =	simm.s32 $0x12280  }
0x60: {  	[tilespmem:s25], [sflag:$0x7] =	stream.indirect_vreg.gather [hbm4b:s9+s1], $0x80, v6, vm0, $0xb8;
	[tilespmem:$0x1A280] =	vst v63  }
0x61: {  	s5 =	simm.s32 $0x12A80  }
0x62: {  	[tilespmem:s5], [sflag:$0x7] =	stream.indirect_vreg.gather [hbm4b:s3+s1], $0x80, v5, vm0, $0xb8;
	[tilespmem:$0x1A280] =	vst v63  }
0x63: {  	s6 =	simm.s32 $0x13280  }
0x64: {  	[tilespmem:s6], [sflag:$0x7] =	stream.indirect_vreg.gather [hbm4b:s7+s1], $0x80, v5, vm0, $0xb8;
	[tilespmem:$0x1A280] =	vst v63  }
0x65: {  	s25 =	simm.s32 $0x13A80  }
0x66: {  	[tilespmem:s25], [sflag:$0x7] =	stream.indirect_vreg.gather [hbm4b:s9+s1], $0x80, v5, vm0, $0xb8;
	[tilespmem:$0x1A280] =	vst v63  }
0x67: {  	v5 =	vld [tilespmem:$0x110];
	_ =	sdelay $0x4  }
0x68: {  	v6 =	vshrl.u32 v5, $0x3  }
0x69: {  	v6 =	vmul.u32 $0x30, v6  }
0x6a: {  	v5 =	vand.u32 $0x7, v5  }
0x6b: {  	v5 =	vor.u32 v5, v6  }
0x6c: {  	v6 =	vperm.xlane v5, v2;
	_ =	sdelay $0x1  }
0x6d: {  	v6 =	vadd.s32 v3, v6;
	_ =	sdelay $0x3  }
0x6e: {  	s5 =	simm.s32 $0x5280;
	v5 =	vperm.xlane v5, v4  }
0x6f: {  	[tilespmem:s5], [sflag:$0x3] =	stream.indirect_vreg.gather [hbm4b:s3+s1], $0x80, v6, vm0, $0xb8;
	[tilespmem:$0x1A280] =	vst v63  }
0x70: {  	s6 =	simm.s32 $0x5A80;
	v5 =	vadd.s32 v3, v5  }
0x71: {  	[tilespmem:s6], [sflag:$0x3] =	stream.indirect_vreg.gather [hbm4b:s7+s1], $0x80, v6, vm0, $0xb8;
	[tilespmem:$0x1A280] =	vst v63  }
0x72: {  	s25 =	simm.s32 $0x6280  }
0x73: {  	[tilespmem:s25], [sflag:$0x3] =	stream.indirect_vreg.gather [hbm4b:s9+s1], $0x80, v6, vm0, $0xb8;
	[tilespmem:$0x1A280] =	vst v63  }
0x74: {  	s5 =	simm.s32 $0x6A80  }
0x75: {  	[tilespmem:s5], [sflag:$0x3] =	stream.indirect_vreg.gather [hbm4b:s3+s1], $0x80, v5, vm0, $0xb8;
	[tilespmem:$0x1A280] =	vst v63  }
0x76: {  	s6 =	simm.s32 $0x7280  }
0x77: {  	[tilespmem:s6], [sflag:$0x3] =	stream.indirect_vreg.gather [hbm4b:s7+s1], $0x80, v5, vm0, $0xb8;
	[tilespmem:$0x1A280] =	vst v63  }
0x78: {  	s25 =	simm.s32 $0x7A80  }
0x79: {  	[tilespmem:s25], [sflag:$0x3] =	stream.indirect_vreg.gather [hbm4b:s9+s1], $0x80, v5, vm0, $0xb8;
	[tilespmem:$0x1A280] =	vst v63  }
0x7a: {  	v5 =	vld [tilespmem:$0x1A0];
	_ =	sdelay $0x4  }
0x7b: {  	v6 =	vshrl.u32 v5, $0x3  }
0x7c: {  	v6 =	vmul.u32 $0x30, v6  }
0x7d: {  	v5 =	vand.u32 $0x7, v5  }
0x7e: {  	v5 =	vor.u32 v5, v6  }
0x7f: {  	v6 =	vperm.xlane v5, v2;
	_ =	sdelay $0x1  }
0x80: {  	v6 =	vadd.s32 v3, v6;
	_ =	sdelay $0x3  }
0x81: {  	s5 =	simm.s32 $0x14280;
	v5 =	vperm.xlane v5, v4  }
0x82: {  	[tilespmem:s5], [sflag:$0x8] =	stream.indirect_vreg.gather [hbm4b:s3+s1], $0x80, v6, vm0, $0xb8;
	[tilespmem:$0x1A280] =	vst v63  }
0x83: {  	s6 =	simm.s32 $0x14A80;
	v5 =	vadd.s32 v3, v5  }
0x84: {  	[tilespmem:s6], [sflag:$0x8] =	stream.indirect_vreg.gather [hbm4b:s7+s1], $0x80, v6, vm0, $0xb8;
	[tilespmem:$0x1A280] =	vst v63  }
0x85: {  	s25 =	simm.s32 $0x15280  }
0x86: {  	[tilespmem:s25], [sflag:$0x8] =	stream.indirect_vreg.gather [hbm4b:s9+s1], $0x80, v6, vm0, $0xb8;
	[tilespmem:$0x1A280] =	vst v63  }
0x87: {  	s5 =	simm.s32 $0x15A80  }
0x88: {  	[tilespmem:s5], [sflag:$0x8] =	stream.indirect_vreg.gather [hbm4b:s3+s1], $0x80, v5, vm0, $0xb8;
	[tilespmem:$0x1A280] =	vst v63  }
0x89: {  	s6 =	simm.s32 $0x16280  }
0x8a: {  	[tilespmem:s6], [sflag:$0x8] =	stream.indirect_vreg.gather [hbm4b:s7+s1], $0x80, v5, vm0, $0xb8;
	[tilespmem:$0x1A280] =	vst v63  }
0x8b: {  	s25 =	simm.s32 $0x16A80  }
0x8c: {  	[tilespmem:s25], [sflag:$0x8] =	stream.indirect_vreg.gather [hbm4b:s9+s1], $0x80, v5, vm0, $0xb8;
	[tilespmem:$0x1A280] =	vst v63  }
0x8d: {  	v5 =	vld [tilespmem:$0x120];
	_ =	sdelay $0x4  }
0x8e: {  	v6 =	vshrl.u32 v5, $0x3  }
0x8f: {  	v6 =	vmul.u32 $0x30, v6  }
0x90: {  	v5 =	vand.u32 $0x7, v5  }
0x91: {  	v5 =	vor.u32 v5, v6  }
0x92: {  	v6 =	vperm.xlane v5, v2;
	_ =	sdelay $0x1  }
0x93: {  	v6 =	vadd.s32 v3, v6;
	_ =	sdelay $0x3  }
0x94: {  	s5 =	simm.s32 $0x8280;
	v5 =	vperm.xlane v5, v4  }
0x95: {  	[tilespmem:s5], [sflag:$0x4] =	stream.indirect_vreg.gather [hbm4b:s3+s1], $0x80, v6, vm0, $0xb8;
	[tilespmem:$0x1A280] =	vst v63  }
0x96: {  	s6 =	simm.s32 $0x8A80;
	v5 =	vadd.s32 v3, v5  }
0x97: {  	[tilespmem:s6], [sflag:$0x4] =	stream.indirect_vreg.gather [hbm4b:s7+s1], $0x80, v6, vm0, $0xb8;
	[tilespmem:$0x1A280] =	vst v63  }
0x98: {  	s25 =	simm.s32 $0x9280  }
0x99: {  	[tilespmem:s25], [sflag:$0x4] =	stream.indirect_vreg.gather [hbm4b:s9+s1], $0x80, v6, vm0, $0xb8;
	[tilespmem:$0x1A280] =	vst v63  }
0x9a: {  	s5 =	simm.s32 $0x9A80  }
0x9b: {  	[tilespmem:s5], [sflag:$0x4] =	stream.indirect_vreg.gather [hbm4b:s3+s1], $0x80, v5, vm0, $0xb8;
	[tilespmem:$0x1A280] =	vst v63  }
0x9c: {  	s6 =	simm.s32 $0xA280  }
0x9d: {  	[tilespmem:s6], [sflag:$0x4] =	stream.indirect_vreg.gather [hbm4b:s7+s1], $0x80, v5, vm0, $0xb8;
	[tilespmem:$0x1A280] =	vst v63  }
0x9e: {  	s25 =	simm.s32 $0xAA80  }
0x9f: {  	[tilespmem:s25], [sflag:$0x4] =	stream.indirect_vreg.gather [hbm4b:s9+s1], $0x80, v5, vm0, $0xb8;
	[tilespmem:$0x1A280] =	vst v63  }
0xa0: {  	v5 =	vld [tilespmem:$0x1B0];
	_ =	sdelay $0x4  }
0xa1: {  	v6 =	vshrl.u32 v5, $0x3  }
0xa2: {  	v6 =	vmul.u32 $0x30, v6  }
0xa3: {  	v5 =	vand.u32 $0x7, v5  }
0xa4: {  	v5 =	vor.u32 v5, v6  }
0xa5: {  	v6 =	vperm.xlane v5, v2;
	_ =	sdelay $0x1  }
0xa6: {  	v6 =	vadd.s32 v3, v6;
	_ =	sdelay $0x3  }
0xa7: {  	v5 =	vperm.xlane v5, v4  }
0xa8: {  	[tilespmem:s21], [sflag:$0x9] =	stream.indirect_vreg.gather [hbm4b:s3+s1], $0x80, v6, vm0, $0xb8;
	[tilespmem:$0x1A280] =	vst v63  }
0xa9: {  	s5 =	simm.s32 $0x17A80;
	v5 =	vadd.s32 v3, v5  }
0xaa: {  	[tilespmem:s5], [sflag:$0x9] =	stream.indirect_vreg.gather [hbm4b:s7+s1], $0x80, v6, vm0, $0xb8;
	[tilespmem:$0x1A280] =	vst v63  }
0xab: {  	s6 =	simm.s32 $0x18280  }
0xac: {  	[tilespmem:s6], [sflag:$0x9] =	stream.indirect_vreg.gather [hbm4b:s9+s1], $0x80, v6, vm0, $0xb8;
	[tilespmem:$0x1A280] =	vst v63  }
0xad: {  	s25 =	simm.s32 $0x18A80  }
0xae: {  	[tilespmem:s25], [sflag:$0x9] =	stream.indirect_vreg.gather [hbm4b:s3+s1], $0x80, v5, vm0, $0xb8;
	[tilespmem:$0x1A280] =	vst v63  }
0xaf: {  	s5 =	simm.s32 $0x19280  }
0xb0: {  	[tilespmem:s5], [sflag:$0x9] =	stream.indirect_vreg.gather [hbm4b:s7+s1], $0x80, v5, vm0, $0xb8;
	[tilespmem:$0x1A280] =	vst v63  }
0xb1: {  	s6 =	simm.s32 $0x19A80  }
0xb2: {  	[tilespmem:s6], [sflag:$0x9] =	stream.indirect_vreg.gather [hbm4b:s9+s1], $0x80, v5, vm0, $0xb8;
	[tilespmem:$0x1A280] =	vst v63  }
0xb3: {  	v5 =	vld [tilespmem:$0x130];
	_ =	sdelay $0x4  }
0xb4: {  	v6 =	vshrl.u32 v5, $0x3  }
0xb5: {  	v6 =	vmul.u32 $0x30, v6  }
0xb6: {  	v5 =	vand.u32 $0x7, v5  }
0xb7: {  	v5 =	vor.u32 v5, v6  }
0xb8: {  	v6 =	vperm.xlane v5, v2;
	_ =	sdelay $0x1  }
0xb9: {  	v6 =	vadd.s32 v3, v6;
	_ =	sdelay $0x3  }
0xba: {  	s25 =	simm.s32 $0xB280;
	v5 =	vperm.xlane v5, v4  }
0xbb: {  	[tilespmem:s25], [sflag:$0x5] =	stream.indirect_vreg.gather [hbm4b:s3+s1], $0x80, v6, vm0, $0xb8;
	[tilespmem:$0x1A280] =	vst v63  }
0xbc: {  	s5 =	simm.s32 $0xBA80;
	v5 =	vadd.s32 v3, v5  }
0xbd: {  	[tilespmem:s5], [sflag:$0x5] =	stream.indirect_vreg.gather [hbm4b:s7+s1], $0x80, v6, vm0, $0xb8;
	[tilespmem:$0x1A280] =	vst v63  }
0xbe: {  	s6 =	simm.s32 $0xC280  }
0xbf: {  	[tilespmem:s6], [sflag:$0x5] =	stream.indirect_vreg.gather [hbm4b:s9+s1], $0x80, v6, vm0, $0xb8;
	[tilespmem:$0x1A280] =	vst v63  }
0xc0: {  	s25 =	simm.s32 $0xCA80  }
0xc1: {  	[tilespmem:s25], [sflag:$0x5] =	stream.indirect_vreg.gather [hbm4b:s3+s1], $0x80, v5, vm0, $0xb8;
	[tilespmem:$0x1A280] =	vst v63  }
0xc2: {  	s5 =	simm.s32 $0xD280  }
0xc3: {  	[tilespmem:s5], [sflag:$0x5] =	stream.indirect_vreg.gather [hbm4b:s7+s1], $0x80, v5, vm0, $0xb8;
	[tilespmem:$0x1A280] =	vst v63  }
0xc4: {  	s6 =	simm.s32 $0xDA80  }
0xc5: {  	[tilespmem:s6], [sflag:$0x5] =	stream.indirect_vreg.gather [hbm4b:s9+s1], $0x80, v5, vm0, $0xb8;
	[tilespmem:$0x1A280] =	vst v63  }
0xc6: {  	_ =	swait.ge [sflag:s17], $0x2000  }
0xc7: {  	[sflag:s17] =	ssyncset.done $0x0  }
0xc8: {  	[sflag:s17] =	ssyncadd.s32 $0xFFFFE000  }
0xc9: {  	_ =	swait.ge [sflag:s19], $0x3000  }
0xca: {  	[sflag:s19] =	ssyncset.done $0x0  }
0xcb: {  	s25 =	simm.s32 $0x0;
	[sflag:s19] =	ssyncadd.s32 $0xFFFFD000  }
0xcc: {  	s4 =	smul.u32 $0x1800, s25;
	_ =	swait.ge [sflag:s20], $0x3000  }
0xcd: {  	s25 =	sand.u32 $0x380, s1;
	[sflag:s20] =	ssyncset.done $0x0  }
0xce: {  	s31 =	sor.u32 s25, s4;
	[sflag:s20] =	ssyncadd.s32 $0xFFFFD000  }
0xcf: {  	v5 =	vld [tilespmem:s31+$0x2280]  }
0xd0: {  	v8 =	vld [tilespmem:s31+$0x2290]  }
0xd1: {  	v6 =	vld [tilespmem:s31+$0x22A0]  }
0xd2: {  	v9 =	vld [tilespmem:s31+$0x22B0]  }
0xd3: {  	v10 =	vld [tilespmem:s31+$0x22C0]  }
0xd4: {  	v11 =	vld [tilespmem:s31+$0x22D0]  }
0xd5: {  	v12 =	vld [tilespmem:s31+$0x22E0]  }
0xd6: {  	v13 =	vld [tilespmem:s31+$0x22F0]  }
0xd7: {  	v14 =	vld [tilespmem:s31+$0x2680]  }
0xd8: {  	v7 =	vld [tilespmem:s18+$0x0]  }
0xd9: {  	v15 =	vld [tilespmem:s31+$0x2690]  }
0xda: {  	v16 =	vld [tilespmem:s31+$0x26A0]  }
0xdb: {  	v17 =	vld [tilespmem:s31+$0x26B0]  }
0xdc: {  	v18 =	vld [tilespmem:s31+$0x26C0]  }
0xdd: {  	v19 =	vld [tilespmem:s31+$0x26D0]  }
0xde: {  	v20 =	vld [tilespmem:s31+$0x26E0]  }
0xdf: {  	v21 =	vld [tilespmem:s31+$0x26F0]  }
0xe0: {  	v22 =	vld [tilespmem:s31+$0x2A80]  }
0xe1: {  	v23 =	vld [tilespmem:s31+$0x2A90]  }
0xe2: {  	v24 =	vld [tilespmem:s31+$0x2AA0]  }
0xe3: {  	v25 =	vld [tilespmem:s31+$0x2AB0]  }
0xe4: {  	v26 =	vld [tilespmem:s31+$0x2AC0]  }
0xe5: {  	v27 =	vld [tilespmem:s31+$0x2AD0]  }
0xe6: {  	v28 =	vld [tilespmem:s31+$0x2AE0]  }
0xe7: {  	v29 =	vld [tilespmem:s31+$0x2AF0]  }
0xe8: {  	v30 =	vld [tilespmem:s31+$0x2E80]  }
0xe9: {  	v31 =	vld [tilespmem:s31+$0x2E90]  }
0xea: {  	v32 =	vld [tilespmem:s31+$0x2EA0]  }
0xeb: {  	v33 =	vld [tilespmem:s31+$0x2EB0]  }
0xec: {  	v34 =	vld [tilespmem:s31+$0x2EC0]  }
0xed: {  	v35 =	vld [tilespmem:s31+$0x2ED0]  }
0xee: {  	v36 =	vld [tilespmem:s31+$0x2EE0]  }
0xef: {  	v37 =	vld [tilespmem:s31+$0x2EF0]  }
0xf0: {  	v38 =	vld [tilespmem:s31+$0x3280]  }
0xf1: {  	v39 =	vld [tilespmem:s31+$0x3290]  }
0xf2: {  	v40 =	vld [tilespmem:s31+$0x32A0]  }
0xf3: {  	v41 =	vld [tilespmem:s31+$0x32B0]  }
0xf4: {  	v42 =	vld [tilespmem:s31+$0x32C0]  }
0xf5: {  	v43 =	vld [tilespmem:s31+$0x32D0]  }
0xf6: {  	v44 =	vld [tilespmem:s31+$0x32E0]  }
0xf7: {  	v45 =	vld [tilespmem:s31+$0x32F0]  }
0xf8: {  	v46 =	vld [tilespmem:s31+$0x3680]  }
0xf9: {  	v47 =	vld [tilespmem:s31+$0x3690]  }
0xfa: {  	v48 =	vld [tilespmem:s31+$0x36A0]  }
0xfb: {  	v49 =	vld [tilespmem:s31+$0x36B0]  }
0xfc: {  	v50 =	vld [tilespmem:s31+$0x36C0]  }
0xfd: {  	v51 =	vld [tilespmem:s31+$0x36F0]  }
0xfe: {  	v52 =	vld [tilespmem:s31+$0xF6F0]  }
0xff: {  	v53 =	vld [tilespmem:s31+$0x36E0]  }
0x100: {  	v54 =	vld [tilespmem:s31+$0xF6E0]  }
0x101: {  	v55 =	vld [tilespmem:s31+$0x36D0]  }
0x102: {  	v56 =	vld [tilespmem:s31+$0xF6D0]  }
0x103: {  	v57 =	vld [tilespmem:s31+$0xF6C0]  }
0x104: {  	v62 =	vld [tilespmem:s31+$0xF6B0]  }
0x105: {  	v59 =	vld [tilespmem:s31+$0xF6A0];
	v51 =	vsub.f32 v52, v51  }
0x106: {  	v63 =	vld [tilespmem:s31+$0xF690];
	v53 =	vsub.f32 v54, v53  }
0x107: {  	v60 =	vld [tilespmem:s31+$0xF680];
	v55 =	vsub.f32 v56, v55;
	v51 =	vmul.f32 v51, v7  }
0x108: {  	v58 =	vld [tilespmem:s31+$0xF2E0];
	v50 =	vsub.f32 v57, v50;
	v53 =	vmul.f32 v53, v7  }
0x109: {  	v61 =	vld [tilespmem:s31+$0xF2B0];
	v49 =	vsub.f32 v62, v49;
	v55 =	vmul.f32 v55, v7;
	[tilespmem:s31+$0xF6F0] =	vst v51  }
0x10a: {  	v54 =	vld [tilespmem:s31+$0xF2F0];
	v48 =	vsub.f32 v59, v48;
	v50 =	vmul.f32 v50, v7;
	[tilespmem:s31+$0xF6E0] =	vst v53  }
0x10b: {  	v62 =	vld [tilespmem:s31+$0xF2A0];
	v47 =	vsub.f32 v63, v47;
	v49 =	vmul.f32 v49, v7;
	[tilespmem:s31+$0xF6D0] =	vst v55  }
0x10c: {  	v63 =	vld [tilespmem:s31+$0xF290];
	v46 =	vsub.f32 v60, v46;
	v48 =	vmul.f32 v48, v7;
	[tilespmem:s31+$0xF6C0] =	vst v50  }
0x10d: {  	v56 =	vld [tilespmem:s31+$0xEEF0];
	v44 =	vsub.f32 v58, v44;
	v47 =	vmul.f32 v47, v7;
	[tilespmem:s31+$0xF6B0] =	vst v49  }
0x10e: {  	v57 =	vld [tilespmem:s31+$0xEEE0];
	v41 =	vsub.f32 v61, v41;
	v46 =	vmul.f32 v46, v7;
	[tilespmem:s31+$0xF6A0] =	vst v48  }
0x10f: {  	v58 =	vld [tilespmem:s31+$0xEED0];
	v44 =	vmul.f32 v44, v7;
	[tilespmem:s31+$0xF690] =	vst v47;
	v45 =	vsub.f32 v54, v45  }
0x110: {  	v59 =	vld [tilespmem:s31+$0xEEC0];
	v41 =	vmul.f32 v41, v7;
	[tilespmem:s31+$0xF680] =	vst v46;
	v40 =	vsub.f32 v62, v40  }
0x111: {  	v60 =	vld [tilespmem:s31+$0xEEB0];
	[tilespmem:s31+$0xF2E0] =	vst v44;
	v39 =	vsub.f32 v63, v39;
	v45 =	vmul.f32 v45, v7  }
0x112: {  	v61 =	vld [tilespmem:s31+$0xEEA0];
	[tilespmem:s31+$0xF2B0] =	vst v41;
	v37 =	vsub.f32 v56, v37;
	v40 =	vmul.f32 v40, v7  }
0x113: {  	v52 =	vld [tilespmem:s31+$0xEAB0];
	v36 =	vsub.f32 v57, v36;
	v39 =	vmul.f32 v39, v7;
	[tilespmem:s31+$0xF2F0] =	vst v45  }
0x114: {  	v51 =	vld [tilespmem:s31+$0xF2D0];
	v35 =	vsub.f32 v58, v35;
	v37 =	vmul.f32 v37, v7;
	[tilespmem:s31+$0xF2A0] =	vst v40  }
0x115: {  	v53 =	vld [tilespmem:s31+$0xF2C0];
	v34 =	vsub.f32 v59, v34;
	v36 =	vmul.f32 v36, v7;
	[tilespmem:s31+$0xF290] =	vst v39  }
0x116: {  	v55 =	vld [tilespmem:s31+$0xF280];
	v33 =	vsub.f32 v60, v33;
	v35 =	vmul.f32 v35, v7;
	[tilespmem:s31+$0xEEF0] =	vst v37  }
0x117: {  	v48 =	vld [tilespmem:s31+$0xEAF0];
	v32 =	vsub.f32 v61, v32;
	v34 =	vmul.f32 v34, v7;
	[tilespmem:s31+$0xEEE0] =	vst v36  }
0x118: {  	v49 =	vld [tilespmem:s31+$0xEAE0];
	v25 =	vsub.f32 v52, v25;
	v33 =	vmul.f32 v33, v7;
	[tilespmem:s31+$0xEED0] =	vst v35  }
0x119: {  	v50 =	vld [tilespmem:s31+$0xEAD0];
	v32 =	vmul.f32 v32, v7;
	v43 =	vsub.f32 v51, v43;
	[tilespmem:s31+$0xEEC0] =	vst v34  }
0x11a: {  	v62 =	vld [tilespmem:s31+$0xEE90];
	v25 =	vmul.f32 v25, v7;
	v42 =	vsub.f32 v53, v42;
	[tilespmem:s31+$0xEEB0] =	vst v33  }
0x11b: {  	v63 =	vld [tilespmem:s31+$0xEE80];
	v38 =	vsub.f32 v55, v38;
	[tilespmem:s31+$0xEEA0] =	vst v32;
	v43 =	vmul.f32 v43, v7  }
0x11c: {  	v54 =	vld [tilespmem:s31+$0xEA90];
	v29 =	vsub.f32 v48, v29;
	[tilespmem:s31+$0xEAB0] =	vst v25;
	v42 =	vmul.f32 v42, v7  }
0x11d: {  	v57 =	vld [tilespmem:s31+$0xE6E0];
	v28 =	vsub.f32 v49, v28;
	v38 =	vmul.f32 v38, v7;
	[tilespmem:s31+$0xF2D0] =	vst v43  }
0x11e: {  	v51 =	vld [tilespmem:s31+$0xEAC0];
	v27 =	vsub.f32 v50, v27;
	v29 =	vmul.f32 v29, v7;
	[tilespmem:s31+$0xF2C0] =	vst v42  }
0x11f: {  	v53 =	vld [tilespmem:s31+$0xEAA0];
	v31 =	vsub.f32 v62, v31;
	v28 =	vmul.f32 v28, v7;
	[tilespmem:s31+$0xF280] =	vst v38  }
0x120: {  	v55 =	vld [tilespmem:s31+$0xEA80];
	v30 =	vsub.f32 v63, v30;
	v27 =	vmul.f32 v27, v7;
	[tilespmem:s31+$0xEAF0] =	vst v29  }
0x121: {  	v58 =	vld [tilespmem:s31+$0xE6D0];
	v23 =	vsub.f32 v54, v23;
	v31 =	vmul.f32 v31, v7;
	[tilespmem:s31+$0xEAE0] =	vst v28  }
0x122: {  	v56 =	vld [tilespmem:s31+$0xE6F0];
	v20 =	vsub.f32 v57, v20;
	v30 =	vmul.f32 v30, v7;
	[tilespmem:s31+$0xEAD0] =	vst v27  }
0x123: {  	v59 =	vld [tilespmem:s31+$0xE6C0];
	v23 =	vmul.f32 v23, v7;
	[tilespmem:s31+$0xEE90] =	vst v31;
	v26 =	vsub.f32 v51, v26  }
0x124: {  	v60 =	vld [tilespmem:s31+$0xE6B0];
	v20 =	vmul.f32 v20, v7;
	[tilespmem:s31+$0xEE80] =	vst v30;
	v24 =	vsub.f32 v53, v24  }
0x125: {  	v61 =	vld [tilespmem:s31+$0xE6A0];
	v22 =	vsub.f32 v55, v22;
	[tilespmem:s31+$0xEA90] =	vst v23;
	v26 =	vmul.f32 v26, v7  }
0x126: {  	v62 =	vld [tilespmem:s31+$0xE690];
	v23 =	vsub.f32 v58, v19;
	[tilespmem:s31+$0xE6E0] =	vst v20;
	v24 =	vmul.f32 v24, v7  }
0x127: {  	v63 =	vsub.f32 v56, v21;
	v21 =	vld [tilespmem:s31+$0xE680];
	v22 =	vmul.f32 v22, v7;
	[tilespmem:s31+$0xEAC0] =	vst v26  }
0x128: {  	v28 =	vsub.f32 v59, v18;
	v19 =	vld [tilespmem:s31+$0xE2F0];
	v29 =	vmul.f32 v23, v7;
	[tilespmem:s31+$0xEAA0] =	vst v24  }
0x129: {  	v18 =	vld [tilespmem:s31+$0xE2E0];
	v27 =	vsub.f32 v60, v17;
	v24 =	vmul.f32 v63, v7;
	[tilespmem:s31+$0xEA80] =	vst v22  }
0x12a: {  	v17 =	vld [tilespmem:s31+$0xE2D0];
	v23 =	vmul.f32 v28, v7;
	v22 =	vsub.f32 v61, v16;
	[tilespmem:s31+$0xE6D0] =	vst v29  }
0x12b: {  	s4 =	simm.s32 $0x1;
	s25 =	simm.s32 $0x0;
	v15 =	vsub.f32 v62, v15;
	v20 =	vmul.f32 v27, v7;
	v16 =	vld [tilespmem:s31+$0xE2C0];
	[tilespmem:s31+$0xE6F0] =	vst v24  }
.LBB2_2:
0x12c: {  	s5 =	sshrl.u32 s4, $0x3;
	p0 =	sne.s32 s4, $0xF;
	v24 =	vld [tilespmem:s31+$0xE2B0];
	v14 =	vsub.f32 v21, v14;
	v21 =	vmul.f32 v22, v7;
	[tilespmem:s31+$0xE6C0] =	vst v23  }
0x12d: {  	s25 =	sadd.s32 $0x80, s25;
	s5 =	smul.u32 $0x1800, s5;
	v22 =	vld [tilespmem:s31+$0xE2A0];
	v13 =	vsub.f32 v19, v13;
	v15 =	vmul.f32 v15, v7;
	[tilespmem:s31+$0xE6B0] =	vst v20  }
0x12e: {  	s6 =	sand.u32 $0x380, s25;
	v19 =	vld [tilespmem:s31+$0xE290];
	v12 =	vsub.f32 v18, v12;
	v14 =	vmul.f32 v14, v7;
	[tilespmem:s31+$0xE6A0] =	vst v21  }
0x12f: {  	s5 =	sor.u32 s6, s5;
	v18 =	vld [tilespmem:s31+$0xE280];
	v11 =	vsub.f32 v17, v11;
	v13 =	vmul.f32 v13, v7;
	[tilespmem:s31+$0xE690] =	vst v15  }
0x130: {  	v15 =	vld [tilespmem:s5+$0x2280];
	v10 =	vsub.f32 v16, v10;
	v12 =	vmul.f32 v12, v7;
	[tilespmem:s31+$0xE680] =	vst v14  }
0x131: {  	v14 =	vld [tilespmem:s5+$0x2290];
	v16 =	vsub.f32 v24, v9;
	v11 =	vmul.f32 v11, v7;
	[tilespmem:s31+$0xE2F0] =	vst v13  }
0x132: {  	v13 =	vsub.f32 v22, v6;
	v6 =	vld [tilespmem:s5+$0x22A0];
	v17 =	vmul.f32 v10, v7;
	[tilespmem:s31+$0xE2E0] =	vst v12  }
0x133: {  	v9 =	vld [tilespmem:s5+$0x22B0];
	v19 =	vsub.f32 v19, v8;
	v12 =	vmul.f32 v16, v7;
	[tilespmem:s31+$0xE2D0] =	vst v11  }
0x134: {  	v10 =	vld [tilespmem:s5+$0x22C0];
	v16 =	vsub.f32 v18, v5;
	v13 =	vmul.f32 v13, v7;
	[tilespmem:s31+$0xE2C0] =	vst v17  }
0x135: {  	v11 =	vld [tilespmem:s5+$0x22D0];
	v17 =	vmul.f32 v19, v7;
	[tilespmem:s31+$0xE2B0] =	vst v12;
	v5 =	vmov v15  }
0x136: {  	v12 =	vld [tilespmem:s5+$0x22E0];
	v7 =	vmul.f32 v16, v7;
	[tilespmem:s31+$0xE2A0] =	vst v13;
	v8 =	vmov v14  }
0x137: {  	v13 =	vld [tilespmem:s5+$0x22F0];
	[tilespmem:s31+$0xE290] =	vst v17  }
0x138: {  	s18 =	sadd.s32 $0x80, s18;
	v14 =	vld [tilespmem:s5+$0x2680];
	[tilespmem:s31+$0xE280] =	vst v7;
	s31 =	smov.u32 s5  }
0x139: {  	v7 =	vld [tilespmem:s18+$0x0]  }
0x13a: {  	v15 =	vld [tilespmem:s31+$0x2690]  }
0x13b: {  	v16 =	vld [tilespmem:s31+$0x26A0]  }
0x13c: {  	v17 =	vld [tilespmem:s31+$0x26B0]  }
0x13d: {  	v18 =	vld [tilespmem:s31+$0x26C0]  }
0x13e: {  	v19 =	vld [tilespmem:s31+$0x26D0]  }
0x13f: {  	v20 =	vld [tilespmem:s31+$0x26E0]  }
0x140: {  	v21 =	vld [tilespmem:s31+$0x26F0]  }
0x141: {  	v22 =	vld [tilespmem:s31+$0x2A80]  }
0x142: {  	v23 =	vld [tilespmem:s31+$0x2A90]  }
0x143: {  	v24 =	vld [tilespmem:s31+$0x2AA0]  }
0x144: {  	v25 =	vld [tilespmem:s31+$0x2AB0]  }
0x145: {  	v26 =	vld [tilespmem:s31+$0x2AC0]  }
0x146: {  	v27 =	vld [tilespmem:s31+$0x2AD0]  }
0x147: {  	v28 =	vld [tilespmem:s31+$0x2AE0]  }
0x148: {  	v29 =	vld [tilespmem:s31+$0x2AF0]  }
0x149: {  	v30 =	vld [tilespmem:s31+$0x2E80]  }
0x14a: {  	v31 =	vld [tilespmem:s31+$0x2E90]  }
0x14b: {  	v32 =	vld [tilespmem:s31+$0x2EA0]  }
0x14c: {  	v33 =	vld [tilespmem:s31+$0x2EB0]  }
0x14d: {  	v34 =	vld [tilespmem:s31+$0x2EC0]  }
0x14e: {  	v35 =	vld [tilespmem:s31+$0x2ED0]  }
0x14f: {  	v36 =	vld [tilespmem:s31+$0x2EE0]  }
0x150: {  	v37 =	vld [tilespmem:s31+$0x2EF0]  }
0x151: {  	v38 =	vld [tilespmem:s31+$0x3280]  }
0x152: {  	v39 =	vld [tilespmem:s31+$0x3290]  }
0x153: {  	v40 =	vld [tilespmem:s31+$0x32A0]  }
0x154: {  	v41 =	vld [tilespmem:s31+$0x32B0]  }
0x155: {  	v42 =	vld [tilespmem:s31+$0x32C0]  }
0x156: {  	v43 =	vld [tilespmem:s31+$0x32D0]  }
0x157: {  	v44 =	vld [tilespmem:s31+$0x32E0]  }
0x158: {  	v45 =	vld [tilespmem:s31+$0x32F0]  }
0x159: {  	v46 =	vld [tilespmem:s31+$0x3680]  }
0x15a: {  	v47 =	vld [tilespmem:s31+$0x3690]  }
0x15b: {  	v48 =	vld [tilespmem:s31+$0x36A0]  }
0x15c: {  	v49 =	vld [tilespmem:s31+$0x36B0]  }
0x15d: {  	v50 =	vld [tilespmem:s31+$0x36C0]  }
0x15e: {  	v51 =	vld [tilespmem:s31+$0x36D0]  }
0x15f: {  	v52 =	vld [tilespmem:s31+$0x36E0]  }
0x160: {  	v53 =	vld [tilespmem:s31+$0x36F0]  }
0x161: {  	v54 =	vld [tilespmem:s31+$0xF6F0]  }
0x162: {  	v55 =	vld [tilespmem:s31+$0xF6E0]  }
0x163: {  	v56 =	vld [tilespmem:s31+$0xF6D0]  }
0x164: {  	v57 =	vld [tilespmem:s31+$0xF6C0]  }
0x165: {  	v58 =	vld [tilespmem:s31+$0xF6B0]  }
0x166: {  	v59 =	vld [tilespmem:s31+$0xF6A0];
	v53 =	vsub.f32 v54, v53  }
0x167: {  	v54 =	vld [tilespmem:s31+$0xF690];
	v52 =	vsub.f32 v55, v52  }
0x168: {  	v55 =	vld [tilespmem:s31+$0xF680];
	v51 =	vsub.f32 v56, v51;
	v53 =	vmul.f32 v53, v7  }
0x169: {  	v56 =	vld [tilespmem:s31+$0xF2F0];
	v50 =	vsub.f32 v57, v50;
	v52 =	vmul.f32 v52, v7  }
0x16a: {  	v57 =	vld [tilespmem:s31+$0xF2E0];
	v49 =	vsub.f32 v58, v49;
	v51 =	vmul.f32 v51, v7;
	[tilespmem:s31+$0xF6F0] =	vst v53  }
0x16b: {  	v53 =	vld [tilespmem:s31+$0xF2D0];
	v48 =	vsub.f32 v59, v48;
	v50 =	vmul.f32 v50, v7;
	[tilespmem:s31+$0xF6E0] =	vst v52  }
0x16c: {  	v52 =	vld [tilespmem:s31+$0xF2C0];
	v47 =	vsub.f32 v54, v47;
	v49 =	vmul.f32 v49, v7;
	[tilespmem:s31+$0xF6D0] =	vst v51  }
0x16d: {  	v51 =	vld [tilespmem:s31+$0xF2B0];
	v46 =	vsub.f32 v55, v46;
	v48 =	vmul.f32 v48, v7;
	[tilespmem:s31+$0xF6C0] =	vst v50  }
0x16e: {  	v50 =	vld [tilespmem:s31+$0xF2A0];
	v45 =	vsub.f32 v56, v45;
	v47 =	vmul.f32 v47, v7;
	[tilespmem:s31+$0xF6B0] =	vst v49  }
0x16f: {  	v49 =	vld [tilespmem:s31+$0xF290];
	v44 =	vsub.f32 v57, v44;
	v46 =	vmul.f32 v46, v7;
	[tilespmem:s31+$0xF6A0] =	vst v48  }
0x170: {  	v48 =	vld [tilespmem:s31+$0xF280];
	v43 =	vsub.f32 v53, v43;
	v45 =	vmul.f32 v45, v7;
	[tilespmem:s31+$0xF690] =	vst v47  }
0x171: {  	v47 =	vld [tilespmem:s31+$0xEEF0];
	v42 =	vsub.f32 v52, v42;
	v44 =	vmul.f32 v44, v7;
	[tilespmem:s31+$0xF680] =	vst v46  }
0x172: {  	v46 =	vld [tilespmem:s31+$0xEEE0];
	v41 =	vsub.f32 v51, v41;
	v43 =	vmul.f32 v43, v7;
	[tilespmem:s31+$0xF2F0] =	vst v45  }
0x173: {  	v45 =	vld [tilespmem:s31+$0xEED0];
	v40 =	vsub.f32 v50, v40;
	v42 =	vmul.f32 v42, v7;
	[tilespmem:s31+$0xF2E0] =	vst v44  }
0x174: {  	v44 =	vld [tilespmem:s31+$0xEEC0];
	v39 =	vsub.f32 v49, v39;
	v41 =	vmul.f32 v41, v7;
	[tilespmem:s31+$0xF2D0] =	vst v43  }
0x175: {  	v43 =	vld [tilespmem:s31+$0xEEB0];
	v38 =	vsub.f32 v48, v38;
	v40 =	vmul.f32 v40, v7;
	[tilespmem:s31+$0xF2C0] =	vst v42  }
0x176: {  	v42 =	vld [tilespmem:s31+$0xEEA0];
	v37 =	vsub.f32 v47, v37;
	v39 =	vmul.f32 v39, v7;
	[tilespmem:s31+$0xF2B0] =	vst v41  }
0x177: {  	v41 =	vld [tilespmem:s31+$0xEE90];
	v36 =	vsub.f32 v46, v36;
	v38 =	vmul.f32 v38, v7;
	[tilespmem:s31+$0xF2A0] =	vst v40  }
0x178: {  	v40 =	vld [tilespmem:s31+$0xEE80];
	v35 =	vsub.f32 v45, v35;
	v37 =	vmul.f32 v37, v7;
	[tilespmem:s31+$0xF290] =	vst v39  }
0x179: {  	v39 =	vld [tilespmem:s31+$0xEAF0];
	v34 =	vsub.f32 v44, v34;
	v36 =	vmul.f32 v36, v7;
	[tilespmem:s31+$0xF280] =	vst v38  }
0x17a: {  	v38 =	vld [tilespmem:s31+$0xEAE0];
	v33 =	vsub.f32 v43, v33;
	v35 =	vmul.f32 v35, v7;
	[tilespmem:s31+$0xEEF0] =	vst v37  }
0x17b: {  	v37 =	vld [tilespmem:s31+$0xEAD0];
	v32 =	vsub.f32 v42, v32;
	v34 =	vmul.f32 v34, v7;
	[tilespmem:s31+$0xEEE0] =	vst v36  }
0x17c: {  	v36 =	vld [tilespmem:s31+$0xEAC0];
	v31 =	vsub.f32 v41, v31;
	v33 =	vmul.f32 v33, v7;
	[tilespmem:s31+$0xEED0] =	vst v35  }
0x17d: {  	v35 =	vld [tilespmem:s31+$0xEAB0];
	v30 =	vsub.f32 v40, v30;
	v32 =	vmul.f32 v32, v7;
	[tilespmem:s31+$0xEEC0] =	vst v34  }
0x17e: {  	v34 =	vld [tilespmem:s31+$0xEAA0];
	v29 =	vsub.f32 v39, v29;
	v31 =	vmul.f32 v31, v7;
	[tilespmem:s31+$0xEEB0] =	vst v33  }
0x17f: {  	v33 =	vld [tilespmem:s31+$0xEA90];
	v28 =	vsub.f32 v38, v28;
	v30 =	vmul.f32 v30, v7;
	[tilespmem:s31+$0xEEA0] =	vst v32  }
0x180: {  	v32 =	vld [tilespmem:s31+$0xEA80];
	v27 =	vsub.f32 v37, v27;
	v29 =	vmul.f32 v29, v7;
	[tilespmem:s31+$0xEE90] =	vst v31  }
0x181: {  	v31 =	vld [tilespmem:s31+$0xE6F0];
	v26 =	vsub.f32 v36, v26;
	v28 =	vmul.f32 v28, v7;
	[tilespmem:s31+$0xEE80] =	vst v30  }
0x182: {  	v30 =	vld [tilespmem:s31+$0xE6E0];
	v25 =	vsub.f32 v35, v25;
	v27 =	vmul.f32 v27, v7;
	[tilespmem:s31+$0xEAF0] =	vst v29  }
0x183: {  	v29 =	vld [tilespmem:s31+$0xE6D0];
	v24 =	vsub.f32 v34, v24;
	v26 =	vmul.f32 v26, v7;
	[tilespmem:s31+$0xEAE0] =	vst v28  }
0x184: {  	v28 =	vld [tilespmem:s31+$0xE6C0];
	v23 =	vsub.f32 v33, v23;
	v25 =	vmul.f32 v25, v7;
	[tilespmem:s31+$0xEAD0] =	vst v27  }
0x185: {  	v27 =	vld [tilespmem:s31+$0xE6B0];
	v22 =	vsub.f32 v32, v22;
	v24 =	vmul.f32 v24, v7;
	[tilespmem:s31+$0xEAC0] =	vst v26  }
0x186: {  	v26 =	vld [tilespmem:s31+$0xE6A0];
	v31 =	vsub.f32 v31, v21;
	v23 =	vmul.f32 v23, v7;
	[tilespmem:s31+$0xEAB0] =	vst v25  }
0x187: {  	v25 =	vld [tilespmem:s31+$0xE690];
	v20 =	vsub.f32 v30, v20;
	v22 =	vmul.f32 v22, v7;
	[tilespmem:s31+$0xEAA0] =	vst v24  }
.Ltmp0:
0x188: {  	v21 =	vld [tilespmem:s31+$0xE680];
	v24 =	vsub.f32 v29, v19;
	v29 =	vmul.f32 v31, v7;
	[tilespmem:s31+$0xEA90] =	vst v23;
	(pc) =	sbr.rel @p0 .LBB2_2-.Ltmp0, $4  }
0x189: {  	v19 =	vld [tilespmem:s31+$0xE2F0];
	v23 =	vsub.f32 v28, v18;
	v20 =	vmul.f32 v20, v7;
	[tilespmem:s31+$0xEA80] =	vst v22  }
0x18a: {  	v18 =	vld [tilespmem:s31+$0xE2E0];
	v27 =	vsub.f32 v27, v17;
	v24 =	vmul.f32 v24, v7;
	[tilespmem:s31+$0xE6F0] =	vst v29  }
0x18b: {  	v17 =	vld [tilespmem:s31+$0xE2D0];
	v22 =	vsub.f32 v26, v16;
	v23 =	vmul.f32 v23, v7;
	[tilespmem:s31+$0xE6E0] =	vst v20  }
0x18c: {  	s4 =	sadd.s32 $0x1, s4;
	v16 =	vld [tilespmem:s31+$0xE2C0];
	v15 =	vsub.f32 v25, v15;
	v20 =	vmul.f32 v27, v7;
	[tilespmem:s31+$0xE6D0] =	vst v24  }
0x18d: {  	v24 =	vld [tilespmem:s31+$0xE2B0];
	v14 =	vsub.f32 v21, v14;
	v21 =	vmul.f32 v22, v7;
	[tilespmem:s31+$0xE6C0] =	vst v23  }
0x18e: {  	v22 =	vld [tilespmem:s31+$0xE2A0];
	v13 =	vsub.f32 v19, v13;
	v15 =	vmul.f32 v15, v7;
	[tilespmem:s31+$0xE6B0] =	vst v20  }
0x18f: {  	v19 =	vld [tilespmem:s31+$0xE290];
	v12 =	vsub.f32 v18, v12;
	v14 =	vmul.f32 v14, v7;
	[tilespmem:s31+$0xE6A0] =	vst v21  }
0x190: {  	v18 =	vld [tilespmem:s31+$0xE280];
	v11 =	vsub.f32 v17, v11;
	v13 =	vmul.f32 v13, v7;
	[tilespmem:s31+$0xE690] =	vst v15  }
0x191: {  	v10 =	vsub.f32 v16, v10;
	v12 =	vmul.f32 v12, v7;
	[tilespmem:s31+$0xE680] =	vst v14  }
0x192: {  	v9 =	vsub.f32 v24, v9;
	v11 =	vmul.f32 v11, v7;
	[tilespmem:s31+$0xE2F0] =	vst v13  }
0x193: {  	v6 =	vsub.f32 v22, v6;
	v10 =	vmul.f32 v10, v7;
	[tilespmem:s31+$0xE2E0] =	vst v12  }
0x194: {  	v8 =	vsub.f32 v19, v8;
	v9 =	vmul.f32 v9, v7;
	[tilespmem:s31+$0xE2D0] =	vst v11  }
0x195: {  	v5 =	vsub.f32 v18, v5;
	v6 =	vmul.f32 v6, v7;
	[tilespmem:s31+$0xE2C0] =	vst v10  }
0x196: {  	v8 =	vmul.f32 v8, v7;
	[tilespmem:s31+$0xE2B0] =	vst v9  }
0x197: {  	v5 =	vmul.f32 v5, v7;
	[tilespmem:s31+$0xE2A0] =	vst v6  }
0x198: {  	[tilespmem:s31+$0xE290] =	vst v8  }
0x199: {  	s4 =	simm.s32 $0xE280;
	[tilespmem:s31+$0xE280] =	vst v5;
	s31 =	simm.s32 $0x0  }
0x19a: {  	[hbm4b:s8+s31] =	stream.linear.scatter [tilespmem:s4], [sflag:$0xA], $0x3000, $0x38;
	[tilespmem:$0x1A280] =	vst v63  }
0x19b: {  	_ =	swait.ge [sflag:s22], $0x3000  }
0x19c: {  	[sflag:s22] =	ssyncset.done $0x0  }
0x19d: {  	s25 =	simm.s32 $0x2;
	[sflag:s22] =	ssyncadd.s32 $0xFFFFD000  }
0x19e: {  	s4 =	smul.u32 $0x1800, s25;
	_ =	swait.ge [sflag:s23], $0x3000  }
0x19f: {  	s5 =	sand.u32 $0x380, s31;
	[sflag:s23] =	ssyncset.done $0x0  }
0x1a0: {  	s18 =	sor.u32 s5, s4;
	[sflag:s23] =	ssyncadd.s32 $0xFFFFD000  }
0x1a1: {  	v5 =	vld [tilespmem:s18+$0x2280]  }
0x1a2: {  	v8 =	vld [tilespmem:s18+$0x2290]  }
0x1a3: {  	v6 =	vld [tilespmem:s18+$0x22A0]  }
0x1a4: {  	v9 =	vld [tilespmem:s18+$0x22B0]  }
0x1a5: {  	v10 =	vld [tilespmem:s18+$0x22C0]  }
0x1a6: {  	v11 =	vld [tilespmem:s18+$0x22D0]  }
0x1a7: {  	v12 =	vld [tilespmem:s18+$0x22E0]  }
0x1a8: {  	v13 =	vld [tilespmem:s18+$0x22F0]  }
0x1a9: {  	s4 =	simm.s32 $0xA80;
	v14 =	vld [tilespmem:s18+$0x2680]  }
0x1aa: {  	v7 =	vld [tilespmem:s4+$0x0]  }
0x1ab: {  	v15 =	vld [tilespmem:s18+$0x2690]  }
0x1ac: {  	v16 =	vld [tilespmem:s18+$0x26A0]  }
0x1ad: {  	v17 =	vld [tilespmem:s18+$0x26B0]  }
0x1ae: {  	v18 =	vld [tilespmem:s18+$0x26C0]  }
0x1af: {  	v19 =	vld [tilespmem:s18+$0x26D0]  }
0x1b0: {  	v20 =	vld [tilespmem:s18+$0x26E0]  }
0x1b1: {  	v21 =	vld [tilespmem:s18+$0x26F0]  }
0x1b2: {  	v22 =	vld [tilespmem:s18+$0x2A80]  }
0x1b3: {  	v23 =	vld [tilespmem:s18+$0x2A90]  }
0x1b4: {  	v24 =	vld [tilespmem:s18+$0x2AA0]  }
0x1b5: {  	v25 =	vld [tilespmem:s18+$0x2AB0]  }
0x1b6: {  	v26 =	vld [tilespmem:s18+$0x2AC0]  }
0x1b7: {  	v27 =	vld [tilespmem:s18+$0x2AD0]  }
0x1b8: {  	v28 =	vld [tilespmem:s18+$0x2AE0]  }
0x1b9: {  	v29 =	vld [tilespmem:s18+$0x2AF0]  }
0x1ba: {  	v30 =	vld [tilespmem:s18+$0x2E80]  }
0x1bb: {  	v31 =	vld [tilespmem:s18+$0x2E90]  }
0x1bc: {  	v32 =	vld [tilespmem:s18+$0x2EA0]  }
0x1bd: {  	v33 =	vld [tilespmem:s18+$0x2EB0]  }
0x1be: {  	v34 =	vld [tilespmem:s18+$0x2EC0]  }
0x1bf: {  	v35 =	vld [tilespmem:s18+$0x2ED0]  }
0x1c0: {  	v36 =	vld [tilespmem:s18+$0x2EE0]  }
0x1c1: {  	v37 =	vld [tilespmem:s18+$0x2EF0]  }
0x1c2: {  	v38 =	vld [tilespmem:s18+$0x3280]  }
0x1c3: {  	v39 =	vld [tilespmem:s18+$0x3290]  }
0x1c4: {  	v40 =	vld [tilespmem:s18+$0x32A0]  }
0x1c5: {  	v41 =	vld [tilespmem:s18+$0x32B0]  }
0x1c6: {  	v42 =	vld [tilespmem:s18+$0x32C0]  }
0x1c7: {  	v43 =	vld [tilespmem:s18+$0x32D0]  }
0x1c8: {  	v44 =	vld [tilespmem:s18+$0x32E0]  }
0x1c9: {  	v45 =	vld [tilespmem:s18+$0x32F0]  }
0x1ca: {  	v46 =	vld [tilespmem:s18+$0x3680]  }
0x1cb: {  	v47 =	vld [tilespmem:s18+$0x3690]  }
0x1cc: {  	v48 =	vld [tilespmem:s18+$0x36A0]  }
0x1cd: {  	v49 =	vld [tilespmem:s18+$0x36B0]  }
0x1ce: {  	v50 =	vld [tilespmem:s18+$0x36C0]  }
0x1cf: {  	v51 =	vld [tilespmem:s18+$0x36F0]  }
0x1d0: {  	v52 =	vld [tilespmem:s18+$0xF6F0]  }
0x1d1: {  	v53 =	vld [tilespmem:s18+$0x36E0]  }
0x1d2: {  	v54 =	vld [tilespmem:s18+$0xF6E0]  }
0x1d3: {  	v55 =	vld [tilespmem:s18+$0x36D0]  }
0x1d4: {  	v56 =	vld [tilespmem:s18+$0xF6D0]  }
0x1d5: {  	v57 =	vld [tilespmem:s18+$0xF6C0]  }
0x1d6: {  	v62 =	vld [tilespmem:s18+$0xF6B0]  }
0x1d7: {  	v59 =	vld [tilespmem:s18+$0xF6A0];
	v51 =	vsub.f32 v52, v51  }
0x1d8: {  	v63 =	vld [tilespmem:s18+$0xF690];
	v53 =	vsub.f32 v54, v53  }
0x1d9: {  	v60 =	vld [tilespmem:s18+$0xF680];
	v55 =	vsub.f32 v56, v55;
	v51 =	vmul.f32 v51, v7  }
0x1da: {  	v58 =	vld [tilespmem:s18+$0xF2E0];
	v50 =	vsub.f32 v57, v50;
	v53 =	vmul.f32 v53, v7  }
0x1db: {  	v61 =	vld [tilespmem:s18+$0xF2B0];
	v49 =	vsub.f32 v62, v49;
	v55 =	vmul.f32 v55, v7;
	[tilespmem:s18+$0xF6F0] =	vst v51  }
0x1dc: {  	v54 =	vld [tilespmem:s18+$0xF2F0];
	v48 =	vsub.f32 v59, v48;
	v50 =	vmul.f32 v50, v7;
	[tilespmem:s18+$0xF6E0] =	vst v53  }
0x1dd: {  	v62 =	vld [tilespmem:s18+$0xF2A0];
	v47 =	vsub.f32 v63, v47;
	v49 =	vmul.f32 v49, v7;
	[tilespmem:s18+$0xF6D0] =	vst v55  }
0x1de: {  	v63 =	vld [tilespmem:s18+$0xF290];
	v46 =	vsub.f32 v60, v46;
	v48 =	vmul.f32 v48, v7;
	[tilespmem:s18+$0xF6C0] =	vst v50  }
0x1df: {  	v56 =	vld [tilespmem:s18+$0xEEF0];
	v44 =	vsub.f32 v58, v44;
	v47 =	vmul.f32 v47, v7;
	[tilespmem:s18+$0xF6B0] =	vst v49  }
0x1e0: {  	v57 =	vld [tilespmem:s18+$0xEEE0];
	v41 =	vsub.f32 v61, v41;
	v46 =	vmul.f32 v46, v7;
	[tilespmem:s18+$0xF6A0] =	vst v48  }
0x1e1: {  	v58 =	vld [tilespmem:s18+$0xEED0];
	v44 =	vmul.f32 v44, v7;
	[tilespmem:s18+$0xF690] =	vst v47;
	v45 =	vsub.f32 v54, v45  }
0x1e2: {  	v59 =	vld [tilespmem:s18+$0xEEC0];
	v41 =	vmul.f32 v41, v7;
	[tilespmem:s18+$0xF680] =	vst v46;
	v40 =	vsub.f32 v62, v40  }
0x1e3: {  	v60 =	vld [tilespmem:s18+$0xEEB0];
	[tilespmem:s18+$0xF2E0] =	vst v44;
	v39 =	vsub.f32 v63, v39;
	v45 =	vmul.f32 v45, v7  }
0x1e4: {  	v61 =	vld [tilespmem:s18+$0xEEA0];
	[tilespmem:s18+$0xF2B0] =	vst v41;
	v37 =	vsub.f32 v56, v37;
	v40 =	vmul.f32 v40, v7  }
0x1e5: {  	v52 =	vld [tilespmem:s18+$0xEAB0];
	v36 =	vsub.f32 v57, v36;
	v39 =	vmul.f32 v39, v7;
	[tilespmem:s18+$0xF2F0] =	vst v45  }
0x1e6: {  	v51 =	vld [tilespmem:s18+$0xF2D0];
	v35 =	vsub.f32 v58, v35;
	v37 =	vmul.f32 v37, v7;
	[tilespmem:s18+$0xF2A0] =	vst v40  }
0x1e7: {  	v53 =	vld [tilespmem:s18+$0xF2C0];
	v34 =	vsub.f32 v59, v34;
	v36 =	vmul.f32 v36, v7;
	[tilespmem:s18+$0xF290] =	vst v39  }
0x1e8: {  	v55 =	vld [tilespmem:s18+$0xF280];
	v33 =	vsub.f32 v60, v33;
	v35 =	vmul.f32 v35, v7;
	[tilespmem:s18+$0xEEF0] =	vst v37  }
0x1e9: {  	v48 =	vld [tilespmem:s18+$0xEAF0];
	v32 =	vsub.f32 v61, v32;
	v34 =	vmul.f32 v34, v7;
	[tilespmem:s18+$0xEEE0] =	vst v36  }
0x1ea: {  	v49 =	vld [tilespmem:s18+$0xEAE0];
	v25 =	vsub.f32 v52, v25;
	v33 =	vmul.f32 v33, v7;
	[tilespmem:s18+$0xEED0] =	vst v35  }
0x1eb: {  	v50 =	vld [tilespmem:s18+$0xEAD0];
	v32 =	vmul.f32 v32, v7;
	v43 =	vsub.f32 v51, v43;
	[tilespmem:s18+$0xEEC0] =	vst v34  }
0x1ec: {  	v62 =	vld [tilespmem:s18+$0xEE90];
	v25 =	vmul.f32 v25, v7;
	v42 =	vsub.f32 v53, v42;
	[tilespmem:s18+$0xEEB0] =	vst v33  }
0x1ed: {  	v63 =	vld [tilespmem:s18+$0xEE80];
	v38 =	vsub.f32 v55, v38;
	[tilespmem:s18+$0xEEA0] =	vst v32;
	v43 =	vmul.f32 v43, v7  }
0x1ee: {  	v54 =	vld [tilespmem:s18+$0xEA90];
	v29 =	vsub.f32 v48, v29;
	[tilespmem:s18+$0xEAB0] =	vst v25;
	v42 =	vmul.f32 v42, v7  }
0x1ef: {  	v57 =	vld [tilespmem:s18+$0xE6E0];
	v28 =	vsub.f32 v49, v28;
	v38 =	vmul.f32 v38, v7;
	[tilespmem:s18+$0xF2D0] =	vst v43  }
0x1f0: {  	v51 =	vld [tilespmem:s18+$0xEAC0];
	v27 =	vsub.f32 v50, v27;
	v29 =	vmul.f32 v29, v7;
	[tilespmem:s18+$0xF2C0] =	vst v42  }
0x1f1: {  	v53 =	vld [tilespmem:s18+$0xEAA0];
	v31 =	vsub.f32 v62, v31;
	v28 =	vmul.f32 v28, v7;
	[tilespmem:s18+$0xF280] =	vst v38  }
0x1f2: {  	v55 =	vld [tilespmem:s18+$0xEA80];
	v30 =	vsub.f32 v63, v30;
	v27 =	vmul.f32 v27, v7;
	[tilespmem:s18+$0xEAF0] =	vst v29  }
0x1f3: {  	v58 =	vld [tilespmem:s18+$0xE6D0];
	v23 =	vsub.f32 v54, v23;
	v31 =	vmul.f32 v31, v7;
	[tilespmem:s18+$0xEAE0] =	vst v28  }
0x1f4: {  	v56 =	vld [tilespmem:s18+$0xE6F0];
	v20 =	vsub.f32 v57, v20;
	v30 =	vmul.f32 v30, v7;
	[tilespmem:s18+$0xEAD0] =	vst v27  }
0x1f5: {  	v59 =	vld [tilespmem:s18+$0xE6C0];
	v23 =	vmul.f32 v23, v7;
	[tilespmem:s18+$0xEE90] =	vst v31;
	v26 =	vsub.f32 v51, v26  }
0x1f6: {  	v60 =	vld [tilespmem:s18+$0xE6B0];
	v20 =	vmul.f32 v20, v7;
	[tilespmem:s18+$0xEE80] =	vst v30;
	v24 =	vsub.f32 v53, v24  }
0x1f7: {  	v61 =	vld [tilespmem:s18+$0xE6A0];
	v22 =	vsub.f32 v55, v22;
	[tilespmem:s18+$0xEA90] =	vst v23;
	v26 =	vmul.f32 v26, v7  }
0x1f8: {  	v62 =	vld [tilespmem:s18+$0xE690];
	v23 =	vsub.f32 v58, v19;
	[tilespmem:s18+$0xE6E0] =	vst v20;
	v24 =	vmul.f32 v24, v7  }
0x1f9: {  	v63 =	vsub.f32 v56, v21;
	v21 =	vld [tilespmem:s18+$0xE680];
	v22 =	vmul.f32 v22, v7;
	[tilespmem:s18+$0xEAC0] =	vst v26  }
0x1fa: {  	v28 =	vsub.f32 v59, v18;
	v19 =	vld [tilespmem:s18+$0xE2F0];
	v29 =	vmul.f32 v23, v7;
	[tilespmem:s18+$0xEAA0] =	vst v24  }
0x1fb: {  	v18 =	vld [tilespmem:s18+$0xE2E0];
	v27 =	vsub.f32 v60, v17;
	v24 =	vmul.f32 v63, v7;
	[tilespmem:s18+$0xEA80] =	vst v22  }
0x1fc: {  	v17 =	vld [tilespmem:s18+$0xE2D0];
	v23 =	vmul.f32 v28, v7;
	v22 =	vsub.f32 v61, v16;
	[tilespmem:s18+$0xE6D0] =	vst v29  }
0x1fd: {  	s25 =	simm.s32 $0x11;
	v15 =	vsub.f32 v62, v15;
	v20 =	vmul.f32 v27, v7;
	v16 =	vld [tilespmem:s18+$0xE2C0];
	[tilespmem:s18+$0xE6F0] =	vst v24  }
.LBB2_4:
0x1fe: {  	s5 =	sshrl.u32 s25, $0x3;
	p0 =	sne.s32 s25, $0x1F;
	v24 =	vld [tilespmem:s18+$0xE2B0];
	v14 =	vsub.f32 v21, v14;
	v21 =	vmul.f32 v22, v7;
	[tilespmem:s18+$0xE6C0] =	vst v23  }
0x1ff: {  	s31 =	sadd.s32 $0x80, s31;
	s5 =	smul.u32 $0x1800, s5;
	v22 =	vld [tilespmem:s18+$0xE2A0];
	v13 =	vsub.f32 v19, v13;
	v15 =	vmul.f32 v15, v7;
	[tilespmem:s18+$0xE6B0] =	vst v20  }
0x200: {  	s6 =	sand.u32 $0x380, s31;
	v19 =	vld [tilespmem:s18+$0xE290];
	v12 =	vsub.f32 v18, v12;
	v14 =	vmul.f32 v14, v7;
	[tilespmem:s18+$0xE6A0] =	vst v21  }
0x201: {  	s5 =	sor.u32 s6, s5;
	v18 =	vld [tilespmem:s18+$0xE280];
	v11 =	vsub.f32 v17, v11;
	v13 =	vmul.f32 v13, v7;
	[tilespmem:s18+$0xE690] =	vst v15  }
0x202: {  	v15 =	vld [tilespmem:s5+$0x2280];
	v10 =	vsub.f32 v16, v10;
	v12 =	vmul.f32 v12, v7;
	[tilespmem:s18+$0xE680] =	vst v14  }
0x203: {  	v14 =	vld [tilespmem:s5+$0x2290];
	v16 =	vsub.f32 v24, v9;
	v11 =	vmul.f32 v11, v7;
	[tilespmem:s18+$0xE2F0] =	vst v13  }
0x204: {  	v13 =	vsub.f32 v22, v6;
	v6 =	vld [tilespmem:s5+$0x22A0];
	v17 =	vmul.f32 v10, v7;
	[tilespmem:s18+$0xE2E0] =	vst v12  }
0x205: {  	v9 =	vld [tilespmem:s5+$0x22B0];
	v19 =	vsub.f32 v19, v8;
	v12 =	vmul.f32 v16, v7;
	[tilespmem:s18+$0xE2D0] =	vst v11  }
0x206: {  	v10 =	vld [tilespmem:s5+$0x22C0];
	v16 =	vsub.f32 v18, v5;
	v13 =	vmul.f32 v13, v7;
	[tilespmem:s18+$0xE2C0] =	vst v17  }
0x207: {  	v11 =	vld [tilespmem:s5+$0x22D0];
	v17 =	vmul.f32 v19, v7;
	[tilespmem:s18+$0xE2B0] =	vst v12;
	v5 =	vmov v15  }
0x208: {  	v12 =	vld [tilespmem:s5+$0x22E0];
	v7 =	vmul.f32 v16, v7;
	[tilespmem:s18+$0xE2A0] =	vst v13;
	v8 =	vmov v14  }
0x209: {  	v13 =	vld [tilespmem:s5+$0x22F0];
	[tilespmem:s18+$0xE290] =	vst v17  }
0x20a: {  	s4 =	sadd.s32 $0x80, s4;
	v14 =	vld [tilespmem:s5+$0x2680];
	[tilespmem:s18+$0xE280] =	vst v7;
	s18 =	smov.u32 s5  }
0x20b: {  	v7 =	vld [tilespmem:s4+$0x0]  }
0x20c: {  	v15 =	vld [tilespmem:s18+$0x2690]  }
0x20d: {  	v16 =	vld [tilespmem:s18+$0x26A0]  }
0x20e: {  	v17 =	vld [tilespmem:s18+$0x26B0]  }
0x20f: {  	v18 =	vld [tilespmem:s18+$0x26C0]  }
0x210: {  	v19 =	vld [tilespmem:s18+$0x26D0]  }
0x211: {  	v20 =	vld [tilespmem:s18+$0x26E0]  }
0x212: {  	v21 =	vld [tilespmem:s18+$0x26F0]  }
0x213: {  	v22 =	vld [tilespmem:s18+$0x2A80]  }
0x214: {  	v23 =	vld [tilespmem:s18+$0x2A90]  }
0x215: {  	v24 =	vld [tilespmem:s18+$0x2AA0]  }
0x216: {  	v25 =	vld [tilespmem:s18+$0x2AB0]  }
0x217: {  	v26 =	vld [tilespmem:s18+$0x2AC0]  }
0x218: {  	v27 =	vld [tilespmem:s18+$0x2AD0]  }
0x219: {  	v28 =	vld [tilespmem:s18+$0x2AE0]  }
0x21a: {  	v29 =	vld [tilespmem:s18+$0x2AF0]  }
0x21b: {  	v30 =	vld [tilespmem:s18+$0x2E80]  }
0x21c: {  	v31 =	vld [tilespmem:s18+$0x2E90]  }
0x21d: {  	v32 =	vld [tilespmem:s18+$0x2EA0]  }
0x21e: {  	v33 =	vld [tilespmem:s18+$0x2EB0]  }
0x21f: {  	v34 =	vld [tilespmem:s18+$0x2EC0]  }
0x220: {  	v35 =	vld [tilespmem:s18+$0x2ED0]  }
0x221: {  	v36 =	vld [tilespmem:s18+$0x2EE0]  }
0x222: {  	v37 =	vld [tilespmem:s18+$0x2EF0]  }
0x223: {  	v38 =	vld [tilespmem:s18+$0x3280]  }
0x224: {  	v39 =	vld [tilespmem:s18+$0x3290]  }
0x225: {  	v40 =	vld [tilespmem:s18+$0x32A0]  }
0x226: {  	v41 =	vld [tilespmem:s18+$0x32B0]  }
0x227: {  	v42 =	vld [tilespmem:s18+$0x32C0]  }
0x228: {  	v43 =	vld [tilespmem:s18+$0x32D0]  }
0x229: {  	v44 =	vld [tilespmem:s18+$0x32E0]  }
0x22a: {  	v45 =	vld [tilespmem:s18+$0x32F0]  }
0x22b: {  	v46 =	vld [tilespmem:s18+$0x3680]  }
0x22c: {  	v47 =	vld [tilespmem:s18+$0x3690]  }
0x22d: {  	v48 =	vld [tilespmem:s18+$0x36A0]  }
0x22e: {  	v49 =	vld [tilespmem:s18+$0x36B0]  }
0x22f: {  	v50 =	vld [tilespmem:s18+$0x36C0]  }
0x230: {  	v51 =	vld [tilespmem:s18+$0x36D0]  }
0x231: {  	v52 =	vld [tilespmem:s18+$0x36E0]  }
0x232: {  	v53 =	vld [tilespmem:s18+$0x36F0]  }
0x233: {  	v54 =	vld [tilespmem:s18+$0xF6F0]  }
0x234: {  	v55 =	vld [tilespmem:s18+$0xF6E0]  }
0x235: {  	v56 =	vld [tilespmem:s18+$0xF6D0]  }
0x236: {  	v57 =	vld [tilespmem:s18+$0xF6C0]  }
0x237: {  	v58 =	vld [tilespmem:s18+$0xF6B0]  }
0x238: {  	v59 =	vld [tilespmem:s18+$0xF6A0];
	v53 =	vsub.f32 v54, v53  }
0x239: {  	v54 =	vld [tilespmem:s18+$0xF690];
	v52 =	vsub.f32 v55, v52  }
0x23a: {  	v55 =	vld [tilespmem:s18+$0xF680];
	v51 =	vsub.f32 v56, v51;
	v53 =	vmul.f32 v53, v7  }
0x23b: {  	v56 =	vld [tilespmem:s18+$0xF2F0];
	v50 =	vsub.f32 v57, v50;
	v52 =	vmul.f32 v52, v7  }
0x23c: {  	v57 =	vld [tilespmem:s18+$0xF2E0];
	v49 =	vsub.f32 v58, v49;
	v51 =	vmul.f32 v51, v7;
	[tilespmem:s18+$0xF6F0] =	vst v53  }
0x23d: {  	v53 =	vld [tilespmem:s18+$0xF2D0];
	v48 =	vsub.f32 v59, v48;
	v50 =	vmul.f32 v50, v7;
	[tilespmem:s18+$0xF6E0] =	vst v52  }
0x23e: {  	v52 =	vld [tilespmem:s18+$0xF2C0];
	v47 =	vsub.f32 v54, v47;
	v49 =	vmul.f32 v49, v7;
	[tilespmem:s18+$0xF6D0] =	vst v51  }
0x23f: {  	v51 =	vld [tilespmem:s18+$0xF2B0];
	v46 =	vsub.f32 v55, v46;
	v48 =	vmul.f32 v48, v7;
	[tilespmem:s18+$0xF6C0] =	vst v50  }
0x240: {  	v50 =	vld [tilespmem:s18+$0xF2A0];
	v45 =	vsub.f32 v56, v45;
	v47 =	vmul.f32 v47, v7;
	[tilespmem:s18+$0xF6B0] =	vst v49  }
0x241: {  	v49 =	vld [tilespmem:s18+$0xF290];
	v44 =	vsub.f32 v57, v44;
	v46 =	vmul.f32 v46, v7;
	[tilespmem:s18+$0xF6A0] =	vst v48  }
0x242: {  	v48 =	vld [tilespmem:s18+$0xF280];
	v43 =	vsub.f32 v53, v43;
	v45 =	vmul.f32 v45, v7;
	[tilespmem:s18+$0xF690] =	vst v47  }
0x243: {  	v47 =	vld [tilespmem:s18+$0xEEF0];
	v42 =	vsub.f32 v52, v42;
	v44 =	vmul.f32 v44, v7;
	[tilespmem:s18+$0xF680] =	vst v46  }
0x244: {  	v46 =	vld [tilespmem:s18+$0xEEE0];
	v41 =	vsub.f32 v51, v41;
	v43 =	vmul.f32 v43, v7;
	[tilespmem:s18+$0xF2F0] =	vst v45  }
0x245: {  	v45 =	vld [tilespmem:s18+$0xEED0];
	v40 =	vsub.f32 v50, v40;
	v42 =	vmul.f32 v42, v7;
	[tilespmem:s18+$0xF2E0] =	vst v44  }
0x246: {  	v44 =	vld [tilespmem:s18+$0xEEC0];
	v39 =	vsub.f32 v49, v39;
	v41 =	vmul.f32 v41, v7;
	[tilespmem:s18+$0xF2D0] =	vst v43  }
0x247: {  	v43 =	vld [tilespmem:s18+$0xEEB0];
	v38 =	vsub.f32 v48, v38;
	v40 =	vmul.f32 v40, v7;
	[tilespmem:s18+$0xF2C0] =	vst v42  }
0x248: {  	v42 =	vld [tilespmem:s18+$0xEEA0];
	v37 =	vsub.f32 v47, v37;
	v39 =	vmul.f32 v39, v7;
	[tilespmem:s18+$0xF2B0] =	vst v41  }
0x249: {  	v41 =	vld [tilespmem:s18+$0xEE90];
	v36 =	vsub.f32 v46, v36;
	v38 =	vmul.f32 v38, v7;
	[tilespmem:s18+$0xF2A0] =	vst v40  }
0x24a: {  	v40 =	vld [tilespmem:s18+$0xEE80];
	v35 =	vsub.f32 v45, v35;
	v37 =	vmul.f32 v37, v7;
	[tilespmem:s18+$0xF290] =	vst v39  }
0x24b: {  	v39 =	vld [tilespmem:s18+$0xEAF0];
	v34 =	vsub.f32 v44, v34;
	v36 =	vmul.f32 v36, v7;
	[tilespmem:s18+$0xF280] =	vst v38  }
0x24c: {  	v38 =	vld [tilespmem:s18+$0xEAE0];
	v33 =	vsub.f32 v43, v33;
	v35 =	vmul.f32 v35, v7;
	[tilespmem:s18+$0xEEF0] =	vst v37  }
0x24d: {  	v37 =	vld [tilespmem:s18+$0xEAD0];
	v32 =	vsub.f32 v42, v32;
	v34 =	vmul.f32 v34, v7;
	[tilespmem:s18+$0xEEE0] =	vst v36  }
0x24e: {  	v36 =	vld [tilespmem:s18+$0xEAC0];
	v31 =	vsub.f32 v41, v31;
	v33 =	vmul.f32 v33, v7;
	[tilespmem:s18+$0xEED0] =	vst v35  }
0x24f: {  	v35 =	vld [tilespmem:s18+$0xEAB0];
	v30 =	vsub.f32 v40, v30;
	v32 =	vmul.f32 v32, v7;
	[tilespmem:s18+$0xEEC0] =	vst v34  }
0x250: {  	v34 =	vld [tilespmem:s18+$0xEAA0];
	v29 =	vsub.f32 v39, v29;
	v31 =	vmul.f32 v31, v7;
	[tilespmem:s18+$0xEEB0] =	vst v33  }
0x251: {  	v33 =	vld [tilespmem:s18+$0xEA90];
	v28 =	vsub.f32 v38, v28;
	v30 =	vmul.f32 v30, v7;
	[tilespmem:s18+$0xEEA0] =	vst v32  }
0x252: {  	v32 =	vld [tilespmem:s18+$0xEA80];
	v27 =	vsub.f32 v37, v27;
	v29 =	vmul.f32 v29, v7;
	[tilespmem:s18+$0xEE90] =	vst v31  }
0x253: {  	v31 =	vld [tilespmem:s18+$0xE6F0];
	v26 =	vsub.f32 v36, v26;
	v28 =	vmul.f32 v28, v7;
	[tilespmem:s18+$0xEE80] =	vst v30  }
0x254: {  	v30 =	vld [tilespmem:s18+$0xE6E0];
	v25 =	vsub.f32 v35, v25;
	v27 =	vmul.f32 v27, v7;
	[tilespmem:s18+$0xEAF0] =	vst v29  }
0x255: {  	v29 =	vld [tilespmem:s18+$0xE6D0];
	v24 =	vsub.f32 v34, v24;
	v26 =	vmul.f32 v26, v7;
	[tilespmem:s18+$0xEAE0] =	vst v28  }
0x256: {  	v28 =	vld [tilespmem:s18+$0xE6C0];
	v23 =	vsub.f32 v33, v23;
	v25 =	vmul.f32 v25, v7;
	[tilespmem:s18+$0xEAD0] =	vst v27  }
0x257: {  	v27 =	vld [tilespmem:s18+$0xE6B0];
	v22 =	vsub.f32 v32, v22;
	v24 =	vmul.f32 v24, v7;
	[tilespmem:s18+$0xEAC0] =	vst v26  }
0x258: {  	v26 =	vld [tilespmem:s18+$0xE6A0];
	v31 =	vsub.f32 v31, v21;
	v23 =	vmul.f32 v23, v7;
	[tilespmem:s18+$0xEAB0] =	vst v25  }
0x259: {  	v25 =	vld [tilespmem:s18+$0xE690];
	v20 =	vsub.f32 v30, v20;
	v22 =	vmul.f32 v22, v7;
	[tilespmem:s18+$0xEAA0] =	vst v24  }
.Ltmp1:
0x25a: {  	v21 =	vld [tilespmem:s18+$0xE680];
	v24 =	vsub.f32 v29, v19;
	v29 =	vmul.f32 v31, v7;
	[tilespmem:s18+$0xEA90] =	vst v23;
	(pc) =	sbr.rel @p0 .LBB2_4-.Ltmp1, $4  }
0x25b: {  	v19 =	vld [tilespmem:s18+$0xE2F0];
	v23 =	vsub.f32 v28, v18;
	v20 =	vmul.f32 v20, v7;
	[tilespmem:s18+$0xEA80] =	vst v22  }
0x25c: {  	v18 =	vld [tilespmem:s18+$0xE2E0];
	v27 =	vsub.f32 v27, v17;
	v24 =	vmul.f32 v24, v7;
	[tilespmem:s18+$0xE6F0] =	vst v29  }
0x25d: {  	v17 =	vld [tilespmem:s18+$0xE2D0];
	v22 =	vsub.f32 v26, v16;
	v23 =	vmul.f32 v23, v7;
	[tilespmem:s18+$0xE6E0] =	vst v20  }
0x25e: {  	s25 =	sadd.s32 $0x1, s25;
	v16 =	vld [tilespmem:s18+$0xE2C0];
	v15 =	vsub.f32 v25, v15;
	v20 =	vmul.f32 v27, v7;
	[tilespmem:s18+$0xE6D0] =	vst v24  }
0x25f: {  	v24 =	vld [tilespmem:s18+$0xE2B0];
	v14 =	vsub.f32 v21, v14;
	v21 =	vmul.f32 v22, v7;
	[tilespmem:s18+$0xE6C0] =	vst v23  }
0x260: {  	v22 =	vld [tilespmem:s18+$0xE2A0];
	v13 =	vsub.f32 v19, v13;
	v15 =	vmul.f32 v15, v7;
	[tilespmem:s18+$0xE6B0] =	vst v20  }
0x261: {  	v19 =	vld [tilespmem:s18+$0xE290];
	v12 =	vsub.f32 v18, v12;
	v14 =	vmul.f32 v14, v7;
	[tilespmem:s18+$0xE6A0] =	vst v21  }
0x262: {  	v18 =	vld [tilespmem:s18+$0xE280];
	v11 =	vsub.f32 v17, v11;
	v13 =	vmul.f32 v13, v7;
	[tilespmem:s18+$0xE690] =	vst v15  }
0x263: {  	v10 =	vsub.f32 v16, v10;
	v12 =	vmul.f32 v12, v7;
	[tilespmem:s18+$0xE680] =	vst v14  }
0x264: {  	v9 =	vsub.f32 v24, v9;
	v11 =	vmul.f32 v11, v7;
	[tilespmem:s18+$0xE2F0] =	vst v13  }
0x265: {  	v6 =	vsub.f32 v22, v6;
	v10 =	vmul.f32 v10, v7;
	[tilespmem:s18+$0xE2E0] =	vst v12  }
0x266: {  	v8 =	vsub.f32 v19, v8;
	v9 =	vmul.f32 v9, v7;
	[tilespmem:s18+$0xE2D0] =	vst v11  }
0x267: {  	v5 =	vsub.f32 v18, v5;
	v6 =	vmul.f32 v6, v7;
	[tilespmem:s18+$0xE2C0] =	vst v10  }
0x268: {  	v8 =	vmul.f32 v8, v7;
	[tilespmem:s18+$0xE2B0] =	vst v9  }
0x269: {  	v5 =	vmul.f32 v5, v7;
	[tilespmem:s18+$0xE2A0] =	vst v6  }
0x26a: {  	[tilespmem:s18+$0xE290] =	vst v8  }
0x26b: {  	s31 =	simm.s32 $0x0;
	s4 =	simm.s32 $0x11280;
	[tilespmem:s18+$0xE280] =	vst v5  }
0x26c: {  	[hbm4b:s10+s31] =	stream.linear.scatter [tilespmem:s4], [sflag:$0xB], $0x3000, $0x38;
	[tilespmem:$0x1A280] =	vst v63  }
0x26d: {  	_ =	swait.ge [sflag:s24], $0x3000  }
0x26e: {  	[sflag:s24] =	ssyncset.done $0x0  }
0x26f: {  	s25 =	simm.s32 $0x4;
	[sflag:s24] =	ssyncadd.s32 $0xFFFFD000  }
0x270: {  	s4 =	smul.u32 $0x1800, s25;
	_ =	swait.ge [sflag:s26], $0x3000  }
0x271: {  	s5 =	sand.u32 $0x380, s31;
	[sflag:s26] =	ssyncset.done $0x0  }
0x272: {  	s18 =	sor.u32 s5, s4;
	[sflag:s26] =	ssyncadd.s32 $0xFFFFD000  }
0x273: {  	v5 =	vld [tilespmem:s18+$0x2280]  }
0x274: {  	v8 =	vld [tilespmem:s18+$0x2290]  }
0x275: {  	v6 =	vld [tilespmem:s18+$0x22A0]  }
0x276: {  	v9 =	vld [tilespmem:s18+$0x22B0]  }
0x277: {  	v10 =	vld [tilespmem:s18+$0x22C0]  }
0x278: {  	v11 =	vld [tilespmem:s18+$0x22D0]  }
0x279: {  	v12 =	vld [tilespmem:s18+$0x22E0]  }
0x27a: {  	v13 =	vld [tilespmem:s18+$0x22F0]  }
0x27b: {  	s4 =	simm.s32 $0x1280;
	v14 =	vld [tilespmem:s18+$0x2680]  }
0x27c: {  	v7 =	vld [tilespmem:s4+$0x0]  }
0x27d: {  	v15 =	vld [tilespmem:s18+$0x2690]  }
0x27e: {  	v16 =	vld [tilespmem:s18+$0x26A0]  }
0x27f: {  	v17 =	vld [tilespmem:s18+$0x26B0]  }
0x280: {  	v18 =	vld [tilespmem:s18+$0x26C0]  }
0x281: {  	v19 =	vld [tilespmem:s18+$0x26D0]  }
0x282: {  	v20 =	vld [tilespmem:s18+$0x26E0]  }
0x283: {  	v21 =	vld [tilespmem:s18+$0x26F0]  }
0x284: {  	v22 =	vld [tilespmem:s18+$0x2A80]  }
0x285: {  	v23 =	vld [tilespmem:s18+$0x2A90]  }
0x286: {  	v24 =	vld [tilespmem:s18+$0x2AA0]  }
0x287: {  	v25 =	vld [tilespmem:s18+$0x2AB0]  }
0x288: {  	v26 =	vld [tilespmem:s18+$0x2AC0]  }
0x289: {  	v27 =	vld [tilespmem:s18+$0x2AD0]  }
0x28a: {  	v28 =	vld [tilespmem:s18+$0x2AE0]  }
0x28b: {  	v29 =	vld [tilespmem:s18+$0x2AF0]  }
0x28c: {  	v30 =	vld [tilespmem:s18+$0x2E80]  }
0x28d: {  	v31 =	vld [tilespmem:s18+$0x2E90]  }
0x28e: {  	v32 =	vld [tilespmem:s18+$0x2EA0]  }
0x28f: {  	v33 =	vld [tilespmem:s18+$0x2EB0]  }
0x290: {  	v34 =	vld [tilespmem:s18+$0x2EC0]  }
0x291: {  	v35 =	vld [tilespmem:s18+$0x2ED0]  }
0x292: {  	v36 =	vld [tilespmem:s18+$0x2EE0]  }
0x293: {  	v37 =	vld [tilespmem:s18+$0x2EF0]  }
0x294: {  	v38 =	vld [tilespmem:s18+$0x3280]  }
0x295: {  	v39 =	vld [tilespmem:s18+$0x3290]  }
0x296: {  	v40 =	vld [tilespmem:s18+$0x32A0]  }
0x297: {  	v41 =	vld [tilespmem:s18+$0x32B0]  }
0x298: {  	v42 =	vld [tilespmem:s18+$0x32C0]  }
0x299: {  	v43 =	vld [tilespmem:s18+$0x32D0]  }
0x29a: {  	v44 =	vld [tilespmem:s18+$0x32E0]  }
0x29b: {  	v45 =	vld [tilespmem:s18+$0x32F0]  }
0x29c: {  	v46 =	vld [tilespmem:s18+$0x3680]  }
0x29d: {  	v47 =	vld [tilespmem:s18+$0x3690]  }
0x29e: {  	v48 =	vld [tilespmem:s18+$0x36A0]  }
0x29f: {  	v49 =	vld [tilespmem:s18+$0x36B0]  }
0x2a0: {  	v50 =	vld [tilespmem:s18+$0x36C0]  }
0x2a1: {  	v51 =	vld [tilespmem:s18+$0x36F0]  }
0x2a2: {  	v52 =	vld [tilespmem:s18+$0xF6F0]  }
0x2a3: {  	v53 =	vld [tilespmem:s18+$0x36E0]  }
0x2a4: {  	v54 =	vld [tilespmem:s18+$0xF6E0]  }
0x2a5: {  	v55 =	vld [tilespmem:s18+$0x36D0]  }
0x2a6: {  	v56 =	vld [tilespmem:s18+$0xF6D0]  }
0x2a7: {  	v57 =	vld [tilespmem:s18+$0xF6C0]  }
0x2a8: {  	v62 =	vld [tilespmem:s18+$0xF6B0]  }
0x2a9: {  	v59 =	vld [tilespmem:s18+$0xF6A0];
	v51 =	vsub.f32 v52, v51  }
0x2aa: {  	v63 =	vld [tilespmem:s18+$0xF690];
	v53 =	vsub.f32 v54, v53  }
0x2ab: {  	v60 =	vld [tilespmem:s18+$0xF680];
	v55 =	vsub.f32 v56, v55;
	v51 =	vmul.f32 v51, v7  }
0x2ac: {  	v58 =	vld [tilespmem:s18+$0xF2E0];
	v50 =	vsub.f32 v57, v50;
	v53 =	vmul.f32 v53, v7  }
0x2ad: {  	v61 =	vld [tilespmem:s18+$0xF2B0];
	v49 =	vsub.f32 v62, v49;
	v55 =	vmul.f32 v55, v7;
	[tilespmem:s18+$0xF6F0] =	vst v51  }
0x2ae: {  	v54 =	vld [tilespmem:s18+$0xF2F0];
	v48 =	vsub.f32 v59, v48;
	v50 =	vmul.f32 v50, v7;
	[tilespmem:s18+$0xF6E0] =	vst v53  }
0x2af: {  	v62 =	vld [tilespmem:s18+$0xF2A0];
	v47 =	vsub.f32 v63, v47;
	v49 =	vmul.f32 v49, v7;
	[tilespmem:s18+$0xF6D0] =	vst v55  }
0x2b0: {  	v63 =	vld [tilespmem:s18+$0xF290];
	v46 =	vsub.f32 v60, v46;
	v48 =	vmul.f32 v48, v7;
	[tilespmem:s18+$0xF6C0] =	vst v50  }
0x2b1: {  	v56 =	vld [tilespmem:s18+$0xEEF0];
	v44 =	vsub.f32 v58, v44;
	v47 =	vmul.f32 v47, v7;
	[tilespmem:s18+$0xF6B0] =	vst v49  }
0x2b2: {  	v57 =	vld [tilespmem:s18+$0xEEE0];
	v41 =	vsub.f32 v61, v41;
	v46 =	vmul.f32 v46, v7;
	[tilespmem:s18+$0xF6A0] =	vst v48  }
0x2b3: {  	v58 =	vld [tilespmem:s18+$0xEED0];
	v44 =	vmul.f32 v44, v7;
	[tilespmem:s18+$0xF690] =	vst v47;
	v45 =	vsub.f32 v54, v45  }
0x2b4: {  	v59 =	vld [tilespmem:s18+$0xEEC0];
	v41 =	vmul.f32 v41, v7;
	[tilespmem:s18+$0xF680] =	vst v46;
	v40 =	vsub.f32 v62, v40  }
0x2b5: {  	v60 =	vld [tilespmem:s18+$0xEEB0];
	[tilespmem:s18+$0xF2E0] =	vst v44;
	v39 =	vsub.f32 v63, v39;
	v45 =	vmul.f32 v45, v7  }
0x2b6: {  	v61 =	vld [tilespmem:s18+$0xEEA0];
	[tilespmem:s18+$0xF2B0] =	vst v41;
	v37 =	vsub.f32 v56, v37;
	v40 =	vmul.f32 v40, v7  }
0x2b7: {  	v52 =	vld [tilespmem:s18+$0xEAB0];
	v36 =	vsub.f32 v57, v36;
	v39 =	vmul.f32 v39, v7;
	[tilespmem:s18+$0xF2F0] =	vst v45  }
0x2b8: {  	v51 =	vld [tilespmem:s18+$0xF2D0];
	v35 =	vsub.f32 v58, v35;
	v37 =	vmul.f32 v37, v7;
	[tilespmem:s18+$0xF2A0] =	vst v40  }
0x2b9: {  	v53 =	vld [tilespmem:s18+$0xF2C0];
	v34 =	vsub.f32 v59, v34;
	v36 =	vmul.f32 v36, v7;
	[tilespmem:s18+$0xF290] =	vst v39  }
0x2ba: {  	v55 =	vld [tilespmem:s18+$0xF280];
	v33 =	vsub.f32 v60, v33;
	v35 =	vmul.f32 v35, v7;
	[tilespmem:s18+$0xEEF0] =	vst v37  }
0x2bb: {  	v48 =	vld [tilespmem:s18+$0xEAF0];
	v32 =	vsub.f32 v61, v32;
	v34 =	vmul.f32 v34, v7;
	[tilespmem:s18+$0xEEE0] =	vst v36  }
0x2bc: {  	v49 =	vld [tilespmem:s18+$0xEAE0];
	v25 =	vsub.f32 v52, v25;
	v33 =	vmul.f32 v33, v7;
	[tilespmem:s18+$0xEED0] =	vst v35  }
0x2bd: {  	v50 =	vld [tilespmem:s18+$0xEAD0];
	v32 =	vmul.f32 v32, v7;
	v43 =	vsub.f32 v51, v43;
	[tilespmem:s18+$0xEEC0] =	vst v34  }
0x2be: {  	v62 =	vld [tilespmem:s18+$0xEE90];
	v25 =	vmul.f32 v25, v7;
	v42 =	vsub.f32 v53, v42;
	[tilespmem:s18+$0xEEB0] =	vst v33  }
0x2bf: {  	v63 =	vld [tilespmem:s18+$0xEE80];
	v38 =	vsub.f32 v55, v38;
	[tilespmem:s18+$0xEEA0] =	vst v32;
	v43 =	vmul.f32 v43, v7  }
0x2c0: {  	v54 =	vld [tilespmem:s18+$0xEA90];
	v29 =	vsub.f32 v48, v29;
	[tilespmem:s18+$0xEAB0] =	vst v25;
	v42 =	vmul.f32 v42, v7  }
0x2c1: {  	v57 =	vld [tilespmem:s18+$0xE6E0];
	v28 =	vsub.f32 v49, v28;
	v38 =	vmul.f32 v38, v7;
	[tilespmem:s18+$0xF2D0] =	vst v43  }
0x2c2: {  	v51 =	vld [tilespmem:s18+$0xEAC0];
	v27 =	vsub.f32 v50, v27;
	v29 =	vmul.f32 v29, v7;
	[tilespmem:s18+$0xF2C0] =	vst v42  }
0x2c3: {  	v53 =	vld [tilespmem:s18+$0xEAA0];
	v31 =	vsub.f32 v62, v31;
	v28 =	vmul.f32 v28, v7;
	[tilespmem:s18+$0xF280] =	vst v38  }
0x2c4: {  	v55 =	vld [tilespmem:s18+$0xEA80];
	v30 =	vsub.f32 v63, v30;
	v27 =	vmul.f32 v27, v7;
	[tilespmem:s18+$0xEAF0] =	vst v29  }
0x2c5: {  	v58 =	vld [tilespmem:s18+$0xE6D0];
	v23 =	vsub.f32 v54, v23;
	v31 =	vmul.f32 v31, v7;
	[tilespmem:s18+$0xEAE0] =	vst v28  }
0x2c6: {  	v56 =	vld [tilespmem:s18+$0xE6F0];
	v20 =	vsub.f32 v57, v20;
	v30 =	vmul.f32 v30, v7;
	[tilespmem:s18+$0xEAD0] =	vst v27  }
0x2c7: {  	v59 =	vld [tilespmem:s18+$0xE6C0];
	v23 =	vmul.f32 v23, v7;
	[tilespmem:s18+$0xEE90] =	vst v31;
	v26 =	vsub.f32 v51, v26  }
0x2c8: {  	v60 =	vld [tilespmem:s18+$0xE6B0];
	v20 =	vmul.f32 v20, v7;
	[tilespmem:s18+$0xEE80] =	vst v30;
	v24 =	vsub.f32 v53, v24  }
0x2c9: {  	v61 =	vld [tilespmem:s18+$0xE6A0];
	v22 =	vsub.f32 v55, v22;
	[tilespmem:s18+$0xEA90] =	vst v23;
	v26 =	vmul.f32 v26, v7  }
0x2ca: {  	v62 =	vld [tilespmem:s18+$0xE690];
	v23 =	vsub.f32 v58, v19;
	[tilespmem:s18+$0xE6E0] =	vst v20;
	v24 =	vmul.f32 v24, v7  }
0x2cb: {  	v63 =	vsub.f32 v56, v21;
	v21 =	vld [tilespmem:s18+$0xE680];
	v22 =	vmul.f32 v22, v7;
	[tilespmem:s18+$0xEAC0] =	vst v26  }
0x2cc: {  	v28 =	vsub.f32 v59, v18;
	v19 =	vld [tilespmem:s18+$0xE2F0];
	v29 =	vmul.f32 v23, v7;
	[tilespmem:s18+$0xEAA0] =	vst v24  }
0x2cd: {  	v18 =	vld [tilespmem:s18+$0xE2E0];
	v27 =	vsub.f32 v60, v17;
	v24 =	vmul.f32 v63, v7;
	[tilespmem:s18+$0xEA80] =	vst v22  }
0x2ce: {  	v17 =	vld [tilespmem:s18+$0xE2D0];
	v23 =	vmul.f32 v28, v7;
	v22 =	vsub.f32 v61, v16;
	[tilespmem:s18+$0xE6D0] =	vst v29  }
0x2cf: {  	s25 =	simm.s32 $0x21;
	v15 =	vsub.f32 v62, v15;
	v20 =	vmul.f32 v27, v7;
	v16 =	vld [tilespmem:s18+$0xE2C0];
	[tilespmem:s18+$0xE6F0] =	vst v24  }
.LBB2_6:
0x2d0: {  	s5 =	sshrl.u32 s25, $0x3;
	p0 =	sne.s32 s25, $0x2F;
	v24 =	vld [tilespmem:s18+$0xE2B0];
	v14 =	vsub.f32 v21, v14;
	v21 =	vmul.f32 v22, v7;
	[tilespmem:s18+$0xE6C0] =	vst v23  }
0x2d1: {  	s31 =	sadd.s32 $0x80, s31;
	s5 =	smul.u32 $0x1800, s5;
	v22 =	vld [tilespmem:s18+$0xE2A0];
	v13 =	vsub.f32 v19, v13;
	v15 =	vmul.f32 v15, v7;
	[tilespmem:s18+$0xE6B0] =	vst v20  }
0x2d2: {  	s6 =	sand.u32 $0x380, s31;
	v19 =	vld [tilespmem:s18+$0xE290];
	v12 =	vsub.f32 v18, v12;
	v14 =	vmul.f32 v14, v7;
	[tilespmem:s18+$0xE6A0] =	vst v21  }
0x2d3: {  	s5 =	sor.u32 s6, s5;
	v18 =	vld [tilespmem:s18+$0xE280];
	v11 =	vsub.f32 v17, v11;
	v13 =	vmul.f32 v13, v7;
	[tilespmem:s18+$0xE690] =	vst v15  }
0x2d4: {  	v15 =	vld [tilespmem:s5+$0x2280];
	v10 =	vsub.f32 v16, v10;
	v12 =	vmul.f32 v12, v7;
	[tilespmem:s18+$0xE680] =	vst v14  }
0x2d5: {  	v14 =	vld [tilespmem:s5+$0x2290];
	v16 =	vsub.f32 v24, v9;
	v11 =	vmul.f32 v11, v7;
	[tilespmem:s18+$0xE2F0] =	vst v13  }
0x2d6: {  	v13 =	vsub.f32 v22, v6;
	v6 =	vld [tilespmem:s5+$0x22A0];
	v17 =	vmul.f32 v10, v7;
	[tilespmem:s18+$0xE2E0] =	vst v12  }
0x2d7: {  	v9 =	vld [tilespmem:s5+$0x22B0];
	v19 =	vsub.f32 v19, v8;
	v12 =	vmul.f32 v16, v7;
	[tilespmem:s18+$0xE2D0] =	vst v11  }
0x2d8: {  	v10 =	vld [tilespmem:s5+$0x22C0];
	v16 =	vsub.f32 v18, v5;
	v13 =	vmul.f32 v13, v7;
	[tilespmem:s18+$0xE2C0] =	vst v17  }
0x2d9: {  	v11 =	vld [tilespmem:s5+$0x22D0];
	v17 =	vmul.f32 v19, v7;
	[tilespmem:s18+$0xE2B0] =	vst v12;
	v5 =	vmov v15  }
0x2da: {  	v12 =	vld [tilespmem:s5+$0x22E0];
	v7 =	vmul.f32 v16, v7;
	[tilespmem:s18+$0xE2A0] =	vst v13;
	v8 =	vmov v14  }
0x2db: {  	v13 =	vld [tilespmem:s5+$0x22F0];
	[tilespmem:s18+$0xE290] =	vst v17  }
0x2dc: {  	s4 =	sadd.s32 $0x80, s4;
	v14 =	vld [tilespmem:s5+$0x2680];
	[tilespmem:s18+$0xE280] =	vst v7;
	s18 =	smov.u32 s5  }
0x2dd: {  	v7 =	vld [tilespmem:s4+$0x0]  }
0x2de: {  	v15 =	vld [tilespmem:s18+$0x2690]  }
0x2df: {  	v16 =	vld [tilespmem:s18+$0x26A0]  }
0x2e0: {  	v17 =	vld [tilespmem:s18+$0x26B0]  }
0x2e1: {  	v18 =	vld [tilespmem:s18+$0x26C0]  }
0x2e2: {  	v19 =	vld [tilespmem:s18+$0x26D0]  }
0x2e3: {  	v20 =	vld [tilespmem:s18+$0x26E0]  }
0x2e4: {  	v21 =	vld [tilespmem:s18+$0x26F0]  }
0x2e5: {  	v22 =	vld [tilespmem:s18+$0x2A80]  }
0x2e6: {  	v23 =	vld [tilespmem:s18+$0x2A90]  }
0x2e7: {  	v24 =	vld [tilespmem:s18+$0x2AA0]  }
0x2e8: {  	v25 =	vld [tilespmem:s18+$0x2AB0]  }
0x2e9: {  	v26 =	vld [tilespmem:s18+$0x2AC0]  }
0x2ea: {  	v27 =	vld [tilespmem:s18+$0x2AD0]  }
0x2eb: {  	v28 =	vld [tilespmem:s18+$0x2AE0]  }
0x2ec: {  	v29 =	vld [tilespmem:s18+$0x2AF0]  }
0x2ed: {  	v30 =	vld [tilespmem:s18+$0x2E80]  }
0x2ee: {  	v31 =	vld [tilespmem:s18+$0x2E90]  }
0x2ef: {  	v32 =	vld [tilespmem:s18+$0x2EA0]  }
0x2f0: {  	v33 =	vld [tilespmem:s18+$0x2EB0]  }
0x2f1: {  	v34 =	vld [tilespmem:s18+$0x2EC0]  }
0x2f2: {  	v35 =	vld [tilespmem:s18+$0x2ED0]  }
0x2f3: {  	v36 =	vld [tilespmem:s18+$0x2EE0]  }
0x2f4: {  	v37 =	vld [tilespmem:s18+$0x2EF0]  }
0x2f5: {  	v38 =	vld [tilespmem:s18+$0x3280]  }
0x2f6: {  	v39 =	vld [tilespmem:s18+$0x3290]  }
0x2f7: {  	v40 =	vld [tilespmem:s18+$0x32A0]  }
0x2f8: {  	v41 =	vld [tilespmem:s18+$0x32B0]  }
0x2f9: {  	v42 =	vld [tilespmem:s18+$0x32C0]  }
0x2fa: {  	v43 =	vld [tilespmem:s18+$0x32D0]  }
0x2fb: {  	v44 =	vld [tilespmem:s18+$0x32E0]  }
0x2fc: {  	v45 =	vld [tilespmem:s18+$0x32F0]  }
0x2fd: {  	v46 =	vld [tilespmem:s18+$0x3680]  }
0x2fe: {  	v47 =	vld [tilespmem:s18+$0x3690]  }
0x2ff: {  	v48 =	vld [tilespmem:s18+$0x36A0]  }
0x300: {  	v49 =	vld [tilespmem:s18+$0x36B0]  }
0x301: {  	v50 =	vld [tilespmem:s18+$0x36C0]  }
0x302: {  	v51 =	vld [tilespmem:s18+$0x36D0]  }
0x303: {  	v52 =	vld [tilespmem:s18+$0x36E0]  }
0x304: {  	v53 =	vld [tilespmem:s18+$0x36F0]  }
0x305: {  	v54 =	vld [tilespmem:s18+$0xF6F0]  }
0x306: {  	v55 =	vld [tilespmem:s18+$0xF6E0]  }
0x307: {  	v56 =	vld [tilespmem:s18+$0xF6D0]  }
0x308: {  	v57 =	vld [tilespmem:s18+$0xF6C0]  }
0x309: {  	v58 =	vld [tilespmem:s18+$0xF6B0]  }
0x30a: {  	v59 =	vld [tilespmem:s18+$0xF6A0];
	v53 =	vsub.f32 v54, v53  }
0x30b: {  	v54 =	vld [tilespmem:s18+$0xF690];
	v52 =	vsub.f32 v55, v52  }
0x30c: {  	v55 =	vld [tilespmem:s18+$0xF680];
	v51 =	vsub.f32 v56, v51;
	v53 =	vmul.f32 v53, v7  }
0x30d: {  	v56 =	vld [tilespmem:s18+$0xF2F0];
	v50 =	vsub.f32 v57, v50;
	v52 =	vmul.f32 v52, v7  }
0x30e: {  	v57 =	vld [tilespmem:s18+$0xF2E0];
	v49 =	vsub.f32 v58, v49;
	v51 =	vmul.f32 v51, v7;
	[tilespmem:s18+$0xF6F0] =	vst v53  }
0x30f: {  	v53 =	vld [tilespmem:s18+$0xF2D0];
	v48 =	vsub.f32 v59, v48;
	v50 =	vmul.f32 v50, v7;
	[tilespmem:s18+$0xF6E0] =	vst v52  }
0x310: {  	v52 =	vld [tilespmem:s18+$0xF2C0];
	v47 =	vsub.f32 v54, v47;
	v49 =	vmul.f32 v49, v7;
	[tilespmem:s18+$0xF6D0] =	vst v51  }
0x311: {  	v51 =	vld [tilespmem:s18+$0xF2B0];
	v46 =	vsub.f32 v55, v46;
	v48 =	vmul.f32 v48, v7;
	[tilespmem:s18+$0xF6C0] =	vst v50  }
0x312: {  	v50 =	vld [tilespmem:s18+$0xF2A0];
	v45 =	vsub.f32 v56, v45;
	v47 =	vmul.f32 v47, v7;
	[tilespmem:s18+$0xF6B0] =	vst v49  }
0x313: {  	v49 =	vld [tilespmem:s18+$0xF290];
	v44 =	vsub.f32 v57, v44;
	v46 =	vmul.f32 v46, v7;
	[tilespmem:s18+$0xF6A0] =	vst v48  }
0x314: {  	v48 =	vld [tilespmem:s18+$0xF280];
	v43 =	vsub.f32 v53, v43;
	v45 =	vmul.f32 v45, v7;
	[tilespmem:s18+$0xF690] =	vst v47  }
0x315: {  	v47 =	vld [tilespmem:s18+$0xEEF0];
	v42 =	vsub.f32 v52, v42;
	v44 =	vmul.f32 v44, v7;
	[tilespmem:s18+$0xF680] =	vst v46  }
0x316: {  	v46 =	vld [tilespmem:s18+$0xEEE0];
	v41 =	vsub.f32 v51, v41;
	v43 =	vmul.f32 v43, v7;
	[tilespmem:s18+$0xF2F0] =	vst v45  }
0x317: {  	v45 =	vld [tilespmem:s18+$0xEED0];
	v40 =	vsub.f32 v50, v40;
	v42 =	vmul.f32 v42, v7;
	[tilespmem:s18+$0xF2E0] =	vst v44  }
0x318: {  	v44 =	vld [tilespmem:s18+$0xEEC0];
	v39 =	vsub.f32 v49, v39;
	v41 =	vmul.f32 v41, v7;
	[tilespmem:s18+$0xF2D0] =	vst v43  }
0x319: {  	v43 =	vld [tilespmem:s18+$0xEEB0];
	v38 =	vsub.f32 v48, v38;
	v40 =	vmul.f32 v40, v7;
	[tilespmem:s18+$0xF2C0] =	vst v42  }
0x31a: {  	v42 =	vld [tilespmem:s18+$0xEEA0];
	v37 =	vsub.f32 v47, v37;
	v39 =	vmul.f32 v39, v7;
	[tilespmem:s18+$0xF2B0] =	vst v41  }
0x31b: {  	v41 =	vld [tilespmem:s18+$0xEE90];
	v36 =	vsub.f32 v46, v36;
	v38 =	vmul.f32 v38, v7;
	[tilespmem:s18+$0xF2A0] =	vst v40  }
0x31c: {  	v40 =	vld [tilespmem:s18+$0xEE80];
	v35 =	vsub.f32 v45, v35;
	v37 =	vmul.f32 v37, v7;
	[tilespmem:s18+$0xF290] =	vst v39  }
0x31d: {  	v39 =	vld [tilespmem:s18+$0xEAF0];
	v34 =	vsub.f32 v44, v34;
	v36 =	vmul.f32 v36, v7;
	[tilespmem:s18+$0xF280] =	vst v38  }
0x31e: {  	v38 =	vld [tilespmem:s18+$0xEAE0];
	v33 =	vsub.f32 v43, v33;
	v35 =	vmul.f32 v35, v7;
	[tilespmem:s18+$0xEEF0] =	vst v37  }
0x31f: {  	v37 =	vld [tilespmem:s18+$0xEAD0];
	v32 =	vsub.f32 v42, v32;
	v34 =	vmul.f32 v34, v7;
	[tilespmem:s18+$0xEEE0] =	vst v36  }
0x320: {  	v36 =	vld [tilespmem:s18+$0xEAC0];
	v31 =	vsub.f32 v41, v31;
	v33 =	vmul.f32 v33, v7;
	[tilespmem:s18+$0xEED0] =	vst v35  }
0x321: {  	v35 =	vld [tilespmem:s18+$0xEAB0];
	v30 =	vsub.f32 v40, v30;
	v32 =	vmul.f32 v32, v7;
	[tilespmem:s18+$0xEEC0] =	vst v34  }
0x322: {  	v34 =	vld [tilespmem:s18+$0xEAA0];
	v29 =	vsub.f32 v39, v29;
	v31 =	vmul.f32 v31, v7;
	[tilespmem:s18+$0xEEB0] =	vst v33  }
0x323: {  	v33 =	vld [tilespmem:s18+$0xEA90];
	v28 =	vsub.f32 v38, v28;
	v30 =	vmul.f32 v30, v7;
	[tilespmem:s18+$0xEEA0] =	vst v32  }
0x324: {  	v32 =	vld [tilespmem:s18+$0xEA80];
	v27 =	vsub.f32 v37, v27;
	v29 =	vmul.f32 v29, v7;
	[tilespmem:s18+$0xEE90] =	vst v31  }
0x325: {  	v31 =	vld [tilespmem:s18+$0xE6F0];
	v26 =	vsub.f32 v36, v26;
	v28 =	vmul.f32 v28, v7;
	[tilespmem:s18+$0xEE80] =	vst v30  }
0x326: {  	v30 =	vld [tilespmem:s18+$0xE6E0];
	v25 =	vsub.f32 v35, v25;
	v27 =	vmul.f32 v27, v7;
	[tilespmem:s18+$0xEAF0] =	vst v29  }
0x327: {  	v29 =	vld [tilespmem:s18+$0xE6D0];
	v24 =	vsub.f32 v34, v24;
	v26 =	vmul.f32 v26, v7;
	[tilespmem:s18+$0xEAE0] =	vst v28  }
0x328: {  	v28 =	vld [tilespmem:s18+$0xE6C0];
	v23 =	vsub.f32 v33, v23;
	v25 =	vmul.f32 v25, v7;
	[tilespmem:s18+$0xEAD0] =	vst v27  }
0x329: {  	v27 =	vld [tilespmem:s18+$0xE6B0];
	v22 =	vsub.f32 v32, v22;
	v24 =	vmul.f32 v24, v7;
	[tilespmem:s18+$0xEAC0] =	vst v26  }
0x32a: {  	v26 =	vld [tilespmem:s18+$0xE6A0];
	v31 =	vsub.f32 v31, v21;
	v23 =	vmul.f32 v23, v7;
	[tilespmem:s18+$0xEAB0] =	vst v25  }
0x32b: {  	v25 =	vld [tilespmem:s18+$0xE690];
	v20 =	vsub.f32 v30, v20;
	v22 =	vmul.f32 v22, v7;
	[tilespmem:s18+$0xEAA0] =	vst v24  }
.Ltmp2:
0x32c: {  	v21 =	vld [tilespmem:s18+$0xE680];
	v24 =	vsub.f32 v29, v19;
	v29 =	vmul.f32 v31, v7;
	[tilespmem:s18+$0xEA90] =	vst v23;
	(pc) =	sbr.rel @p0 .LBB2_6-.Ltmp2, $4  }
0x32d: {  	v19 =	vld [tilespmem:s18+$0xE2F0];
	v23 =	vsub.f32 v28, v18;
	v20 =	vmul.f32 v20, v7;
	[tilespmem:s18+$0xEA80] =	vst v22  }
0x32e: {  	v18 =	vld [tilespmem:s18+$0xE2E0];
	v27 =	vsub.f32 v27, v17;
	v24 =	vmul.f32 v24, v7;
	[tilespmem:s18+$0xE6F0] =	vst v29  }
0x32f: {  	v17 =	vld [tilespmem:s18+$0xE2D0];
	v22 =	vsub.f32 v26, v16;
	v23 =	vmul.f32 v23, v7;
	[tilespmem:s18+$0xE6E0] =	vst v20  }
0x330: {  	s25 =	sadd.s32 $0x1, s25;
	v16 =	vld [tilespmem:s18+$0xE2C0];
	v15 =	vsub.f32 v25, v15;
	v20 =	vmul.f32 v27, v7;
	[tilespmem:s18+$0xE6D0] =	vst v24  }
0x331: {  	v24 =	vld [tilespmem:s18+$0xE2B0];
	v14 =	vsub.f32 v21, v14;
	v21 =	vmul.f32 v22, v7;
	[tilespmem:s18+$0xE6C0] =	vst v23  }
0x332: {  	v22 =	vld [tilespmem:s18+$0xE2A0];
	v13 =	vsub.f32 v19, v13;
	v15 =	vmul.f32 v15, v7;
	[tilespmem:s18+$0xE6B0] =	vst v20  }
0x333: {  	v19 =	vld [tilespmem:s18+$0xE290];
	v12 =	vsub.f32 v18, v12;
	v14 =	vmul.f32 v14, v7;
	[tilespmem:s18+$0xE6A0] =	vst v21  }
0x334: {  	v18 =	vld [tilespmem:s18+$0xE280];
	v11 =	vsub.f32 v17, v11;
	v13 =	vmul.f32 v13, v7;
	[tilespmem:s18+$0xE690] =	vst v15  }
0x335: {  	v10 =	vsub.f32 v16, v10;
	v12 =	vmul.f32 v12, v7;
	[tilespmem:s18+$0xE680] =	vst v14  }
0x336: {  	v9 =	vsub.f32 v24, v9;
	v11 =	vmul.f32 v11, v7;
	[tilespmem:s18+$0xE2F0] =	vst v13  }
0x337: {  	v6 =	vsub.f32 v22, v6;
	v10 =	vmul.f32 v10, v7;
	[tilespmem:s18+$0xE2E0] =	vst v12  }
0x338: {  	v8 =	vsub.f32 v19, v8;
	v9 =	vmul.f32 v9, v7;
	[tilespmem:s18+$0xE2D0] =	vst v11  }
0x339: {  	v5 =	vsub.f32 v18, v5;
	v6 =	vmul.f32 v6, v7;
	[tilespmem:s18+$0xE2C0] =	vst v10  }
0x33a: {  	v8 =	vmul.f32 v8, v7;
	[tilespmem:s18+$0xE2B0] =	vst v9  }
0x33b: {  	v5 =	vmul.f32 v5, v7;
	[tilespmem:s18+$0xE2A0] =	vst v6  }
0x33c: {  	[tilespmem:s18+$0xE290] =	vst v8  }
0x33d: {  	s31 =	simm.s32 $0x0;
	s4 =	simm.s32 $0x14280;
	[tilespmem:s18+$0xE280] =	vst v5  }
0x33e: {  	[hbm4b:s11+s31] =	stream.linear.scatter [tilespmem:s4], [sflag:$0xC], $0x3000, $0x38;
	[tilespmem:$0x1A280] =	vst v63  }
0x33f: {  	_ =	swait.ge [sflag:s28], $0x3000  }
0x340: {  	[sflag:s28] =	ssyncset.done $0x0  }
0x341: {  	s25 =	simm.s32 $0x6;
	[sflag:s28] =	ssyncadd.s32 $0xFFFFD000  }
0x342: {  	s4 =	smul.u32 $0x1800, s25;
	_ =	swait.ge [sflag:s29], $0x3000  }
0x343: {  	s5 =	sand.u32 $0x380, s31;
	[sflag:s29] =	ssyncset.done $0x0  }
0x344: {  	s18 =	sor.u32 s5, s4;
	[sflag:s29] =	ssyncadd.s32 $0xFFFFD000  }
0x345: {  	v5 =	vld [tilespmem:s18+$0x2280]  }
0x346: {  	v8 =	vld [tilespmem:s18+$0x2290]  }
0x347: {  	v6 =	vld [tilespmem:s18+$0x22A0]  }
0x348: {  	v9 =	vld [tilespmem:s18+$0x22B0]  }
0x349: {  	v10 =	vld [tilespmem:s18+$0x22C0]  }
0x34a: {  	v11 =	vld [tilespmem:s18+$0x22D0]  }
0x34b: {  	v12 =	vld [tilespmem:s18+$0x22E0]  }
0x34c: {  	v13 =	vld [tilespmem:s18+$0x22F0]  }
0x34d: {  	s4 =	simm.s32 $0x1A80;
	v14 =	vld [tilespmem:s18+$0x2680]  }
0x34e: {  	v7 =	vld [tilespmem:s4+$0x0]  }
0x34f: {  	v15 =	vld [tilespmem:s18+$0x2690]  }
0x350: {  	v16 =	vld [tilespmem:s18+$0x26A0]  }
0x351: {  	v17 =	vld [tilespmem:s18+$0x26B0]  }
0x352: {  	v18 =	vld [tilespmem:s18+$0x26C0]  }
0x353: {  	v19 =	vld [tilespmem:s18+$0x26D0]  }
0x354: {  	v20 =	vld [tilespmem:s18+$0x26E0]  }
0x355: {  	v21 =	vld [tilespmem:s18+$0x26F0]  }
0x356: {  	v22 =	vld [tilespmem:s18+$0x2A80]  }
0x357: {  	v23 =	vld [tilespmem:s18+$0x2A90]  }
0x358: {  	v24 =	vld [tilespmem:s18+$0x2AA0]  }
0x359: {  	v25 =	vld [tilespmem:s18+$0x2AB0]  }
0x35a: {  	v26 =	vld [tilespmem:s18+$0x2AC0]  }
0x35b: {  	v27 =	vld [tilespmem:s18+$0x2AD0]  }
0x35c: {  	v28 =	vld [tilespmem:s18+$0x2AE0]  }
0x35d: {  	v29 =	vld [tilespmem:s18+$0x2AF0]  }
0x35e: {  	v30 =	vld [tilespmem:s18+$0x2E80]  }
0x35f: {  	v31 =	vld [tilespmem:s18+$0x2E90]  }
0x360: {  	v32 =	vld [tilespmem:s18+$0x2EA0]  }
0x361: {  	v33 =	vld [tilespmem:s18+$0x2EB0]  }
0x362: {  	v34 =	vld [tilespmem:s18+$0x2EC0]  }
0x363: {  	v35 =	vld [tilespmem:s18+$0x2ED0]  }
0x364: {  	v36 =	vld [tilespmem:s18+$0x2EE0]  }
0x365: {  	v37 =	vld [tilespmem:s18+$0x2EF0]  }
0x366: {  	v38 =	vld [tilespmem:s18+$0x3280]  }
0x367: {  	v39 =	vld [tilespmem:s18+$0x3290]  }
0x368: {  	v40 =	vld [tilespmem:s18+$0x32A0]  }
0x369: {  	v41 =	vld [tilespmem:s18+$0x32B0]  }
0x36a: {  	v42 =	vld [tilespmem:s18+$0x32C0]  }
0x36b: {  	v43 =	vld [tilespmem:s18+$0x32D0]  }
0x36c: {  	v44 =	vld [tilespmem:s18+$0x32E0]  }
0x36d: {  	v45 =	vld [tilespmem:s18+$0x32F0]  }
0x36e: {  	v46 =	vld [tilespmem:s18+$0x3680]  }
0x36f: {  	v47 =	vld [tilespmem:s18+$0x3690]  }
0x370: {  	v48 =	vld [tilespmem:s18+$0x36A0]  }
0x371: {  	v49 =	vld [tilespmem:s18+$0x36B0]  }
0x372: {  	v50 =	vld [tilespmem:s18+$0x36C0]  }
0x373: {  	v51 =	vld [tilespmem:s18+$0x36F0]  }
0x374: {  	v52 =	vld [tilespmem:s18+$0xF6F0]  }
0x375: {  	v53 =	vld [tilespmem:s18+$0x36E0]  }
0x376: {  	v54 =	vld [tilespmem:s18+$0xF6E0]  }
0x377: {  	v55 =	vld [tilespmem:s18+$0x36D0]  }
0x378: {  	v56 =	vld [tilespmem:s18+$0xF6D0]  }
0x379: {  	v57 =	vld [tilespmem:s18+$0xF6C0]  }
0x37a: {  	v62 =	vld [tilespmem:s18+$0xF6B0]  }
0x37b: {  	v59 =	vld [tilespmem:s18+$0xF6A0];
	v51 =	vsub.f32 v52, v51  }
0x37c: {  	v63 =	vld [tilespmem:s18+$0xF690];
	v53 =	vsub.f32 v54, v53  }
0x37d: {  	v60 =	vld [tilespmem:s18+$0xF680];
	v55 =	vsub.f32 v56, v55;
	v51 =	vmul.f32 v51, v7  }
0x37e: {  	v58 =	vld [tilespmem:s18+$0xF2E0];
	v50 =	vsub.f32 v57, v50;
	v53 =	vmul.f32 v53, v7  }
0x37f: {  	v61 =	vld [tilespmem:s18+$0xF2B0];
	v49 =	vsub.f32 v62, v49;
	v55 =	vmul.f32 v55, v7;
	[tilespmem:s18+$0xF6F0] =	vst v51  }
0x380: {  	v54 =	vld [tilespmem:s18+$0xF2F0];
	v48 =	vsub.f32 v59, v48;
	v50 =	vmul.f32 v50, v7;
	[tilespmem:s18+$0xF6E0] =	vst v53  }
0x381: {  	v62 =	vld [tilespmem:s18+$0xF2A0];
	v47 =	vsub.f32 v63, v47;
	v49 =	vmul.f32 v49, v7;
	[tilespmem:s18+$0xF6D0] =	vst v55  }
0x382: {  	v63 =	vld [tilespmem:s18+$0xF290];
	v46 =	vsub.f32 v60, v46;
	v48 =	vmul.f32 v48, v7;
	[tilespmem:s18+$0xF6C0] =	vst v50  }
0x383: {  	v56 =	vld [tilespmem:s18+$0xEEF0];
	v44 =	vsub.f32 v58, v44;
	v47 =	vmul.f32 v47, v7;
	[tilespmem:s18+$0xF6B0] =	vst v49  }
0x384: {  	v57 =	vld [tilespmem:s18+$0xEEE0];
	v41 =	vsub.f32 v61, v41;
	v46 =	vmul.f32 v46, v7;
	[tilespmem:s18+$0xF6A0] =	vst v48  }
0x385: {  	v58 =	vld [tilespmem:s18+$0xEED0];
	v44 =	vmul.f32 v44, v7;
	[tilespmem:s18+$0xF690] =	vst v47;
	v45 =	vsub.f32 v54, v45  }
0x386: {  	v59 =	vld [tilespmem:s18+$0xEEC0];
	v41 =	vmul.f32 v41, v7;
	[tilespmem:s18+$0xF680] =	vst v46;
	v40 =	vsub.f32 v62, v40  }
0x387: {  	v60 =	vld [tilespmem:s18+$0xEEB0];
	[tilespmem:s18+$0xF2E0] =	vst v44;
	v39 =	vsub.f32 v63, v39;
	v45 =	vmul.f32 v45, v7  }
0x388: {  	v61 =	vld [tilespmem:s18+$0xEEA0];
	[tilespmem:s18+$0xF2B0] =	vst v41;
	v37 =	vsub.f32 v56, v37;
	v40 =	vmul.f32 v40, v7  }
0x389: {  	v52 =	vld [tilespmem:s18+$0xEAB0];
	v36 =	vsub.f32 v57, v36;
	v39 =	vmul.f32 v39, v7;
	[tilespmem:s18+$0xF2F0] =	vst v45  }
0x38a: {  	v51 =	vld [tilespmem:s18+$0xF2D0];
	v35 =	vsub.f32 v58, v35;
	v37 =	vmul.f32 v37, v7;
	[tilespmem:s18+$0xF2A0] =	vst v40  }
0x38b: {  	v53 =	vld [tilespmem:s18+$0xF2C0];
	v34 =	vsub.f32 v59, v34;
	v36 =	vmul.f32 v36, v7;
	[tilespmem:s18+$0xF290] =	vst v39  }
0x38c: {  	v55 =	vld [tilespmem:s18+$0xF280];
	v33 =	vsub.f32 v60, v33;
	v35 =	vmul.f32 v35, v7;
	[tilespmem:s18+$0xEEF0] =	vst v37  }
0x38d: {  	v48 =	vld [tilespmem:s18+$0xEAF0];
	v32 =	vsub.f32 v61, v32;
	v34 =	vmul.f32 v34, v7;
	[tilespmem:s18+$0xEEE0] =	vst v36  }
0x38e: {  	v49 =	vld [tilespmem:s18+$0xEAE0];
	v25 =	vsub.f32 v52, v25;
	v33 =	vmul.f32 v33, v7;
	[tilespmem:s18+$0xEED0] =	vst v35  }
0x38f: {  	v50 =	vld [tilespmem:s18+$0xEAD0];
	v32 =	vmul.f32 v32, v7;
	v43 =	vsub.f32 v51, v43;
	[tilespmem:s18+$0xEEC0] =	vst v34  }
0x390: {  	v62 =	vld [tilespmem:s18+$0xEE90];
	v25 =	vmul.f32 v25, v7;
	v42 =	vsub.f32 v53, v42;
	[tilespmem:s18+$0xEEB0] =	vst v33  }
0x391: {  	v63 =	vld [tilespmem:s18+$0xEE80];
	v38 =	vsub.f32 v55, v38;
	[tilespmem:s18+$0xEEA0] =	vst v32;
	v43 =	vmul.f32 v43, v7  }
0x392: {  	v54 =	vld [tilespmem:s18+$0xEA90];
	v29 =	vsub.f32 v48, v29;
	[tilespmem:s18+$0xEAB0] =	vst v25;
	v42 =	vmul.f32 v42, v7  }
0x393: {  	v57 =	vld [tilespmem:s18+$0xE6E0];
	v28 =	vsub.f32 v49, v28;
	v38 =	vmul.f32 v38, v7;
	[tilespmem:s18+$0xF2D0] =	vst v43  }
0x394: {  	v51 =	vld [tilespmem:s18+$0xEAC0];
	v27 =	vsub.f32 v50, v27;
	v29 =	vmul.f32 v29, v7;
	[tilespmem:s18+$0xF2C0] =	vst v42  }
0x395: {  	v53 =	vld [tilespmem:s18+$0xEAA0];
	v31 =	vsub.f32 v62, v31;
	v28 =	vmul.f32 v28, v7;
	[tilespmem:s18+$0xF280] =	vst v38  }
0x396: {  	v55 =	vld [tilespmem:s18+$0xEA80];
	v30 =	vsub.f32 v63, v30;
	v27 =	vmul.f32 v27, v7;
	[tilespmem:s18+$0xEAF0] =	vst v29  }
0x397: {  	v58 =	vld [tilespmem:s18+$0xE6D0];
	v23 =	vsub.f32 v54, v23;
	v31 =	vmul.f32 v31, v7;
	[tilespmem:s18+$0xEAE0] =	vst v28  }
0x398: {  	v56 =	vld [tilespmem:s18+$0xE6F0];
	v20 =	vsub.f32 v57, v20;
	v30 =	vmul.f32 v30, v7;
	[tilespmem:s18+$0xEAD0] =	vst v27  }
0x399: {  	v59 =	vld [tilespmem:s18+$0xE6C0];
	v23 =	vmul.f32 v23, v7;
	[tilespmem:s18+$0xEE90] =	vst v31;
	v26 =	vsub.f32 v51, v26  }
0x39a: {  	v60 =	vld [tilespmem:s18+$0xE6B0];
	v20 =	vmul.f32 v20, v7;
	[tilespmem:s18+$0xEE80] =	vst v30;
	v24 =	vsub.f32 v53, v24  }
0x39b: {  	v61 =	vld [tilespmem:s18+$0xE6A0];
	v22 =	vsub.f32 v55, v22;
	[tilespmem:s18+$0xEA90] =	vst v23;
	v26 =	vmul.f32 v26, v7  }
0x39c: {  	v62 =	vld [tilespmem:s18+$0xE690];
	v23 =	vsub.f32 v58, v19;
	[tilespmem:s18+$0xE6E0] =	vst v20;
	v24 =	vmul.f32 v24, v7  }
0x39d: {  	v63 =	vsub.f32 v56, v21;
	v21 =	vld [tilespmem:s18+$0xE680];
	v22 =	vmul.f32 v22, v7;
	[tilespmem:s18+$0xEAC0] =	vst v26  }
0x39e: {  	v28 =	vsub.f32 v59, v18;
	v19 =	vld [tilespmem:s18+$0xE2F0];
	v29 =	vmul.f32 v23, v7;
	[tilespmem:s18+$0xEAA0] =	vst v24  }
0x39f: {  	v18 =	vld [tilespmem:s18+$0xE2E0];
	v27 =	vsub.f32 v60, v17;
	v24 =	vmul.f32 v63, v7;
	[tilespmem:s18+$0xEA80] =	vst v22  }
0x3a0: {  	v17 =	vld [tilespmem:s18+$0xE2D0];
	v23 =	vmul.f32 v28, v7;
	v22 =	vsub.f32 v61, v16;
	[tilespmem:s18+$0xE6D0] =	vst v29  }
0x3a1: {  	s25 =	simm.s32 $0x31;
	v15 =	vsub.f32 v62, v15;
	v20 =	vmul.f32 v27, v7;
	v16 =	vld [tilespmem:s18+$0xE2C0];
	[tilespmem:s18+$0xE6F0] =	vst v24  }
.LBB2_8:
0x3a2: {  	s5 =	sshrl.u32 s25, $0x3;
	p0 =	sne.s32 s25, $0x3F;
	v24 =	vld [tilespmem:s18+$0xE2B0];
	v14 =	vsub.f32 v21, v14;
	v21 =	vmul.f32 v22, v7;
	[tilespmem:s18+$0xE6C0] =	vst v23  }
0x3a3: {  	s31 =	sadd.s32 $0x80, s31;
	s5 =	smul.u32 $0x1800, s5;
	v22 =	vld [tilespmem:s18+$0xE2A0];
	v13 =	vsub.f32 v19, v13;
	v15 =	vmul.f32 v15, v7;
	[tilespmem:s18+$0xE6B0] =	vst v20  }
0x3a4: {  	s6 =	sand.u32 $0x380, s31;
	v19 =	vld [tilespmem:s18+$0xE290];
	v12 =	vsub.f32 v18, v12;
	v14 =	vmul.f32 v14, v7;
	[tilespmem:s18+$0xE6A0] =	vst v21  }
0x3a5: {  	s5 =	sor.u32 s6, s5;
	v18 =	vld [tilespmem:s18+$0xE280];
	v11 =	vsub.f32 v17, v11;
	v13 =	vmul.f32 v13, v7;
	[tilespmem:s18+$0xE690] =	vst v15  }
0x3a6: {  	v15 =	vld [tilespmem:s5+$0x2280];
	v10 =	vsub.f32 v16, v10;
	v12 =	vmul.f32 v12, v7;
	[tilespmem:s18+$0xE680] =	vst v14  }
0x3a7: {  	v14 =	vld [tilespmem:s5+$0x2290];
	v16 =	vsub.f32 v24, v9;
	v11 =	vmul.f32 v11, v7;
	[tilespmem:s18+$0xE2F0] =	vst v13  }
0x3a8: {  	v13 =	vsub.f32 v22, v6;
	v6 =	vld [tilespmem:s5+$0x22A0];
	v17 =	vmul.f32 v10, v7;
	[tilespmem:s18+$0xE2E0] =	vst v12  }
0x3a9: {  	v9 =	vld [tilespmem:s5+$0x22B0];
	v19 =	vsub.f32 v19, v8;
	v12 =	vmul.f32 v16, v7;
	[tilespmem:s18+$0xE2D0] =	vst v11  }
0x3aa: {  	v10 =	vld [tilespmem:s5+$0x22C0];
	v16 =	vsub.f32 v18, v5;
	v13 =	vmul.f32 v13, v7;
	[tilespmem:s18+$0xE2C0] =	vst v17  }
0x3ab: {  	v11 =	vld [tilespmem:s5+$0x22D0];
	v17 =	vmul.f32 v19, v7;
	[tilespmem:s18+$0xE2B0] =	vst v12;
	v5 =	vmov v15  }
0x3ac: {  	v12 =	vld [tilespmem:s5+$0x22E0];
	v7 =	vmul.f32 v16, v7;
	[tilespmem:s18+$0xE2A0] =	vst v13;
	v8 =	vmov v14  }
0x3ad: {  	v13 =	vld [tilespmem:s5+$0x22F0];
	[tilespmem:s18+$0xE290] =	vst v17  }
0x3ae: {  	s4 =	sadd.s32 $0x80, s4;
	v14 =	vld [tilespmem:s5+$0x2680];
	[tilespmem:s18+$0xE280] =	vst v7;
	s18 =	smov.u32 s5  }
0x3af: {  	v7 =	vld [tilespmem:s4+$0x0]  }
0x3b0: {  	v15 =	vld [tilespmem:s18+$0x2690]  }
0x3b1: {  	v16 =	vld [tilespmem:s18+$0x26A0]  }
0x3b2: {  	v17 =	vld [tilespmem:s18+$0x26B0]  }
0x3b3: {  	v18 =	vld [tilespmem:s18+$0x26C0]  }
0x3b4: {  	v19 =	vld [tilespmem:s18+$0x26D0]  }
0x3b5: {  	v20 =	vld [tilespmem:s18+$0x26E0]  }
0x3b6: {  	v21 =	vld [tilespmem:s18+$0x26F0]  }
0x3b7: {  	v22 =	vld [tilespmem:s18+$0x2A80]  }
0x3b8: {  	v23 =	vld [tilespmem:s18+$0x2A90]  }
0x3b9: {  	v24 =	vld [tilespmem:s18+$0x2AA0]  }
0x3ba: {  	v25 =	vld [tilespmem:s18+$0x2AB0]  }
0x3bb: {  	v26 =	vld [tilespmem:s18+$0x2AC0]  }
0x3bc: {  	v27 =	vld [tilespmem:s18+$0x2AD0]  }
0x3bd: {  	v28 =	vld [tilespmem:s18+$0x2AE0]  }
0x3be: {  	v29 =	vld [tilespmem:s18+$0x2AF0]  }
0x3bf: {  	v30 =	vld [tilespmem:s18+$0x2E80]  }
0x3c0: {  	v31 =	vld [tilespmem:s18+$0x2E90]  }
0x3c1: {  	v32 =	vld [tilespmem:s18+$0x2EA0]  }
0x3c2: {  	v33 =	vld [tilespmem:s18+$0x2EB0]  }
0x3c3: {  	v34 =	vld [tilespmem:s18+$0x2EC0]  }
0x3c4: {  	v35 =	vld [tilespmem:s18+$0x2ED0]  }
0x3c5: {  	v36 =	vld [tilespmem:s18+$0x2EE0]  }
0x3c6: {  	v37 =	vld [tilespmem:s18+$0x2EF0]  }
0x3c7: {  	v38 =	vld [tilespmem:s18+$0x3280]  }
0x3c8: {  	v39 =	vld [tilespmem:s18+$0x3290]  }
0x3c9: {  	v40 =	vld [tilespmem:s18+$0x32A0]  }
0x3ca: {  	v41 =	vld [tilespmem:s18+$0x32B0]  }
0x3cb: {  	v42 =	vld [tilespmem:s18+$0x32C0]  }
0x3cc: {  	v43 =	vld [tilespmem:s18+$0x32D0]  }
0x3cd: {  	v44 =	vld [tilespmem:s18+$0x32E0]  }
0x3ce: {  	v45 =	vld [tilespmem:s18+$0x32F0]  }
0x3cf: {  	v46 =	vld [tilespmem:s18+$0x3680]  }
0x3d0: {  	v47 =	vld [tilespmem:s18+$0x3690]  }
0x3d1: {  	v48 =	vld [tilespmem:s18+$0x36A0]  }
0x3d2: {  	v49 =	vld [tilespmem:s18+$0x36B0]  }
0x3d3: {  	v50 =	vld [tilespmem:s18+$0x36C0]  }
0x3d4: {  	v51 =	vld [tilespmem:s18+$0x36D0]  }
0x3d5: {  	v52 =	vld [tilespmem:s18+$0x36E0]  }
0x3d6: {  	v53 =	vld [tilespmem:s18+$0x36F0]  }
0x3d7: {  	v54 =	vld [tilespmem:s18+$0xF6F0]  }
0x3d8: {  	v55 =	vld [tilespmem:s18+$0xF6E0]  }
0x3d9: {  	v56 =	vld [tilespmem:s18+$0xF6D0]  }
0x3da: {  	v57 =	vld [tilespmem:s18+$0xF6C0]  }
0x3db: {  	v58 =	vld [tilespmem:s18+$0xF6B0]  }
0x3dc: {  	v59 =	vld [tilespmem:s18+$0xF6A0];
	v53 =	vsub.f32 v54, v53  }
0x3dd: {  	v54 =	vld [tilespmem:s18+$0xF690];
	v52 =	vsub.f32 v55, v52  }
0x3de: {  	v55 =	vld [tilespmem:s18+$0xF680];
	v51 =	vsub.f32 v56, v51;
	v53 =	vmul.f32 v53, v7  }
0x3df: {  	v56 =	vld [tilespmem:s18+$0xF2F0];
	v50 =	vsub.f32 v57, v50;
	v52 =	vmul.f32 v52, v7  }
0x3e0: {  	v57 =	vld [tilespmem:s18+$0xF2E0];
	v49 =	vsub.f32 v58, v49;
	v51 =	vmul.f32 v51, v7;
	[tilespmem:s18+$0xF6F0] =	vst v53  }
0x3e1: {  	v53 =	vld [tilespmem:s18+$0xF2D0];
	v48 =	vsub.f32 v59, v48;
	v50 =	vmul.f32 v50, v7;
	[tilespmem:s18+$0xF6E0] =	vst v52  }
0x3e2: {  	v52 =	vld [tilespmem:s18+$0xF2C0];
	v47 =	vsub.f32 v54, v47;
	v49 =	vmul.f32 v49, v7;
	[tilespmem:s18+$0xF6D0] =	vst v51  }
0x3e3: {  	v51 =	vld [tilespmem:s18+$0xF2B0];
	v46 =	vsub.f32 v55, v46;
	v48 =	vmul.f32 v48, v7;
	[tilespmem:s18+$0xF6C0] =	vst v50  }
0x3e4: {  	v50 =	vld [tilespmem:s18+$0xF2A0];
	v45 =	vsub.f32 v56, v45;
	v47 =	vmul.f32 v47, v7;
	[tilespmem:s18+$0xF6B0] =	vst v49  }
0x3e5: {  	v49 =	vld [tilespmem:s18+$0xF290];
	v44 =	vsub.f32 v57, v44;
	v46 =	vmul.f32 v46, v7;
	[tilespmem:s18+$0xF6A0] =	vst v48  }
0x3e6: {  	v48 =	vld [tilespmem:s18+$0xF280];
	v43 =	vsub.f32 v53, v43;
	v45 =	vmul.f32 v45, v7;
	[tilespmem:s18+$0xF690] =	vst v47  }
0x3e7: {  	v47 =	vld [tilespmem:s18+$0xEEF0];
	v42 =	vsub.f32 v52, v42;
	v44 =	vmul.f32 v44, v7;
	[tilespmem:s18+$0xF680] =	vst v46  }
0x3e8: {  	v46 =	vld [tilespmem:s18+$0xEEE0];
	v41 =	vsub.f32 v51, v41;
	v43 =	vmul.f32 v43, v7;
	[tilespmem:s18+$0xF2F0] =	vst v45  }
0x3e9: {  	v45 =	vld [tilespmem:s18+$0xEED0];
	v40 =	vsub.f32 v50, v40;
	v42 =	vmul.f32 v42, v7;
	[tilespmem:s18+$0xF2E0] =	vst v44  }
0x3ea: {  	v44 =	vld [tilespmem:s18+$0xEEC0];
	v39 =	vsub.f32 v49, v39;
	v41 =	vmul.f32 v41, v7;
	[tilespmem:s18+$0xF2D0] =	vst v43  }
0x3eb: {  	v43 =	vld [tilespmem:s18+$0xEEB0];
	v38 =	vsub.f32 v48, v38;
	v40 =	vmul.f32 v40, v7;
	[tilespmem:s18+$0xF2C0] =	vst v42  }
0x3ec: {  	v42 =	vld [tilespmem:s18+$0xEEA0];
	v37 =	vsub.f32 v47, v37;
	v39 =	vmul.f32 v39, v7;
	[tilespmem:s18+$0xF2B0] =	vst v41  }
0x3ed: {  	v41 =	vld [tilespmem:s18+$0xEE90];
	v36 =	vsub.f32 v46, v36;
	v38 =	vmul.f32 v38, v7;
	[tilespmem:s18+$0xF2A0] =	vst v40  }
0x3ee: {  	v40 =	vld [tilespmem:s18+$0xEE80];
	v35 =	vsub.f32 v45, v35;
	v37 =	vmul.f32 v37, v7;
	[tilespmem:s18+$0xF290] =	vst v39  }
0x3ef: {  	v39 =	vld [tilespmem:s18+$0xEAF0];
	v34 =	vsub.f32 v44, v34;
	v36 =	vmul.f32 v36, v7;
	[tilespmem:s18+$0xF280] =	vst v38  }
0x3f0: {  	v38 =	vld [tilespmem:s18+$0xEAE0];
	v33 =	vsub.f32 v43, v33;
	v35 =	vmul.f32 v35, v7;
	[tilespmem:s18+$0xEEF0] =	vst v37  }
0x3f1: {  	v37 =	vld [tilespmem:s18+$0xEAD0];
	v32 =	vsub.f32 v42, v32;
	v34 =	vmul.f32 v34, v7;
	[tilespmem:s18+$0xEEE0] =	vst v36  }
0x3f2: {  	v36 =	vld [tilespmem:s18+$0xEAC0];
	v31 =	vsub.f32 v41, v31;
	v33 =	vmul.f32 v33, v7;
	[tilespmem:s18+$0xEED0] =	vst v35  }
0x3f3: {  	v35 =	vld [tilespmem:s18+$0xEAB0];
	v30 =	vsub.f32 v40, v30;
	v32 =	vmul.f32 v32, v7;
	[tilespmem:s18+$0xEEC0] =	vst v34  }
0x3f4: {  	v34 =	vld [tilespmem:s18+$0xEAA0];
	v29 =	vsub.f32 v39, v29;
	v31 =	vmul.f32 v31, v7;
	[tilespmem:s18+$0xEEB0] =	vst v33  }
0x3f5: {  	v33 =	vld [tilespmem:s18+$0xEA90];
	v28 =	vsub.f32 v38, v28;
	v30 =	vmul.f32 v30, v7;
	[tilespmem:s18+$0xEEA0] =	vst v32  }
0x3f6: {  	v32 =	vld [tilespmem:s18+$0xEA80];
	v27 =	vsub.f32 v37, v27;
	v29 =	vmul.f32 v29, v7;
	[tilespmem:s18+$0xEE90] =	vst v31  }
0x3f7: {  	v31 =	vld [tilespmem:s18+$0xE6F0];
	v26 =	vsub.f32 v36, v26;
	v28 =	vmul.f32 v28, v7;
	[tilespmem:s18+$0xEE80] =	vst v30  }
0x3f8: {  	v30 =	vld [tilespmem:s18+$0xE6E0];
	v25 =	vsub.f32 v35, v25;
	v27 =	vmul.f32 v27, v7;
	[tilespmem:s18+$0xEAF0] =	vst v29  }
0x3f9: {  	v29 =	vld [tilespmem:s18+$0xE6D0];
	v24 =	vsub.f32 v34, v24;
	v26 =	vmul.f32 v26, v7;
	[tilespmem:s18+$0xEAE0] =	vst v28  }
0x3fa: {  	v28 =	vld [tilespmem:s18+$0xE6C0];
	v23 =	vsub.f32 v33, v23;
	v25 =	vmul.f32 v25, v7;
	[tilespmem:s18+$0xEAD0] =	vst v27  }
0x3fb: {  	v27 =	vld [tilespmem:s18+$0xE6B0];
	v22 =	vsub.f32 v32, v22;
	v24 =	vmul.f32 v24, v7;
	[tilespmem:s18+$0xEAC0] =	vst v26  }
0x3fc: {  	v26 =	vld [tilespmem:s18+$0xE6A0];
	v31 =	vsub.f32 v31, v21;
	v23 =	vmul.f32 v23, v7;
	[tilespmem:s18+$0xEAB0] =	vst v25  }
0x3fd: {  	v25 =	vld [tilespmem:s18+$0xE690];
	v20 =	vsub.f32 v30, v20;
	v22 =	vmul.f32 v22, v7;
	[tilespmem:s18+$0xEAA0] =	vst v24  }
.Ltmp3:
0x3fe: {  	v21 =	vld [tilespmem:s18+$0xE680];
	v24 =	vsub.f32 v29, v19;
	v29 =	vmul.f32 v31, v7;
	[tilespmem:s18+$0xEA90] =	vst v23;
	(pc) =	sbr.rel @p0 .LBB2_8-.Ltmp3, $4  }
0x3ff: {  	v19 =	vld [tilespmem:s18+$0xE2F0];
	v23 =	vsub.f32 v28, v18;
	v20 =	vmul.f32 v20, v7;
	[tilespmem:s18+$0xEA80] =	vst v22  }
0x400: {  	v18 =	vld [tilespmem:s18+$0xE2E0];
	v27 =	vsub.f32 v27, v17;
	v24 =	vmul.f32 v24, v7;
	[tilespmem:s18+$0xE6F0] =	vst v29  }
0x401: {  	v17 =	vld [tilespmem:s18+$0xE2D0];
	v22 =	vsub.f32 v26, v16;
	v23 =	vmul.f32 v23, v7;
	[tilespmem:s18+$0xE6E0] =	vst v20  }
0x402: {  	s25 =	sadd.s32 $0x1, s25;
	v16 =	vld [tilespmem:s18+$0xE2C0];
	v15 =	vsub.f32 v25, v15;
	v20 =	vmul.f32 v27, v7;
	[tilespmem:s18+$0xE6D0] =	vst v24  }
0x403: {  	v24 =	vld [tilespmem:s18+$0xE2B0];
	v14 =	vsub.f32 v21, v14;
	v60 =	vmul.f32 v22, v7;
	[tilespmem:s18+$0xE6C0] =	vst v23  }
0x404: {  	v61 =	vld [tilespmem:s18+$0xE2A0];
	v13 =	vsub.f32 v19, v13;
	v15 =	vmul.f32 v15, v7;
	[tilespmem:s18+$0xE6B0] =	vst v20  }
0x405: {  	v62 =	vld [tilespmem:s18+$0xE290];
	v12 =	vsub.f32 v18, v12;
	v14 =	vmul.f32 v14, v7;
	[tilespmem:s18+$0xE6A0] =	vst v60  }
0x406: {  	v63 =	vld [tilespmem:s18+$0xE280];
	v11 =	vsub.f32 v17, v11;
	v13 =	vmul.f32 v13, v7;
	[tilespmem:s18+$0xE690] =	vst v15  }
0x407: {  	v10 =	vsub.f32 v16, v10;
	v12 =	vmul.f32 v12, v7;
	[tilespmem:s18+$0xE680] =	vst v14  }
0x408: {  	v9 =	vsub.f32 v24, v9;
	v11 =	vmul.f32 v11, v7;
	[tilespmem:s18+$0xE2F0] =	vst v13  }
0x409: {  	v6 =	vsub.f32 v61, v6;
	v10 =	vmul.f32 v10, v7;
	[tilespmem:s18+$0xE2E0] =	vst v12  }
0x40a: {  	v8 =	vsub.f32 v62, v8;
	v9 =	vmul.f32 v9, v7;
	[tilespmem:s18+$0xE2D0] =	vst v11  }
0x40b: {  	v5 =	vsub.f32 v63, v5;
	v6 =	vmul.f32 v6, v7;
	[tilespmem:s18+$0xE2C0] =	vst v10  }
0x40c: {  	v8 =	vmul.f32 v8, v7;
	[tilespmem:s18+$0xE2B0] =	vst v9  }
0x40d: {  	v5 =	vmul.f32 v5, v7;
	[tilespmem:s18+$0xE2A0] =	vst v6  }
0x40e: {  	[tilespmem:s18+$0xE290] =	vst v8  }
0x40f: {  	[tilespmem:s18+$0xE280] =	vst v5  }
0x410: {  	[hbm4b:s12+s1] =	stream.linear.scatter [tilespmem:s21], [sflag:$0xD], $0x3000, $0x38;
	[tilespmem:$0x1A280] =	vst v63  }
0x411: {  	_ =	swait.ge [sflag:s30], $0x3000  }
0x412: {  	[sflag:s30] =	ssyncset.done $0x0  }
0x413: {  	[sflag:s30] =	ssyncadd.s32 $0xFFFFD000  }
0x414: {  	_ =	swait.ge [sflag:s0], $0x3000  }
0x415: {  	[sflag:s0] =	ssyncset.done $0x0  }
0x416: {  	s16 =	sadd.s32 $0x1, s16;
	[sflag:s0] =	ssyncadd.s32 $0xFFFFD000  }
0x417: {  	p0 =	sne.s32 s16, s13;
	_ =	swait.ge [sflag:s2], $0x3000  }
.Ltmp4:
0x418: {  	[sflag:s2] =	ssyncset.done $0x0;
	(pc) =	sbr.rel @p0 .LBB2_1-.Ltmp4, $4  }
0x419: {  	[sflag:s2] =	ssyncadd.s32 $0xFFFFD000  }
0x41a: {  	_ =	swait.ge [sflag:s15], $0x3000  }
0x41b: {  	[sflag:s15] =	ssyncset.done $0x0  }
0x41c: {  	[sflag:s15] =	ssyncadd.s32 $0xFFFFD000  }
0x41d: {  	_ =	sfence.sel $0x180000  }
0x41e: {  	[bflag:$0x0] =	sbarrier.arrive $0xFFFF  }
0x41f: {  	_ =	strace $0x90000047  }
0x420: {  	s0 =	stileid.u32;
	[bflag:$0x2] =	sbarrier.arrive $0xFFFF  }
0x421: {  	p0 =	sne.s32 s0, $0x0;
	s0 =	rddreg [dreg:$0x2]  }
0x422: {  	s0 =	sadd.s32 @!p0 $0x100000, s0  }
0x423: {  	[sflag:s0] =	ssyncadd.tile.s32 @!p0 $0x1;
	_ =	shalt  }
.Lfunc_end2:
_tile_overlayer_lowered:
.L_overlay_start_2:
0x424: {  	(tag) =	ssettag $0x2  }
0x425: {  	s0 =	rddreg [dreg:$0x0];
	s2 =	stileid.u32  }
0x426: {  	s1 =	rddreg [dreg:$0x1];
	p0 =	sne.s32 s2, $0x0  }
0x427: {  	s3 =	rddreg [dreg:$0x2];
	[bflag:$0x3] =	sbarrier.arrive $0xFFFF;
	s2 =	simm.s32 @!p0 $0x1C0E  }
0x428: {  	[timem:s3], [sflag:s2] =	dma.local @!p0 [hbm:s0], s1  }
0x429: {  	s0 =	simm.s32 @!p0 $0xE  }
0x42a: {  	_ =	swait.ge @!p0 [sflag:s0], s1  }
0x42b: {  	s1 =	ssub.s32 @!p0 $0x0, s1;
	[sflag:s0] =	ssyncset.done @!p0 $0x0  }
0x42c: {  	[sflag:s0] =	ssyncadd.s32 @!p0 s1  }
0x42d: {  	[bflag:$0x3] =	sbarrier.arrive $0xFFFF  }
0x42e: {  	_ =	shalt  }

</sc_bundles>
